<compile_context>
chip_gen: v7x
topology: tpu7x:2x2x1
jax: 0.10.2.dev20260603
libtpu: 0.0.44.dev20260713+nightly
codegen_flags: <defaults>
</compile_context>

<pallas_src>
import math

import jax
import jax.numpy as jnp
import numpy as np
from jax import lax
from jax.experimental import pallas as pl
from jax.experimental.pallas import tpu as pltpu
from jax.experimental.pallas import tpu_sc as plsc

NUM_VOCAB = 1000000
EMBED_DIM = 64
MAXLEN = 512
BATCH = 1024
SEQLEN = 200

NC = 2
NS = 16
NW = NC * NS

SWATH = 128
NSWATH = BATCH // SWATH
NRANGE = NW // NSWATH
SBLK = 48
SMAX = SEQLEN - (NRANGE - 1) * SBLK
VEC = 16
GPITCH = 2 * EMBED_DIM + 1


def _make_pe(maxlen, d_model):
    position = np.arange(maxlen, dtype=np.float32)[:, None]
    div_term = np.exp(
        np.arange(0, d_model, 2).astype(np.float32) * (-math.log(10000.0) / d_model)
    )
    pe = np.zeros((maxlen, d_model), dtype=np.float32)
    pe[:, 0::2] = np.sin(position * div_term)
    pe[:, 1::2] = np.cos(position * div_term)
    return pe


_PE_FLAT = _make_pe(MAXLEN, EMBED_DIM)[:SEQLEN].reshape(SEQLEN * EMBED_DIM)


def _sc_embed(tokens_t, table_pairs, pe):
    mesh = plsc.VectorSubcoreMesh(core_axis_name="c", subcore_axis_name="s")

    @pl.kernel(
        out_type=jax.ShapeDtypeStruct((SEQLEN, EMBED_DIM, BATCH), jnp.float32),
        mesh=mesh,
        compiler_params=pltpu.CompilerParams(needs_layout_passes=False),
        scratch_types=[
            pltpu.VMEM((SMAX, SWATH), jnp.int32),
            pltpu.VMEM((SMAX * EMBED_DIM,), jnp.float32),
            pltpu.VMEM((SWATH,), jnp.int32),
            pltpu.VMEM((SWATH,), jnp.int32),
            pltpu.VMEM((SWATH, GPITCH), jnp.float32),
            pltpu.VMEM((SWATH, GPITCH), jnp.float32),
            pltpu.VMEM((EMBED_DIM, SWATH), jnp.float32),
            pltpu.VMEM((EMBED_DIM, SWATH), jnp.float32),
            pltpu.SemaphoreType.DMA,
            pltpu.SemaphoreType.DMA,
            pltpu.SemaphoreType.DMA,
            pltpu.SemaphoreType.DMA,
        ],
    )
    def k(tok_hbm, tab_hbm, pe_hbm, out_hbm,
          idx_v, pe_v, qa, qb, ga, gb, ta, tb, sga, sgb, soa, sob):
        wid = lax.axis_index("s") * NC + lax.axis_index("c")
        j = lax.rem(wid, NSWATH)
        r = wid // NSWATH
        s0 = pl.multiple_of(r * SBLK, 8)
        jb = pl.multiple_of(j * SWATH, SWATH)
        ns = lax.select(r == NRANGE - 1, SMAX, SBLK)

        pltpu.make_async_copy(
            tok_hbm.at[pl.ds(s0, SMAX), pl.ds(jb, SWATH)], idx_v, sga
        ).start()
        pltpu.make_async_copy(
            pe_hbm.at[pl.ds(pl.multiple_of(s0 * EMBED_DIM, 1024),
                            SMAX * EMBED_DIM)], pe_v, sgb
        ).start()
        pltpu.make_async_copy(
            tok_hbm.at[pl.ds(s0, SMAX), pl.ds(jb, SWATH)], idx_v, sga
        ).wait()
        pltpu.make_async_copy(
            pe_hbm.at[pl.ds(pl.multiple_of(s0 * EMBED_DIM, 1024),
                            SMAX * EMBED_DIM)], pe_v, sgb
        ).wait()

        iota = lax.iota(jnp.int32, VEC)

        def make_q(s_local, q):
            for m in range(SWATH // VEC):
                sl = pl.ds(m * VEC, VEC)
                q[sl] = lax.shift_right_logical(idx_v[s_local, sl], 1)

        def gather_start(q, g, sem):
            pltpu.make_async_copy(
                tab_hbm.at[q], g.at[:, pl.ds(0, 2 * EMBED_DIM)], sem).start()

        def gather_wait(q, g, sem):
            pltpu.make_async_copy(
                tab_hbm.at[q], g.at[:, pl.ds(0, 2 * EMBED_DIM)], sem).wait()

        rows = [m * VEC + iota for m in range(SWATH // VEC)]

        def compute(s_local, g, t):
            h64s = [lax.shift_left(idx_v[s_local, pl.ds(m * VEC, VEC)] & 1, 6)
                    for m in range(SWATH // VEC)]

            @plsc.parallel_loop(0, EMBED_DIM, unroll=16)
            def d_body(d):
                pe_spl = plsc.load_gather(
                    pe_v, [jnp.full((VEC,), s_local * EMBED_DIM + d, jnp.int32)])
                for m in range(SWATH // VEC):
                    col = h64s[m] + d
                    v = plsc.load_gather(g, [rows[m], col])
                    t[d, pl.ds(m * VEC, VEC)] = v * 8.0 + pe_spl

        def out_start(s_local, t, sem):
            pltpu.make_async_copy(
                t, out_hbm.at[s0 + s_local, :, pl.ds(jb, SWATH)], sem
            ).start()

        def out_wait(s_local, t, sem):
            pltpu.make_async_copy(
                t, out_hbm.at[s0 + s_local, :, pl.ds(jb, SWATH)], sem
            ).wait()

        make_q(0, qa)
        gather_start(qa, ga, sga)

        def pair_body(ss, carry):
            s_a = 2 * ss
            s_b = 2 * ss + 1
            make_q(s_b, qb)
            gather_start(qb, gb, sgb)
            gather_wait(qa, ga, sga)

            @pl.when(ss > 0)
            def _():
                out_wait(s_a - 2, ta, soa)

            compute(s_a, ga, ta)
            out_start(s_a, ta, soa)

            @pl.when(s_b + 1 < ns)
            def _():
                make_q(s_b + 1, qa)
                gather_start(qa, ga, sga)

            gather_wait(qb, gb, sgb)

            @pl.when(ss > 0)
            def _():
                out_wait(s_b - 2, tb, sob)

            compute(s_b, gb, tb)
            out_start(s_b, tb, sob)
            return carry

        lax.fori_loop(0, ns // 2, pair_body, 0)
        out_wait(ns - 2, ta, soa)
        out_wait(ns - 1, tb, sob)

    return k(tokens_t, table_pairs, pe)


def kernel(tokens, table):
    tokens_t = tokens.T.astype(jnp.int32)
    table_pairs = table.reshape(NUM_VOCAB // 2, 2 * EMBED_DIM)
    out = _sc_embed(tokens_t, table_pairs, jnp.asarray(_PE_FLAT))
    return jnp.transpose(out, (2, 0, 1))

# --- scband reference (transcript-rebuilt; emitter-appended) ---
"""Pipeline reference for scband-token-embedding-6786048327695 (READ-ONLY COPY).

The authoritative reference and input builder live on the scoring server;
editing this copy changes nothing except your own understanding.
"""

import jax, jax.numpy as jnp
import numpy as np
import math

NUM_VOCAB = 1000000
EMBED_DIM = 64
MAXLEN = 512
BATCH = 1024
SEQLEN = 200


def make_pe(maxlen, d_model):
    position = np.arange(maxlen, dtype=np.float32)[:, None]
    div_term = np.exp(np.arange(0, d_model, 2).astype(np.float32) * (-math.log(10000.0) / d_model))
    pe = np.zeros((maxlen, d_model), dtype=np.float32)
    pe[:, 0::2] = np.sin(position * div_term)
    pe[:, 1::2] = np.cos(position * div_term)
    return jnp.asarray(pe)


def setup_inputs(seed: int = 0) -> dict:
    key = jax.random.key(seed)
    k_tok, k_tab = jax.random.split(key)
    tokens = jax.random.randint(k_tok, (BATCH, SEQLEN), 0, NUM_VOCAB)
    table = jax.random.normal(k_tab, (NUM_VOCAB, EMBED_DIM), dtype=jnp.float32) * 0.02
    # padding_idx=0: row 0 is zero (as nn.Embedding with padding_idx initializes it)
    table = table.at[0].set(0.0)
    return {"tokens": tokens, "table": table}


def reference(tokens, table):
    # TokenEmbedding.forward: token_emb(tokens) * sqrt(embed_dim) + positional encoding
    # (dropout_rate=0.0 -> dropout is identity)
    tbl = table.at[0].set(0.0)  # enforce padding_idx=0 semantics
    x = jnp.take(tbl, tokens, axis=0) * math.sqrt(EMBED_DIM)
    pe = make_pe(MAXLEN, EMBED_DIM)
    x = x + pe[None, : x.shape[1], :]
    return x

if __name__ == "__main__":
    import jax
    _d = setup_inputs()
    print(jax.jit(kernel)(*tuple(_d.values())))

</pallas_src>

<mosaic_0001>
#map = affine_map<(d0, d1) -> (0, 0)>
#map1 = affine_map<(d0, d1) -> (0)>
#map2 = affine_map<(d0, d1) -> (0, 0, 0)>
module attributes {stable_mosaic.version = 14 : i64} {
  func.func @k(%arg0: i32, %arg1: i32, %arg2: memref<200x1024xi32, #tpu.memory_space<hbm>>, %arg3: memref<500000x128xf32, #tpu.memory_space<hbm>>, %arg4: memref<12800xf32, #tpu.memory_space<hbm>>, %arg5: memref<200x64x1024xf32, #tpu.memory_space<hbm>>, %arg6: memref<56x128xi32, #tpu.memory_space<vmem>>, %arg7: memref<3584xf32, #tpu.memory_space<vmem>>, %arg8: memref<128xi32, #tpu.memory_space<vmem>>, %arg9: memref<128xi32, #tpu.memory_space<vmem>>, %arg10: memref<128x129xf32, #tpu.memory_space<vmem>>, %arg11: memref<128x129xf32, #tpu.memory_space<vmem>>, %arg12: memref<64x128xf32, #tpu.memory_space<vmem>>, %arg13: memref<64x128xf32, #tpu.memory_space<vmem>>, %arg14: memref<!tpu.dma_semaphore, #tpu.memory_space<semaphore_mem>>, %arg15: memref<!tpu.dma_semaphore, #tpu.memory_space<semaphore_mem>>, %arg16: memref<!tpu.dma_semaphore, #tpu.memory_space<semaphore_mem>>, %arg17: memref<!tpu.dma_semaphore, #tpu.memory_space<semaphore_mem>>) attributes {dimension_semantics = [#tpu.dimension_semantics<core_parallel>, #tpu.dimension_semantics<subcore_parallel>], iteration_bounds = array<i64: 2, 16>, scalar_prefetch = 0 : i64, scratch_operands = 12 : i64, tpu.core_type = #tpu.core_type<sc_vector_subcore>, window_params = [{transform_indices = #map}, {transform_indices = #map}, {transform_indices = #map1}, {transform_indices = #map2}]} {
    %mul3A = arith.constant 2 : i32
    %mul3A_0 = arith.muli %arg1, %mul3A : i32
    %add3A = arith.addi %mul3A_0, %arg0 : i32
    %rem3A = arith.constant 8 : i32
    %rem3A_1 = arith.remsi %add3A, %rem3A : i32
    %jit3A = arith.constant 8 : i32
    %div3A = arith.divsi %add3A, %jit3A : i32
    %sign3A = arith.constant 0 : i32
    %sign3A_2 = arith.cmpi sgt, %add3A, %sign3A : i32
    %sign3A_3 = arith.extui %sign3A_2 : i1 to i32
    %sign3A_4 = arith.constant 0 : i32
    %sign3A_5 = arith.cmpi slt, %add3A, %sign3A_4 : i32
    %sign3A_6 = arith.extui %sign3A_5 : i1 to i32
    %sign3A_7 = arith.subi %sign3A_3, %sign3A_6 : i32
    %sign3A_8 = arith.constant 0 : i32
    %sign3A_9 = arith.cmpi sgt, %jit3A, %sign3A_8 : i32
    %sign3A_10 = arith.extui %sign3A_9 : i1 to i32
    %sign3A_11 = arith.constant 0 : i32
    %sign3A_12 = arith.cmpi slt, %jit3A, %sign3A_11 : i32
    %sign3A_13 = arith.extui %sign3A_12 : i1 to i32
    %sign3A_14 = arith.subi %sign3A_10, %sign3A_13 : i32
    %ne3A = arith.cmpi ne, %sign3A_7, %sign3A_14 : i32
    %rem3A_15 = arith.remsi %add3A, %jit3A : i32
    %ne3A_16 = arith.constant 0 : i32
    %ne3A_17 = arith.cmpi ne, %rem3A_15, %ne3A_16 : i32
    %and3A = arith.andi %ne3A, %ne3A_17 : i1
    %sub3A = arith.constant 1 : i32
    %sub3A_18 = arith.subi %div3A, %sub3A : i32
    %select_n3A = arith.select %and3A, %sub3A_18, %div3A : i32
    %mul3A_19 = arith.constant 48 : i32
    %mul3A_20 = arith.muli %select_n3A, %mul3A_19 : i32
    %multiple_of3A = tpu.assume_multiple %mul3A_20, 8 : i32
    %mul3A_21 = arith.constant 128 : i32
    %mul3A_22 = arith.muli %rem3A_1, %mul3A_21 : i32
    %multiple_of3A_23 = tpu.assume_multiple %mul3A_22, 128 : i32
    %eq3A = arith.constant 3 : i32
    %eq3A_24 = arith.cmpi eq, %select_n3A, %eq3A : i32
    %select_n3A_25 = arith.constant 48 : i32
    %select_n3A_26 = arith.constant 56 : i32
    %select_n3A_27 = arith.select %eq3A_24, %select_n3A_26, %select_n3A_25 : i32
    %dma_start3A = tpu.memref_slice %arg2[%multiple_of3A, %multiple_of3A_23] : memref<200x1024xi32, #tpu.memory_space<hbm>> -> memref<56x128xi32, #tpu.memory_space<hbm>>
    %dma_start3A_28 = tpu.memref_slice %arg2[%multiple_of3A, %multiple_of3A_23] : memref<200x1024xi32, #tpu.memory_space<hbm>> -> memref<56x128xi32, #tpu.memory_space<hbm>>
    tpu.enqueue_dma source(%dma_start3A_28 : memref<56x128xi32, #tpu.memory_space<hbm>>) target(%arg6 : memref<56x128xi32, #tpu.memory_space<vmem>>) target_semaphore(%arg14 : memref<!tpu.dma_semaphore, #tpu.memory_space<semaphore_mem>>)
    %mul3A_29 = arith.constant 64 : i32
    %mul3A_30 = arith.muli %multiple_of3A, %mul3A_29 : i32
    %multiple_of3A_31 = tpu.assume_multiple %mul3A_30, 1024 : i32
    %dma_start3A_32 = tpu.memref_slice %arg4[%multiple_of3A_31] : memref<12800xf32, #tpu.memory_space<hbm>> -> memref<3584xf32, #tpu.memory_space<hbm>>
    %dma_start3A_33 = tpu.memref_slice %arg4[%multiple_of3A_31] : memref<12800xf32, #tpu.memory_space<hbm>> -> memref<3584xf32, #tpu.memory_space<hbm>>
    tpu.enqueue_dma source(%dma_start3A_33 : memref<3584xf32, #tpu.memory_space<hbm>>) target(%arg7 : memref<3584xf32, #tpu.memory_space<vmem>>) target_semaphore(%arg15 : memref<!tpu.dma_semaphore, #tpu.memory_space<semaphore_mem>>)
    %dma_wait3A = tpu.memref_slice %arg2[%multiple_of3A, %multiple_of3A_23] : memref<200x1024xi32, #tpu.memory_space<hbm>> -> memref<56x128xi32, #tpu.memory_space<hbm>>
    %dma_wait3A_34 = tpu.memref_slice %arg2[%multiple_of3A, %multiple_of3A_23] : memref<200x1024xi32, #tpu.memory_space<hbm>> -> memref<56x128xi32, #tpu.memory_space<hbm>>
    tpu.wait_dma2 semaphore(%arg14 : memref<!tpu.dma_semaphore, #tpu.memory_space<semaphore_mem>>) src(%dma_wait3A_34 : memref<56x128xi32, #tpu.memory_space<hbm>>) dst(%arg6 : memref<56x128xi32, #tpu.memory_space<vmem>>)
    %mul3A_35 = arith.constant 64 : i32
    %mul3A_36 = arith.muli %multiple_of3A, %mul3A_35 : i32
    %multiple_of3A_37 = tpu.assume_multiple %mul3A_36, 1024 : i32
    %dma_wait3A_38 = tpu.memref_slice %arg4[%multiple_of3A_37] : memref<12800xf32, #tpu.memory_space<hbm>> -> memref<3584xf32, #tpu.memory_space<hbm>>
    %dma_wait3A_39 = tpu.memref_slice %arg4[%multiple_of3A_37] : memref<12800xf32, #tpu.memory_space<hbm>> -> memref<3584xf32, #tpu.memory_space<hbm>>
    tpu.wait_dma2 semaphore(%arg15 : memref<!tpu.dma_semaphore, #tpu.memory_space<semaphore_mem>>) src(%dma_wait3A_39 : memref<3584xf32, #tpu.memory_space<hbm>>) dst(%arg7 : memref<3584xf32, #tpu.memory_space<vmem>>)
    %iota3A = tpu.iota {dimensions = array<i32: 0>} : vector<16xi32>
    %add3A_40 = arith.constant 0 : i32
    %add3A_41 = vector.broadcast %add3A_40 : i32 to vector<16xi32>
    %add3A_42 = arith.addi %add3A_41, %iota3A : vector<16xi32>
    %add3A_43 = arith.constant 16 : i32
    %add3A_44 = vector.broadcast %add3A_43 : i32 to vector<16xi32>
    %add3A_45 = arith.addi %add3A_44, %iota3A : vector<16xi32>
    %add3A_46 = arith.constant 32 : i32
    %add3A_47 = vector.broadcast %add3A_46 : i32 to vector<16xi32>
    %add3A_48 = arith.addi %add3A_47, %iota3A : vector<16xi32>
    %add3A_49 = arith.constant 48 : i32
    %add3A_50 = vector.broadcast %add3A_49 : i32 to vector<16xi32>
    %add3A_51 = arith.addi %add3A_50, %iota3A : vector<16xi32>
    %add3A_52 = arith.constant 64 : i32
    %add3A_53 = vector.broadcast %add3A_52 : i32 to vector<16xi32>
    %add3A_54 = arith.addi %add3A_53, %iota3A : vector<16xi32>
    %add3A_55 = arith.constant 80 : i32
    %add3A_56 = vector.broadcast %add3A_55 : i32 to vector<16xi32>
    %add3A_57 = arith.addi %add3A_56, %iota3A : vector<16xi32>
    %add3A_58 = arith.constant 96 : i32
    %add3A_59 = vector.broadcast %add3A_58 : i32 to vector<16xi32>
    %add3A_60 = arith.addi %add3A_59, %iota3A : vector<16xi32>
    %add3A_61 = arith.constant 112 : i32
    %add3A_62 = vector.broadcast %add3A_61 : i32 to vector<16xi32>
    %add3A_63 = arith.addi %add3A_62, %iota3A : vector<16xi32>
    %get3A = arith.constant 0 : i32
    %get3A_64 = arith.index_cast %get3A : i32 to index
    %get3A_65 = arith.constant 0 : index
    %get3A_66 = tpu.vector_load %arg6[%get3A_64, %get3A_65] {strides = array<i32>} : memref<56x128xi32, #tpu.memory_space<vmem>>, vector<16xi32>,
    %shift_right_logical3A = arith.constant 1 : i32
    %shift_right_logical3A_67 = vector.broadcast %shift_right_logical3A : i32 to vector<16xi32>
    %shift_right_logical3A_68 = arith.shrui %get3A_66, %shift_right_logical3A_67 : vector<16xi32>
    %swap3A = arith.constant 0 : index
    %swap3A_69 = tpu.vector_load %arg8[%swap3A] {strides = array<i32>} : memref<128xi32, #tpu.memory_space<vmem>>, vector<16xi32>,
    tpu.vector_store %arg8[%swap3A], %shift_right_logical3A_68 {strides = array<i32>} : memref<128xi32, #tpu.memory_space<vmem>>, vector<16xi32>,
    %get3A_70 = arith.constant 0 : i32
    %get3A_71 = arith.index_cast %get3A_70 : i32 to index
    %get3A_72 = arith.constant 16 : index
    %get3A_73 = tpu.vector_load %arg6[%get3A_71, %get3A_72] {strides = array<i32>} : memref<56x128xi32, #tpu.memory_space<vmem>>, vector<16xi32>,
    %shift_right_logical3A_74 = arith.constant 1 : i32
    %shift_right_logical3A_75 = vector.broadcast %shift_right_logical3A_74 : i32 to vector<16xi32>
    %shift_right_logical3A_76 = arith.shrui %get3A_73, %shift_right_logical3A_75 : vector<16xi32>
    %swap3A_77 = arith.constant 16 : index
    %swap3A_78 = tpu.vector_load %arg8[%swap3A_77] {strides = array<i32>} : memref<128xi32, #tpu.memory_space<vmem>>, vector<16xi32>,
    tpu.vector_store %arg8[%swap3A_77], %shift_right_logical3A_76 {strides = array<i32>} : memref<128xi32, #tpu.memory_space<vmem>>, vector<16xi32>,
    %get3A_79 = arith.constant 0 : i32
    %get3A_80 = arith.index_cast %get3A_79 : i32 to index
    %get3A_81 = arith.constant 32 : index
    %get3A_82 = tpu.vector_load %arg6[%get3A_80, %get3A_81] {strides = array<i32>} : memref<56x128xi32, #tpu.memory_space<vmem>>, vector<16xi32>,
    %shift_right_logical3A_83 = arith.constant 1 : i32
    %shift_right_logical3A_84 = vector.broadcast %shift_right_logical3A_83 : i32 to vector<16xi32>
    %shift_right_logical3A_85 = arith.shrui %get3A_82, %shift_right_logical3A_84 : vector<16xi32>
    %swap3A_86 = arith.constant 32 : index
    %swap3A_87 = tpu.vector_load %arg8[%swap3A_86] {strides = array<i32>} : memref<128xi32, #tpu.memory_space<vmem>>, vector<16xi32>,
    tpu.vector_store %arg8[%swap3A_86], %shift_right_logical3A_85 {strides = array<i32>} : memref<128xi32, #tpu.memory_space<vmem>>, vector<16xi32>,
    %get3A_88 = arith.constant 0 : i32
    %get3A_89 = arith.index_cast %get3A_88 : i32 to index
    %get3A_90 = arith.constant 48 : index
    %get3A_91 = tpu.vector_load %arg6[%get3A_89, %get3A_90] {strides = array<i32>} : memref<56x128xi32, #tpu.memory_space<vmem>>, vector<16xi32>,
    %shift_right_logical3A_92 = arith.constant 1 : i32
    %shift_right_logical3A_93 = vector.broadcast %shift_right_logical3A_92 : i32 to vector<16xi32>
    %shift_right_logical3A_94 = arith.shrui %get3A_91, %shift_right_logical3A_93 : vector<16xi32>
    %swap3A_95 = arith.constant 48 : index
    %swap3A_96 = tpu.vector_load %arg8[%swap3A_95] {strides = array<i32>} : memref<128xi32, #tpu.memory_space<vmem>>, vector<16xi32>,
    tpu.vector_store %arg8[%swap3A_95], %shift_right_logical3A_94 {strides = array<i32>} : memref<128xi32, #tpu.memory_space<vmem>>, vector<16xi32>,
    %get3A_97 = arith.constant 0 : i32
    %get3A_98 = arith.index_cast %get3A_97 : i32 to index
    %get3A_99 = arith.constant 64 : index
    %get3A_100 = tpu.vector_load %arg6[%get3A_98, %get3A_99] {strides = array<i32>} : memref<56x128xi32, #tpu.memory_space<vmem>>, vector<16xi32>,
    %shift_right_logical3A_101 = arith.constant 1 : i32
    %shift_right_logical3A_102 = vector.broadcast %shift_right_logical3A_101 : i32 to vector<16xi32>
    %shift_right_logical3A_103 = arith.shrui %get3A_100, %shift_right_logical3A_102 : vector<16xi32>
    %swap3A_104 = arith.constant 64 : index
    %swap3A_105 = tpu.vector_load %arg8[%swap3A_104] {strides = array<i32>} : memref<128xi32, #tpu.memory_space<vmem>>, vector<16xi32>,
    tpu.vector_store %arg8[%swap3A_104], %shift_right_logical3A_103 {strides = array<i32>} : memref<128xi32, #tpu.memory_space<vmem>>, vector<16xi32>,
    %get3A_106 = arith.constant 0 : i32
    %get3A_107 = arith.index_cast %get3A_106 : i32 to index
    %get3A_108 = arith.constant 80 : index
    %get3A_109 = tpu.vector_load %arg6[%get3A_107, %get3A_108] {strides = array<i32>} : memref<56x128xi32, #tpu.memory_space<vmem>>, vector<16xi32>,
    %shift_right_logical3A_110 = arith.constant 1 : i32
    %shift_right_logical3A_111 = vector.broadcast %shift_right_logical3A_110 : i32 to vector<16xi32>
    %shift_right_logical3A_112 = arith.shrui %get3A_109, %shift_right_logical3A_111 : vector<16xi32>
    %swap3A_113 = arith.constant 80 : index
    %swap3A_114 = tpu.vector_load %arg8[%swap3A_113] {strides = array<i32>} : memref<128xi32, #tpu.memory_space<vmem>>, vector<16xi32>,
    tpu.vector_store %arg8[%swap3A_113], %shift_right_logical3A_112 {strides = array<i32>} : memref<128xi32, #tpu.memory_space<vmem>>, vector<16xi32>,
    %get3A_115 = arith.constant 0 : i32
    %get3A_116 = arith.index_cast %get3A_115 : i32 to index
    %get3A_117 = arith.constant 96 : index
    %get3A_118 = tpu.vector_load %arg6[%get3A_116, %get3A_117] {strides = array<i32>} : memref<56x128xi32, #tpu.memory_space<vmem>>, vector<16xi32>,
    %shift_right_logical3A_119 = arith.constant 1 : i32
    %shift_right_logical3A_120 = vector.broadcast %shift_right_logical3A_119 : i32 to vector<16xi32>
    %shift_right_logical3A_121 = arith.shrui %get3A_118, %shift_right_logical3A_120 : vector<16xi32>
    %swap3A_122 = arith.constant 96 : index
    %swap3A_123 = tpu.vector_load %arg8[%swap3A_122] {strides = array<i32>} : memref<128xi32, #tpu.memory_space<vmem>>, vector<16xi32>,
    tpu.vector_store %arg8[%swap3A_122], %shift_right_logical3A_121 {strides = array<i32>} : memref<128xi32, #tpu.memory_space<vmem>>, vector<16xi32>,
    %get3A_124 = arith.constant 0 : i32
    %get3A_125 = arith.index_cast %get3A_124 : i32 to index
    %get3A_126 = arith.constant 112 : index
    %get3A_127 = tpu.vector_load %arg6[%get3A_125, %get3A_126] {strides = array<i32>} : memref<56x128xi32, #tpu.memory_space<vmem>>, vector<16xi32>,
    %shift_right_logical3A_128 = arith.constant 1 : i32
    %shift_right_logical3A_129 = vector.broadcast %shift_right_logical3A_128 : i32 to vector<16xi32>
    %shift_right_logical3A_130 = arith.shrui %get3A_127, %shift_right_logical3A_129 : vector<16xi32>
    %swap3A_131 = arith.constant 112 : index
    %swap3A_132 = tpu.vector_load %arg8[%swap3A_131] {strides = array<i32>} : memref<128xi32, #tpu.memory_space<vmem>>, vector<16xi32>,
    tpu.vector_store %arg8[%swap3A_131], %shift_right_logical3A_130 {strides = array<i32>} : memref<128xi32, #tpu.memory_space<vmem>>, vector<16xi32>,
    %dma_start3A_133 = arith.constant 0 : i32
    %dma_start3A_134 = arith.constant 0 : i32
    %dma_start3A_135 = tpu.memref_slice %arg10[%dma_start3A_133, %dma_start3A_134] : memref<128x129xf32, #tpu.memory_space<vmem>> -> memref<128x128xf32, #tpu.memory_space<vmem>>
    %dma_start3A_136 = arith.constant 0 : i32
    %dma_start3A_137 = arith.constant 0 : i32
    %dma_start3A_138 = tpu.memref_slice %arg3[%dma_start3A_136, %dma_start3A_137] : memref<500000x128xf32, #tpu.memory_space<hbm>> -> memref<500000x128xf32, #tpu.memory_space<hbm>>
    tpu.enqueue_indirect_dma source(%dma_start3A_138 : memref<500000x128xf32, #tpu.memory_space<hbm>>) target(%dma_start3A_135 : memref<128x128xf32, #tpu.memory_space<vmem>>) offsets(%arg8 : memref<128xi32, #tpu.memory_space<vmem>>) semaphore(%arg14 : memref<!tpu.dma_semaphore, #tpu.memory_space<semaphore_mem>>)
    %jit3A_139 = arith.constant 2 : i32
    %div3A_140 = arith.divsi %select_n3A_27, %jit3A_139 : i32
    %sign3A_141 = arith.constant 0 : i32
    %sign3A_142 = arith.cmpi sgt, %select_n3A_27, %sign3A_141 : i32
    %sign3A_143 = arith.extui %sign3A_142 : i1 to i32
    %sign3A_144 = arith.constant 0 : i32
    %sign3A_145 = arith.cmpi slt, %select_n3A_27, %sign3A_144 : i32
    %sign3A_146 = arith.extui %sign3A_145 : i1 to i32
    %sign3A_147 = arith.subi %sign3A_143, %sign3A_146 : i32
    %sign3A_148 = arith.constant 0 : i32
    %sign3A_149 = arith.cmpi sgt, %jit3A_139, %sign3A_148 : i32
    %sign3A_150 = arith.extui %sign3A_149 : i1 to i32
    %sign3A_151 = arith.constant 0 : i32
    %sign3A_152 = arith.cmpi slt, %jit3A_139, %sign3A_151 : i32
    %sign3A_153 = arith.extui %sign3A_152 : i1 to i32
    %sign3A_154 = arith.subi %sign3A_150, %sign3A_153 : i32
    %ne3A_155 = arith.cmpi ne, %sign3A_147, %sign3A_154 : i32
    %rem3A_156 = arith.remsi %select_n3A_27, %jit3A_139 : i32
    %ne3A_157 = arith.constant 0 : i32
    %ne3A_158 = arith.cmpi ne, %rem3A_156, %ne3A_157 : i32
    %and3A_159 = arith.andi %ne3A_155, %ne3A_158 : i1
    %sub3A_160 = arith.constant 1 : i32
    %sub3A_161 = arith.subi %div3A_140, %sub3A_160 : i32
    %select_n3A_162 = arith.select %and3A_159, %sub3A_161, %div3A_140 : i32
    %while3A = arith.constant 0 : i32
    %while3A_163 = arith.constant 0 : i32
    %while3A_164 = arith.subi %select_n3A_162, %while3A_163 : i32
    %while3A_165 = arith.addi %while3A_163, %while3A_164 : i32
    %while3A_166 = arith.constant 1 : i32
    %while3A_167 = arith.divsi %while3A_164, %while3A_166 : i32
    %while3A_168 = arith.muli %while3A_167, %while3A_166 : i32
    %while3A_169 = arith.addi %while3A_163, %while3A_168 : i32
    %while3A_170 = arith.constant 1 : i32
    scf.for %while3A_190 = %while3A_163 to %while3A_169 step %while3A_170  : i32 {
      %mul3A_191 = arith.constant 2 : i32
      %mul3A_192 = arith.muli %mul3A_191, %while3A_190 : i32
      %mul3A_193 = arith.constant 2 : i32
      %mul3A_194 = arith.muli %mul3A_193, %while3A_190 : i32
      %add3A_195 = arith.constant 1 : i32
      %add3A_196 = arith.addi %mul3A_194, %add3A_195 : i32
      %get3A_197 = arith.index_cast %add3A_196 : i32 to index
      %get3A_198 = arith.constant 0 : index
      %get3A_199 = tpu.vector_load %arg6[%get3A_197, %get3A_198] {strides = array<i32>} : memref<56x128xi32, #tpu.memory_space<vmem>>, vector<16xi32>,
      %shift_right_logical3A_200 = arith.constant 1 : i32
      %shift_right_logical3A_201 = vector.broadcast %shift_right_logical3A_200 : i32 to vector<16xi32>
      %shift_right_logical3A_202 = arith.shrui %get3A_199, %shift_right_logical3A_201 : vector<16xi32>
      %swap3A_203 = arith.constant 0 : index
      %swap3A_204 = tpu.vector_load %arg9[%swap3A_203] {strides = array<i32>} : memref<128xi32, #tpu.memory_space<vmem>>, vector<16xi32>,
      tpu.vector_store %arg9[%swap3A_203], %shift_right_logical3A_202 {strides = array<i32>} : memref<128xi32, #tpu.memory_space<vmem>>, vector<16xi32>,
      %get3A_205 = arith.index_cast %add3A_196 : i32 to index
      %get3A_206 = arith.constant 16 : index
      %get3A_207 = tpu.vector_load %arg6[%get3A_205, %get3A_206] {strides = array<i32>} : memref<56x128xi32, #tpu.memory_space<vmem>>, vector<16xi32>,
      %shift_right_logical3A_208 = arith.constant 1 : i32
      %shift_right_logical3A_209 = vector.broadcast %shift_right_logical3A_208 : i32 to vector<16xi32>
      %shift_right_logical3A_210 = arith.shrui %get3A_207, %shift_right_logical3A_209 : vector<16xi32>
      %swap3A_211 = arith.constant 16 : index
      %swap3A_212 = tpu.vector_load %arg9[%swap3A_211] {strides = array<i32>} : memref<128xi32, #tpu.memory_space<vmem>>, vector<16xi32>,
      tpu.vector_store %arg9[%swap3A_211], %shift_right_logical3A_210 {strides = array<i32>} : memref<128xi32, #tpu.memory_space<vmem>>, vector<16xi32>,
      %get3A_213 = arith.index_cast %add3A_196 : i32 to index
      %get3A_214 = arith.constant 32 : index
      %get3A_215 = tpu.vector_load %arg6[%get3A_213, %get3A_214] {strides = array<i32>} : memref<56x128xi32, #tpu.memory_space<vmem>>, vector<16xi32>,
      %shift_right_logical3A_216 = arith.constant 1 : i32
      %shift_right_logical3A_217 = vector.broadcast %shift_right_logical3A_216 : i32 to vector<16xi32>
      %shift_right_logical3A_218 = arith.shrui %get3A_215, %shift_right_logical3A_217 : vector<16xi32>
      %swap3A_219 = arith.constant 32 : index
      %swap3A_220 = tpu.vector_load %arg9[%swap3A_219] {strides = array<i32>} : memref<128xi32, #tpu.memory_space<vmem>>, vector<16xi32>,
      tpu.vector_store %arg9[%swap3A_219], %shift_right_logical3A_218 {strides = array<i32>} : memref<128xi32, #tpu.memory_space<vmem>>, vector<16xi32>,
      %get3A_221 = arith.index_cast %add3A_196 : i32 to index
      %get3A_222 = arith.constant 48 : index
      %get3A_223 = tpu.vector_load %arg6[%get3A_221, %get3A_222] {strides = array<i32>} : memref<56x128xi32, #tpu.memory_space<vmem>>, vector<16xi32>,
      %shift_right_logical3A_224 = arith.constant 1 : i32
      %shift_right_logical3A_225 = vector.broadcast %shift_right_logical3A_224 : i32 to vector<16xi32>
      %shift_right_logical3A_226 = arith.shrui %get3A_223, %shift_right_logical3A_225 : vector<16xi32>
      %swap3A_227 = arith.constant 48 : index
      %swap3A_228 = tpu.vector_load %arg9[%swap3A_227] {strides = array<i32>} : memref<128xi32, #tpu.memory_space<vmem>>, vector<16xi32>,
      tpu.vector_store %arg9[%swap3A_227], %shift_right_logical3A_226 {strides = array<i32>} : memref<128xi32, #tpu.memory_space<vmem>>, vector<16xi32>,
      %get3A_229 = arith.index_cast %add3A_196 : i32 to index
      %get3A_230 = arith.constant 64 : index
      %get3A_231 = tpu.vector_load %arg6[%get3A_229, %get3A_230] {strides = array<i32>} : memref<56x128xi32, #tpu.memory_space<vmem>>, vector<16xi32>,
      %shift_right_logical3A_232 = arith.constant 1 : i32
      %shift_right_logical3A_233 = vector.broadcast %shift_right_logical3A_232 : i32 to vector<16xi32>
      %shift_right_logical3A_234 = arith.shrui %get3A_231, %shift_right_logical3A_233 : vector<16xi32>
      %swap3A_235 = arith.constant 64 : index
      %swap3A_236 = tpu.vector_load %arg9[%swap3A_235] {strides = array<i32>} : memref<128xi32, #tpu.memory_space<vmem>>, vector<16xi32>,
      tpu.vector_store %arg9[%swap3A_235], %shift_right_logical3A_234 {strides = array<i32>} : memref<128xi32, #tpu.memory_space<vmem>>, vector<16xi32>,
      %get3A_237 = arith.index_cast %add3A_196 : i32 to index
      %get3A_238 = arith.constant 80 : index
      %get3A_239 = tpu.vector_load %arg6[%get3A_237, %get3A_238] {strides = array<i32>} : memref<56x128xi32, #tpu.memory_space<vmem>>, vector<16xi32>,
      %shift_right_logical3A_240 = arith.constant 1 : i32
      %shift_right_logical3A_241 = vector.broadcast %shift_right_logical3A_240 : i32 to vector<16xi32>
      %shift_right_logical3A_242 = arith.shrui %get3A_239, %shift_right_logical3A_241 : vector<16xi32>
      %swap3A_243 = arith.constant 80 : index
      %swap3A_244 = tpu.vector_load %arg9[%swap3A_243] {strides = array<i32>} : memref<128xi32, #tpu.memory_space<vmem>>, vector<16xi32>,
      tpu.vector_store %arg9[%swap3A_243], %shift_right_logical3A_242 {strides = array<i32>} : memref<128xi32, #tpu.memory_space<vmem>>, vector<16xi32>,
      %get3A_245 = arith.index_cast %add3A_196 : i32 to index
      %get3A_246 = arith.constant 96 : index
      %get3A_247 = tpu.vector_load %arg6[%get3A_245, %get3A_246] {strides = array<i32>} : memref<56x128xi32, #tpu.memory_space<vmem>>, vector<16xi32>,
      %shift_right_logical3A_248 = arith.constant 1 : i32
      %shift_right_logical3A_249 = vector.broadcast %shift_right_logical3A_248 : i32 to vector<16xi32>
      %shift_right_logical3A_250 = arith.shrui %get3A_247, %shift_right_logical3A_249 : vector<16xi32>
      %swap3A_251 = arith.constant 96 : index
      %swap3A_252 = tpu.vector_load %arg9[%swap3A_251] {strides = array<i32>} : memref<128xi32, #tpu.memory_space<vmem>>, vector<16xi32>,
      tpu.vector_store %arg9[%swap3A_251], %shift_right_logical3A_250 {strides = array<i32>} : memref<128xi32, #tpu.memory_space<vmem>>, vector<16xi32>,
      %get3A_253 = arith.index_cast %add3A_196 : i32 to index
      %get3A_254 = arith.constant 112 : index
      %get3A_255 = tpu.vector_load %arg6[%get3A_253, %get3A_254] {strides = array<i32>} : memref<56x128xi32, #tpu.memory_space<vmem>>, vector<16xi32>,
      %shift_right_logical3A_256 = arith.constant 1 : i32
      %shift_right_logical3A_257 = vector.broadcast %shift_right_logical3A_256 : i32 to vector<16xi32>
      %shift_right_logical3A_258 = arith.shrui %get3A_255, %shift_right_logical3A_257 : vector<16xi32>
      %swap3A_259 = arith.constant 112 : index
      %swap3A_260 = tpu.vector_load %arg9[%swap3A_259] {strides = array<i32>} : memref<128xi32, #tpu.memory_space<vmem>>, vector<16xi32>,
      tpu.vector_store %arg9[%swap3A_259], %shift_right_logical3A_258 {strides = array<i32>} : memref<128xi32, #tpu.memory_space<vmem>>, vector<16xi32>,
      %dma_start3A_261 = arith.constant 0 : i32
      %dma_start3A_262 = arith.constant 0 : i32
      %dma_start3A_263 = tpu.memref_slice %arg11[%dma_start3A_261, %dma_start3A_262] : memref<128x129xf32, #tpu.memory_space<vmem>> -> memref<128x128xf32, #tpu.memory_space<vmem>>
      %dma_start3A_264 = arith.constant 0 : i32
      %dma_start3A_265 = arith.constant 0 : i32
      %dma_start3A_266 = tpu.memref_slice %arg3[%dma_start3A_264, %dma_start3A_265] : memref<500000x128xf32, #tpu.memory_space<hbm>> -> memref<500000x128xf32, #tpu.memory_space<hbm>>
      tpu.enqueue_indirect_dma source(%dma_start3A_266 : memref<500000x128xf32, #tpu.memory_space<hbm>>) target(%dma_start3A_263 : memref<128x128xf32, #tpu.memory_space<vmem>>) offsets(%arg9 : memref<128xi32, #tpu.memory_space<vmem>>) semaphore(%arg15 : memref<!tpu.dma_semaphore, #tpu.memory_space<semaphore_mem>>)
      %dma_wait3A_267 = arith.constant 0 : i32
      %dma_wait3A_268 = arith.constant 0 : i32
      %dma_wait3A_269 = tpu.memref_slice %arg10[%dma_wait3A_267, %dma_wait3A_268] : memref<128x129xf32, #tpu.memory_space<vmem>> -> memref<128x128xf32, #tpu.memory_space<vmem>>
      %dma_wait3A_270 = arith.constant 0 : i32
      %dma_wait3A_271 = arith.constant 0 : i32
      %dma_wait3A_272 = tpu.memref_slice %arg3[%dma_wait3A_270, %dma_wait3A_271] : memref<500000x128xf32, #tpu.memory_space<hbm>> -> memref<500000x128xf32, #tpu.memory_space<hbm>>
      tpu.wait_indirect_dma semaphore(%arg14 : memref<!tpu.dma_semaphore, #tpu.memory_space<semaphore_mem>>) src(%dma_wait3A_272 : memref<500000x128xf32, #tpu.memory_space<hbm>>) dst(%dma_wait3A_269 : memref<128x128xf32, #tpu.memory_space<vmem>>)
      %gt3A = arith.constant 0 : i32
      %gt3A_273 = arith.cmpi sgt, %while3A_190, %gt3A : i32
      %convert_element_type3A = arith.extui %gt3A_273 : i1 to i32
      %cond3A = arith.constant 0 : i32
      %cond3A_274 = arith.cmpi ne, %convert_element_type3A, %cond3A : i32
      scf.if %cond3A_274 {
        %sub3A_453 = arith.constant 2 : i32
        %sub3A_454 = arith.subi %mul3A_192, %sub3A_453 : i32
        %add3A_455 = arith.addi %multiple_of3A, %sub3A_454 : i32
        %dma_wait3A_456 = arith.constant 0 : i32
        %dma_wait3A_457 = tpu.memref_slice %arg5[%add3A_455, %dma_wait3A_456, %multiple_of3A_23] : memref<200x64x1024xf32, #tpu.memory_space<hbm>> -> memref<1x64x128xf32, #tpu.memory_space<hbm>>
        %dma_wait3A_458 = tpu.memref_squeeze %dma_wait3A_457 : memref<1x64x128xf32, #tpu.memory_space<hbm>> -> memref<64x128xf32, #tpu.memory_space<hbm>>
        %dma_wait3A_459 = arith.constant 0 : i32
        %dma_wait3A_460 = tpu.memref_slice %arg5[%add3A_455, %dma_wait3A_459, %multiple_of3A_23] : memref<200x64x1024xf32, #tpu.memory_space<hbm>> -> memref<1x64x128xf32, #tpu.memory_space<hbm>>
        %dma_wait3A_461 = tpu.memref_squeeze %dma_wait3A_460 : memref<1x64x128xf32, #tpu.memory_space<hbm>> -> memref<64x128xf32, #tpu.memory_space<hbm>>
        tpu.wait_dma2 semaphore(%arg16 : memref<!tpu.dma_semaphore, #tpu.memory_space<semaphore_mem>>) src(%arg12 : memref<64x128xf32, #tpu.memory_space<vmem>>) dst(%dma_wait3A_461 : memref<64x128xf32, #tpu.memory_space<hbm>>)
      } else {
      }
      %get3A_275 = arith.index_cast %mul3A_192 : i32 to index
      %get3A_276 = arith.constant 0 : index
      %get3A_277 = tpu.vector_load %arg6[%get3A_275, %get3A_276] {strides = array<i32>} : memref<56x128xi32, #tpu.memory_space<vmem>>, vector<16xi32>,
      %and3A_278 = arith.constant 1 : i32
      %and3A_279 = vector.broadcast %and3A_278 : i32 to vector<16xi32>
      %and3A_280 = arith.andi %get3A_277, %and3A_279 : vector<16xi32>
      %shift_left3A = arith.constant 6 : i32
      %shift_left3A_281 = vector.broadcast %shift_left3A : i32 to vector<16xi32>
      %shift_left3A_282 = arith.shli %and3A_280, %shift_left3A_281 : vector<16xi32>
      %get3A_283 = arith.index_cast %mul3A_192 : i32 to index
      %get3A_284 = arith.constant 16 : index
      %get3A_285 = tpu.vector_load %arg6[%get3A_283, %get3A_284] {strides = array<i32>} : memref<56x128xi32, #tpu.memory_space<vmem>>, vector<16xi32>,
      %and3A_286 = arith.constant 1 : i32
      %and3A_287 = vector.broadcast %and3A_286 : i32 to vector<16xi32>
      %and3A_288 = arith.andi %get3A_285, %and3A_287 : vector<16xi32>
      %shift_left3A_289 = arith.constant 6 : i32
      %shift_left3A_290 = vector.broadcast %shift_left3A_289 : i32 to vector<16xi32>
      %shift_left3A_291 = arith.shli %and3A_288, %shift_left3A_290 : vector<16xi32>
      %get3A_292 = arith.index_cast %mul3A_192 : i32 to index
      %get3A_293 = arith.constant 32 : index
      %get3A_294 = tpu.vector_load %arg6[%get3A_292, %get3A_293] {strides = array<i32>} : memref<56x128xi32, #tpu.memory_space<vmem>>, vector<16xi32>,
      %and3A_295 = arith.constant 1 : i32
      %and3A_296 = vector.broadcast %and3A_295 : i32 to vector<16xi32>
      %and3A_297 = arith.andi %get3A_294, %and3A_296 : vector<16xi32>
      %shift_left3A_298 = arith.constant 6 : i32
      %shift_left3A_299 = vector.broadcast %shift_left3A_298 : i32 to vector<16xi32>
      %shift_left3A_300 = arith.shli %and3A_297, %shift_left3A_299 : vector<16xi32>
      %get3A_301 = arith.index_cast %mul3A_192 : i32 to index
      %get3A_302 = arith.constant 48 : index
      %get3A_303 = tpu.vector_load %arg6[%get3A_301, %get3A_302] {strides = array<i32>} : memref<56x128xi32, #tpu.memory_space<vmem>>, vector<16xi32>,
      %and3A_304 = arith.constant 1 : i32
      %and3A_305 = vector.broadcast %and3A_304 : i32 to vector<16xi32>
      %and3A_306 = arith.andi %get3A_303, %and3A_305 : vector<16xi32>
      %shift_left3A_307 = arith.constant 6 : i32
      %shift_left3A_308 = vector.broadcast %shift_left3A_307 : i32 to vector<16xi32>
      %shift_left3A_309 = arith.shli %and3A_306, %shift_left3A_308 : vector<16xi32>
      %get3A_310 = arith.index_cast %mul3A_192 : i32 to index
      %get3A_311 = arith.constant 64 : index
      %get3A_312 = tpu.vector_load %arg6[%get3A_310, %get3A_311] {strides = array<i32>} : memref<56x128xi32, #tpu.memory_space<vmem>>, vector<16xi32>,
      %and3A_313 = arith.constant 1 : i32
      %and3A_314 = vector.broadcast %and3A_313 : i32 to vector<16xi32>
      %and3A_315 = arith.andi %get3A_312, %and3A_314 : vector<16xi32>
      %shift_left3A_316 = arith.constant 6 : i32
      %shift_left3A_317 = vector.broadcast %shift_left3A_316 : i32 to vector<16xi32>
      %shift_left3A_318 = arith.shli %and3A_315, %shift_left3A_317 : vector<16xi32>
      %get3A_319 = arith.index_cast %mul3A_192 : i32 to index
      %get3A_320 = arith.constant 80 : index
      %get3A_321 = tpu.vector_load %arg6[%get3A_319, %get3A_320] {strides = array<i32>} : memref<56x128xi32, #tpu.memory_space<vmem>>, vector<16xi32>,
      %and3A_322 = arith.constant 1 : i32
      %and3A_323 = vector.broadcast %and3A_322 : i32 to vector<16xi32>
      %and3A_324 = arith.andi %get3A_321, %and3A_323 : vector<16xi32>
      %shift_left3A_325 = arith.constant 6 : i32
      %shift_left3A_326 = vector.broadcast %shift_left3A_325 : i32 to vector<16xi32>
      %shift_left3A_327 = arith.shli %and3A_324, %shift_left3A_326 : vector<16xi32>
      %get3A_328 = arith.index_cast %mul3A_192 : i32 to index
      %get3A_329 = arith.constant 96 : index
      %get3A_330 = tpu.vector_load %arg6[%get3A_328, %get3A_329] {strides = array<i32>} : memref<56x128xi32, #tpu.memory_space<vmem>>, vector<16xi32>,
      %and3A_331 = arith.constant 1 : i32
      %and3A_332 = vector.broadcast %and3A_331 : i32 to vector<16xi32>
      %and3A_333 = arith.andi %get3A_330, %and3A_332 : vector<16xi32>
      %shift_left3A_334 = arith.constant 6 : i32
      %shift_left3A_335 = vector.broadcast %shift_left3A_334 : i32 to vector<16xi32>
      %shift_left3A_336 = arith.shli %and3A_333, %shift_left3A_335 : vector<16xi32>
      %get3A_337 = arith.index_cast %mul3A_192 : i32 to index
      %get3A_338 = arith.constant 112 : index
      %get3A_339 = tpu.vector_load %arg6[%get3A_337, %get3A_338] {strides = array<i32>} : memref<56x128xi32, #tpu.memory_space<vmem>>, vector<16xi32>,
      %and3A_340 = arith.constant 1 : i32
      %and3A_341 = vector.broadcast %and3A_340 : i32 to vector<16xi32>
      %and3A_342 = arith.andi %get3A_339, %and3A_341 : vector<16xi32>
      %shift_left3A_343 = arith.constant 6 : i32
      %shift_left3A_344 = vector.broadcast %shift_left3A_343 : i32 to vector<16xi32>
      %shift_left3A_345 = arith.shli %and3A_342, %shift_left3A_344 : vector<16xi32>
      %parallel_loop3A = arith.constant 0 : i32
      %parallel_loop3A_346 = arith.constant 64 : i32
      %parallel_loop3A_347 = arith.constant 1 : i32
      scf.for %parallel_loop3A_453 = %parallel_loop3A to %parallel_loop3A_346 step %parallel_loop3A_347  : i32 {
        %parallel_loop3A_454 = arith.constant 64 : i32
        %parallel_loop3A_455 = arith.muli %mul3A_192, %parallel_loop3A_454 : i32
        %parallel_loop3A_456 = arith.addi %parallel_loop3A_455, %parallel_loop3A_453 : i32
        %parallel_loop3A_457 = vector.broadcast %parallel_loop3A_456 : i32 to vector<16xi32>
        %parallel_loop3A_458 = tpu.vector_load_idx %arg7[%parallel_loop3A_457] : memref<3584xf32, #tpu.memory_space<vmem>>[vector<16xi32>], vector<16xf32>,
        %parallel_loop3A_459 = vector.broadcast %parallel_loop3A_453 : i32 to vector<16xi32>
        %parallel_loop3A_460 = arith.addi %shift_left3A_282, %parallel_loop3A_459 : vector<16xi32>
        %parallel_loop3A_461 = tpu.vector_load_idx %arg10[%add3A_42, %parallel_loop3A_460] : memref<128x129xf32, #tpu.memory_space<vmem>>[vector<16xi32>, vector<16xi32>], vector<16xf32>,
        %parallel_loop3A_462 = arith.constant 8.000000e+00 : f32
        %parallel_loop3A_463 = vector.broadcast %parallel_loop3A_462 : f32 to vector<16xf32>
        %parallel_loop3A_464 = arith.mulf %parallel_loop3A_461, %parallel_loop3A_463 : vector<16xf32>
        %parallel_loop3A_465 = arith.addf %parallel_loop3A_464, %parallel_loop3A_458 : vector<16xf32>
        %parallel_loop3A_466 = arith.index_cast %parallel_loop3A_453 : i32 to index
        %parallel_loop3A_467 = arith.constant 0 : index
        %parallel_loop3A_468 = tpu.vector_load %arg12[%parallel_loop3A_466, %parallel_loop3A_467] {strides = array<i32>} : memref<64x128xf32, #tpu.memory_space<vmem>>, vector<16xf32>,
        tpu.vector_store %arg12[%parallel_loop3A_466, %parallel_loop3A_467], %parallel_loop3A_465 {strides = array<i32>} : memref<64x128xf32, #tpu.memory_space<vmem>>, vector<16xf32>,
        %parallel_loop3A_469 = vector.broadcast %parallel_loop3A_453 : i32 to vector<16xi32>
        %parallel_loop3A_470 = arith.addi %shift_left3A_291, %parallel_loop3A_469 : vector<16xi32>
        %parallel_loop3A_471 = tpu.vector_load_idx %arg10[%add3A_45, %parallel_loop3A_470] : memref<128x129xf32, #tpu.memory_space<vmem>>[vector<16xi32>, vector<16xi32>], vector<16xf32>,
        %parallel_loop3A_472 = arith.constant 8.000000e+00 : f32
        %parallel_loop3A_473 = vector.broadcast %parallel_loop3A_472 : f32 to vector<16xf32>
        %parallel_loop3A_474 = arith.mulf %parallel_loop3A_471, %parallel_loop3A_473 : vector<16xf32>
        %parallel_loop3A_475 = arith.addf %parallel_loop3A_474, %parallel_loop3A_458 : vector<16xf32>
        %parallel_loop3A_476 = arith.index_cast %parallel_loop3A_453 : i32 to index
        %parallel_loop3A_477 = arith.constant 16 : index
        %parallel_loop3A_478 = tpu.vector_load %arg12[%parallel_loop3A_476, %parallel_loop3A_477] {strides = array<i32>} : memref<64x128xf32, #tpu.memory_space<vmem>>, vector<16xf32>,
        tpu.vector_store %arg12[%parallel_loop3A_476, %parallel_loop3A_477], %parallel_loop3A_475 {strides = array<i32>} : memref<64x128xf32, #tpu.memory_space<vmem>>, vector<16xf32>,
        %parallel_loop3A_479 = vector.broadcast %parallel_loop3A_453 : i32 to vector<16xi32>
        %parallel_loop3A_480 = arith.addi %shift_left3A_300, %parallel_loop3A_479 : vector<16xi32>
        %parallel_loop3A_481 = tpu.vector_load_idx %arg10[%add3A_48, %parallel_loop3A_480] : memref<128x129xf32, #tpu.memory_space<vmem>>[vector<16xi32>, vector<16xi32>], vector<16xf32>,
        %parallel_loop3A_482 = arith.constant 8.000000e+00 : f32
        %parallel_loop3A_483 = vector.broadcast %parallel_loop3A_482 : f32 to vector<16xf32>
        %parallel_loop3A_484 = arith.mulf %parallel_loop3A_481, %parallel_loop3A_483 : vector<16xf32>
        %parallel_loop3A_485 = arith.addf %parallel_loop3A_484, %parallel_loop3A_458 : vector<16xf32>
        %parallel_loop3A_486 = arith.index_cast %parallel_loop3A_453 : i32 to index
        %parallel_loop3A_487 = arith.constant 32 : index
        %parallel_loop3A_488 = tpu.vector_load %arg12[%parallel_loop3A_486, %parallel_loop3A_487] {strides = array<i32>} : memref<64x128xf32, #tpu.memory_space<vmem>>, vector<16xf32>,
        tpu.vector_store %arg12[%parallel_loop3A_486, %parallel_loop3A_487], %parallel_loop3A_485 {strides = array<i32>} : memref<64x128xf32, #tpu.memory_space<vmem>>, vector<16xf32>,
        %parallel_loop3A_489 = vector.broadcast %parallel_loop3A_453 : i32 to vector<16xi32>
        %parallel_loop3A_490 = arith.addi %shift_left3A_309, %parallel_loop3A_489 : vector<16xi32>
        %parallel_loop3A_491 = tpu.vector_load_idx %arg10[%add3A_51, %parallel_loop3A_490] : memref<128x129xf32, #tpu.memory_space<vmem>>[vector<16xi32>, vector<16xi32>], vector<16xf32>,
        %parallel_loop3A_492 = arith.constant 8.000000e+00 : f32
        %parallel_loop3A_493 = vector.broadcast %parallel_loop3A_492 : f32 to vector<16xf32>
        %parallel_loop3A_494 = arith.mulf %parallel_loop3A_491, %parallel_loop3A_493 : vector<16xf32>
        %parallel_loop3A_495 = arith.addf %parallel_loop3A_494, %parallel_loop3A_458 : vector<16xf32>
        %parallel_loop3A_496 = arith.index_cast %parallel_loop3A_453 : i32 to index
        %parallel_loop3A_497 = arith.constant 48 : index
        %parallel_loop3A_498 = tpu.vector_load %arg12[%parallel_loop3A_496, %parallel_loop3A_497] {strides = array<i32>} : memref<64x128xf32, #tpu.memory_space<vmem>>, vector<16xf32>,
        tpu.vector_store %arg12[%parallel_loop3A_496, %parallel_loop3A_497], %parallel_loop3A_495 {strides = array<i32>} : memref<64x128xf32, #tpu.memory_space<vmem>>, vector<16xf32>,
        %parallel_loop3A_499 = vector.broadcast %parallel_loop3A_453 : i32 to vector<16xi32>
        %parallel_loop3A_500 = arith.addi %shift_left3A_318, %parallel_loop3A_499 : vector<16xi32>
        %parallel_loop3A_501 = tpu.vector_load_idx %arg10[%add3A_54, %parallel_loop3A_500] : memref<128x129xf32, #tpu.memory_space<vmem>>[vector<16xi32>, vector<16xi32>], vector<16xf32>,
        %parallel_loop3A_502 = arith.constant 8.000000e+00 : f32
        %parallel_loop3A_503 = vector.broadcast %parallel_loop3A_502 : f32 to vector<16xf32>
        %parallel_loop3A_504 = arith.mulf %parallel_loop3A_501, %parallel_loop3A_503 : vector<16xf32>
        %parallel_loop3A_505 = arith.addf %parallel_loop3A_504, %parallel_loop3A_458 : vector<16xf32>
        %parallel_loop3A_506 = arith.index_cast %parallel_loop3A_453 : i32 to index
        %parallel_loop3A_507 = arith.constant 64 : index
        %parallel_loop3A_508 = tpu.vector_load %arg12[%parallel_loop3A_506, %parallel_loop3A_507] {strides = array<i32>} : memref<64x128xf32, #tpu.memory_space<vmem>>, vector<16xf32>,
        tpu.vector_store %arg12[%parallel_loop3A_506, %parallel_loop3A_507], %parallel_loop3A_505 {strides = array<i32>} : memref<64x128xf32, #tpu.memory_space<vmem>>, vector<16xf32>,
        %parallel_loop3A_509 = vector.broadcast %parallel_loop3A_453 : i32 to vector<16xi32>
        %parallel_loop3A_510 = arith.addi %shift_left3A_327, %parallel_loop3A_509 : vector<16xi32>
        %parallel_loop3A_511 = tpu.vector_load_idx %arg10[%add3A_57, %parallel_loop3A_510] : memref<128x129xf32, #tpu.memory_space<vmem>>[vector<16xi32>, vector<16xi32>], vector<16xf32>,
        %parallel_loop3A_512 = arith.constant 8.000000e+00 : f32
        %parallel_loop3A_513 = vector.broadcast %parallel_loop3A_512 : f32 to vector<16xf32>
        %parallel_loop3A_514 = arith.mulf %parallel_loop3A_511, %parallel_loop3A_513 : vector<16xf32>
        %parallel_loop3A_515 = arith.addf %parallel_loop3A_514, %parallel_loop3A_458 : vector<16xf32>
        %parallel_loop3A_516 = arith.index_cast %parallel_loop3A_453 : i32 to index
        %parallel_loop3A_517 = arith.constant 80 : index
        %parallel_loop3A_518 = tpu.vector_load %arg12[%parallel_loop3A_516, %parallel_loop3A_517] {strides = array<i32>} : memref<64x128xf32, #tpu.memory_space<vmem>>, vector<16xf32>,
        tpu.vector_store %arg12[%parallel_loop3A_516, %parallel_loop3A_517], %parallel_loop3A_515 {strides = array<i32>} : memref<64x128xf32, #tpu.memory_space<vmem>>, vector<16xf32>,
        %parallel_loop3A_519 = vector.broadcast %parallel_loop3A_453 : i32 to vector<16xi32>
        %parallel_loop3A_520 = arith.addi %shift_left3A_336, %parallel_loop3A_519 : vector<16xi32>
        %parallel_loop3A_521 = tpu.vector_load_idx %arg10[%add3A_60, %parallel_loop3A_520] : memref<128x129xf32, #tpu.memory_space<vmem>>[vector<16xi32>, vector<16xi32>], vector<16xf32>,
        %parallel_loop3A_522 = arith.constant 8.000000e+00 : f32
        %parallel_loop3A_523 = vector.broadcast %parallel_loop3A_522 : f32 to vector<16xf32>
        %parallel_loop3A_524 = arith.mulf %parallel_loop3A_521, %parallel_loop3A_523 : vector<16xf32>
        %parallel_loop3A_525 = arith.addf %parallel_loop3A_524, %parallel_loop3A_458 : vector<16xf32>
        %parallel_loop3A_526 = arith.index_cast %parallel_loop3A_453 : i32 to index
        %parallel_loop3A_527 = arith.constant 96 : index
        %parallel_loop3A_528 = tpu.vector_load %arg12[%parallel_loop3A_526, %parallel_loop3A_527] {strides = array<i32>} : memref<64x128xf32, #tpu.memory_space<vmem>>, vector<16xf32>,
        tpu.vector_store %arg12[%parallel_loop3A_526, %parallel_loop3A_527], %parallel_loop3A_525 {strides = array<i32>} : memref<64x128xf32, #tpu.memory_space<vmem>>, vector<16xf32>,
        %parallel_loop3A_529 = vector.broadcast %parallel_loop3A_453 : i32 to vector<16xi32>
        %parallel_loop3A_530 = arith.addi %shift_left3A_345, %parallel_loop3A_529 : vector<16xi32>
        %parallel_loop3A_531 = tpu.vector_load_idx %arg10[%add3A_63, %parallel_loop3A_530] : memref<128x129xf32, #tpu.memory_space<vmem>>[vector<16xi32>, vector<16xi32>], vector<16xf32>,
        %parallel_loop3A_532 = arith.constant 8.000000e+00 : f32
        %parallel_loop3A_533 = vector.broadcast %parallel_loop3A_532 : f32 to vector<16xf32>
        %parallel_loop3A_534 = arith.mulf %parallel_loop3A_531, %parallel_loop3A_533 : vector<16xf32>
        %parallel_loop3A_535 = arith.addf %parallel_loop3A_534, %parallel_loop3A_458 : vector<16xf32>
        %parallel_loop3A_536 = arith.index_cast %parallel_loop3A_453 : i32 to index
        %parallel_loop3A_537 = arith.constant 112 : index
        %parallel_loop3A_538 = tpu.vector_load %arg12[%parallel_loop3A_536, %parallel_loop3A_537] {strides = array<i32>} : memref<64x128xf32, #tpu.memory_space<vmem>>, vector<16xf32>,
        tpu.vector_store %arg12[%parallel_loop3A_536, %parallel_loop3A_537], %parallel_loop3A_535 {strides = array<i32>} : memref<64x128xf32, #tpu.memory_space<vmem>>, vector<16xf32>,
      } {sc.loop_unroll_factor = 16 : i64, sc.parallel_access}
      %add3A_348 = arith.addi %multiple_of3A, %mul3A_192 : i32
      %dma_start3A_349 = arith.constant 0 : i32
      %dma_start3A_350 = tpu.memref_slice %arg5[%add3A_348, %dma_start3A_349, %multiple_of3A_23] : memref<200x64x1024xf32, #tpu.memory_space<hbm>> -> memref<1x64x128xf32, #tpu.memory_space<hbm>>
      %dma_start3A_351 = tpu.memref_squeeze %dma_start3A_350 : memref<1x64x128xf32, #tpu.memory_space<hbm>> -> memref<64x128xf32, #tpu.memory_space<hbm>>
      %dma_start3A_352 = arith.constant 0 : i32
      %dma_start3A_353 = tpu.memref_slice %arg5[%add3A_348, %dma_start3A_352, %multiple_of3A_23] : memref<200x64x1024xf32, #tpu.memory_space<hbm>> -> memref<1x64x128xf32, #tpu.memory_space<hbm>>
      %dma_start3A_354 = tpu.memref_squeeze %dma_start3A_353 : memref<1x64x128xf32, #tpu.memory_space<hbm>> -> memref<64x128xf32, #tpu.memory_space<hbm>>
      tpu.enqueue_dma source(%arg12 : memref<64x128xf32, #tpu.memory_space<vmem>>) target(%dma_start3A_354 : memref<64x128xf32, #tpu.memory_space<hbm>>) target_semaphore(%arg16 : memref<!tpu.dma_semaphore, #tpu.memory_space<semaphore_mem>>)
      %add3A_355 = arith.constant 1 : i32
      %add3A_356 = arith.addi %add3A_196, %add3A_355 : i32
      %lt3A = arith.cmpi slt, %add3A_356, %select_n3A_27 : i32
      %convert_element_type3A_357 = arith.extui %lt3A : i1 to i32
      %cond3A_358 = arith.constant 0 : i32
      %cond3A_359 = arith.cmpi ne, %convert_element_type3A_357, %cond3A_358 : i32
      scf.if %cond3A_359 {
        %add3A_453 = arith.constant 1 : i32
        %add3A_454 = arith.addi %add3A_196, %add3A_453 : i32
        %get3A_455 = arith.index_cast %add3A_454 : i32 to index
        %get3A_456 = arith.constant 0 : index
        %get3A_457 = tpu.vector_load %arg6[%get3A_455, %get3A_456] {strides = array<i32>} : memref<56x128xi32, #tpu.memory_space<vmem>>, vector<16xi32>,
        %shift_right_logical3A_458 = arith.constant 1 : i32
        %shift_right_logical3A_459 = vector.broadcast %shift_right_logical3A_458 : i32 to vector<16xi32>
        %shift_right_logical3A_460 = arith.shrui %get3A_457, %shift_right_logical3A_459 : vector<16xi32>
        %swap3A_461 = arith.constant 0 : index
        %swap3A_462 = tpu.vector_load %arg8[%swap3A_461] {strides = array<i32>} : memref<128xi32, #tpu.memory_space<vmem>>, vector<16xi32>,
        tpu.vector_store %arg8[%swap3A_461], %shift_right_logical3A_460 {strides = array<i32>} : memref<128xi32, #tpu.memory_space<vmem>>, vector<16xi32>,
        %get3A_463 = arith.index_cast %add3A_454 : i32 to index
        %get3A_464 = arith.constant 16 : index
        %get3A_465 = tpu.vector_load %arg6[%get3A_463, %get3A_464] {strides = array<i32>} : memref<56x128xi32, #tpu.memory_space<vmem>>, vector<16xi32>,
        %shift_right_logical3A_466 = arith.constant 1 : i32
        %shift_right_logical3A_467 = vector.broadcast %shift_right_logical3A_466 : i32 to vector<16xi32>
        %shift_right_logical3A_468 = arith.shrui %get3A_465, %shift_right_logical3A_467 : vector<16xi32>
        %swap3A_469 = arith.constant 16 : index
        %swap3A_470 = tpu.vector_load %arg8[%swap3A_469] {strides = array<i32>} : memref<128xi32, #tpu.memory_space<vmem>>, vector<16xi32>,
        tpu.vector_store %arg8[%swap3A_469], %shift_right_logical3A_468 {strides = array<i32>} : memref<128xi32, #tpu.memory_space<vmem>>, vector<16xi32>,
        %get3A_471 = arith.index_cast %add3A_454 : i32 to index
        %get3A_472 = arith.constant 32 : index
        %get3A_473 = tpu.vector_load %arg6[%get3A_471, %get3A_472] {strides = array<i32>} : memref<56x128xi32, #tpu.memory_space<vmem>>, vector<16xi32>,
        %shift_right_logical3A_474 = arith.constant 1 : i32
        %shift_right_logical3A_475 = vector.broadcast %shift_right_logical3A_474 : i32 to vector<16xi32>
        %shift_right_logical3A_476 = arith.shrui %get3A_473, %shift_right_logical3A_475 : vector<16xi32>
        %swap3A_477 = arith.constant 32 : index
        %swap3A_478 = tpu.vector_load %arg8[%swap3A_477] {strides = array<i32>} : memref<128xi32, #tpu.memory_space<vmem>>, vector<16xi32>,
        tpu.vector_store %arg8[%swap3A_477], %shift_right_logical3A_476 {strides = array<i32>} : memref<128xi32, #tpu.memory_space<vmem>>, vector<16xi32>,
        %get3A_479 = arith.index_cast %add3A_454 : i32 to index
        %get3A_480 = arith.constant 48 : index
        %get3A_481 = tpu.vector_load %arg6[%get3A_479, %get3A_480] {strides = array<i32>} : memref<56x128xi32, #tpu.memory_space<vmem>>, vector<16xi32>,
        %shift_right_logical3A_482 = arith.constant 1 : i32
        %shift_right_logical3A_483 = vector.broadcast %shift_right_logical3A_482 : i32 to vector<16xi32>
        %shift_right_logical3A_484 = arith.shrui %get3A_481, %shift_right_logical3A_483 : vector<16xi32>
        %swap3A_485 = arith.constant 48 : index
        %swap3A_486 = tpu.vector_load %arg8[%swap3A_485] {strides = array<i32>} : memref<128xi32, #tpu.memory_space<vmem>>, vector<16xi32>,
        tpu.vector_store %arg8[%swap3A_485], %shift_right_logical3A_484 {strides = array<i32>} : memref<128xi32, #tpu.memory_space<vmem>>, vector<16xi32>,
        %get3A_487 = arith.index_cast %add3A_454 : i32 to index
        %get3A_488 = arith.constant 64 : index
        %get3A_489 = tpu.vector_load %arg6[%get3A_487, %get3A_488] {strides = array<i32>} : memref<56x128xi32, #tpu.memory_space<vmem>>, vector<16xi32>,
        %shift_right_logical3A_490 = arith.constant 1 : i32
        %shift_right_logical3A_491 = vector.broadcast %shift_right_logical3A_490 : i32 to vector<16xi32>
        %shift_right_logical3A_492 = arith.shrui %get3A_489, %shift_right_logical3A_491 : vector<16xi32>
        %swap3A_493 = arith.constant 64 : index
        %swap3A_494 = tpu.vector_load %arg8[%swap3A_493] {strides = array<i32>} : memref<128xi32, #tpu.memory_space<vmem>>, vector<16xi32>,
        tpu.vector_store %arg8[%swap3A_493], %shift_right_logical3A_492 {strides = array<i32>} : memref<128xi32, #tpu.memory_space<vmem>>, vector<16xi32>,
        %get3A_495 = arith.index_cast %add3A_454 : i32 to index
        %get3A_496 = arith.constant 80 : index
        %get3A_497 = tpu.vector_load %arg6[%get3A_495, %get3A_496] {strides = array<i32>} : memref<56x128xi32, #tpu.memory_space<vmem>>, vector<16xi32>,
        %shift_right_logical3A_498 = arith.constant 1 : i32
        %shift_right_logical3A_499 = vector.broadcast %shift_right_logical3A_498 : i32 to vector<16xi32>
        %shift_right_logical3A_500 = arith.shrui %get3A_497, %shift_right_logical3A_499 : vector<16xi32>
        %swap3A_501 = arith.constant 80 : index
        %swap3A_502 = tpu.vector_load %arg8[%swap3A_501] {strides = array<i32>} : memref<128xi32, #tpu.memory_space<vmem>>, vector<16xi32>,
        tpu.vector_store %arg8[%swap3A_501], %shift_right_logical3A_500 {strides = array<i32>} : memref<128xi32, #tpu.memory_space<vmem>>, vector<16xi32>,
        %get3A_503 = arith.index_cast %add3A_454 : i32 to index
        %get3A_504 = arith.constant 96 : index
        %get3A_505 = tpu.vector_load %arg6[%get3A_503, %get3A_504] {strides = array<i32>} : memref<56x128xi32, #tpu.memory_space<vmem>>, vector<16xi32>,
        %shift_right_logical3A_506 = arith.constant 1 : i32
        %shift_right_logical3A_507 = vector.broadcast %shift_right_logical3A_506 : i32 to vector<16xi32>
        %shift_right_logical3A_508 = arith.shrui %get3A_505, %shift_right_logical3A_507 : vector<16xi32>
        %swap3A_509 = arith.constant 96 : index
        %swap3A_510 = tpu.vector_load %arg8[%swap3A_509] {strides = array<i32>} : memref<128xi32, #tpu.memory_space<vmem>>, vector<16xi32>,
        tpu.vector_store %arg8[%swap3A_509], %shift_right_logical3A_508 {strides = array<i32>} : memref<128xi32, #tpu.memory_space<vmem>>, vector<16xi32>,
        %get3A_511 = arith.index_cast %add3A_454 : i32 to index
        %get3A_512 = arith.constant 112 : index
        %get3A_513 = tpu.vector_load %arg6[%get3A_511, %get3A_512] {strides = array<i32>} : memref<56x128xi32, #tpu.memory_space<vmem>>, vector<16xi32>,
        %shift_right_logical3A_514 = arith.constant 1 : i32
        %shift_right_logical3A_515 = vector.broadcast %shift_right_logical3A_514 : i32 to vector<16xi32>
        %shift_right_logical3A_516 = arith.shrui %get3A_513, %shift_right_logical3A_515 : vector<16xi32>
        %swap3A_517 = arith.constant 112 : index
        %swap3A_518 = tpu.vector_load %arg8[%swap3A_517] {strides = array<i32>} : memref<128xi32, #tpu.memory_space<vmem>>, vector<16xi32>,
        tpu.vector_store %arg8[%swap3A_517], %shift_right_logical3A_516 {strides = array<i32>} : memref<128xi32, #tpu.memory_space<vmem>>, vector<16xi32>,
        %dma_start3A_519 = arith.constant 0 : i32
        %dma_start3A_520 = arith.constant 0 : i32
        %dma_start3A_521 = tpu.memref_slice %arg10[%dma_start3A_519, %dma_start3A_520] : memref<128x129xf32, #tpu.memory_space<vmem>> -> memref<128x128xf32, #tpu.memory_space<vmem>>
        %dma_start3A_522 = arith.constant 0 : i32
        %dma_start3A_523 = arith.constant 0 : i32
        %dma_start3A_524 = tpu.memref_slice %arg3[%dma_start3A_522, %dma_start3A_523] : memref<500000x128xf32, #tpu.memory_space<hbm>> -> memref<500000x128xf32, #tpu.memory_space<hbm>>
        tpu.enqueue_indirect_dma source(%dma_start3A_524 : memref<500000x128xf32, #tpu.memory_space<hbm>>) target(%dma_start3A_521 : memref<128x128xf32, #tpu.memory_space<vmem>>) offsets(%arg8 : memref<128xi32, #tpu.memory_space<vmem>>) semaphore(%arg14 : memref<!tpu.dma_semaphore, #tpu.memory_space<semaphore_mem>>)
      } else {
      }
      %dma_wait3A_360 = arith.constant 0 : i32
      %dma_wait3A_361 = arith.constant 0 : i32
      %dma_wait3A_362 = tpu.memref_slice %arg11[%dma_wait3A_360, %dma_wait3A_361] : memref<128x129xf32, #tpu.memory_space<vmem>> -> memref<128x128xf32, #tpu.memory_space<vmem>>
      %dma_wait3A_363 = arith.constant 0 : i32
      %dma_wait3A_364 = arith.constant 0 : i32
      %dma_wait3A_365 = tpu.memref_slice %arg3[%dma_wait3A_363, %dma_wait3A_364] : memref<500000x128xf32, #tpu.memory_space<hbm>> -> memref<500000x128xf32, #tpu.memory_space<hbm>>
      tpu.wait_indirect_dma semaphore(%arg15 : memref<!tpu.dma_semaphore, #tpu.memory_space<semaphore_mem>>) src(%dma_wait3A_365 : memref<500000x128xf32, #tpu.memory_space<hbm>>) dst(%dma_wait3A_362 : memref<128x128xf32, #tpu.memory_space<vmem>>)
      %gt3A_366 = arith.constant 0 : i32
      %gt3A_367 = arith.cmpi sgt, %while3A_190, %gt3A_366 : i32
      %convert_element_type3A_368 = arith.extui %gt3A_367 : i1 to i32
      %cond3A_369 = arith.constant 0 : i32
      %cond3A_370 = arith.cmpi ne, %convert_element_type3A_368, %cond3A_369 : i32
      scf.if %cond3A_370 {
        %sub3A_453 = arith.constant 2 : i32
        %sub3A_454 = arith.subi %add3A_196, %sub3A_453 : i32
        %add3A_455 = arith.addi %multiple_of3A, %sub3A_454 : i32
        %dma_wait3A_456 = arith.constant 0 : i32
        %dma_wait3A_457 = tpu.memref_slice %arg5[%add3A_455, %dma_wait3A_456, %multiple_of3A_23] : memref<200x64x1024xf32, #tpu.memory_space<hbm>> -> memref<1x64x128xf32, #tpu.memory_space<hbm>>
        %dma_wait3A_458 = tpu.memref_squeeze %dma_wait3A_457 : memref<1x64x128xf32, #tpu.memory_space<hbm>> -> memref<64x128xf32, #tpu.memory_space<hbm>>
        %dma_wait3A_459 = arith.constant 0 : i32
        %dma_wait3A_460 = tpu.memref_slice %arg5[%add3A_455, %dma_wait3A_459, %multiple_of3A_23] : memref<200x64x1024xf32, #tpu.memory_space<hbm>> -> memref<1x64x128xf32, #tpu.memory_space<hbm>>
        %dma_wait3A_461 = tpu.memref_squeeze %dma_wait3A_460 : memref<1x64x128xf32, #tpu.memory_space<hbm>> -> memref<64x128xf32, #tpu.memory_space<hbm>>
        tpu.wait_dma2 semaphore(%arg17 : memref<!tpu.dma_semaphore, #tpu.memory_space<semaphore_mem>>) src(%arg13 : memref<64x128xf32, #tpu.memory_space<vmem>>) dst(%dma_wait3A_461 : memref<64x128xf32, #tpu.memory_space<hbm>>)
      } else {
      }
      %get3A_371 = arith.index_cast %add3A_196 : i32 to index
      %get3A_372 = arith.constant 0 : index
      %get3A_373 = tpu.vector_load %arg6[%get3A_371, %get3A_372] {strides = array<i32>} : memref<56x128xi32, #tpu.memory_space<vmem>>, vector<16xi32>,
      %and3A_374 = arith.constant 1 : i32
      %and3A_375 = vector.broadcast %and3A_374 : i32 to vector<16xi32>
      %and3A_376 = arith.andi %get3A_373, %and3A_375 : vector<16xi32>
      %shift_left3A_377 = arith.constant 6 : i32
      %shift_left3A_378 = vector.broadcast %shift_left3A_377 : i32 to vector<16xi32>
      %shift_left3A_379 = arith.shli %and3A_376, %shift_left3A_378 : vector<16xi32>
      %get3A_380 = arith.index_cast %add3A_196 : i32 to index
      %get3A_381 = arith.constant 16 : index
      %get3A_382 = tpu.vector_load %arg6[%get3A_380, %get3A_381] {strides = array<i32>} : memref<56x128xi32, #tpu.memory_space<vmem>>, vector<16xi32>,
      %and3A_383 = arith.constant 1 : i32
      %and3A_384 = vector.broadcast %and3A_383 : i32 to vector<16xi32>
      %and3A_385 = arith.andi %get3A_382, %and3A_384 : vector<16xi32>
      %shift_left3A_386 = arith.constant 6 : i32
      %shift_left3A_387 = vector.broadcast %shift_left3A_386 : i32 to vector<16xi32>
      %shift_left3A_388 = arith.shli %and3A_385, %shift_left3A_387 : vector<16xi32>
      %get3A_389 = arith.index_cast %add3A_196 : i32 to index
      %get3A_390 = arith.constant 32 : index
      %get3A_391 = tpu.vector_load %arg6[%get3A_389, %get3A_390] {strides = array<i32>} : memref<56x128xi32, #tpu.memory_space<vmem>>, vector<16xi32>,
      %and3A_392 = arith.constant 1 : i32
      %and3A_393 = vector.broadcast %and3A_392 : i32 to vector<16xi32>
      %and3A_394 = arith.andi %get3A_391, %and3A_393 : vector<16xi32>
      %shift_left3A_395 = arith.constant 6 : i32
      %shift_left3A_396 = vector.broadcast %shift_left3A_395 : i32 to vector<16xi32>
      %shift_left3A_397 = arith.shli %and3A_394, %shift_left3A_396 : vector<16xi32>
      %get3A_398 = arith.index_cast %add3A_196 : i32 to index
      %get3A_399 = arith.constant 48 : index
      %get3A_400 = tpu.vector_load %arg6[%get3A_398, %get3A_399] {strides = array<i32>} : memref<56x128xi32, #tpu.memory_space<vmem>>, vector<16xi32>,
      %and3A_401 = arith.constant 1 : i32
      %and3A_402 = vector.broadcast %and3A_401 : i32 to vector<16xi32>
      %and3A_403 = arith.andi %get3A_400, %and3A_402 : vector<16xi32>
      %shift_left3A_404 = arith.constant 6 : i32
      %shift_left3A_405 = vector.broadcast %shift_left3A_404 : i32 to vector<16xi32>
      %shift_left3A_406 = arith.shli %and3A_403, %shift_left3A_405 : vector<16xi32>
      %get3A_407 = arith.index_cast %add3A_196 : i32 to index
      %get3A_408 = arith.constant 64 : index
      %get3A_409 = tpu.vector_load %arg6[%get3A_407, %get3A_408] {strides = array<i32>} : memref<56x128xi32, #tpu.memory_space<vmem>>, vector<16xi32>,
      %and3A_410 = arith.constant 1 : i32
      %and3A_411 = vector.broadcast %and3A_410 : i32 to vector<16xi32>
      %and3A_412 = arith.andi %get3A_409, %and3A_411 : vector<16xi32>
      %shift_left3A_413 = arith.constant 6 : i32
      %shift_left3A_414 = vector.broadcast %shift_left3A_413 : i32 to vector<16xi32>
      %shift_left3A_415 = arith.shli %and3A_412, %shift_left3A_414 : vector<16xi32>
      %get3A_416 = arith.index_cast %add3A_196 : i32 to index
      %get3A_417 = arith.constant 80 : index
      %get3A_418 = tpu.vector_load %arg6[%get3A_416, %get3A_417] {strides = array<i32>} : memref<56x128xi32, #tpu.memory_space<vmem>>, vector<16xi32>,
      %and3A_419 = arith.constant 1 : i32
      %and3A_420 = vector.broadcast %and3A_419 : i32 to vector<16xi32>
      %and3A_421 = arith.andi %get3A_418, %and3A_420 : vector<16xi32>
      %shift_left3A_422 = arith.constant 6 : i32
      %shift_left3A_423 = vector.broadcast %shift_left3A_422 : i32 to vector<16xi32>
      %shift_left3A_424 = arith.shli %and3A_421, %shift_left3A_423 : vector<16xi32>
      %get3A_425 = arith.index_cast %add3A_196 : i32 to index
      %get3A_426 = arith.constant 96 : index
      %get3A_427 = tpu.vector_load %arg6[%get3A_425, %get3A_426] {strides = array<i32>} : memref<56x128xi32, #tpu.memory_space<vmem>>, vector<16xi32>,
      %and3A_428 = arith.constant 1 : i32
      %and3A_429 = vector.broadcast %and3A_428 : i32 to vector<16xi32>
      %and3A_430 = arith.andi %get3A_427, %and3A_429 : vector<16xi32>
      %shift_left3A_431 = arith.constant 6 : i32
      %shift_left3A_432 = vector.broadcast %shift_left3A_431 : i32 to vector<16xi32>
      %shift_left3A_433 = arith.shli %and3A_430, %shift_left3A_432 : vector<16xi32>
      %get3A_434 = arith.index_cast %add3A_196 : i32 to index
      %get3A_435 = arith.constant 112 : index
      %get3A_436 = tpu.vector_load %arg6[%get3A_434, %get3A_435] {strides = array<i32>} : memref<56x128xi32, #tpu.memory_space<vmem>>, vector<16xi32>,
      %and3A_437 = arith.constant 1 : i32
      %and3A_438 = vector.broadcast %and3A_437 : i32 to vector<16xi32>
      %and3A_439 = arith.andi %get3A_436, %and3A_438 : vector<16xi32>
      %shift_left3A_440 = arith.constant 6 : i32
      %shift_left3A_441 = vector.broadcast %shift_left3A_440 : i32 to vector<16xi32>
      %shift_left3A_442 = arith.shli %and3A_439, %shift_left3A_441 : vector<16xi32>
      %parallel_loop3A_443 = arith.constant 0 : i32
      %parallel_loop3A_444 = arith.constant 64 : i32
      %parallel_loop3A_445 = arith.constant 1 : i32
      scf.for %parallel_loop3A_453 = %parallel_loop3A_443 to %parallel_loop3A_444 step %parallel_loop3A_445  : i32 {
        %parallel_loop3A_454 = arith.constant 64 : i32
        %parallel_loop3A_455 = arith.muli %add3A_196, %parallel_loop3A_454 : i32
        %parallel_loop3A_456 = arith.addi %parallel_loop3A_455, %parallel_loop3A_453 : i32
        %parallel_loop3A_457 = vector.broadcast %parallel_loop3A_456 : i32 to vector<16xi32>
        %parallel_loop3A_458 = tpu.vector_load_idx %arg7[%parallel_loop3A_457] : memref<3584xf32, #tpu.memory_space<vmem>>[vector<16xi32>], vector<16xf32>,
        %parallel_loop3A_459 = vector.broadcast %parallel_loop3A_453 : i32 to vector<16xi32>
        %parallel_loop3A_460 = arith.addi %shift_left3A_379, %parallel_loop3A_459 : vector<16xi32>
        %parallel_loop3A_461 = tpu.vector_load_idx %arg11[%add3A_42, %parallel_loop3A_460] : memref<128x129xf32, #tpu.memory_space<vmem>>[vector<16xi32>, vector<16xi32>], vector<16xf32>,
        %parallel_loop3A_462 = arith.constant 8.000000e+00 : f32
        %parallel_loop3A_463 = vector.broadcast %parallel_loop3A_462 : f32 to vector<16xf32>
        %parallel_loop3A_464 = arith.mulf %parallel_loop3A_461, %parallel_loop3A_463 : vector<16xf32>
        %parallel_loop3A_465 = arith.addf %parallel_loop3A_464, %parallel_loop3A_458 : vector<16xf32>
        %parallel_loop3A_466 = arith.index_cast %parallel_loop3A_453 : i32 to index
        %parallel_loop3A_467 = arith.constant 0 : index
        %parallel_loop3A_468 = tpu.vector_load %arg13[%parallel_loop3A_466, %parallel_loop3A_467] {strides = array<i32>} : memref<64x128xf32, #tpu.memory_space<vmem>>, vector<16xf32>,
        tpu.vector_store %arg13[%parallel_loop3A_466, %parallel_loop3A_467], %parallel_loop3A_465 {strides = array<i32>} : memref<64x128xf32, #tpu.memory_space<vmem>>, vector<16xf32>,
        %parallel_loop3A_469 = vector.broadcast %parallel_loop3A_453 : i32 to vector<16xi32>
        %parallel_loop3A_470 = arith.addi %shift_left3A_388, %parallel_loop3A_469 : vector<16xi32>
        %parallel_loop3A_471 = tpu.vector_load_idx %arg11[%add3A_45, %parallel_loop3A_470] : memref<128x129xf32, #tpu.memory_space<vmem>>[vector<16xi32>, vector<16xi32>], vector<16xf32>,
        %parallel_loop3A_472 = arith.constant 8.000000e+00 : f32
        %parallel_loop3A_473 = vector.broadcast %parallel_loop3A_472 : f32 to vector<16xf32>
        %parallel_loop3A_474 = arith.mulf %parallel_loop3A_471, %parallel_loop3A_473 : vector<16xf32>
        %parallel_loop3A_475 = arith.addf %parallel_loop3A_474, %parallel_loop3A_458 : vector<16xf32>
        %parallel_loop3A_476 = arith.index_cast %parallel_loop3A_453 : i32 to index
        %parallel_loop3A_477 = arith.constant 16 : index
        %parallel_loop3A_478 = tpu.vector_load %arg13[%parallel_loop3A_476, %parallel_loop3A_477] {strides = array<i32>} : memref<64x128xf32, #tpu.memory_space<vmem>>, vector<16xf32>,
        tpu.vector_store %arg13[%parallel_loop3A_476, %parallel_loop3A_477], %parallel_loop3A_475 {strides = array<i32>} : memref<64x128xf32, #tpu.memory_space<vmem>>, vector<16xf32>,
        %parallel_loop3A_479 = vector.broadcast %parallel_loop3A_453 : i32 to vector<16xi32>
        %parallel_loop3A_480 = arith.addi %shift_left3A_397, %parallel_loop3A_479 : vector<16xi32>
        %parallel_loop3A_481 = tpu.vector_load_idx %arg11[%add3A_48, %parallel_loop3A_480] : memref<128x129xf32, #tpu.memory_space<vmem>>[vector<16xi32>, vector<16xi32>], vector<16xf32>,
        %parallel_loop3A_482 = arith.constant 8.000000e+00 : f32
        %parallel_loop3A_483 = vector.broadcast %parallel_loop3A_482 : f32 to vector<16xf32>
        %parallel_loop3A_484 = arith.mulf %parallel_loop3A_481, %parallel_loop3A_483 : vector<16xf32>
        %parallel_loop3A_485 = arith.addf %parallel_loop3A_484, %parallel_loop3A_458 : vector<16xf32>
        %parallel_loop3A_486 = arith.index_cast %parallel_loop3A_453 : i32 to index
        %parallel_loop3A_487 = arith.constant 32 : index
        %parallel_loop3A_488 = tpu.vector_load %arg13[%parallel_loop3A_486, %parallel_loop3A_487] {strides = array<i32>} : memref<64x128xf32, #tpu.memory_space<vmem>>, vector<16xf32>,
        tpu.vector_store %arg13[%parallel_loop3A_486, %parallel_loop3A_487], %parallel_loop3A_485 {strides = array<i32>} : memref<64x128xf32, #tpu.memory_space<vmem>>, vector<16xf32>,
        %parallel_loop3A_489 = vector.broadcast %parallel_loop3A_453 : i32 to vector<16xi32>
        %parallel_loop3A_490 = arith.addi %shift_left3A_406, %parallel_loop3A_489 : vector<16xi32>
        %parallel_loop3A_491 = tpu.vector_load_idx %arg11[%add3A_51, %parallel_loop3A_490] : memref<128x129xf32, #tpu.memory_space<vmem>>[vector<16xi32>, vector<16xi32>], vector<16xf32>,
        %parallel_loop3A_492 = arith.constant 8.000000e+00 : f32
        %parallel_loop3A_493 = vector.broadcast %parallel_loop3A_492 : f32 to vector<16xf32>
        %parallel_loop3A_494 = arith.mulf %parallel_loop3A_491, %parallel_loop3A_493 : vector<16xf32>
        %parallel_loop3A_495 = arith.addf %parallel_loop3A_494, %parallel_loop3A_458 : vector<16xf32>
        %parallel_loop3A_496 = arith.index_cast %parallel_loop3A_453 : i32 to index
        %parallel_loop3A_497 = arith.constant 48 : index
        %parallel_loop3A_498 = tpu.vector_load %arg13[%parallel_loop3A_496, %parallel_loop3A_497] {strides = array<i32>} : memref<64x128xf32, #tpu.memory_space<vmem>>, vector<16xf32>,
        tpu.vector_store %arg13[%parallel_loop3A_496, %parallel_loop3A_497], %parallel_loop3A_495 {strides = array<i32>} : memref<64x128xf32, #tpu.memory_space<vmem>>, vector<16xf32>,
        %parallel_loop3A_499 = vector.broadcast %parallel_loop3A_453 : i32 to vector<16xi32>
        %parallel_loop3A_500 = arith.addi %shift_left3A_415, %parallel_loop3A_499 : vector<16xi32>
        %parallel_loop3A_501 = tpu.vector_load_idx %arg11[%add3A_54, %parallel_loop3A_500] : memref<128x129xf32, #tpu.memory_space<vmem>>[vector<16xi32>, vector<16xi32>], vector<16xf32>,
        %parallel_loop3A_502 = arith.constant 8.000000e+00 : f32
        %parallel_loop3A_503 = vector.broadcast %parallel_loop3A_502 : f32 to vector<16xf32>
        %parallel_loop3A_504 = arith.mulf %parallel_loop3A_501, %parallel_loop3A_503 : vector<16xf32>
        %parallel_loop3A_505 = arith.addf %parallel_loop3A_504, %parallel_loop3A_458 : vector<16xf32>
        %parallel_loop3A_506 = arith.index_cast %parallel_loop3A_453 : i32 to index
        %parallel_loop3A_507 = arith.constant 64 : index
        %parallel_loop3A_508 = tpu.vector_load %arg13[%parallel_loop3A_506, %parallel_loop3A_507] {strides = array<i32>} : memref<64x128xf32, #tpu.memory_space<vmem>>, vector<16xf32>,
        tpu.vector_store %arg13[%parallel_loop3A_506, %parallel_loop3A_507], %parallel_loop3A_505 {strides = array<i32>} : memref<64x128xf32, #tpu.memory_space<vmem>>, vector<16xf32>,
        %parallel_loop3A_509 = vector.broadcast %parallel_loop3A_453 : i32 to vector<16xi32>
        %parallel_loop3A_510 = arith.addi %shift_left3A_424, %parallel_loop3A_509 : vector<16xi32>
        %parallel_loop3A_511 = tpu.vector_load_idx %arg11[%add3A_57, %parallel_loop3A_510] : memref<128x129xf32, #tpu.memory_space<vmem>>[vector<16xi32>, vector<16xi32>], vector<16xf32>,
        %parallel_loop3A_512 = arith.constant 8.000000e+00 : f32
        %parallel_loop3A_513 = vector.broadcast %parallel_loop3A_512 : f32 to vector<16xf32>
        %parallel_loop3A_514 = arith.mulf %parallel_loop3A_511, %parallel_loop3A_513 : vector<16xf32>
        %parallel_loop3A_515 = arith.addf %parallel_loop3A_514, %parallel_loop3A_458 : vector<16xf32>
        %parallel_loop3A_516 = arith.index_cast %parallel_loop3A_453 : i32 to index
        %parallel_loop3A_517 = arith.constant 80 : index
        %parallel_loop3A_518 = tpu.vector_load %arg13[%parallel_loop3A_516, %parallel_loop3A_517] {strides = array<i32>} : memref<64x128xf32, #tpu.memory_space<vmem>>, vector<16xf32>,
        tpu.vector_store %arg13[%parallel_loop3A_516, %parallel_loop3A_517], %parallel_loop3A_515 {strides = array<i32>} : memref<64x128xf32, #tpu.memory_space<vmem>>, vector<16xf32>,
        %parallel_loop3A_519 = vector.broadcast %parallel_loop3A_453 : i32 to vector<16xi32>
        %parallel_loop3A_520 = arith.addi %shift_left3A_433, %parallel_loop3A_519 : vector<16xi32>
        %parallel_loop3A_521 = tpu.vector_load_idx %arg11[%add3A_60, %parallel_loop3A_520] : memref<128x129xf32, #tpu.memory_space<vmem>>[vector<16xi32>, vector<16xi32>], vector<16xf32>,
        %parallel_loop3A_522 = arith.constant 8.000000e+00 : f32
        %parallel_loop3A_523 = vector.broadcast %parallel_loop3A_522 : f32 to vector<16xf32>
        %parallel_loop3A_524 = arith.mulf %parallel_loop3A_521, %parallel_loop3A_523 : vector<16xf32>
        %parallel_loop3A_525 = arith.addf %parallel_loop3A_524, %parallel_loop3A_458 : vector<16xf32>
        %parallel_loop3A_526 = arith.index_cast %parallel_loop3A_453 : i32 to index
        %parallel_loop3A_527 = arith.constant 96 : index
        %parallel_loop3A_528 = tpu.vector_load %arg13[%parallel_loop3A_526, %parallel_loop3A_527] {strides = array<i32>} : memref<64x128xf32, #tpu.memory_space<vmem>>, vector<16xf32>,
        tpu.vector_store %arg13[%parallel_loop3A_526, %parallel_loop3A_527], %parallel_loop3A_525 {strides = array<i32>} : memref<64x128xf32, #tpu.memory_space<vmem>>, vector<16xf32>,
        %parallel_loop3A_529 = vector.broadcast %parallel_loop3A_453 : i32 to vector<16xi32>
        %parallel_loop3A_530 = arith.addi %shift_left3A_442, %parallel_loop3A_529 : vector<16xi32>
        %parallel_loop3A_531 = tpu.vector_load_idx %arg11[%add3A_63, %parallel_loop3A_530] : memref<128x129xf32, #tpu.memory_space<vmem>>[vector<16xi32>, vector<16xi32>], vector<16xf32>,
        %parallel_loop3A_532 = arith.constant 8.000000e+00 : f32
        %parallel_loop3A_533 = vector.broadcast %parallel_loop3A_532 : f32 to vector<16xf32>
        %parallel_loop3A_534 = arith.mulf %parallel_loop3A_531, %parallel_loop3A_533 : vector<16xf32>
        %parallel_loop3A_535 = arith.addf %parallel_loop3A_534, %parallel_loop3A_458 : vector<16xf32>
        %parallel_loop3A_536 = arith.index_cast %parallel_loop3A_453 : i32 to index
        %parallel_loop3A_537 = arith.constant 112 : index
        %parallel_loop3A_538 = tpu.vector_load %arg13[%parallel_loop3A_536, %parallel_loop3A_537] {strides = array<i32>} : memref<64x128xf32, #tpu.memory_space<vmem>>, vector<16xf32>,
        tpu.vector_store %arg13[%parallel_loop3A_536, %parallel_loop3A_537], %parallel_loop3A_535 {strides = array<i32>} : memref<64x128xf32, #tpu.memory_space<vmem>>, vector<16xf32>,
      } {sc.loop_unroll_factor = 16 : i64, sc.parallel_access}
      %add3A_446 = arith.addi %multiple_of3A, %add3A_196 : i32
      %dma_start3A_447 = arith.constant 0 : i32
      %dma_start3A_448 = tpu.memref_slice %arg5[%add3A_446, %dma_start3A_447, %multiple_of3A_23] : memref<200x64x1024xf32, #tpu.memory_space<hbm>> -> memref<1x64x128xf32, #tpu.memory_space<hbm>>
      %dma_start3A_449 = tpu.memref_squeeze %dma_start3A_448 : memref<1x64x128xf32, #tpu.memory_space<hbm>> -> memref<64x128xf32, #tpu.memory_space<hbm>>
      %dma_start3A_450 = arith.constant 0 : i32
      %dma_start3A_451 = tpu.memref_slice %arg5[%add3A_446, %dma_start3A_450, %multiple_of3A_23] : memref<200x64x1024xf32, #tpu.memory_space<hbm>> -> memref<1x64x128xf32, #tpu.memory_space<hbm>>
      %dma_start3A_452 = tpu.memref_squeeze %dma_start3A_451 : memref<1x64x128xf32, #tpu.memory_space<hbm>> -> memref<64x128xf32, #tpu.memory_space<hbm>>
      tpu.enqueue_dma source(%arg13 : memref<64x128xf32, #tpu.memory_space<vmem>>) target(%dma_start3A_452 : memref<64x128xf32, #tpu.memory_space<hbm>>) target_semaphore(%arg17 : memref<!tpu.dma_semaphore, #tpu.memory_space<semaphore_mem>>)
    }
    %while3A_171 = arith.constant 1 : i32
    scf.for %while3A_190 = %while3A_169 to %while3A_165 step %while3A_171  : i32 {
      %mul3A_191 = arith.constant 2 : i32
      %mul3A_192 = arith.muli %mul3A_191, %while3A_190 : i32
      %mul3A_193 = arith.constant 2 : i32
      %mul3A_194 = arith.muli %mul3A_193, %while3A_190 : i32
      %add3A_195 = arith.constant 1 : i32
      %add3A_196 = arith.addi %mul3A_194, %add3A_195 : i32
      %get3A_197 = arith.index_cast %add3A_196 : i32 to index
      %get3A_198 = arith.constant 0 : index
      %get3A_199 = tpu.vector_load %arg6[%get3A_197, %get3A_198] {strides = array<i32>} : memref<56x128xi32, #tpu.memory_space<vmem>>, vector<16xi32>,
      %shift_right_logical3A_200 = arith.constant 1 : i32
      %shift_right_logical3A_201 = vector.broadcast %shift_right_logical3A_200 : i32 to vector<16xi32>
      %shift_right_logical3A_202 = arith.shrui %get3A_199, %shift_right_logical3A_201 : vector<16xi32>
      %swap3A_203 = arith.constant 0 : index
      %swap3A_204 = tpu.vector_load %arg9[%swap3A_203] {strides = array<i32>} : memref<128xi32, #tpu.memory_space<vmem>>, vector<16xi32>,
      tpu.vector_store %arg9[%swap3A_203], %shift_right_logical3A_202 {strides = array<i32>} : memref<128xi32, #tpu.memory_space<vmem>>, vector<16xi32>,
      %get3A_205 = arith.index_cast %add3A_196 : i32 to index
      %get3A_206 = arith.constant 16 : index
      %get3A_207 = tpu.vector_load %arg6[%get3A_205, %get3A_206] {strides = array<i32>} : memref<56x128xi32, #tpu.memory_space<vmem>>, vector<16xi32>,
      %shift_right_logical3A_208 = arith.constant 1 : i32
      %shift_right_logical3A_209 = vector.broadcast %shift_right_logical3A_208 : i32 to vector<16xi32>
      %shift_right_logical3A_210 = arith.shrui %get3A_207, %shift_right_logical3A_209 : vector<16xi32>
      %swap3A_211 = arith.constant 16 : index
      %swap3A_212 = tpu.vector_load %arg9[%swap3A_211] {strides = array<i32>} : memref<128xi32, #tpu.memory_space<vmem>>, vector<16xi32>,
      tpu.vector_store %arg9[%swap3A_211], %shift_right_logical3A_210 {strides = array<i32>} : memref<128xi32, #tpu.memory_space<vmem>>, vector<16xi32>,
      %get3A_213 = arith.index_cast %add3A_196 : i32 to index
      %get3A_214 = arith.constant 32 : index
      %get3A_215 = tpu.vector_load %arg6[%get3A_213, %get3A_214] {strides = array<i32>} : memref<56x128xi32, #tpu.memory_space<vmem>>, vector<16xi32>,
      %shift_right_logical3A_216 = arith.constant 1 : i32
      %shift_right_logical3A_217 = vector.broadcast %shift_right_logical3A_216 : i32 to vector<16xi32>
      %shift_right_logical3A_218 = arith.shrui %get3A_215, %shift_right_logical3A_217 : vector<16xi32>
      %swap3A_219 = arith.constant 32 : index
      %swap3A_220 = tpu.vector_load %arg9[%swap3A_219] {strides = array<i32>} : memref<128xi32, #tpu.memory_space<vmem>>, vector<16xi32>,
      tpu.vector_store %arg9[%swap3A_219], %shift_right_logical3A_218 {strides = array<i32>} : memref<128xi32, #tpu.memory_space<vmem>>, vector<16xi32>,
      %get3A_221 = arith.index_cast %add3A_196 : i32 to index
      %get3A_222 = arith.constant 48 : index
      %get3A_223 = tpu.vector_load %arg6[%get3A_221, %get3A_222] {strides = array<i32>} : memref<56x128xi32, #tpu.memory_space<vmem>>, vector<16xi32>,
      %shift_right_logical3A_224 = arith.constant 1 : i32
      %shift_right_logical3A_225 = vector.broadcast %shift_right_logical3A_224 : i32 to vector<16xi32>
      %shift_right_logical3A_226 = arith.shrui %get3A_223, %shift_right_logical3A_225 : vector<16xi32>
      %swap3A_227 = arith.constant 48 : index
      %swap3A_228 = tpu.vector_load %arg9[%swap3A_227] {strides = array<i32>} : memref<128xi32, #tpu.memory_space<vmem>>, vector<16xi32>,
      tpu.vector_store %arg9[%swap3A_227], %shift_right_logical3A_226 {strides = array<i32>} : memref<128xi32, #tpu.memory_space<vmem>>, vector<16xi32>,
      %get3A_229 = arith.index_cast %add3A_196 : i32 to index
      %get3A_230 = arith.constant 64 : index
      %get3A_231 = tpu.vector_load %arg6[%get3A_229, %get3A_230] {strides = array<i32>} : memref<56x128xi32, #tpu.memory_space<vmem>>, vector<16xi32>,
      %shift_right_logical3A_232 = arith.constant 1 : i32
      %shift_right_logical3A_233 = vector.broadcast %shift_right_logical3A_232 : i32 to vector<16xi32>
      %shift_right_logical3A_234 = arith.shrui %get3A_231, %shift_right_logical3A_233 : vector<16xi32>
      %swap3A_235 = arith.constant 64 : index
      %swap3A_236 = tpu.vector_load %arg9[%swap3A_235] {strides = array<i32>} : memref<128xi32, #tpu.memory_space<vmem>>, vector<16xi32>,
      tpu.vector_store %arg9[%swap3A_235], %shift_right_logical3A_234 {strides = array<i32>} : memref<128xi32, #tpu.memory_space<vmem>>, vector<16xi32>,
      %get3A_237 = arith.index_cast %add3A_196 : i32 to index
      %get3A_238 = arith.constant 80 : index
      %get3A_239 = tpu.vector_load %arg6[%get3A_237, %get3A_238] {strides = array<i32>} : memref<56x128xi32, #tpu.memory_space<vmem>>, vector<16xi32>,
      %shift_right_logical3A_240 = arith.constant 1 : i32
      %shift_right_logical3A_241 = vector.broadcast %shift_right_logical3A_240 : i32 to vector<16xi32>
      %shift_right_logical3A_242 = arith.shrui %get3A_239, %shift_right_logical3A_241 : vector<16xi32>
      %swap3A_243 = arith.constant 80 : index
      %swap3A_244 = tpu.vector_load %arg9[%swap3A_243] {strides = array<i32>} : memref<128xi32, #tpu.memory_space<vmem>>, vector<16xi32>,
      tpu.vector_store %arg9[%swap3A_243], %shift_right_logical3A_242 {strides = array<i32>} : memref<128xi32, #tpu.memory_space<vmem>>, vector<16xi32>,
      %get3A_245 = arith.index_cast %add3A_196 : i32 to index
      %get3A_246 = arith.constant 96 : index
      %get3A_247 = tpu.vector_load %arg6[%get3A_245, %get3A_246] {strides = array<i32>} : memref<56x128xi32, #tpu.memory_space<vmem>>, vector<16xi32>,
      %shift_right_logical3A_248 = arith.constant 1 : i32
      %shift_right_logical3A_249 = vector.broadcast %shift_right_logical3A_248 : i32 to vector<16xi32>
      %shift_right_logical3A_250 = arith.shrui %get3A_247, %shift_right_logical3A_249 : vector<16xi32>
      %swap3A_251 = arith.constant 96 : index
      %swap3A_252 = tpu.vector_load %arg9[%swap3A_251] {strides = array<i32>} : memref<128xi32, #tpu.memory_space<vmem>>, vector<16xi32>,
      tpu.vector_store %arg9[%swap3A_251], %shift_right_logical3A_250 {strides = array<i32>} : memref<128xi32, #tpu.memory_space<vmem>>, vector<16xi32>,
      %get3A_253 = arith.index_cast %add3A_196 : i32 to index
      %get3A_254 = arith.constant 112 : index
      %get3A_255 = tpu.vector_load %arg6[%get3A_253, %get3A_254] {strides = array<i32>} : memref<56x128xi32, #tpu.memory_space<vmem>>, vector<16xi32>,
      %shift_right_logical3A_256 = arith.constant 1 : i32
      %shift_right_logical3A_257 = vector.broadcast %shift_right_logical3A_256 : i32 to vector<16xi32>
      %shift_right_logical3A_258 = arith.shrui %get3A_255, %shift_right_logical3A_257 : vector<16xi32>
      %swap3A_259 = arith.constant 112 : index
      %swap3A_260 = tpu.vector_load %arg9[%swap3A_259] {strides = array<i32>} : memref<128xi32, #tpu.memory_space<vmem>>, vector<16xi32>,
      tpu.vector_store %arg9[%swap3A_259], %shift_right_logical3A_258 {strides = array<i32>} : memref<128xi32, #tpu.memory_space<vmem>>, vector<16xi32>,
      %dma_start3A_261 = arith.constant 0 : i32
      %dma_start3A_262 = arith.constant 0 : i32
      %dma_start3A_263 = tpu.memref_slice %arg11[%dma_start3A_261, %dma_start3A_262] : memref<128x129xf32, #tpu.memory_space<vmem>> -> memref<128x128xf32, #tpu.memory_space<vmem>>
      %dma_start3A_264 = arith.constant 0 : i32
      %dma_start3A_265 = arith.constant 0 : i32
      %dma_start3A_266 = tpu.memref_slice %arg3[%dma_start3A_264, %dma_start3A_265] : memref<500000x128xf32, #tpu.memory_space<hbm>> -> memref<500000x128xf32, #tpu.memory_space<hbm>>
      tpu.enqueue_indirect_dma source(%dma_start3A_266 : memref<500000x128xf32, #tpu.memory_space<hbm>>) target(%dma_start3A_263 : memref<128x128xf32, #tpu.memory_space<vmem>>) offsets(%arg9 : memref<128xi32, #tpu.memory_space<vmem>>) semaphore(%arg15 : memref<!tpu.dma_semaphore, #tpu.memory_space<semaphore_mem>>)
      %dma_wait3A_267 = arith.constant 0 : i32
      %dma_wait3A_268 = arith.constant 0 : i32
      %dma_wait3A_269 = tpu.memref_slice %arg10[%dma_wait3A_267, %dma_wait3A_268] : memref<128x129xf32, #tpu.memory_space<vmem>> -> memref<128x128xf32, #tpu.memory_space<vmem>>
      %dma_wait3A_270 = arith.constant 0 : i32
      %dma_wait3A_271 = arith.constant 0 : i32
      %dma_wait3A_272 = tpu.memref_slice %arg3[%dma_wait3A_270, %dma_wait3A_271] : memref<500000x128xf32, #tpu.memory_space<hbm>> -> memref<500000x128xf32, #tpu.memory_space<hbm>>
      tpu.wait_indirect_dma semaphore(%arg14 : memref<!tpu.dma_semaphore, #tpu.memory_space<semaphore_mem>>) src(%dma_wait3A_272 : memref<500000x128xf32, #tpu.memory_space<hbm>>) dst(%dma_wait3A_269 : memref<128x128xf32, #tpu.memory_space<vmem>>)
      %gt3A = arith.constant 0 : i32
      %gt3A_273 = arith.cmpi sgt, %while3A_190, %gt3A : i32
      %convert_element_type3A = arith.extui %gt3A_273 : i1 to i32
      %cond3A = arith.constant 0 : i32
      %cond3A_274 = arith.cmpi ne, %convert_element_type3A, %cond3A : i32
      scf.if %cond3A_274 {
        %sub3A_453 = arith.constant 2 : i32
        %sub3A_454 = arith.subi %mul3A_192, %sub3A_453 : i32
        %add3A_455 = arith.addi %multiple_of3A, %sub3A_454 : i32
        %dma_wait3A_456 = arith.constant 0 : i32
        %dma_wait3A_457 = tpu.memref_slice %arg5[%add3A_455, %dma_wait3A_456, %multiple_of3A_23] : memref<200x64x1024xf32, #tpu.memory_space<hbm>> -> memref<1x64x128xf32, #tpu.memory_space<hbm>>
        %dma_wait3A_458 = tpu.memref_squeeze %dma_wait3A_457 : memref<1x64x128xf32, #tpu.memory_space<hbm>> -> memref<64x128xf32, #tpu.memory_space<hbm>>
        %dma_wait3A_459 = arith.constant 0 : i32
        %dma_wait3A_460 = tpu.memref_slice %arg5[%add3A_455, %dma_wait3A_459, %multiple_of3A_23] : memref<200x64x1024xf32, #tpu.memory_space<hbm>> -> memref<1x64x128xf32, #tpu.memory_space<hbm>>
        %dma_wait3A_461 = tpu.memref_squeeze %dma_wait3A_460 : memref<1x64x128xf32, #tpu.memory_space<hbm>> -> memref<64x128xf32, #tpu.memory_space<hbm>>
        tpu.wait_dma2 semaphore(%arg16 : memref<!tpu.dma_semaphore, #tpu.memory_space<semaphore_mem>>) src(%arg12 : memref<64x128xf32, #tpu.memory_space<vmem>>) dst(%dma_wait3A_461 : memref<64x128xf32, #tpu.memory_space<hbm>>)
      } else {
      }
      %get3A_275 = arith.index_cast %mul3A_192 : i32 to index
      %get3A_276 = arith.constant 0 : index
      %get3A_277 = tpu.vector_load %arg6[%get3A_275, %get3A_276] {strides = array<i32>} : memref<56x128xi32, #tpu.memory_space<vmem>>, vector<16xi32>,
      %and3A_278 = arith.constant 1 : i32
      %and3A_279 = vector.broadcast %and3A_278 : i32 to vector<16xi32>
      %and3A_280 = arith.andi %get3A_277, %and3A_279 : vector<16xi32>
      %shift_left3A = arith.constant 6 : i32
      %shift_left3A_281 = vector.broadcast %shift_left3A : i32 to vector<16xi32>
      %shift_left3A_282 = arith.shli %and3A_280, %shift_left3A_281 : vector<16xi32>
      %get3A_283 = arith.index_cast %mul3A_192 : i32 to index
      %get3A_284 = arith.constant 16 : index
      %get3A_285 = tpu.vector_load %arg6[%get3A_283, %get3A_284] {strides = array<i32>} : memref<56x128xi32, #tpu.memory_space<vmem>>, vector<16xi32>,
      %and3A_286 = arith.constant 1 : i32
      %and3A_287 = vector.broadcast %and3A_286 : i32 to vector<16xi32>
      %and3A_288 = arith.andi %get3A_285, %and3A_287 : vector<16xi32>
      %shift_left3A_289 = arith.constant 6 : i32
      %shift_left3A_290 = vector.broadcast %shift_left3A_289 : i32 to vector<16xi32>
      %shift_left3A_291 = arith.shli %and3A_288, %shift_left3A_290 : vector<16xi32>
      %get3A_292 = arith.index_cast %mul3A_192 : i32 to index
      %get3A_293 = arith.constant 32 : index
      %get3A_294 = tpu.vector_load %arg6[%get3A_292, %get3A_293] {strides = array<i32>} : memref<56x128xi32, #tpu.memory_space<vmem>>, vector<16xi32>,
      %and3A_295 = arith.constant 1 : i32
      %and3A_296 = vector.broadcast %and3A_295 : i32 to vector<16xi32>
      %and3A_297 = arith.andi %get3A_294, %and3A_296 : vector<16xi32>
      %shift_left3A_298 = arith.constant 6 : i32
      %shift_left3A_299 = vector.broadcast %shift_left3A_298 : i32 to vector<16xi32>
      %shift_left3A_300 = arith.shli %and3A_297, %shift_left3A_299 : vector<16xi32>
      %get3A_301 = arith.index_cast %mul3A_192 : i32 to index
      %get3A_302 = arith.constant 48 : index
      %get3A_303 = tpu.vector_load %arg6[%get3A_301, %get3A_302] {strides = array<i32>} : memref<56x128xi32, #tpu.memory_space<vmem>>, vector<16xi32>,
      %and3A_304 = arith.constant 1 : i32
      %and3A_305 = vector.broadcast %and3A_304 : i32 to vector<16xi32>
      %and3A_306 = arith.andi %get3A_303, %and3A_305 : vector<16xi32>
      %shift_left3A_307 = arith.constant 6 : i32
      %shift_left3A_308 = vector.broadcast %shift_left3A_307 : i32 to vector<16xi32>
      %shift_left3A_309 = arith.shli %and3A_306, %shift_left3A_308 : vector<16xi32>
      %get3A_310 = arith.index_cast %mul3A_192 : i32 to index
      %get3A_311 = arith.constant 64 : index
      %get3A_312 = tpu.vector_load %arg6[%get3A_310, %get3A_311] {strides = array<i32>} : memref<56x128xi32, #tpu.memory_space<vmem>>, vector<16xi32>,
      %and3A_313 = arith.constant 1 : i32
      %and3A_314 = vector.broadcast %and3A_313 : i32 to vector<16xi32>
      %and3A_315 = arith.andi %get3A_312, %and3A_314 : vector<16xi32>
      %shift_left3A_316 = arith.constant 6 : i32
      %shift_left3A_317 = vector.broadcast %shift_left3A_316 : i32 to vector<16xi32>
      %shift_left3A_318 = arith.shli %and3A_315, %shift_left3A_317 : vector<16xi32>
      %get3A_319 = arith.index_cast %mul3A_192 : i32 to index
      %get3A_320 = arith.constant 80 : index
      %get3A_321 = tpu.vector_load %arg6[%get3A_319, %get3A_320] {strides = array<i32>} : memref<56x128xi32, #tpu.memory_space<vmem>>, vector<16xi32>,
      %and3A_322 = arith.constant 1 : i32
      %and3A_323 = vector.broadcast %and3A_322 : i32 to vector<16xi32>
      %and3A_324 = arith.andi %get3A_321, %and3A_323 : vector<16xi32>
      %shift_left3A_325 = arith.constant 6 : i32
      %shift_left3A_326 = vector.broadcast %shift_left3A_325 : i32 to vector<16xi32>
      %shift_left3A_327 = arith.shli %and3A_324, %shift_left3A_326 : vector<16xi32>
      %get3A_328 = arith.index_cast %mul3A_192 : i32 to index
      %get3A_329 = arith.constant 96 : index
      %get3A_330 = tpu.vector_load %arg6[%get3A_328, %get3A_329] {strides = array<i32>} : memref<56x128xi32, #tpu.memory_space<vmem>>, vector<16xi32>,
      %and3A_331 = arith.constant 1 : i32
      %and3A_332 = vector.broadcast %and3A_331 : i32 to vector<16xi32>
      %and3A_333 = arith.andi %get3A_330, %and3A_332 : vector<16xi32>
      %shift_left3A_334 = arith.constant 6 : i32
      %shift_left3A_335 = vector.broadcast %shift_left3A_334 : i32 to vector<16xi32>
      %shift_left3A_336 = arith.shli %and3A_333, %shift_left3A_335 : vector<16xi32>
      %get3A_337 = arith.index_cast %mul3A_192 : i32 to index
      %get3A_338 = arith.constant 112 : index
      %get3A_339 = tpu.vector_load %arg6[%get3A_337, %get3A_338] {strides = array<i32>} : memref<56x128xi32, #tpu.memory_space<vmem>>, vector<16xi32>,
      %and3A_340 = arith.constant 1 : i32
      %and3A_341 = vector.broadcast %and3A_340 : i32 to vector<16xi32>
      %and3A_342 = arith.andi %get3A_339, %and3A_341 : vector<16xi32>
      %shift_left3A_343 = arith.constant 6 : i32
      %shift_left3A_344 = vector.broadcast %shift_left3A_343 : i32 to vector<16xi32>
      %shift_left3A_345 = arith.shli %and3A_342, %shift_left3A_344 : vector<16xi32>
      %parallel_loop3A = arith.constant 0 : i32
      %parallel_loop3A_346 = arith.constant 64 : i32
      %parallel_loop3A_347 = arith.constant 1 : i32
      scf.for %parallel_loop3A_453 = %parallel_loop3A to %parallel_loop3A_346 step %parallel_loop3A_347  : i32 {
        %parallel_loop3A_454 = arith.constant 64 : i32
        %parallel_loop3A_455 = arith.muli %mul3A_192, %parallel_loop3A_454 : i32
        %parallel_loop3A_456 = arith.addi %parallel_loop3A_455, %parallel_loop3A_453 : i32
        %parallel_loop3A_457 = vector.broadcast %parallel_loop3A_456 : i32 to vector<16xi32>
        %parallel_loop3A_458 = tpu.vector_load_idx %arg7[%parallel_loop3A_457] : memref<3584xf32, #tpu.memory_space<vmem>>[vector<16xi32>], vector<16xf32>,
        %parallel_loop3A_459 = vector.broadcast %parallel_loop3A_453 : i32 to vector<16xi32>
        %parallel_loop3A_460 = arith.addi %shift_left3A_282, %parallel_loop3A_459 : vector<16xi32>
        %parallel_loop3A_461 = tpu.vector_load_idx %arg10[%add3A_42, %parallel_loop3A_460] : memref<128x129xf32, #tpu.memory_space<vmem>>[vector<16xi32>, vector<16xi32>], vector<16xf32>,
        %parallel_loop3A_462 = arith.constant 8.000000e+00 : f32
        %parallel_loop3A_463 = vector.broadcast %parallel_loop3A_462 : f32 to vector<16xf32>
        %parallel_loop3A_464 = arith.mulf %parallel_loop3A_461, %parallel_loop3A_463 : vector<16xf32>
        %parallel_loop3A_465 = arith.addf %parallel_loop3A_464, %parallel_loop3A_458 : vector<16xf32>
        %parallel_loop3A_466 = arith.index_cast %parallel_loop3A_453 : i32 to index
        %parallel_loop3A_467 = arith.constant 0 : index
        %parallel_loop3A_468 = tpu.vector_load %arg12[%parallel_loop3A_466, %parallel_loop3A_467] {strides = array<i32>} : memref<64x128xf32, #tpu.memory_space<vmem>>, vector<16xf32>,
        tpu.vector_store %arg12[%parallel_loop3A_466, %parallel_loop3A_467], %parallel_loop3A_465 {strides = array<i32>} : memref<64x128xf32, #tpu.memory_space<vmem>>, vector<16xf32>,
        %parallel_loop3A_469 = vector.broadcast %parallel_loop3A_453 : i32 to vector<16xi32>
        %parallel_loop3A_470 = arith.addi %shift_left3A_291, %parallel_loop3A_469 : vector<16xi32>
        %parallel_loop3A_471 = tpu.vector_load_idx %arg10[%add3A_45, %parallel_loop3A_470] : memref<128x129xf32, #tpu.memory_space<vmem>>[vector<16xi32>, vector<16xi32>], vector<16xf32>,
        %parallel_loop3A_472 = arith.constant 8.000000e+00 : f32
        %parallel_loop3A_473 = vector.broadcast %parallel_loop3A_472 : f32 to vector<16xf32>
        %parallel_loop3A_474 = arith.mulf %parallel_loop3A_471, %parallel_loop3A_473 : vector<16xf32>
        %parallel_loop3A_475 = arith.addf %parallel_loop3A_474, %parallel_loop3A_458 : vector<16xf32>
        %parallel_loop3A_476 = arith.index_cast %parallel_loop3A_453 : i32 to index
        %parallel_loop3A_477 = arith.constant 16 : index
        %parallel_loop3A_478 = tpu.vector_load %arg12[%parallel_loop3A_476, %parallel_loop3A_477] {strides = array<i32>} : memref<64x128xf32, #tpu.memory_space<vmem>>, vector<16xf32>,
        tpu.vector_store %arg12[%parallel_loop3A_476, %parallel_loop3A_477], %parallel_loop3A_475 {strides = array<i32>} : memref<64x128xf32, #tpu.memory_space<vmem>>, vector<16xf32>,
        %parallel_loop3A_479 = vector.broadcast %parallel_loop3A_453 : i32 to vector<16xi32>
        %parallel_loop3A_480 = arith.addi %shift_left3A_300, %parallel_loop3A_479 : vector<16xi32>
        %parallel_loop3A_481 = tpu.vector_load_idx %arg10[%add3A_48, %parallel_loop3A_480] : memref<128x129xf32, #tpu.memory_space<vmem>>[vector<16xi32>, vector<16xi32>], vector<16xf32>,
        %parallel_loop3A_482 = arith.constant 8.000000e+00 : f32
        %parallel_loop3A_483 = vector.broadcast %parallel_loop3A_482 : f32 to vector<16xf32>
        %parallel_loop3A_484 = arith.mulf %parallel_loop3A_481, %parallel_loop3A_483 : vector<16xf32>
        %parallel_loop3A_485 = arith.addf %parallel_loop3A_484, %parallel_loop3A_458 : vector<16xf32>
        %parallel_loop3A_486 = arith.index_cast %parallel_loop3A_453 : i32 to index
        %parallel_loop3A_487 = arith.constant 32 : index
        %parallel_loop3A_488 = tpu.vector_load %arg12[%parallel_loop3A_486, %parallel_loop3A_487] {strides = array<i32>} : memref<64x128xf32, #tpu.memory_space<vmem>>, vector<16xf32>,
        tpu.vector_store %arg12[%parallel_loop3A_486, %parallel_loop3A_487], %parallel_loop3A_485 {strides = array<i32>} : memref<64x128xf32, #tpu.memory_space<vmem>>, vector<16xf32>,
        %parallel_loop3A_489 = vector.broadcast %parallel_loop3A_453 : i32 to vector<16xi32>
        %parallel_loop3A_490 = arith.addi %shift_left3A_309, %parallel_loop3A_489 : vector<16xi32>
        %parallel_loop3A_491 = tpu.vector_load_idx %arg10[%add3A_51, %parallel_loop3A_490] : memref<128x129xf32, #tpu.memory_space<vmem>>[vector<16xi32>, vector<16xi32>], vector<16xf32>,
        %parallel_loop3A_492 = arith.constant 8.000000e+00 : f32
        %parallel_loop3A_493 = vector.broadcast %parallel_loop3A_492 : f32 to vector<16xf32>
        %parallel_loop3A_494 = arith.mulf %parallel_loop3A_491, %parallel_loop3A_493 : vector<16xf32>
        %parallel_loop3A_495 = arith.addf %parallel_loop3A_494, %parallel_loop3A_458 : vector<16xf32>
        %parallel_loop3A_496 = arith.index_cast %parallel_loop3A_453 : i32 to index
        %parallel_loop3A_497 = arith.constant 48 : index
        %parallel_loop3A_498 = tpu.vector_load %arg12[%parallel_loop3A_496, %parallel_loop3A_497] {strides = array<i32>} : memref<64x128xf32, #tpu.memory_space<vmem>>, vector<16xf32>,
        tpu.vector_store %arg12[%parallel_loop3A_496, %parallel_loop3A_497], %parallel_loop3A_495 {strides = array<i32>} : memref<64x128xf32, #tpu.memory_space<vmem>>, vector<16xf32>,
        %parallel_loop3A_499 = vector.broadcast %parallel_loop3A_453 : i32 to vector<16xi32>
        %parallel_loop3A_500 = arith.addi %shift_left3A_318, %parallel_loop3A_499 : vector<16xi32>
        %parallel_loop3A_501 = tpu.vector_load_idx %arg10[%add3A_54, %parallel_loop3A_500] : memref<128x129xf32, #tpu.memory_space<vmem>>[vector<16xi32>, vector<16xi32>], vector<16xf32>,
        %parallel_loop3A_502 = arith.constant 8.000000e+00 : f32
        %parallel_loop3A_503 = vector.broadcast %parallel_loop3A_502 : f32 to vector<16xf32>
        %parallel_loop3A_504 = arith.mulf %parallel_loop3A_501, %parallel_loop3A_503 : vector<16xf32>
        %parallel_loop3A_505 = arith.addf %parallel_loop3A_504, %parallel_loop3A_458 : vector<16xf32>
        %parallel_loop3A_506 = arith.index_cast %parallel_loop3A_453 : i32 to index
        %parallel_loop3A_507 = arith.constant 64 : index
        %parallel_loop3A_508 = tpu.vector_load %arg12[%parallel_loop3A_506, %parallel_loop3A_507] {strides = array<i32>} : memref<64x128xf32, #tpu.memory_space<vmem>>, vector<16xf32>,
        tpu.vector_store %arg12[%parallel_loop3A_506, %parallel_loop3A_507], %parallel_loop3A_505 {strides = array<i32>} : memref<64x128xf32, #tpu.memory_space<vmem>>, vector<16xf32>,
        %parallel_loop3A_509 = vector.broadcast %parallel_loop3A_453 : i32 to vector<16xi32>
        %parallel_loop3A_510 = arith.addi %shift_left3A_327, %parallel_loop3A_509 : vector<16xi32>
        %parallel_loop3A_511 = tpu.vector_load_idx %arg10[%add3A_57, %parallel_loop3A_510] : memref<128x129xf32, #tpu.memory_space<vmem>>[vector<16xi32>, vector<16xi32>], vector<16xf32>,
        %parallel_loop3A_512 = arith.constant 8.000000e+00 : f32
        %parallel_loop3A_513 = vector.broadcast %parallel_loop3A_512 : f32 to vector<16xf32>
        %parallel_loop3A_514 = arith.mulf %parallel_loop3A_511, %parallel_loop3A_513 : vector<16xf32>
        %parallel_loop3A_515 = arith.addf %parallel_loop3A_514, %parallel_loop3A_458 : vector<16xf32>
        %parallel_loop3A_516 = arith.index_cast %parallel_loop3A_453 : i32 to index
        %parallel_loop3A_517 = arith.constant 80 : index
        %parallel_loop3A_518 = tpu.vector_load %arg12[%parallel_loop3A_516, %parallel_loop3A_517] {strides = array<i32>} : memref<64x128xf32, #tpu.memory_space<vmem>>, vector<16xf32>,
        tpu.vector_store %arg12[%parallel_loop3A_516, %parallel_loop3A_517], %parallel_loop3A_515 {strides = array<i32>} : memref<64x128xf32, #tpu.memory_space<vmem>>, vector<16xf32>,
        %parallel_loop3A_519 = vector.broadcast %parallel_loop3A_453 : i32 to vector<16xi32>
        %parallel_loop3A_520 = arith.addi %shift_left3A_336, %parallel_loop3A_519 : vector<16xi32>
        %parallel_loop3A_521 = tpu.vector_load_idx %arg10[%add3A_60, %parallel_loop3A_520] : memref<128x129xf32, #tpu.memory_space<vmem>>[vector<16xi32>, vector<16xi32>], vector<16xf32>,
        %parallel_loop3A_522 = arith.constant 8.000000e+00 : f32
        %parallel_loop3A_523 = vector.broadcast %parallel_loop3A_522 : f32 to vector<16xf32>
        %parallel_loop3A_524 = arith.mulf %parallel_loop3A_521, %parallel_loop3A_523 : vector<16xf32>
        %parallel_loop3A_525 = arith.addf %parallel_loop3A_524, %parallel_loop3A_458 : vector<16xf32>
        %parallel_loop3A_526 = arith.index_cast %parallel_loop3A_453 : i32 to index
        %parallel_loop3A_527 = arith.constant 96 : index
        %parallel_loop3A_528 = tpu.vector_load %arg12[%parallel_loop3A_526, %parallel_loop3A_527] {strides = array<i32>} : memref<64x128xf32, #tpu.memory_space<vmem>>, vector<16xf32>,
        tpu.vector_store %arg12[%parallel_loop3A_526, %parallel_loop3A_527], %parallel_loop3A_525 {strides = array<i32>} : memref<64x128xf32, #tpu.memory_space<vmem>>, vector<16xf32>,
        %parallel_loop3A_529 = vector.broadcast %parallel_loop3A_453 : i32 to vector<16xi32>
        %parallel_loop3A_530 = arith.addi %shift_left3A_345, %parallel_loop3A_529 : vector<16xi32>
        %parallel_loop3A_531 = tpu.vector_load_idx %arg10[%add3A_63, %parallel_loop3A_530] : memref<128x129xf32, #tpu.memory_space<vmem>>[vector<16xi32>, vector<16xi32>], vector<16xf32>,
        %parallel_loop3A_532 = arith.constant 8.000000e+00 : f32
        %parallel_loop3A_533 = vector.broadcast %parallel_loop3A_532 : f32 to vector<16xf32>
        %parallel_loop3A_534 = arith.mulf %parallel_loop3A_531, %parallel_loop3A_533 : vector<16xf32>
        %parallel_loop3A_535 = arith.addf %parallel_loop3A_534, %parallel_loop3A_458 : vector<16xf32>
        %parallel_loop3A_536 = arith.index_cast %parallel_loop3A_453 : i32 to index
        %parallel_loop3A_537 = arith.constant 112 : index
        %parallel_loop3A_538 = tpu.vector_load %arg12[%parallel_loop3A_536, %parallel_loop3A_537] {strides = array<i32>} : memref<64x128xf32, #tpu.memory_space<vmem>>, vector<16xf32>,
        tpu.vector_store %arg12[%parallel_loop3A_536, %parallel_loop3A_537], %parallel_loop3A_535 {strides = array<i32>} : memref<64x128xf32, #tpu.memory_space<vmem>>, vector<16xf32>,
      } {sc.loop_unroll_factor = 16 : i64, sc.parallel_access}
      %add3A_348 = arith.addi %multiple_of3A, %mul3A_192 : i32
      %dma_start3A_349 = arith.constant 0 : i32
      %dma_start3A_350 = tpu.memref_slice %arg5[%add3A_348, %dma_start3A_349, %multiple_of3A_23] : memref<200x64x1024xf32, #tpu.memory_space<hbm>> -> memref<1x64x128xf32, #tpu.memory_space<hbm>>
      %dma_start3A_351 = tpu.memref_squeeze %dma_start3A_350 : memref<1x64x128xf32, #tpu.memory_space<hbm>> -> memref<64x128xf32, #tpu.memory_space<hbm>>
      %dma_start3A_352 = arith.constant 0 : i32
      %dma_start3A_353 = tpu.memref_slice %arg5[%add3A_348, %dma_start3A_352, %multiple_of3A_23] : memref<200x64x1024xf32, #tpu.memory_space<hbm>> -> memref<1x64x128xf32, #tpu.memory_space<hbm>>
      %dma_start3A_354 = tpu.memref_squeeze %dma_start3A_353 : memref<1x64x128xf32, #tpu.memory_space<hbm>> -> memref<64x128xf32, #tpu.memory_space<hbm>>
      tpu.enqueue_dma source(%arg12 : memref<64x128xf32, #tpu.memory_space<vmem>>) target(%dma_start3A_354 : memref<64x128xf32, #tpu.memory_space<hbm>>) target_semaphore(%arg16 : memref<!tpu.dma_semaphore, #tpu.memory_space<semaphore_mem>>)
      %add3A_355 = arith.constant 1 : i32
      %add3A_356 = arith.addi %add3A_196, %add3A_355 : i32
      %lt3A = arith.cmpi slt, %add3A_356, %select_n3A_27 : i32
      %convert_element_type3A_357 = arith.extui %lt3A : i1 to i32
      %cond3A_358 = arith.constant 0 : i32
      %cond3A_359 = arith.cmpi ne, %convert_element_type3A_357, %cond3A_358 : i32
      scf.if %cond3A_359 {
        %add3A_453 = arith.constant 1 : i32
        %add3A_454 = arith.addi %add3A_196, %add3A_453 : i32
        %get3A_455 = arith.index_cast %add3A_454 : i32 to index
        %get3A_456 = arith.constant 0 : index
        %get3A_457 = tpu.vector_load %arg6[%get3A_455, %get3A_456] {strides = array<i32>} : memref<56x128xi32, #tpu.memory_space<vmem>>, vector<16xi32>,
        %shift_right_logical3A_458 = arith.constant 1 : i32
        %shift_right_logical3A_459 = vector.broadcast %shift_right_logical3A_458 : i32 to vector<16xi32>
        %shift_right_logical3A_460 = arith.shrui %get3A_457, %shift_right_logical3A_459 : vector<16xi32>
        %swap3A_461 = arith.constant 0 : index
        %swap3A_462 = tpu.vector_load %arg8[%swap3A_461] {strides = array<i32>} : memref<128xi32, #tpu.memory_space<vmem>>, vector<16xi32>,
        tpu.vector_store %arg8[%swap3A_461], %shift_right_logical3A_460 {strides = array<i32>} : memref<128xi32, #tpu.memory_space<vmem>>, vector<16xi32>,
        %get3A_463 = arith.index_cast %add3A_454 : i32 to index
        %get3A_464 = arith.constant 16 : index
        %get3A_465 = tpu.vector_load %arg6[%get3A_463, %get3A_464] {strides = array<i32>} : memref<56x128xi32, #tpu.memory_space<vmem>>, vector<16xi32>,
        %shift_right_logical3A_466 = arith.constant 1 : i32
        %shift_right_logical3A_467 = vector.broadcast %shift_right_logical3A_466 : i32 to vector<16xi32>
        %shift_right_logical3A_468 = arith.shrui %get3A_465, %shift_right_logical3A_467 : vector<16xi32>
        %swap3A_469 = arith.constant 16 : index
        %swap3A_470 = tpu.vector_load %arg8[%swap3A_469] {strides = array<i32>} : memref<128xi32, #tpu.memory_space<vmem>>, vector<16xi32>,
        tpu.vector_store %arg8[%swap3A_469], %shift_right_logical3A_468 {strides = array<i32>} : memref<128xi32, #tpu.memory_space<vmem>>, vector<16xi32>,
        %get3A_471 = arith.index_cast %add3A_454 : i32 to index
        %get3A_472 = arith.constant 32 : index
        %get3A_473 = tpu.vector_load %arg6[%get3A_471, %get3A_472] {strides = array<i32>} : memref<56x128xi32, #tpu.memory_space<vmem>>, vector<16xi32>,
        %shift_right_logical3A_474 = arith.constant 1 : i32
        %shift_right_logical3A_475 = vector.broadcast %shift_right_logical3A_474 : i32 to vector<16xi32>
        %shift_right_logical3A_476 = arith.shrui %get3A_473, %shift_right_logical3A_475 : vector<16xi32>
        %swap3A_477 = arith.constant 32 : index
        %swap3A_478 = tpu.vector_load %arg8[%swap3A_477] {strides = array<i32>} : memref<128xi32, #tpu.memory_space<vmem>>, vector<16xi32>,
        tpu.vector_store %arg8[%swap3A_477], %shift_right_logical3A_476 {strides = array<i32>} : memref<128xi32, #tpu.memory_space<vmem>>, vector<16xi32>,
        %get3A_479 = arith.index_cast %add3A_454 : i32 to index
        %get3A_480 = arith.constant 48 : index
        %get3A_481 = tpu.vector_load %arg6[%get3A_479, %get3A_480] {strides = array<i32>} : memref<56x128xi32, #tpu.memory_space<vmem>>, vector<16xi32>,
        %shift_right_logical3A_482 = arith.constant 1 : i32
        %shift_right_logical3A_483 = vector.broadcast %shift_right_logical3A_482 : i32 to vector<16xi32>
        %shift_right_logical3A_484 = arith.shrui %get3A_481, %shift_right_logical3A_483 : vector<16xi32>
        %swap3A_485 = arith.constant 48 : index
        %swap3A_486 = tpu.vector_load %arg8[%swap3A_485] {strides = array<i32>} : memref<128xi32, #tpu.memory_space<vmem>>, vector<16xi32>,
        tpu.vector_store %arg8[%swap3A_485], %shift_right_logical3A_484 {strides = array<i32>} : memref<128xi32, #tpu.memory_space<vmem>>, vector<16xi32>,
        %get3A_487 = arith.index_cast %add3A_454 : i32 to index
        %get3A_488 = arith.constant 64 : index
        %get3A_489 = tpu.vector_load %arg6[%get3A_487, %get3A_488] {strides = array<i32>} : memref<56x128xi32, #tpu.memory_space<vmem>>, vector<16xi32>,
        %shift_right_logical3A_490 = arith.constant 1 : i32
        %shift_right_logical3A_491 = vector.broadcast %shift_right_logical3A_490 : i32 to vector<16xi32>
        %shift_right_logical3A_492 = arith.shrui %get3A_489, %shift_right_logical3A_491 : vector<16xi32>
        %swap3A_493 = arith.constant 64 : index
        %swap3A_494 = tpu.vector_load %arg8[%swap3A_493] {strides = array<i32>} : memref<128xi32, #tpu.memory_space<vmem>>, vector<16xi32>,
        tpu.vector_store %arg8[%swap3A_493], %shift_right_logical3A_492 {strides = array<i32>} : memref<128xi32, #tpu.memory_space<vmem>>, vector<16xi32>,
        %get3A_495 = arith.index_cast %add3A_454 : i32 to index
        %get3A_496 = arith.constant 80 : index
        %get3A_497 = tpu.vector_load %arg6[%get3A_495, %get3A_496] {strides = array<i32>} : memref<56x128xi32, #tpu.memory_space<vmem>>, vector<16xi32>,
        %shift_right_logical3A_498 = arith.constant 1 : i32
        %shift_right_logical3A_499 = vector.broadcast %shift_right_logical3A_498 : i32 to vector<16xi32>
        %shift_right_logical3A_500 = arith.shrui %get3A_497, %shift_right_logical3A_499 : vector<16xi32>
        %swap3A_501 = arith.constant 80 : index
        %swap3A_502 = tpu.vector_load %arg8[%swap3A_501] {strides = array<i32>} : memref<128xi32, #tpu.memory_space<vmem>>, vector<16xi32>,
        tpu.vector_store %arg8[%swap3A_501], %shift_right_logical3A_500 {strides = array<i32>} : memref<128xi32, #tpu.memory_space<vmem>>, vector<16xi32>,
        %get3A_503 = arith.index_cast %add3A_454 : i32 to index
        %get3A_504 = arith.constant 96 : index
        %get3A_505 = tpu.vector_load %arg6[%get3A_503, %get3A_504] {strides = array<i32>} : memref<56x128xi32, #tpu.memory_space<vmem>>, vector<16xi32>,
        %shift_right_logical3A_506 = arith.constant 1 : i32
        %shift_right_logical3A_507 = vector.broadcast %shift_right_logical3A_506 : i32 to vector<16xi32>
        %shift_right_logical3A_508 = arith.shrui %get3A_505, %shift_right_logical3A_507 : vector<16xi32>
        %swap3A_509 = arith.constant 96 : index
        %swap3A_510 = tpu.vector_load %arg8[%swap3A_509] {strides = array<i32>} : memref<128xi32, #tpu.memory_space<vmem>>, vector<16xi32>,
        tpu.vector_store %arg8[%swap3A_509], %shift_right_logical3A_508 {strides = array<i32>} : memref<128xi32, #tpu.memory_space<vmem>>, vector<16xi32>,
        %get3A_511 = arith.index_cast %add3A_454 : i32 to index
        %get3A_512 = arith.constant 112 : index
        %get3A_513 = tpu.vector_load %arg6[%get3A_511, %get3A_512] {strides = array<i32>} : memref<56x128xi32, #tpu.memory_space<vmem>>, vector<16xi32>,
        %shift_right_logical3A_514 = arith.constant 1 : i32
        %shift_right_logical3A_515 = vector.broadcast %shift_right_logical3A_514 : i32 to vector<16xi32>
        %shift_right_logical3A_516 = arith.shrui %get3A_513, %shift_right_logical3A_515 : vector<16xi32>
        %swap3A_517 = arith.constant 112 : index
        %swap3A_518 = tpu.vector_load %arg8[%swap3A_517] {strides = array<i32>} : memref<128xi32, #tpu.memory_space<vmem>>, vector<16xi32>,
        tpu.vector_store %arg8[%swap3A_517], %shift_right_logical3A_516 {strides = array<i32>} : memref<128xi32, #tpu.memory_space<vmem>>, vector<16xi32>,
        %dma_start3A_519 = arith.constant 0 : i32
        %dma_start3A_520 = arith.constant 0 : i32
        %dma_start3A_521 = tpu.memref_slice %arg10[%dma_start3A_519, %dma_start3A_520] : memref<128x129xf32, #tpu.memory_space<vmem>> -> memref<128x128xf32, #tpu.memory_space<vmem>>
        %dma_start3A_522 = arith.constant 0 : i32
        %dma_start3A_523 = arith.constant 0 : i32
        %dma_start3A_524 = tpu.memref_slice %arg3[%dma_start3A_522, %dma_start3A_523] : memref<500000x128xf32, #tpu.memory_space<hbm>> -> memref<500000x128xf32, #tpu.memory_space<hbm>>
        tpu.enqueue_indirect_dma source(%dma_start3A_524 : memref<500000x128xf32, #tpu.memory_space<hbm>>) target(%dma_start3A_521 : memref<128x128xf32, #tpu.memory_space<vmem>>) offsets(%arg8 : memref<128xi32, #tpu.memory_space<vmem>>) semaphore(%arg14 : memref<!tpu.dma_semaphore, #tpu.memory_space<semaphore_mem>>)
      } else {
      }
      %dma_wait3A_360 = arith.constant 0 : i32
      %dma_wait3A_361 = arith.constant 0 : i32
      %dma_wait3A_362 = tpu.memref_slice %arg11[%dma_wait3A_360, %dma_wait3A_361] : memref<128x129xf32, #tpu.memory_space<vmem>> -> memref<128x128xf32, #tpu.memory_space<vmem>>
      %dma_wait3A_363 = arith.constant 0 : i32
      %dma_wait3A_364 = arith.constant 0 : i32
      %dma_wait3A_365 = tpu.memref_slice %arg3[%dma_wait3A_363, %dma_wait3A_364] : memref<500000x128xf32, #tpu.memory_space<hbm>> -> memref<500000x128xf32, #tpu.memory_space<hbm>>
      tpu.wait_indirect_dma semaphore(%arg15 : memref<!tpu.dma_semaphore, #tpu.memory_space<semaphore_mem>>) src(%dma_wait3A_365 : memref<500000x128xf32, #tpu.memory_space<hbm>>) dst(%dma_wait3A_362 : memref<128x128xf32, #tpu.memory_space<vmem>>)
      %gt3A_366 = arith.constant 0 : i32
      %gt3A_367 = arith.cmpi sgt, %while3A_190, %gt3A_366 : i32
      %convert_element_type3A_368 = arith.extui %gt3A_367 : i1 to i32
      %cond3A_369 = arith.constant 0 : i32
      %cond3A_370 = arith.cmpi ne, %convert_element_type3A_368, %cond3A_369 : i32
      scf.if %cond3A_370 {
        %sub3A_453 = arith.constant 2 : i32
        %sub3A_454 = arith.subi %add3A_196, %sub3A_453 : i32
        %add3A_455 = arith.addi %multiple_of3A, %sub3A_454 : i32
        %dma_wait3A_456 = arith.constant 0 : i32
        %dma_wait3A_457 = tpu.memref_slice %arg5[%add3A_455, %dma_wait3A_456, %multiple_of3A_23] : memref<200x64x1024xf32, #tpu.memory_space<hbm>> -> memref<1x64x128xf32, #tpu.memory_space<hbm>>
        %dma_wait3A_458 = tpu.memref_squeeze %dma_wait3A_457 : memref<1x64x128xf32, #tpu.memory_space<hbm>> -> memref<64x128xf32, #tpu.memory_space<hbm>>
        %dma_wait3A_459 = arith.constant 0 : i32
        %dma_wait3A_460 = tpu.memref_slice %arg5[%add3A_455, %dma_wait3A_459, %multiple_of3A_23] : memref<200x64x1024xf32, #tpu.memory_space<hbm>> -> memref<1x64x128xf32, #tpu.memory_space<hbm>>
        %dma_wait3A_461 = tpu.memref_squeeze %dma_wait3A_460 : memref<1x64x128xf32, #tpu.memory_space<hbm>> -> memref<64x128xf32, #tpu.memory_space<hbm>>
        tpu.wait_dma2 semaphore(%arg17 : memref<!tpu.dma_semaphore, #tpu.memory_space<semaphore_mem>>) src(%arg13 : memref<64x128xf32, #tpu.memory_space<vmem>>) dst(%dma_wait3A_461 : memref<64x128xf32, #tpu.memory_space<hbm>>)
      } else {
      }
      %get3A_371 = arith.index_cast %add3A_196 : i32 to index
      %get3A_372 = arith.constant 0 : index
      %get3A_373 = tpu.vector_load %arg6[%get3A_371, %get3A_372] {strides = array<i32>} : memref<56x128xi32, #tpu.memory_space<vmem>>, vector<16xi32>,
      %and3A_374 = arith.constant 1 : i32
      %and3A_375 = vector.broadcast %and3A_374 : i32 to vector<16xi32>
      %and3A_376 = arith.andi %get3A_373, %and3A_375 : vector<16xi32>
      %shift_left3A_377 = arith.constant 6 : i32
      %shift_left3A_378 = vector.broadcast %shift_left3A_377 : i32 to vector<16xi32>
      %shift_left3A_379 = arith.shli %and3A_376, %shift_left3A_378 : vector<16xi32>
      %get3A_380 = arith.index_cast %add3A_196 : i32 to index
      %get3A_381 = arith.constant 16 : index
      %get3A_382 = tpu.vector_load %arg6[%get3A_380, %get3A_381] {strides = array<i32>} : memref<56x128xi32, #tpu.memory_space<vmem>>, vector<16xi32>,
      %and3A_383 = arith.constant 1 : i32
      %and3A_384 = vector.broadcast %and3A_383 : i32 to vector<16xi32>
      %and3A_385 = arith.andi %get3A_382, %and3A_384 : vector<16xi32>
      %shift_left3A_386 = arith.constant 6 : i32
      %shift_left3A_387 = vector.broadcast %shift_left3A_386 : i32 to vector<16xi32>
      %shift_left3A_388 = arith.shli %and3A_385, %shift_left3A_387 : vector<16xi32>
      %get3A_389 = arith.index_cast %add3A_196 : i32 to index
      %get3A_390 = arith.constant 32 : index
      %get3A_391 = tpu.vector_load %arg6[%get3A_389, %get3A_390] {strides = array<i32>} : memref<56x128xi32, #tpu.memory_space<vmem>>, vector<16xi32>,
      %and3A_392 = arith.constant 1 : i32
      %and3A_393 = vector.broadcast %and3A_392 : i32 to vector<16xi32>
      %and3A_394 = arith.andi %get3A_391, %and3A_393 : vector<16xi32>
      %shift_left3A_395 = arith.constant 6 : i32
      %shift_left3A_396 = vector.broadcast %shift_left3A_395 : i32 to vector<16xi32>
      %shift_left3A_397 = arith.shli %and3A_394, %shift_left3A_396 : vector<16xi32>
      %get3A_398 = arith.index_cast %add3A_196 : i32 to index
      %get3A_399 = arith.constant 48 : index
      %get3A_400 = tpu.vector_load %arg6[%get3A_398, %get3A_399] {strides = array<i32>} : memref<56x128xi32, #tpu.memory_space<vmem>>, vector<16xi32>,
      %and3A_401 = arith.constant 1 : i32
      %and3A_402 = vector.broadcast %and3A_401 : i32 to vector<16xi32>
      %and3A_403 = arith.andi %get3A_400, %and3A_402 : vector<16xi32>
      %shift_left3A_404 = arith.constant 6 : i32
      %shift_left3A_405 = vector.broadcast %shift_left3A_404 : i32 to vector<16xi32>
      %shift_left3A_406 = arith.shli %and3A_403, %shift_left3A_405 : vector<16xi32>
      %get3A_407 = arith.index_cast %add3A_196 : i32 to index
      %get3A_408 = arith.constant 64 : index
      %get3A_409 = tpu.vector_load %arg6[%get3A_407, %get3A_408] {strides = array<i32>} : memref<56x128xi32, #tpu.memory_space<vmem>>, vector<16xi32>,
      %and3A_410 = arith.constant 1 : i32
      %and3A_411 = vector.broadcast %and3A_410 : i32 to vector<16xi32>
      %and3A_412 = arith.andi %get3A_409, %and3A_411 : vector<16xi32>
      %shift_left3A_413 = arith.constant 6 : i32
      %shift_left3A_414 = vector.broadcast %shift_left3A_413 : i32 to vector<16xi32>
      %shift_left3A_415 = arith.shli %and3A_412, %shift_left3A_414 : vector<16xi32>
      %get3A_416 = arith.index_cast %add3A_196 : i32 to index
      %get3A_417 = arith.constant 80 : index
      %get3A_418 = tpu.vector_load %arg6[%get3A_416, %get3A_417] {strides = array<i32>} : memref<56x128xi32, #tpu.memory_space<vmem>>, vector<16xi32>,
      %and3A_419 = arith.constant 1 : i32
      %and3A_420 = vector.broadcast %and3A_419 : i32 to vector<16xi32>
      %and3A_421 = arith.andi %get3A_418, %and3A_420 : vector<16xi32>
      %shift_left3A_422 = arith.constant 6 : i32
      %shift_left3A_423 = vector.broadcast %shift_left3A_422 : i32 to vector<16xi32>
      %shift_left3A_424 = arith.shli %and3A_421, %shift_left3A_423 : vector<16xi32>
      %get3A_425 = arith.index_cast %add3A_196 : i32 to index
      %get3A_426 = arith.constant 96 : index
      %get3A_427 = tpu.vector_load %arg6[%get3A_425, %get3A_426] {strides = array<i32>} : memref<56x128xi32, #tpu.memory_space<vmem>>, vector<16xi32>,
      %and3A_428 = arith.constant 1 : i32
      %and3A_429 = vector.broadcast %and3A_428 : i32 to vector<16xi32>
      %and3A_430 = arith.andi %get3A_427, %and3A_429 : vector<16xi32>
      %shift_left3A_431 = arith.constant 6 : i32
      %shift_left3A_432 = vector.broadcast %shift_left3A_431 : i32 to vector<16xi32>
      %shift_left3A_433 = arith.shli %and3A_430, %shift_left3A_432 : vector<16xi32>
      %get3A_434 = arith.index_cast %add3A_196 : i32 to index
      %get3A_435 = arith.constant 112 : index
      %get3A_436 = tpu.vector_load %arg6[%get3A_434, %get3A_435] {strides = array<i32>} : memref<56x128xi32, #tpu.memory_space<vmem>>, vector<16xi32>,
      %and3A_437 = arith.constant 1 : i32
      %and3A_438 = vector.broadcast %and3A_437 : i32 to vector<16xi32>
      %and3A_439 = arith.andi %get3A_436, %and3A_438 : vector<16xi32>
      %shift_left3A_440 = arith.constant 6 : i32
      %shift_left3A_441 = vector.broadcast %shift_left3A_440 : i32 to vector<16xi32>
      %shift_left3A_442 = arith.shli %and3A_439, %shift_left3A_441 : vector<16xi32>
      %parallel_loop3A_443 = arith.constant 0 : i32
      %parallel_loop3A_444 = arith.constant 64 : i32
      %parallel_loop3A_445 = arith.constant 1 : i32
      scf.for %parallel_loop3A_453 = %parallel_loop3A_443 to %parallel_loop3A_444 step %parallel_loop3A_445  : i32 {
        %parallel_loop3A_454 = arith.constant 64 : i32
        %parallel_loop3A_455 = arith.muli %add3A_196, %parallel_loop3A_454 : i32
        %parallel_loop3A_456 = arith.addi %parallel_loop3A_455, %parallel_loop3A_453 : i32
        %parallel_loop3A_457 = vector.broadcast %parallel_loop3A_456 : i32 to vector<16xi32>
        %parallel_loop3A_458 = tpu.vector_load_idx %arg7[%parallel_loop3A_457] : memref<3584xf32, #tpu.memory_space<vmem>>[vector<16xi32>], vector<16xf32>,
        %parallel_loop3A_459 = vector.broadcast %parallel_loop3A_453 : i32 to vector<16xi32>
        %parallel_loop3A_460 = arith.addi %shift_left3A_379, %parallel_loop3A_459 : vector<16xi32>
        %parallel_loop3A_461 = tpu.vector_load_idx %arg11[%add3A_42, %parallel_loop3A_460] : memref<128x129xf32, #tpu.memory_space<vmem>>[vector<16xi32>, vector<16xi32>], vector<16xf32>,
        %parallel_loop3A_462 = arith.constant 8.000000e+00 : f32
        %parallel_loop3A_463 = vector.broadcast %parallel_loop3A_462 : f32 to vector<16xf32>
        %parallel_loop3A_464 = arith.mulf %parallel_loop3A_461, %parallel_loop3A_463 : vector<16xf32>
        %parallel_loop3A_465 = arith.addf %parallel_loop3A_464, %parallel_loop3A_458 : vector<16xf32>
        %parallel_loop3A_466 = arith.index_cast %parallel_loop3A_453 : i32 to index
        %parallel_loop3A_467 = arith.constant 0 : index
        %parallel_loop3A_468 = tpu.vector_load %arg13[%parallel_loop3A_466, %parallel_loop3A_467] {strides = array<i32>} : memref<64x128xf32, #tpu.memory_space<vmem>>, vector<16xf32>,
        tpu.vector_store %arg13[%parallel_loop3A_466, %parallel_loop3A_467], %parallel_loop3A_465 {strides = array<i32>} : memref<64x128xf32, #tpu.memory_space<vmem>>, vector<16xf32>,
        %parallel_loop3A_469 = vector.broadcast %parallel_loop3A_453 : i32 to vector<16xi32>
        %parallel_loop3A_470 = arith.addi %shift_left3A_388, %parallel_loop3A_469 : vector<16xi32>
        %parallel_loop3A_471 = tpu.vector_load_idx %arg11[%add3A_45, %parallel_loop3A_470] : memref<128x129xf32, #tpu.memory_space<vmem>>[vector<16xi32>, vector<16xi32>], vector<16xf32>,
        %parallel_loop3A_472 = arith.constant 8.000000e+00 : f32
        %parallel_loop3A_473 = vector.broadcast %parallel_loop3A_472 : f32 to vector<16xf32>
        %parallel_loop3A_474 = arith.mulf %parallel_loop3A_471, %parallel_loop3A_473 : vector<16xf32>
        %parallel_loop3A_475 = arith.addf %parallel_loop3A_474, %parallel_loop3A_458 : vector<16xf32>
        %parallel_loop3A_476 = arith.index_cast %parallel_loop3A_453 : i32 to index
        %parallel_loop3A_477 = arith.constant 16 : index
        %parallel_loop3A_478 = tpu.vector_load %arg13[%parallel_loop3A_476, %parallel_loop3A_477] {strides = array<i32>} : memref<64x128xf32, #tpu.memory_space<vmem>>, vector<16xf32>,
        tpu.vector_store %arg13[%parallel_loop3A_476, %parallel_loop3A_477], %parallel_loop3A_475 {strides = array<i32>} : memref<64x128xf32, #tpu.memory_space<vmem>>, vector<16xf32>,
        %parallel_loop3A_479 = vector.broadcast %parallel_loop3A_453 : i32 to vector<16xi32>
        %parallel_loop3A_480 = arith.addi %shift_left3A_397, %parallel_loop3A_479 : vector<16xi32>
        %parallel_loop3A_481 = tpu.vector_load_idx %arg11[%add3A_48, %parallel_loop3A_480] : memref<128x129xf32, #tpu.memory_space<vmem>>[vector<16xi32>, vector<16xi32>], vector<16xf32>,
        %parallel_loop3A_482 = arith.constant 8.000000e+00 : f32
        %parallel_loop3A_483 = vector.broadcast %parallel_loop3A_482 : f32 to vector<16xf32>
        %parallel_loop3A_484 = arith.mulf %parallel_loop3A_481, %parallel_loop3A_483 : vector<16xf32>
        %parallel_loop3A_485 = arith.addf %parallel_loop3A_484, %parallel_loop3A_458 : vector<16xf32>
        %parallel_loop3A_486 = arith.index_cast %parallel_loop3A_453 : i32 to index
        %parallel_loop3A_487 = arith.constant 32 : index
        %parallel_loop3A_488 = tpu.vector_load %arg13[%parallel_loop3A_486, %parallel_loop3A_487] {strides = array<i32>} : memref<64x128xf32, #tpu.memory_space<vmem>>, vector<16xf32>,
        tpu.vector_store %arg13[%parallel_loop3A_486, %parallel_loop3A_487], %parallel_loop3A_485 {strides = array<i32>} : memref<64x128xf32, #tpu.memory_space<vmem>>, vector<16xf32>,
        %parallel_loop3A_489 = vector.broadcast %parallel_loop3A_453 : i32 to vector<16xi32>
        %parallel_loop3A_490 = arith.addi %shift_left3A_406, %parallel_loop3A_489 : vector<16xi32>
        %parallel_loop3A_491 = tpu.vector_load_idx %arg11[%add3A_51, %parallel_loop3A_490] : memref<128x129xf32, #tpu.memory_space<vmem>>[vector<16xi32>, vector<16xi32>], vector<16xf32>,
        %parallel_loop3A_492 = arith.constant 8.000000e+00 : f32
        %parallel_loop3A_493 = vector.broadcast %parallel_loop3A_492 : f32 to vector<16xf32>
        %parallel_loop3A_494 = arith.mulf %parallel_loop3A_491, %parallel_loop3A_493 : vector<16xf32>
        %parallel_loop3A_495 = arith.addf %parallel_loop3A_494, %parallel_loop3A_458 : vector<16xf32>
        %parallel_loop3A_496 = arith.index_cast %parallel_loop3A_453 : i32 to index
        %parallel_loop3A_497 = arith.constant 48 : index
        %parallel_loop3A_498 = tpu.vector_load %arg13[%parallel_loop3A_496, %parallel_loop3A_497] {strides = array<i32>} : memref<64x128xf32, #tpu.memory_space<vmem>>, vector<16xf32>,
        tpu.vector_store %arg13[%parallel_loop3A_496, %parallel_loop3A_497], %parallel_loop3A_495 {strides = array<i32>} : memref<64x128xf32, #tpu.memory_space<vmem>>, vector<16xf32>,
        %parallel_loop3A_499 = vector.broadcast %parallel_loop3A_453 : i32 to vector<16xi32>
        %parallel_loop3A_500 = arith.addi %shift_left3A_415, %parallel_loop3A_499 : vector<16xi32>
        %parallel_loop3A_501 = tpu.vector_load_idx %arg11[%add3A_54, %parallel_loop3A_500] : memref<128x129xf32, #tpu.memory_space<vmem>>[vector<16xi32>, vector<16xi32>], vector<16xf32>,
        %parallel_loop3A_502 = arith.constant 8.000000e+00 : f32
        %parallel_loop3A_503 = vector.broadcast %parallel_loop3A_502 : f32 to vector<16xf32>
        %parallel_loop3A_504 = arith.mulf %parallel_loop3A_501, %parallel_loop3A_503 : vector<16xf32>
        %parallel_loop3A_505 = arith.addf %parallel_loop3A_504, %parallel_loop3A_458 : vector<16xf32>
        %parallel_loop3A_506 = arith.index_cast %parallel_loop3A_453 : i32 to index
        %parallel_loop3A_507 = arith.constant 64 : index
        %parallel_loop3A_508 = tpu.vector_load %arg13[%parallel_loop3A_506, %parallel_loop3A_507] {strides = array<i32>} : memref<64x128xf32, #tpu.memory_space<vmem>>, vector<16xf32>,
        tpu.vector_store %arg13[%parallel_loop3A_506, %parallel_loop3A_507], %parallel_loop3A_505 {strides = array<i32>} : memref<64x128xf32, #tpu.memory_space<vmem>>, vector<16xf32>,
        %parallel_loop3A_509 = vector.broadcast %parallel_loop3A_453 : i32 to vector<16xi32>
        %parallel_loop3A_510 = arith.addi %shift_left3A_424, %parallel_loop3A_509 : vector<16xi32>
        %parallel_loop3A_511 = tpu.vector_load_idx %arg11[%add3A_57, %parallel_loop3A_510] : memref<128x129xf32, #tpu.memory_space<vmem>>[vector<16xi32>, vector<16xi32>], vector<16xf32>,
        %parallel_loop3A_512 = arith.constant 8.000000e+00 : f32
        %parallel_loop3A_513 = vector.broadcast %parallel_loop3A_512 : f32 to vector<16xf32>
        %parallel_loop3A_514 = arith.mulf %parallel_loop3A_511, %parallel_loop3A_513 : vector<16xf32>
        %parallel_loop3A_515 = arith.addf %parallel_loop3A_514, %parallel_loop3A_458 : vector<16xf32>
        %parallel_loop3A_516 = arith.index_cast %parallel_loop3A_453 : i32 to index
        %parallel_loop3A_517 = arith.constant 80 : index
        %parallel_loop3A_518 = tpu.vector_load %arg13[%parallel_loop3A_516, %parallel_loop3A_517] {strides = array<i32>} : memref<64x128xf32, #tpu.memory_space<vmem>>, vector<16xf32>,
        tpu.vector_store %arg13[%parallel_loop3A_516, %parallel_loop3A_517], %parallel_loop3A_515 {strides = array<i32>} : memref<64x128xf32, #tpu.memory_space<vmem>>, vector<16xf32>,
        %parallel_loop3A_519 = vector.broadcast %parallel_loop3A_453 : i32 to vector<16xi32>
        %parallel_loop3A_520 = arith.addi %shift_left3A_433, %parallel_loop3A_519 : vector<16xi32>
        %parallel_loop3A_521 = tpu.vector_load_idx %arg11[%add3A_60, %parallel_loop3A_520] : memref<128x129xf32, #tpu.memory_space<vmem>>[vector<16xi32>, vector<16xi32>], vector<16xf32>,
        %parallel_loop3A_522 = arith.constant 8.000000e+00 : f32
        %parallel_loop3A_523 = vector.broadcast %parallel_loop3A_522 : f32 to vector<16xf32>
        %parallel_loop3A_524 = arith.mulf %parallel_loop3A_521, %parallel_loop3A_523 : vector<16xf32>
        %parallel_loop3A_525 = arith.addf %parallel_loop3A_524, %parallel_loop3A_458 : vector<16xf32>
        %parallel_loop3A_526 = arith.index_cast %parallel_loop3A_453 : i32 to index
        %parallel_loop3A_527 = arith.constant 96 : index
        %parallel_loop3A_528 = tpu.vector_load %arg13[%parallel_loop3A_526, %parallel_loop3A_527] {strides = array<i32>} : memref<64x128xf32, #tpu.memory_space<vmem>>, vector<16xf32>,
        tpu.vector_store %arg13[%parallel_loop3A_526, %parallel_loop3A_527], %parallel_loop3A_525 {strides = array<i32>} : memref<64x128xf32, #tpu.memory_space<vmem>>, vector<16xf32>,
        %parallel_loop3A_529 = vector.broadcast %parallel_loop3A_453 : i32 to vector<16xi32>
        %parallel_loop3A_530 = arith.addi %shift_left3A_442, %parallel_loop3A_529 : vector<16xi32>
        %parallel_loop3A_531 = tpu.vector_load_idx %arg11[%add3A_63, %parallel_loop3A_530] : memref<128x129xf32, #tpu.memory_space<vmem>>[vector<16xi32>, vector<16xi32>], vector<16xf32>,
        %parallel_loop3A_532 = arith.constant 8.000000e+00 : f32
        %parallel_loop3A_533 = vector.broadcast %parallel_loop3A_532 : f32 to vector<16xf32>
        %parallel_loop3A_534 = arith.mulf %parallel_loop3A_531, %parallel_loop3A_533 : vector<16xf32>
        %parallel_loop3A_535 = arith.addf %parallel_loop3A_534, %parallel_loop3A_458 : vector<16xf32>
        %parallel_loop3A_536 = arith.index_cast %parallel_loop3A_453 : i32 to index
        %parallel_loop3A_537 = arith.constant 112 : index
        %parallel_loop3A_538 = tpu.vector_load %arg13[%parallel_loop3A_536, %parallel_loop3A_537] {strides = array<i32>} : memref<64x128xf32, #tpu.memory_space<vmem>>, vector<16xf32>,
        tpu.vector_store %arg13[%parallel_loop3A_536, %parallel_loop3A_537], %parallel_loop3A_535 {strides = array<i32>} : memref<64x128xf32, #tpu.memory_space<vmem>>, vector<16xf32>,
      } {sc.loop_unroll_factor = 16 : i64, sc.parallel_access}
      %add3A_446 = arith.addi %multiple_of3A, %add3A_196 : i32
      %dma_start3A_447 = arith.constant 0 : i32
      %dma_start3A_448 = tpu.memref_slice %arg5[%add3A_446, %dma_start3A_447, %multiple_of3A_23] : memref<200x64x1024xf32, #tpu.memory_space<hbm>> -> memref<1x64x128xf32, #tpu.memory_space<hbm>>
      %dma_start3A_449 = tpu.memref_squeeze %dma_start3A_448 : memref<1x64x128xf32, #tpu.memory_space<hbm>> -> memref<64x128xf32, #tpu.memory_space<hbm>>
      %dma_start3A_450 = arith.constant 0 : i32
      %dma_start3A_451 = tpu.memref_slice %arg5[%add3A_446, %dma_start3A_450, %multiple_of3A_23] : memref<200x64x1024xf32, #tpu.memory_space<hbm>> -> memref<1x64x128xf32, #tpu.memory_space<hbm>>
      %dma_start3A_452 = tpu.memref_squeeze %dma_start3A_451 : memref<1x64x128xf32, #tpu.memory_space<hbm>> -> memref<64x128xf32, #tpu.memory_space<hbm>>
      tpu.enqueue_dma source(%arg13 : memref<64x128xf32, #tpu.memory_space<vmem>>) target(%dma_start3A_452 : memref<64x128xf32, #tpu.memory_space<hbm>>) target_semaphore(%arg17 : memref<!tpu.dma_semaphore, #tpu.memory_space<semaphore_mem>>)
    }
    %sub3A_172 = arith.constant 2 : i32
    %sub3A_173 = arith.subi %select_n3A_27, %sub3A_172 : i32
    %add3A_174 = arith.addi %multiple_of3A, %sub3A_173 : i32
    %dma_wait3A_175 = arith.constant 0 : i32
    %dma_wait3A_176 = tpu.memref_slice %arg5[%add3A_174, %dma_wait3A_175, %multiple_of3A_23] : memref<200x64x1024xf32, #tpu.memory_space<hbm>> -> memref<1x64x128xf32, #tpu.memory_space<hbm>>
    %dma_wait3A_177 = tpu.memref_squeeze %dma_wait3A_176 : memref<1x64x128xf32, #tpu.memory_space<hbm>> -> memref<64x128xf32, #tpu.memory_space<hbm>>
    %dma_wait3A_178 = arith.constant 0 : i32
    %dma_wait3A_179 = tpu.memref_slice %arg5[%add3A_174, %dma_wait3A_178, %multiple_of3A_23] : memref<200x64x1024xf32, #tpu.memory_space<hbm>> -> memref<1x64x128xf32, #tpu.memory_space<hbm>>
    %dma_wait3A_180 = tpu.memref_squeeze %dma_wait3A_179 : memref<1x64x128xf32, #tpu.memory_space<hbm>> -> memref<64x128xf32, #tpu.memory_space<hbm>>
    tpu.wait_dma2 semaphore(%arg16 : memref<!tpu.dma_semaphore, #tpu.memory_space<semaphore_mem>>) src(%arg12 : memref<64x128xf32, #tpu.memory_space<vmem>>) dst(%dma_wait3A_180 : memref<64x128xf32, #tpu.memory_space<hbm>>)
    %sub3A_181 = arith.constant 1 : i32
    %sub3A_182 = arith.subi %select_n3A_27, %sub3A_181 : i32
    %add3A_183 = arith.addi %multiple_of3A, %sub3A_182 : i32
    %dma_wait3A_184 = arith.constant 0 : i32
    %dma_wait3A_185 = tpu.memref_slice %arg5[%add3A_183, %dma_wait3A_184, %multiple_of3A_23] : memref<200x64x1024xf32, #tpu.memory_space<hbm>> -> memref<1x64x128xf32, #tpu.memory_space<hbm>>
    %dma_wait3A_186 = tpu.memref_squeeze %dma_wait3A_185 : memref<1x64x128xf32, #tpu.memory_space<hbm>> -> memref<64x128xf32, #tpu.memory_space<hbm>>
    %dma_wait3A_187 = arith.constant 0 : i32
    %dma_wait3A_188 = tpu.memref_slice %arg5[%add3A_183, %dma_wait3A_187, %multiple_of3A_23] : memref<200x64x1024xf32, #tpu.memory_space<hbm>> -> memref<1x64x128xf32, #tpu.memory_space<hbm>>
    %dma_wait3A_189 = tpu.memref_squeeze %dma_wait3A_188 : memref<1x64x128xf32, #tpu.memory_space<hbm>> -> memref<64x128xf32, #tpu.memory_space<hbm>>
    tpu.wait_dma2 semaphore(%arg17 : memref<!tpu.dma_semaphore, #tpu.memory_space<semaphore_mem>>) src(%arg13 : memref<64x128xf32, #tpu.memory_space<vmem>>) dst(%dma_wait3A_189 : memref<64x128xf32, #tpu.memory_space<hbm>>)
    return
  }
}

</mosaic_0001>

<sc_bundles>
// kernel: kernel.3.cloned.1.call-start
scs
__scs_entry_jumppad:
0x0: {  	(pc) =	sbr.rel $0x88, $3  }
0x1: {  	(tag) =	ssettag $0x0;
	lr =	simm.s32 $0x1  }
0x2: {  	[smem:$0x3F9F] =	sst lr;
	_ =	strace $0xD0000000  }
0x3: {  	_ = 	snop  }
0x4: {  	_ = 	snop  }
0x5: {  	_ = 	snop  }
0x6: {  	_ = 	snop  }
0x7: {  	_ = 	snop  }
__scs_overlays_trampoline_lowered:
0x8: {  	[smem:$0x3FAE] =	sst s0  }
0x9: {  	[smem:$0x3FAF] =	sst s1  }
0xa: {  	[smem:$0x3FB0] =	sst s2  }
0xb: {  	[smem:$0x3FB1] =	sst s3  }
0xc: {  	[smem:$0x3FB2] =	sst s4  }
0xd: {  	[smem:$0x3FB3] =	sst s5  }
0xe: {  	[smem:$0x3FB4] =	sst s6  }
0xf: {  	[smem:$0x3FB5] =	sst s7  }
0x10: {  	[smem:$0x3FB6] =	sst s8  }
0x11: {  	[smem:$0x3FB7] =	sst s9;
	s0 =	simm.s32 @!p0 $0x0  }
0x12: {  	s1 =	sld [smem:$0x3F9D];
	s0 =	simm.s32 @p0 $0x1  }
0x13: {  	[smem:$0x3FB8] =	sst s0;
	s0 =	simm.s32 @!p1 $0x0  }
0x14: {  	s2 =	sld [smem:$0x3F9C];
	s0 =	simm.s32 @p1 $0x1  }
0x15: {  	[smem:$0x3FB9] =	sst s0;
	s0 =	simm.s32 @!p2 $0x0  }
0x16: {  	s3 =	sld [smem:$0x3FDB];
	s0 =	simm.s32 @p2 $0x1  }
0x17: {  	s4 =	simm.s32 $0x1BF5;
	[smem:$0x3FBB] =	sst s0  }
0x18: {  	s0 =	sld [smem:$0x3F9E];
	_ =	swait.ge [sflag:s4], $0x0  }
0x19: {  	s7 =	sld [smem:$0x3F9F]  }
0x1a: {  	s8 =	sadd.s32 $0xFFFFE003, lr  }
0x1b: {  	s9 =	sadd.s32 $0xFFFFFEF7, lr;
	s5 =	simm.s32 $0xFFFFFFFF;
	p2 =	slt.u32 s8, $0xFFFFF086  }
0x1c: {  	p1 =	slt.u32 s9, $0xF7A;
	s5 =	simm.s32 @!p2 $0x0  }
0x1d: {  	s5 =	simm.s32 @p1 $0x1;
	p0 =	seq.s32 s7, s2  }
0x1e: {  	s7 =	smul.u32 @!p0 $0xF7A, s2;
	p2 =	seq.s32 @!p0 s5, $0x0  }
0x1f: {  	s9 =	smul.u32 $0xF7A, s1;
	s8 =	simm.s32 @!p0 $0x1BF5;
	p2 =	por !p2, p0  }
0x20: {  	[sflag:s8] =	ssyncset.s32 @!p0 $0xFFFFF086;
	s6 =	sadd.s32 @!p0 s3, s7;
	s7 =	simm.s32 @!p0 $0x108  }
0x21: {  	s3 =	sadd.s32 s3, s9;
	s6 =	sadd.s32 @!p0 $0x88, s6;
	s7 =	simm.s32 @p2 $0x1082  }
0x22: {  	[simem:s7], [sflag:s8] =	dma.local @!p0 [hbm:s6], $0xF7A  }
0x23: {  	s9 =	sor.u32 $0xD0000000, s2;
	s6 =	simm.s32 $0x108;
	_ =	swait.ge @!p0 [sflag:s8], $0x0  }
0x24: {  	s3 =	sadd.s32 $0x88, s3;
	s6 =	simm.s32 @!p1 $0x1082;
	[sflag:s4] =	ssyncset.s32 $0xFFFFF086  }
0x25: {  	[simem:s6], [sflag:s4] =	dma.local [hbm:s3], $0xF7A  }
0x26: {  	[smem:$0x3F9F] =	sst s1;
	(tag) =	ssettag s2;
	_ =	strace s9  }
0x27: {  	s1 =	sld [smem:$0x3FAF]  }
0x28: {  	s2 =	sld [smem:$0x3FB0]  }
0x29: {  	s4 =	sld [smem:$0x3FB2]  }
0x2a: {  	p0 =	seq.s32 s5, $0x0;
	s5 =	sld [smem:$0x3FB3]  }
0x2b: {  	s6 =	sld [smem:$0x3FB4]  }
0x2c: {  	s7 =	sld [smem:$0x3FB5]  }
0x2d: {  	s3 =	simm.s32 $0x108;
	s8 =	sld [smem:$0x3FB6]  }
0x2e: {  	s3 =	simm.s32 @!p0 $0x1082;
	s9 =	sld [smem:$0x3FB7]  }
0x2f: {  	lr =	sadd.s32 s0, s3;
	s0 =	sld [smem:$0x3FAE]  }
0x30: {  	s3 =	sld [smem:$0x3FB1]  }
0x31: {  	[smem:$0x3FBA] =	sst s10  }
0x32: {  	s10 =	sld [smem:$0x3FB8];
	_ =	sdelay $0x3  }
0x33: {  	p0 =	seq.s32 s10, $0x1;
	s10 =	sld [smem:$0x3FBA];
	_ =	sdelay $0x3  }
0x34: {  	[smem:$0x3FBA] =	sst s10  }
0x35: {  	s10 =	sld [smem:$0x3FB9];
	_ =	sdelay $0x3  }
0x36: {  	p1 =	seq.s32 s10, $0x1;
	s10 =	sld [smem:$0x3FBA];
	_ =	sdelay $0x3  }
0x37: {  	[smem:$0x3FBA] =	sst s10  }
0x38: {  	s10 =	sld [smem:$0x3FBB]  }
0x39: {  	_ = 	snop;
	(pc) =	sbr.ind lr, $3  }
0x3a: {  	_ = 	snop  }
0x3b: {  	_ = 	snop  }
0x3c: {  	p2 =	seq.s32 s10, $0x1;
	s10 =	sld [smem:$0x3FBA]  }
0x3d: {  	_ =	shalt  }
0x3e: {  	_ =	shalt  }
0x3f: {  	_ =	shalt  }
0x40: {  	_ =	shalt  }
0x41: {  	_ =	shalt  }
0x42: {  	_ =	shalt  }
0x43: {  	_ =	shalt  }
0x44: {  	_ =	shalt  }
0x45: {  	_ =	shalt  }
0x46: {  	_ =	shalt  }
0x47: {  	_ =	shalt  }
0x48: {  	_ =	shalt  }
0x49: {  	_ =	shalt  }
0x4a: {  	_ =	shalt  }
0x4b: {  	_ =	shalt  }
0x4c: {  	_ =	shalt  }
0x4d: {  	_ =	shalt  }
0x4e: {  	_ =	shalt  }
0x4f: {  	_ =	shalt  }
0x50: {  	_ =	shalt  }
0x51: {  	_ =	shalt  }
0x52: {  	_ =	shalt  }
0x53: {  	_ =	shalt  }
0x54: {  	_ =	shalt  }
0x55: {  	_ =	shalt  }
0x56: {  	_ =	shalt  }
0x57: {  	_ =	shalt  }
0x58: {  	_ =	shalt  }
0x59: {  	_ =	shalt  }
0x5a: {  	_ =	shalt  }
0x5b: {  	_ =	shalt  }
0x5c: {  	_ =	shalt  }
0x5d: {  	_ =	shalt  }
0x5e: {  	_ =	shalt  }
0x5f: {  	_ =	shalt  }
0x60: {  	_ =	shalt  }
0x61: {  	_ =	shalt  }
0x62: {  	_ =	shalt  }
0x63: {  	_ =	shalt  }
0x64: {  	_ =	shalt  }
0x65: {  	_ =	shalt  }
0x66: {  	_ =	shalt  }
0x67: {  	_ =	shalt  }
0x68: {  	_ =	shalt  }
0x69: {  	_ =	shalt  }
0x6a: {  	_ =	shalt  }
0x6b: {  	_ =	shalt  }
0x6c: {  	_ =	shalt  }
0x6d: {  	_ =	shalt  }
0x6e: {  	_ =	shalt  }
0x6f: {  	_ =	shalt  }
0x70: {  	_ =	shalt  }
0x71: {  	_ =	shalt  }
0x72: {  	_ =	shalt  }
0x73: {  	_ =	shalt  }
0x74: {  	_ =	shalt  }
0x75: {  	_ =	shalt  }
0x76: {  	_ =	shalt  }
0x77: {  	_ =	shalt  }
0x78: {  	_ =	shalt  }
0x79: {  	_ =	shalt  }
0x7a: {  	_ =	shalt  }
0x7b: {  	_ =	shalt  }
0x7c: {  	_ =	shalt  }
0x7d: {  	_ =	shalt  }
0x7e: {  	_ =	shalt  }
0x7f: {  	_ =	shalt  }
0x80: {  	_ =	shalt  }
0x81: {  	_ =	shalt  }
0x82: {  	_ =	shalt  }
0x83: {  	_ =	shalt  }
0x84: {  	_ =	shalt  }
0x85: {  	_ =	shalt  }
0x86: {  	_ =	shalt  }
0x87: {  	_ =	shalt  }
.Lfunc_end0:
.L_simem_size_0:
called_computation_lowered:
.L_overlay_start_0:
0x88: {  	s2 =	sld [smem:$0x3FD9]  }
0x89: {  	s3 =	sld [smem:$0x3FFE];
	_ =	sdelay $0x1  }
0x8a: {  	s1 =	srdreg.scid  }
0x8b: {  	s0 =	sand.u32 $0x1, s1  }
0x8c: {  	s17 =	sshll.u32 s0, $0xA;
	s2 =	sadd.s32 s3, s2  }
0x8d: {  	s2 =	sadd.s32 s2, s17  }
0x8e: {  	[smem:$0x3FC6] =	sst s2  }
0x8f: {  	_ = 	snop  }
0x90: {  	s2 =	sld [smem:$0x3FC9]  }
0x91: {  	s18 =	sld [smem:$0x3FD0];
	(tm) =	ssettm $0x1  }
0x92: {  	s4 =	sld [smem:$0x3FFB];
	_ =	sdelay $0x3  }
0x93: {  	_ =	strace s4  }
0x94: {  	s4 =	sld [smem:$0x3FFC];
	_ =	sdelay $0x3  }
0x95: {  	_ =	strace s4  }
0x96: {  	s4 =	sld [smem:$0x3FFD];
	_ =	sdelay $0x3  }
0x97: {  	_ =	strace s4  }
0x98: {  	_ =	strace $0x8FFFFFFF  }
0x99: {  	s19 =	sld [smem:$0x3FDB];
	_ =	sdelay $0x1  }
0x9a: {  	s5 =	simm.s32 $_scs_section_size  }
0x9b: {  	s6 =	simm.s32 $_size__tile_overlayer_lowered;
	s7 =	simm.s32 $_tile_overlayer_lowered  }
0x9c: {  	s22 =	simm.s32 $0x1BFF;
	s21 =	sshll.u32 s7, $0x1;
	s4 =	sadd.s32 s5, s19  }
0x9d: {  	s8 =	simm.s32 $0x0;
	s20 =	sshll.u32 s6, $0x1;
	s6 =	sadd.s32 s21, s4  }
0x9e: {  	[timem:s8], [sflag:s22] =	dma.local [hbm:s6], s20  }
0x9f: {  	_ =	swait.ge [sflag:s22], s20  }
0xa0: {  	s5 =	ssub.s32 $0x0, s20;
	[sflag:s22] =	ssyncset.done $0x0  }
0xa1: {  	[sflag:s22] =	ssyncadd.s32 s5;
	_ =	sdelay $0x1  }
0xa2: {  	s23 =	simm.s32 $0x1B8B  }
0xa3: {  	_ =	swait.ge [sflag:s23], $0x1  }
0xa4: {  	[sflag:s23] =	ssyncset.done $0x0  }
0xa5: {  	s25 =	simm.s32 $0x1B8E;
	s24 =	sld [smem:$0x3FFE];
	[sflag:s23] =	ssyncadd.s32 $0xFFFFFFFF  }
0xa6: {  	s26 =	simm.s32 $execute0_lowered;
	[smem:$0x3FD2] =	sst s25  }
0xa7: {  	s6 =	sshll.u32 s26, $0x1;
	_ =	strace $0x80000046;
	[dreg:$0x1] =	wrdreg $0xFFFFFFFF  }
0xa8: {  	s28 =	simm.s32 $_size_execute0_lowered;
	s4 =	sadd.s32 s4, s6;
	[dreg:$0x0] =	wrdreg $0x0  }
0xa9: {  	s6 =	sshll.u32 s28, $0x1;
	[dreg:$0x2] =	wrdreg s4  }
0xaa: {  	[dreg:$0x3] =	wrdreg s6  }
0xab: {  	[dreg:$0x4] =	wrdreg $0xC0  }
0xac: {  	_ =	task [dreg:s8], $0x5FFFF  }
0xad: {  	[dreg:$0x1] =	wrdreg $0xFFFFFFFF  }
0xae: {  	[dreg:$0x0] =	wrdreg $0x60  }
0xaf: {  	[dreg:$0x2] =	wrdreg s2  }
0xb0: {  	[dreg:$0x3] =	wrdreg s24  }
0xb1: {  	[dreg:$0x4] =	wrdreg s18  }
0xb2: {  	[dreg:$0x5] =	wrdreg $0x9  }
0xb3: {  	_ =	task.clear_ibuf [dreg:s8], $0x6FFFF;
	_ =	strace $0x90000046  }
0xb4: {  	s29 =	simm.s32 $0x9;
	_ =	strace $0x80000048  }
0xb5: {  	_ =	swait.ge [sflag:s29], $0x1  }
0xb6: {  	[sflag:s29] =	ssyncadd.s32 $0xFFFFFFFF  }
0xb7: {  	_ =	strace $0x90000048  }
0xb8: {  	_ =	sfence  }
0xb9: {  	s30 =	sld [smem:$0x0];
	_ =	sdelay $0x2  }
0xba: {  	s31 =	sshll.u32 s1, $0xD;
	s1 =	sshrl.u32 s1, $0x2  }
0xbb: {  	s3 =	sand.u32 $0x4000, s31;
	s1 =	sadd.s32 s1, s30  }
0xbc: {  	s0 =	sor.u32 s3, s0;
	s1 =	sshll.u32 s1, $0x11  }
0xbd: {  	s0 =	sor.u32 s1, s0  }
0xbe: {  	s0 =	sadd.s32 $0x8F2B, s0  }
0xbf: {  	[sflag:s0] =	ssyncadd.remote.s32 $0x1  }
0xc0: {  	_ =	sfence.sel $0xFFFF  }
0xc1: {  	[dreg:$0x0] =	wrdreg $0xFFFFFFFF;
	(pc) =	sbr.abs _section_cstart, $3  }
0xc2: {  	[dreg:$0x1] =	wrdreg $0xFFFFFFFF  }
0xc3: {  	_ =	task.clear_ibuf [dreg:s8], $0x2FFFF;
	_ =	strace $0x9FFFFFFF  }
0xc4: {  	(tm) =	ssettm $0x7FFFFFFF  }
0xc5: {  	_ =	shalt  }
tec
execute0_lowered:
.L_overlay_start_1:
0x0: {  	(tag) =	ssettag $0x1  }
0x1: {  	v2 =	vlaneseq.u32;
	vm0 =	vmmov $0xff  }
0x2: {  	v3 =	vimm.s32 $0xB80;
	vm15 =	vcmask $0x300;
	v4 =	vimm.s32 $0x1B80  }
0x3: {  	vm14 =	vcmask $0x704;
	vm13 =	vcmask $0xB08;
	vm12 =	vcmask $0xF0C  }
0x4: {  	vm11 =	vcmask $0x1310;
	vm10 =	vcmask $0x1714;
	vm9 =	vcmask $0x1B18  }
0x5: {  	vm8 =	vcmask $0x1F1C;
	vm7 =	vcmask $0x2320;
	vm6 =	vcmask $0x2724  }
0x6: {  	vm5 =	vcmask $0x2B28;
	vm4 =	vcmask $0x2F2C;
	vm3 =	vcmask $0x3330  }
0x7: {  	vm2 =	vcmask $0x3734;
	vm1 =	vcmask $0x3B38;
	v5 =	vimm.s32 $0x2B80  }
0x8: {  	v6 =	vimm.s32 $0x3B80;
	v7 =	vimm.s32 $0x4B80;
	v8 =	vimm.s32 $0x5B80  }
0x9: {  	v9 =	vimm.s32 $0x6B80;
	v10 =	vimm.s32 $0x7B80;
	v1 =	vshrl.u32 v2, $0x3  }
0xa: {  	v0 =	vand.u32 $0x7, v2;
	v3 =	vsel vm15, $0x0, v3;
	v4 =	vsel vm15, $0x1000, v4  }
0xb: {  	v2 =	vor.u32 $0x8, v2;
	v5 =	vsel vm15, $0x2000, v5;
	v6 =	vsel vm15, $0x3000, v6  }
0xc: {  	v7 =	vsel vm15, $0x4000, v7;
	v8 =	vsel vm15, $0x5000, v8;
	v9 =	vsel vm15, $0x6000, v9  }
0xd: {  	v10 =	vsel vm15, $0x7000, v10;
	v3 =	vsel vm14, $0x80, v3;
	v4 =	vsel vm14, $0x1080, v4  }
0xe: {  	v5 =	vsel vm14, $0x2080, v5;
	v6 =	vsel vm14, $0x3080, v6;
	v7 =	vsel vm14, $0x4080, v7  }
0xf: {  	v8 =	vsel vm14, $0x5080, v8;
	v9 =	vsel vm14, $0x6080, v9;
	v10 =	vsel vm14, $0x7080, v10  }
0x10: {  	v3 =	vsel vm13, $0x100, v3;
	v4 =	vsel vm13, $0x1100, v4;
	v5 =	vsel vm13, $0x2100, v5  }
0x11: {  	v6 =	vsel vm13, $0x3100, v6;
	v7 =	vsel vm13, $0x4100, v7;
	v8 =	vsel vm13, $0x5100, v8  }
0x12: {  	v9 =	vsel vm13, $0x6100, v9;
	v10 =	vsel vm13, $0x7100, v10;
	v3 =	vsel vm12, $0x180, v3  }
0x13: {  	v4 =	vsel vm12, $0x1180, v4;
	v5 =	vsel vm12, $0x2180, v5;
	v6 =	vsel vm12, $0x3180, v6  }
0x14: {  	v7 =	vsel vm12, $0x4180, v7;
	v8 =	vsel vm12, $0x5180, v8;
	v9 =	vsel vm12, $0x6180, v9  }
0x15: {  	v10 =	vsel vm12, $0x7180, v10;
	v3 =	vsel vm11, $0x200, v3;
	v4 =	vsel vm11, $0x1200, v4  }
0x16: {  	v5 =	vsel vm11, $0x2200, v5;
	v6 =	vsel vm11, $0x3200, v6;
	v7 =	vsel vm11, $0x4200, v7  }
0x17: {  	v8 =	vsel vm11, $0x5200, v8;
	v9 =	vsel vm11, $0x6200, v9;
	v10 =	vsel vm11, $0x7200, v10  }
0x18: {  	v3 =	vsel vm10, $0x280, v3;
	v4 =	vsel vm10, $0x1280, v4;
	v5 =	vsel vm10, $0x2280, v5  }
0x19: {  	v6 =	vsel vm10, $0x3280, v6;
	v7 =	vsel vm10, $0x4280, v7;
	v8 =	vsel vm10, $0x5280, v8  }
0x1a: {  	v9 =	vsel vm10, $0x6280, v9;
	v10 =	vsel vm10, $0x7280, v10;
	v3 =	vsel vm9, $0x300, v3  }
0x1b: {  	v4 =	vsel vm9, $0x1300, v4;
	v5 =	vsel vm9, $0x2300, v5;
	v6 =	vsel vm9, $0x3300, v6  }
0x1c: {  	v7 =	vsel vm9, $0x4300, v7;
	v8 =	vsel vm9, $0x5300, v8;
	v9 =	vsel vm9, $0x6300, v9  }
0x1d: {  	v10 =	vsel vm9, $0x7300, v10;
	v3 =	vsel vm8, $0x380, v3;
	v4 =	vsel vm8, $0x1380, v4  }
0x1e: {  	v5 =	vsel vm8, $0x2380, v5;
	v6 =	vsel vm8, $0x3380, v6;
	v7 =	vsel vm8, $0x4380, v7  }
0x1f: {  	v8 =	vsel vm8, $0x5380, v8;
	v9 =	vsel vm8, $0x6380, v9;
	v10 =	vsel vm8, $0x7380, v10  }
0x20: {  	v3 =	vsel vm7, $0x800, v3;
	v4 =	vsel vm7, $0x1800, v4;
	v5 =	vsel vm7, $0x2800, v5  }
0x21: {  	v6 =	vsel vm7, $0x3800, v6;
	v7 =	vsel vm7, $0x4800, v7;
	v8 =	vsel vm7, $0x5800, v8  }
0x22: {  	v9 =	vsel vm7, $0x6800, v9;
	v10 =	vsel vm7, $0x7800, v10;
	v3 =	vsel vm6, $0x880, v3  }
0x23: {  	v4 =	vsel vm6, $0x1880, v4;
	v5 =	vsel vm6, $0x2880, v5;
	v6 =	vsel vm6, $0x3880, v6  }
0x24: {  	s0 =	rddreg [dreg:$0x0];
	v7 =	vsel vm6, $0x4880, v7;
	v8 =	vsel vm6, $0x5880, v8;
	v9 =	vsel vm6, $0x6880, v9  }
0x25: {  	s1 =	rddreg [dreg:$0x1];
	v10 =	vsel vm6, $0x7880, v10;
	v3 =	vsel vm5, $0x900, v3;
	v4 =	vsel vm5, $0x1900, v4  }
0x26: {  	s2 =	simm.s32 $0x0;
	s24 =	stileid.u32;
	s4 =	srdreg.scid;
	v5 =	vsel vm5, $0x2900, v5;
	v6 =	vsel vm5, $0x3900, v6;
	v7 =	vsel vm5, $0x4900, v7  }
0x27: {  	s14 =	simm.s32 $0x1C00;
	[smem:$0x7FF] =	sst s2;
	s3 =	sshrl.u32 s24, $0x2;
	v8 =	vsel vm5, $0x5900, v8;
	v9 =	vsel vm5, $0x6900, v9;
	v10 =	vsel vm5, $0x7900, v10  }
0x28: {  	s5 =	sshll.u32 s24, $0x1;
	s2 =	simm.s32 $0x38;
	s6 =	smul.u32 $0x180, s3;
	v3 =	vsel vm4, $0x980, v3;
	v4 =	vsel vm4, $0x1980, v4;
	v5 =	vsel vm4, $0x2980, v5  }
0x29: {  	s4 =	sand.u32 $0x1, s4;
	_ =	strace $0x80000047;
	s8 =	smul.u32 $0xC000, s3;
	v6 =	vsel vm4, $0x3980, v6;
	v7 =	vsel vm4, $0x4980, v7;
	v8 =	vsel vm4, $0x5980, v8  }
0x2a: {  	s5 =	sand.u32 $0x6, s5;
	p0 =	seq.s32 s3, $0x3;
	s3 =	smul.u32 $0x30, s3;
	v9 =	vsel vm4, $0x6980, v9;
	v10 =	vsel vm4, $0x7980, v10;
	v3 =	vsel vm3, $0xA00, v3  }
0x2b: {  	s7 =	ssub.s32 $0x2, s4;
	s5 =	sor.u32 s4, s5;
	s4 =	sadd.s32 $0xF42A00, s1;
	v4 =	vsel vm3, $0x1A00, v4;
	v5 =	vsel vm3, $0x2A00, v5;
	v6 =	vsel vm3, $0x3A00, v6  }
0x2c: {  	s9 =	sshrl.u32 s7, $0x1;
	s2 =	simm.s32 @!p0 $0x30;
	[dreg:$0x6] =	wrdreg s3;
	v7 =	vsel vm3, $0x4A00, v7;
	v3 =	vsel vm2, $0xA80, v3;
	v5 =	vsel vm2, $0x2A80, v5  }
0x2d: {  	s25 =	sshll.u32 s5, $0xA;
	s1 =	sadd.s32 s6, s1;
	[dreg:$0x5] =	wrdreg s2;
	v6 =	vsel vm2, $0x3A80, v6;
	v62 =	vsel vm1, $0xB00, v3;
	v3 =	vsel vm1, $0x2B00, v5  }
0x2e: {  	s26 =	ssub.s32 s7, s9;
	s30 =	sshrl.u32 s2, $0x1;
	[dreg:$0x4] =	wrdreg s25;
	v8 =	vsel vm3, $0x5A00, v8;
	v7 =	vsel vm2, $0x4A80, v7;
	[tilespmem:$0x1FFB0] =	vst v3;
	v3 =	vsel vm1, $0x3B00, v6  }
0x2f: {  	s28 =	sor.u32 s8, s25;
	s29 =	sadd.s32 $0x600, s1;
	[dreg:$0x9] =	wrdreg s30;
	v9 =	vsel vm3, $0x6A00, v9;
	v8 =	vsel vm2, $0x5A80, v8;
	[tilespmem:$0x1FFC0] =	vst v3;
	v3 =	vsel vm1, $0x4B00, v7  }
0x30: {  	s31 =	smax.u32 s26, $0x1;
	s6 =	sshrl.u32 s28, $0x3;
	[dreg:$0x8] =	wrdreg s29;
	v10 =	vsel vm3, $0x7A00, v10;
	v9 =	vsel vm2, $0x6A80, v9;
	[tilespmem:$0x1FFD0] =	vst v3;
	v3 =	vsel vm1, $0x5B00, v8  }
0x31: {  	s17 =	simm.s32 $0x2B00;
	[dreg:$0xa] =	wrdreg s31;
	s0 =	sadd.s32 s0, s6;
	v4 =	vsel vm2, $0x1A80, v4;
	v10 =	vsel vm2, $0x7A80, v10;
	[tilespmem:$0x1FFE0] =	vst v3;
	v3 =	vsel vm1, $0x6B00, v9  }
0x32: {  	v1 =	vmul.u32 $0x8, v1;
	s2 =	simm.s32 $0x0;
	s8 =	simm.s32 $0xAB00;
	[dreg:$0x7] =	wrdreg s0;
	v63 =	vsel vm1, $0x1B00, v4;
	v10 =	vsel vm1, $0x7B00, v10;
	[tilespmem:$0x1FFF0] =	vst v3  }
.LBB2_1:
0x33: {  	[dreg:$0xb] =	wrdreg s2;
	s0 =	simm.s32 $0x0  }
0x34: {  	s1 =	rddreg [dreg:$0x7];
	s10 =	simm.s32 $0x400;
	s3 =	simm.s32 $0x2000  }
0x35: {  	[tilespmem:s0], [sflag:$0x1] =	stream.strided.gather [hbm4b:s1+s10], $0x1C00, s3, s10, $0x38;
	[tilespmem:$0x16B00] =	vst v63  }
0x36: {  	s11 =	rddreg [dreg:$0x8];
	s12 =	simm.s32 $0x1  }
0x37: {  	[tilespmem:s14], [sflag:$0x2] =	stream.linear.gather [hbm4b:s11+s0], $0xE00, $0x38;
	[tilespmem:$0x16B00] =	vst v63  }
0x38: {  	_ =	swait.ge [sflag:s12], $0x1C00  }
0x39: {  	[sflag:s12] =	ssyncset.done $0x0  }
0x3a: {  	s13 =	simm.s32 $0x2;
	[sflag:s12] =	ssyncadd.s32 $0xFFFFE400  }
0x3b: {  	_ =	swait.ge [sflag:s13], $0xE00  }
0x3c: {  	[sflag:s13] =	ssyncset.done $0x0  }
0x3d: {  	[sflag:s13] =	ssyncadd.s32 $0xFFFFF200  }
0x3e: {  	v11 =	vld [tilespmem:$0x0]  }
0x3f: {  	v12 =	vld [tilespmem:$0x10]  }
0x40: {  	v13 =	vld [tilespmem:$0x20]  }
0x41: {  	v14 =	vld [tilespmem:$0x30];
	_ =	sdelay $0x1  }
0x42: {  	v15 =	vld [tilespmem:$0x40]  }
0x43: {  	v16 =	vld [tilespmem:$0x50];
	v12 =	vshrl.u32 v12, $0x1  }
0x44: {  	v47 =	vld [tilespmem:$0x60];
	v11 =	vshrl.u32 v11, $0x1;
	v46 =	vshrl.u32 v13, $0x1;
	[tilespmem:$0x2A10] =	vst v12  }
0x45: {  	v49 =	vld [tilespmem:$0x70];
	v48 =	vshrl.u32 v14, $0x1;
	[tilespmem:$0x2A20] =	vst v46;
	v17 =	vperm.xlane v11, v0  }
0x46: {  	[tilespmem:$0x2A30] =	vst v48  }
0x47: {  	v50 =	vshrl.u32 v15, $0x1;
	[tilespmem:$0x2A00] =	vst v11;
	v11 =	vperm.xlane v11, v2;
	v51 =	vadd.s32 v1, v17  }
0x48: {  	v52 =	vshrl.u32 v16, $0x1;
	[tilespmem:$0x2A40] =	vst v50  }
0x49: {  	v53 =	vshrl.u32 v47, $0x1;
	[tilespmem:$0x2A50] =	vst v52;
	v11 =	vadd.s32 v1, v11  }
0x4a: {  	v54 =	vshrl.u32 v49, $0x1;
	[tilespmem:$0x2A60] =	vst v53  }
0x4b: {  	[tilespmem:$0x2A70] =	vst v54  }
0x4c: {  	[tilespmem:s17], [sflag:$0x1] =	stream.indirect_vreg.gather [hbm4b:s4+s0], $0x80, v51, vm0, $0xb8;
	[tilespmem:$0x16B00] =	vst v63  }
0x4d: {  	s15 =	simm.s32 $0x3300  }
0x4e: {  	[tilespmem:s15], [sflag:$0x1] =	stream.indirect_vreg.gather [hbm4b:s4+s0], $0x80, v11, vm0, $0xb8;
	[tilespmem:$0x16B00] =	vst v63  }
0x4f: {  	v11 =	vld [tilespmem:$0x2A10];
	_ =	sdelay $0x4  }
0x50: {  	v55 =	vperm.xlane v11, v0;
	_ =	sdelay $0x1  }
0x51: {  	v11 =	vperm.xlane v11, v2;
	v12 =	vadd.s32 v1, v55;
	_ =	sdelay $0x1  }
0x52: {  	v11 =	vadd.s32 v1, v11;
	_ =	sdelay $0x1  }
0x53: {  	s16 =	simm.s32 $0x3B00  }
0x54: {  	[tilespmem:s16], [sflag:$0x1] =	stream.indirect_vreg.gather [hbm4b:s4+s0], $0x80, v12, vm0, $0xb8;
	[tilespmem:$0x16B00] =	vst v63  }
0x55: {  	s18 =	simm.s32 $0x4300  }
0x56: {  	[tilespmem:s18], [sflag:$0x1] =	stream.indirect_vreg.gather [hbm4b:s4+s0], $0x80, v11, vm0, $0xb8;
	[tilespmem:$0x16B00] =	vst v63  }
0x57: {  	v11 =	vld [tilespmem:$0x2A20];
	_ =	sdelay $0x4  }
0x58: {  	v56 =	vperm.xlane v11, v0;
	_ =	sdelay $0x1  }
0x59: {  	v11 =	vperm.xlane v11, v2;
	v12 =	vadd.s32 v1, v56;
	_ =	sdelay $0x1  }
0x5a: {  	v11 =	vadd.s32 v1, v11;
	_ =	sdelay $0x1  }
0x5b: {  	s19 =	simm.s32 $0x4B00  }
0x5c: {  	[tilespmem:s19], [sflag:$0x1] =	stream.indirect_vreg.gather [hbm4b:s4+s0], $0x80, v12, vm0, $0xb8;
	[tilespmem:$0x16B00] =	vst v63  }
0x5d: {  	s20 =	simm.s32 $0x5300  }
0x5e: {  	[tilespmem:s20], [sflag:$0x1] =	stream.indirect_vreg.gather [hbm4b:s4+s0], $0x80, v11, vm0, $0xb8;
	[tilespmem:$0x16B00] =	vst v63  }
0x5f: {  	v11 =	vld [tilespmem:$0x2A30];
	_ =	sdelay $0x4  }
0x60: {  	v57 =	vperm.xlane v11, v0;
	_ =	sdelay $0x1  }
0x61: {  	v11 =	vperm.xlane v11, v2;
	v12 =	vadd.s32 v1, v57;
	_ =	sdelay $0x1  }
0x62: {  	v11 =	vadd.s32 v1, v11;
	_ =	sdelay $0x1  }
0x63: {  	s21 =	simm.s32 $0x5B00  }
0x64: {  	[tilespmem:s21], [sflag:$0x1] =	stream.indirect_vreg.gather [hbm4b:s4+s0], $0x80, v12, vm0, $0xb8;
	[tilespmem:$0x16B00] =	vst v63  }
0x65: {  	s22 =	simm.s32 $0x6300  }
0x66: {  	[tilespmem:s22], [sflag:$0x1] =	stream.indirect_vreg.gather [hbm4b:s4+s0], $0x80, v11, vm0, $0xb8;
	[tilespmem:$0x16B00] =	vst v63  }
0x67: {  	v11 =	vld [tilespmem:$0x2A40];
	_ =	sdelay $0x4  }
0x68: {  	v58 =	vperm.xlane v11, v0;
	_ =	sdelay $0x1  }
0x69: {  	v11 =	vperm.xlane v11, v2;
	v12 =	vadd.s32 v1, v58;
	_ =	sdelay $0x1  }
0x6a: {  	v11 =	vadd.s32 v1, v11;
	_ =	sdelay $0x1  }
0x6b: {  	s23 =	simm.s32 $0x6B00  }
0x6c: {  	[tilespmem:s23], [sflag:$0x1] =	stream.indirect_vreg.gather [hbm4b:s4+s0], $0x80, v12, vm0, $0xb8;
	[tilespmem:$0x16B00] =	vst v63  }
0x6d: {  	s24 =	simm.s32 $0x7300  }
0x6e: {  	[tilespmem:s24], [sflag:$0x1] =	stream.indirect_vreg.gather [hbm4b:s4+s0], $0x80, v11, vm0, $0xb8;
	[tilespmem:$0x16B00] =	vst v63  }
0x6f: {  	v11 =	vld [tilespmem:$0x2A50];
	_ =	sdelay $0x4  }
0x70: {  	v59 =	vperm.xlane v11, v0;
	_ =	sdelay $0x1  }
0x71: {  	v11 =	vperm.xlane v11, v2;
	v12 =	vadd.s32 v1, v59;
	_ =	sdelay $0x1  }
0x72: {  	v11 =	vadd.s32 v1, v11;
	_ =	sdelay $0x1  }
0x73: {  	s25 =	simm.s32 $0x7B00  }
0x74: {  	[tilespmem:s25], [sflag:$0x1] =	stream.indirect_vreg.gather [hbm4b:s4+s0], $0x80, v12, vm0, $0xb8;
	[tilespmem:$0x16B00] =	vst v63  }
0x75: {  	s26 =	simm.s32 $0x8300  }
0x76: {  	[tilespmem:s26], [sflag:$0x1] =	stream.indirect_vreg.gather [hbm4b:s4+s0], $0x80, v11, vm0, $0xb8;
	[tilespmem:$0x16B00] =	vst v63  }
0x77: {  	v11 =	vld [tilespmem:$0x2A60];
	_ =	sdelay $0x4  }
0x78: {  	v60 =	vperm.xlane v11, v0;
	_ =	sdelay $0x1  }
0x79: {  	v11 =	vperm.xlane v11, v2;
	v12 =	vadd.s32 v1, v60;
	_ =	sdelay $0x1  }
0x7a: {  	v11 =	vadd.s32 v1, v11;
	_ =	sdelay $0x1  }
0x7b: {  	s28 =	simm.s32 $0x8B00  }
0x7c: {  	[tilespmem:s28], [sflag:$0x1] =	stream.indirect_vreg.gather [hbm4b:s4+s0], $0x80, v12, vm0, $0xb8;
	[tilespmem:$0x16B00] =	vst v63  }
0x7d: {  	s29 =	simm.s32 $0x9300  }
0x7e: {  	[tilespmem:s29], [sflag:$0x1] =	stream.indirect_vreg.gather [hbm4b:s4+s0], $0x80, v11, vm0, $0xb8;
	[tilespmem:$0x16B00] =	vst v63  }
0x7f: {  	v11 =	vld [tilespmem:$0x2A70];
	_ =	sdelay $0x4  }
0x80: {  	v61 =	vperm.xlane v11, v0;
	_ =	sdelay $0x1  }
0x81: {  	v11 =	vperm.xlane v11, v2;
	v12 =	vadd.s32 v1, v61;
	_ =	sdelay $0x1  }
0x82: {  	v11 =	vadd.s32 v1, v11;
	_ =	sdelay $0x1  }
0x83: {  	s30 =	simm.s32 $0x9B00  }
0x84: {  	[tilespmem:s30], [sflag:$0x1] =	stream.indirect_vreg.gather [hbm4b:s4+s0], $0x80, v12, vm0, $0xb8;
	[tilespmem:$0x16B00] =	vst v63  }
0x85: {  	s31 =	simm.s32 $0xA300;
	s9 =	simm.s32 $0x0;
	s2 =	simm.s32 $0x0  }
0x86: {  	[tilespmem:s31], [sflag:$0x1] =	stream.indirect_vreg.gather [hbm4b:s4+s0], $0x80, v11, vm0, $0xb8;
	[tilespmem:$0x16B00] =	vst v63  }
.LBB2_2:
0x87: {  	s0 =	sshllo.u32 s2, $0x1  }
0x88: {  	[dreg:$0xd] =	wrdreg s0;
	s0 =	sshll.u32 s0, $0x9  }
0x89: {  	s19 =	sshra.s32 s0, $0x2  }
0x8a: {  	v11 =	vld [tilespmem:s19+$0x0];
	_ =	sdelay $0x4  }
0x8b: {  	v11 =	vshrl.u32 v11, $0x1  }
0x8c: {  	[tilespmem:$0x2A80] =	vst v11  }
0x8d: {  	v12 =	vld [tilespmem:s19+$0x10];
	_ =	sdelay $0x4  }
0x8e: {  	v12 =	vshrl.u32 v12, $0x1  }
0x8f: {  	[tilespmem:$0x2A90] =	vst v12  }
0x90: {  	v12 =	vld [tilespmem:s19+$0x20];
	_ =	sdelay $0x4  }
0x91: {  	v12 =	vshrl.u32 v12, $0x1  }
0x92: {  	[tilespmem:$0x2AA0] =	vst v12  }
0x93: {  	v12 =	vld [tilespmem:s19+$0x30];
	_ =	sdelay $0x4  }
0x94: {  	v12 =	vshrl.u32 v12, $0x1  }
0x95: {  	[tilespmem:$0x2AB0] =	vst v12  }
0x96: {  	v12 =	vld [tilespmem:s19+$0x40];
	_ =	sdelay $0x4  }
0x97: {  	v12 =	vshrl.u32 v12, $0x1  }
0x98: {  	[tilespmem:$0x2AC0] =	vst v12  }
0x99: {  	v12 =	vld [tilespmem:s19+$0x50];
	_ =	sdelay $0x4  }
0x9a: {  	v12 =	vshrl.u32 v12, $0x1  }
0x9b: {  	[tilespmem:$0x2AD0] =	vst v12  }
0x9c: {  	v12 =	vld [tilespmem:s19+$0x60];
	_ =	sdelay $0x4  }
0x9d: {  	v12 =	vshrl.u32 v12, $0x1  }
0x9e: {  	[tilespmem:$0x2AE0] =	vst v12  }
0x9f: {  	v13 =	vperm.xlane v11, v0;
	v12 =	vld [tilespmem:s19+$0x70];
	_ =	sdelay $0x1  }
0xa0: {  	v11 =	vperm.xlane v11, v2;
	v13 =	vadd.s32 v1, v13;
	_ =	sdelay $0x1  }
0xa1: {  	v11 =	vadd.s32 v1, v11  }
0xa2: {  	v12 =	vshrl.u32 v12, $0x1  }
0xa3: {  	s10 =	simm.s32 $0x0;
	[tilespmem:$0x2AF0] =	vst v12  }
0xa4: {  	[tilespmem:s8], [sflag:$0x2] =	stream.indirect_vreg.gather [hbm4b:s4+s10], $0x80, v13, vm0, $0xb8;
	[tilespmem:$0x16B00] =	vst v63  }
0xa5: {  	s1 =	simm.s32 $0xB300  }
0xa6: {  	[tilespmem:s1], [sflag:$0x2] =	stream.indirect_vreg.gather [hbm4b:s4+s10], $0x80, v11, vm0, $0xb8;
	[tilespmem:$0x16B00] =	vst v63  }
0xa7: {  	v11 =	vld [tilespmem:$0x2A90];
	_ =	sdelay $0x4  }
0xa8: {  	v12 =	vperm.xlane v11, v0;
	_ =	sdelay $0x1  }
0xa9: {  	v11 =	vperm.xlane v11, v2;
	v12 =	vadd.s32 v1, v12;
	_ =	sdelay $0x1  }
0xaa: {  	v11 =	vadd.s32 v1, v11;
	_ =	sdelay $0x1  }
0xab: {  	s11 =	simm.s32 $0xBB00  }
0xac: {  	[tilespmem:s11], [sflag:$0x2] =	stream.indirect_vreg.gather [hbm4b:s4+s10], $0x80, v12, vm0, $0xb8;
	[tilespmem:$0x16B00] =	vst v63  }
0xad: {  	s12 =	simm.s32 $0xC300  }
0xae: {  	[tilespmem:s12], [sflag:$0x2] =	stream.indirect_vreg.gather [hbm4b:s4+s10], $0x80, v11, vm0, $0xb8;
	[tilespmem:$0x16B00] =	vst v63  }
0xaf: {  	v11 =	vld [tilespmem:$0x2AA0];
	_ =	sdelay $0x4  }
0xb0: {  	v12 =	vperm.xlane v11, v0;
	_ =	sdelay $0x1  }
0xb1: {  	v11 =	vperm.xlane v11, v2;
	v12 =	vadd.s32 v1, v12;
	_ =	sdelay $0x1  }
0xb2: {  	v11 =	vadd.s32 v1, v11;
	_ =	sdelay $0x1  }
0xb3: {  	s13 =	simm.s32 $0xCB00  }
0xb4: {  	[tilespmem:s13], [sflag:$0x2] =	stream.indirect_vreg.gather [hbm4b:s4+s10], $0x80, v12, vm0, $0xb8;
	[tilespmem:$0x16B00] =	vst v63  }
0xb5: {  	s15 =	simm.s32 $0xD300  }
0xb6: {  	[tilespmem:s15], [sflag:$0x2] =	stream.indirect_vreg.gather [hbm4b:s4+s10], $0x80, v11, vm0, $0xb8;
	[tilespmem:$0x16B00] =	vst v63  }
0xb7: {  	v11 =	vld [tilespmem:$0x2AB0];
	_ =	sdelay $0x4  }
0xb8: {  	v12 =	vperm.xlane v11, v0;
	_ =	sdelay $0x1  }
0xb9: {  	v11 =	vperm.xlane v11, v2;
	v12 =	vadd.s32 v1, v12;
	_ =	sdelay $0x1  }
0xba: {  	v11 =	vadd.s32 v1, v11;
	_ =	sdelay $0x1  }
0xbb: {  	s16 =	simm.s32 $0xDB00  }
0xbc: {  	[tilespmem:s16], [sflag:$0x2] =	stream.indirect_vreg.gather [hbm4b:s4+s10], $0x80, v12, vm0, $0xb8;
	[tilespmem:$0x16B00] =	vst v63  }
0xbd: {  	s18 =	simm.s32 $0xE300  }
0xbe: {  	[tilespmem:s18], [sflag:$0x2] =	stream.indirect_vreg.gather [hbm4b:s4+s10], $0x80, v11, vm0, $0xb8;
	[tilespmem:$0x16B00] =	vst v63  }
0xbf: {  	v11 =	vld [tilespmem:$0x2AC0];
	_ =	sdelay $0x4  }
0xc0: {  	v12 =	vperm.xlane v11, v0;
	_ =	sdelay $0x1  }
0xc1: {  	v11 =	vperm.xlane v11, v2;
	v12 =	vadd.s32 v1, v12;
	_ =	sdelay $0x1  }
0xc2: {  	v11 =	vadd.s32 v1, v11;
	_ =	sdelay $0x1  }
0xc3: {  	s20 =	simm.s32 $0xEB00  }
0xc4: {  	[tilespmem:s20], [sflag:$0x2] =	stream.indirect_vreg.gather [hbm4b:s4+s10], $0x80, v12, vm0, $0xb8;
	[tilespmem:$0x16B00] =	vst v63  }
0xc5: {  	s21 =	simm.s32 $0xF300  }
0xc6: {  	[tilespmem:s21], [sflag:$0x2] =	stream.indirect_vreg.gather [hbm4b:s4+s10], $0x80, v11, vm0, $0xb8;
	[tilespmem:$0x16B00] =	vst v63  }
0xc7: {  	v11 =	vld [tilespmem:$0x2AD0];
	_ =	sdelay $0x4  }
0xc8: {  	v12 =	vperm.xlane v11, v0;
	_ =	sdelay $0x1  }
0xc9: {  	v11 =	vperm.xlane v11, v2;
	v12 =	vadd.s32 v1, v12;
	_ =	sdelay $0x1  }
0xca: {  	v11 =	vadd.s32 v1, v11;
	_ =	sdelay $0x1  }
0xcb: {  	s22 =	simm.s32 $0xFB00  }
0xcc: {  	[tilespmem:s22], [sflag:$0x2] =	stream.indirect_vreg.gather [hbm4b:s4+s10], $0x80, v12, vm0, $0xb8;
	[tilespmem:$0x16B00] =	vst v63  }
0xcd: {  	s23 =	simm.s32 $0x10300  }
0xce: {  	[tilespmem:s23], [sflag:$0x2] =	stream.indirect_vreg.gather [hbm4b:s4+s10], $0x80, v11, vm0, $0xb8;
	[tilespmem:$0x16B00] =	vst v63  }
0xcf: {  	v11 =	vld [tilespmem:$0x2AE0];
	_ =	sdelay $0x4  }
0xd0: {  	v12 =	vperm.xlane v11, v0;
	_ =	sdelay $0x1  }
0xd1: {  	v11 =	vperm.xlane v11, v2;
	v12 =	vadd.s32 v1, v12;
	_ =	sdelay $0x1  }
0xd2: {  	v11 =	vadd.s32 v1, v11;
	_ =	sdelay $0x1  }
0xd3: {  	s24 =	simm.s32 $0x10B00  }
0xd4: {  	[tilespmem:s24], [sflag:$0x2] =	stream.indirect_vreg.gather [hbm4b:s4+s10], $0x80, v12, vm0, $0xb8;
	[tilespmem:$0x16B00] =	vst v63  }
0xd5: {  	s25 =	simm.s32 $0x11300  }
0xd6: {  	[tilespmem:s25], [sflag:$0x2] =	stream.indirect_vreg.gather [hbm4b:s4+s10], $0x80, v11, vm0, $0xb8;
	[tilespmem:$0x16B00] =	vst v63  }
0xd7: {  	v11 =	vld [tilespmem:$0x2AF0];
	_ =	sdelay $0x4  }
0xd8: {  	v12 =	vperm.xlane v11, v0;
	_ =	sdelay $0x1  }
0xd9: {  	v11 =	vperm.xlane v11, v2;
	v12 =	vadd.s32 v1, v12;
	_ =	sdelay $0x1  }
0xda: {  	v11 =	vadd.s32 v1, v11;
	_ =	sdelay $0x1  }
0xdb: {  	s26 =	simm.s32 $0x11B00  }
0xdc: {  	[tilespmem:s26], [sflag:$0x2] =	stream.indirect_vreg.gather [hbm4b:s4+s10], $0x80, v12, vm0, $0xb8;
	[tilespmem:$0x16B00] =	vst v63  }
0xdd: {  	s3 =	simm.s32 $0x12300;
	s5 =	simm.s32 $0x1  }
0xde: {  	[tilespmem:s3], [sflag:$0x2] =	stream.indirect_vreg.gather [hbm4b:s4+s10], $0x80, v11, vm0, $0xb8;
	[tilespmem:$0x16B00] =	vst v63  }
0xdf: {  	_ =	swait.ge [sflag:s5], $0x4000  }
0xe0: {  	p0 =	seq.s32 s2, $0x0;
	[sflag:s5] =	ssyncset.done $0x0  }
0xe1: {  	s0 =	simm.s32 @!p0 $0x3;
	[sflag:s5] =	ssyncadd.s32 $0xFFFFC000  }
0xe2: {  	_ =	swait.ge @!p0 [sflag:s0], $0x2000  }
0xe3: {  	s6 =	sshll.u32 s2, $0xA;
	[sflag:s0] =	ssyncset.done @!p0 $0x0  }
0xe4: {  	s7 =	sshra.s32 s6, $0x2;
	v3 =	vld [tilespmem:$0x1FFB0];
	[sflag:s0] =	ssyncadd.s32 @!p0 $0xFFFFE000  }
0xe5: {  	v11 =	vld [tilespmem:s7+$0x0]  }
0xe6: {  	v13 =	vld [tilespmem:s7+$0x20]  }
0xe7: {  	v14 =	vld [tilespmem:s7+$0x30]  }
0xe8: {  	v15 =	vld [tilespmem:s7+$0x40]  }
0xe9: {  	v16 =	vld [tilespmem:s7+$0x50];
	_ =	sdelay $0x1  }
0xea: {  	v11 =	vshll.u32 v11, $0x6  }
0xeb: {  	v17 =	vld [tilespmem:s7+$0x60];
	v13 =	vshll.u32 v13, $0x6;
	v14 =	vshll.u32 v14, $0x6;
	v11 =	vand.u32 $0x40, v11  }
0xec: {  	v19 =	vld [tilespmem:s7+$0x70];
	v13 =	vand.u32 $0x40, v13;
	v18 =	vor.u32 v62, v11;
	v11 =	vand.u32 $0x40, v14  }
0xed: {  	s29 =	simm.s32 $0x0;
	v14 =	vshll.u32 v15, $0x6;
	v15 =	vshll.u32 v16, $0x6;
	v16 =	vor.u32 v3, v13;
	v3 =	vld [tilespmem:$0x1FFC0]  }
0xee: {  	s28 =	simm.s32 $0x1;
	v20 =	vor.u32 s29, v18  }
0xef: {  	s21 =	simm.s32 $0x4;
	v21 =	vor.u32 s28, v18  }
0xf0: {  	s23 =	simm.s32 $0x5;
	v22 =	vand.u32 $0x40, v15;
	v15 =	vshll.u32 v17, $0x6;
	v26 =	vor.u32 s21, v18  }
0xf1: {  	v12 =	vld [tilespmem:s7+$0x10];
	v28 =	vor.u32 s23, v18;
	v24 =	vand.u32 $0x40, v15;
	v15 =	vshll.u32 v19, $0x6  }
0xf2: {  	s12 =	simm.s32 $0xA;
	s5 =	sadd.s32 $0x0, s9;
	v25 =	vand.u32 $0x40, v15;
	v15 =	vor.u32 v3, v11;
	v3 =	vld [tilespmem:$0x1FFD0]  }
0xf3: {  	s6 =	simm.s32 $0xB;
	v35 =	vmov s5;
	v31 =	vor.u32 s12, v18;
	v27 =	vld.idx.msk [tilespmem:v20+s17+$0x0], $0xffff  }
0xf4: {  	s1 =	simm.s32 $0xC;
	s20 =	sadd.s32 $0x1, s5;
	s22 =	sadd.s32 $0x2, s5;
	v36 =	vand.u32 $0xFFFFFFF0, v35;
	v32 =	vor.u32 s6, v18;
	v21 =	vld.idx.msk [tilespmem:v21+s17+$0x0], $0xffff  }
0xf5: {  	s11 =	sadd.s32 $0x3, s5;
	v54 =	vmov s20;
	v38 =	vmov s22;
	s0 =	simm.s32 $0xF;
	v33 =	vor.u32 s1, v18;
	v26 =	vld.idx.msk [tilespmem:v26+s17+$0x0], $0xffff  }
0xf6: {  	s25 =	simm.s32 $0x2;
	v39 =	vmov s11;
	v14 =	vand.u32 $0x40, v14;
	v34 =	vor.u32 s0, v18;
	v37 =	vld.idx.msk [tilespmem:v28+s17+$0x0], $0xffff  }
0xf7: {  	v35 =	vand.u32 $0xFFFFFFF1, v54;
	v23 =	vor.u32 s25, v18;
	v14 =	vor.u32 v3, v14;
	v3 =	vld [tilespmem:$0x1FFE0]  }
0xf8: {  	s30 =	sadd.s32 $0x5, s5;
	v38 =	vand.u32 $0xFFFFFFF2, v38;
	v39 =	vand.u32 $0xFFFFFFF3, v39;
	v35 =	vbroadcast v35, $0x0;
	v50 =	vld.idx.msk [tilespmem:v31+s17+$0x0], $0xffff  }
0xf9: {  	s18 =	sadd.s32 $0x4, s5;
	v42 =	vmov s30;
	v39 =	vbroadcast v39, $0x0;
	v31 =	vbroadcast v38, $0x0;
	v38 =	vld.idx.msk [tilespmem:v32+s17+$0x0], $0xffff  }
0xfa: {  	s24 =	simm.s32 $0x3;
	v40 =	vmov s18;
	s11 =	sadd.s32 $0x7, s5;
	s30 =	sadd.s32 $0x8, s5;
	v56 =	vand.u32 $0xFFFFFFF5, v42;
	v42 =	vld.idx.msk [tilespmem:v33+s17+$0x0], $0xffff  }
0xfb: {  	s3 =	simm.s32 $0xD;
	s10 =	sadd.s32 $0xE, s5;
	v43 =	vmov s11;
	v44 =	vmov s30;
	v19 =	vor.u32 s24, v18;
	v53 =	vld.idx.msk [tilespmem:v34+s17+$0x0], $0xffff  }
0xfc: {  	s16 =	simm.s32 $0xE;
	v11 =	vmov s10;
	v28 =	vor.u32 s3, v18;
	v13 =	vor.u32 v3, v22;
	v22 =	vld.idx.msk [tilespmem:v23+s17+$0x0], $0xffff  }
0xfd: {  	s30 =	sadd.s32 $0xB, s5;
	v55 =	vand.u32 $0xFFFFFFF4, v40;
	v11 =	vand.u32 $0xFFFFFFFE, v11;
	v23 =	vor.u32 s16, v18;
	v3 =	vld [tilespmem:$0x1FFF0]  }
0xfe: {  	v47 =	vmov s30;
	v12 =	vshll.u32 v12, $0x6;
	v32 =	vld.idx.msk [tilespmem:v35+s14+$0x0], $0xffff;
	v29 =	vbroadcast v11, $0x0  }
0xff: {  	v57 =	vbroadcast v55, $0x0;
	v58 =	vand.u32 $0xFFFFFFF8, v44;
	v12 =	vand.u32 $0x40, v12;
	v34 =	vld.idx.msk [tilespmem:v39+s14+$0x0], $0xffff  }
0x100: {  	v40 =	vbroadcast v56, $0x0;
	v56 =	vbroadcast v36, $0x0;
	v17 =	vor.u32 v63, v12;
	s10 =	simm.s32 $0x9;
	v19 =	vld.idx.msk [tilespmem:v19+s17+$0x0], $0xffff  }
0x101: {  	s15 =	simm.s32 $0x6;
	s26 =	simm.s32 $0x7;
	v61 =	vbroadcast v58, $0x0;
	v51 =	vor.u32 s16, v17;
	v30 =	vor.u32 s10, v18;
	v52 =	vld.idx.msk [tilespmem:v28+s17+$0x0], $0xffff  }
0x102: {  	v20 =	vor.u32 s15, v18;
	v12 =	vor.u32 v3, v24;
	v24 =	vor.u32 s26, v18;
	v23 =	vld.idx.msk [tilespmem:v23+s17+$0x0], $0xffff  }
0x103: {  	s13 =	simm.s32 $0x8;
	s18 =	sadd.s32 $0x9, s5;
	v11 =	vor.u32 v10, v25;
	v28 =	vand.u32 $0xFFFFFFF7, v43;
	v21 =	vmul.f32 $8.000000000e+00, v21;
	v35 =	vld.idx.msk [tilespmem:v31+s14+$0x0], $0xffff  }
0x104: {  	v25 =	vor.u32 s13, v18;
	v60 =	vbroadcast v28, $0x0;
	v41 =	vld.idx.msk [tilespmem:v29+s14+$0x0], $0xffff;
	v29 =	vmov s18  }
0x105: {  	v33 =	vld.idx.msk [tilespmem:v57+s14+$0x0], $0xffff;
	v19 =	vmul.f32 $8.000000000e+00, v19;
	s18 =	sadd.s32 $0xD, s5;
	v21 =	vadd.f32 v21, v32;
	v29 =	vand.u32 $0xFFFFFFF9, v29  }
0x106: {  	v9 =	vmovc v63;
	s7 =	sadd.s32 $0x6, s5;
	v49 =	vld.idx.msk [tilespmem:v30+s17+$0x0], $0xffff;
	v30 =	vmov s18;
	v63 =	vbroadcast v29, $0x0;
	v22 =	vmul.f32 $8.000000000e+00, v22  }
0x107: {  	v29 =	vand.u32 $0xFFFFFFFD, v30;
	v46 =	vld.idx.msk [tilespmem:v24+s17+$0x0], $0xffff;
	v24 =	vmov s7;
	v23 =	vmul.f32 $8.000000000e+00, v23  }
0x108: {  	v20 =	vld.idx.msk [tilespmem:v20+s17+$0x0], $0xffff;
	v58 =	vadd.f32 v22, v35;
	v22 =	vmul.f32 $8.000000000e+00, v26;
	s7 =	sadd.s32 $0xA, s5;
	v24 =	vand.u32 $0xFFFFFFF6, v24  }
0x109: {  	s22 =	simm.s32 $0x12F00;
	s11 =	sadd.s32 $0xC, s5;
	v25 =	vld.idx.msk [tilespmem:v25+s17+$0x0], $0xffff;
	v45 =	vmov s7;
	v23 =	vadd.f32 v23, v41;
	v24 =	vbroadcast v24, $0x0  }
0x10a: {  	v48 =	vmov s11;
	v31 =	vld.idx.msk [tilespmem:v40+s14+$0x0], $0xffff;
	[tilespmem:s22+$0xFFFFFC80] =	vst v21;
	v55 =	vbroadcast v29, $0x0;
	v59 =	vand.u32 $0xFFFFFFFA, v45  }
0x10b: {  	v29 =	vld.idx.msk [tilespmem:v60+s14+$0x0], $0xffff;
	v21 =	vadd.f32 v22, v33;
	v4 =	vbroadcast v59, $0x0;
	v59 =	vadd.f32 v19, v34;
	[tilespmem:s22+$0x300] =	vst v23  }
0x10c: {  	v8 =	vmovc v62;
	v19 =	vmul.f32 $8.000000000e+00, v37;
	v37 =	vor.u32 s28, v17;
	v23 =	vand.u32 $0xFFFFFFFB, v47;
	v62 =	vld.idx.msk [tilespmem:v51+s17+$0x0], $0xffff  }
0x10d: {  	v28 =	vand.u32 $0xFFFFFFFC, v48;
	v26 =	vld.idx.msk [tilespmem:v61+s14+$0x0], $0xffff;
	v23 =	vbroadcast v23, $0x0  }
0x10e: {  	v5 =	vbroadcast v28, $0x0;
	[tilespmem:s22+$0xFFFFFE00] =	vst v21;
	v21 =	vld.idx.msk [tilespmem:v56+s14+$0x0], $0xffff  }
0x10f: {  	v30 =	vld.idx.msk [tilespmem:v24+s14+$0x0], $0xffff  }
0x110: {  	v46 =	vmul.f32 $8.000000000e+00, v46;
	v24 =	vld.idx.msk [tilespmem:v63+s14+$0x0], $0xffff  }
0x111: {  	v57 =	vor.u32 s16, v16;
	v20 =	vmul.f32 $8.000000000e+00, v20;
	s5 =	sadd.s32 $0xF, s5;
	v37 =	vld.idx.msk [tilespmem:v37+s17+$0x0], $0xffff;
	v60 =	vmul.f32 $8.000000000e+00, v62  }
0x112: {  	v54 =	vmov s5;
	v46 =	vadd.f32 v46, v29;
	v22 =	vld.idx.msk [tilespmem:v4+s14+$0x0], $0xffff;
	v4 =	vor.u32 s24, v17  }
0x113: {  	v62 =	vadd.f32 v19, v31;
	v19 =	vld.idx.msk [tilespmem:v23+s14+$0x0], $0xffff;
	v23 =	vmul.f32 $8.000000000e+00, v25;
	v61 =	vadd.f32 v60, v41  }
0x114: {  	[tilespmem:s22+$0xFFFFFF80] =	vst v46;
	v46 =	vor.u32 s26, v17;
	v63 =	vadd.f32 v20, v30;
	v20 =	vld.idx.msk [tilespmem:v5+s14+$0x0], $0xffff  }
0x115: {  	v25 =	vmul.f32 $8.000000000e+00, v49;
	v60 =	vor.u32 s21, v17;
	v5 =	vadd.f32 v23, v26;
	v23 =	vld.idx.msk [tilespmem:v55+s14+$0x0], $0xffff;
	[tilespmem:s22+$0x310] =	vst v61  }
0x116: {  	v50 =	vmul.f32 $8.000000000e+00, v50;
	[tilespmem:s22+$0xFFFFFD80] =	vst v59;
	v48 =	vld.idx.msk [tilespmem:v57+s17+$0x0], $0xffff;
	v57 =	vor.u32 s25, v17  }
0x117: {  	v44 =	vor.u32 s29, v16;
	[tilespmem:s22+$0xFFFFFE80] =	vst v62;
	v62 =	vor.u32 s23, v17;
	v61 =	vadd.f32 v25, v24;
	v25 =	vld.idx.msk [tilespmem:v54+s14+$0x0], $0xffff  }
0x118: {  	v43 =	vor.u32 s29, v14;
	v50 =	vadd.f32 v50, v22;
	v49 =	vld.idx.msk [tilespmem:v4+s17+$0x0], $0xffff;
	[tilespmem:s22+$0xFFFFFF00] =	vst v63;
	v63 =	vor.u32 s15, v17  }
0x119: {  	v38 =	vmul.f32 $8.000000000e+00, v38;
	v27 =	vmul.f32 $8.000000000e+00, v27;
	[tilespmem:s22+$0xFFFFFD00] =	vst v58;
	v55 =	vor.u32 s13, v17;
	v46 =	vld.idx.msk [tilespmem:v46+s17+$0x0], $0xffff  }
0x11a: {  	v42 =	vmul.f32 $8.000000000e+00, v42;
	v52 =	vmul.f32 $8.000000000e+00, v52;
	v54 =	vor.u32 s16, v15;
	[tilespmem:s22+$0x100] =	vst v50;
	v50 =	vld.idx.msk [tilespmem:v60+s17+$0x0], $0xffff  }
0x11b: {  	v4 =	vmul.f32 $8.000000000e+00, v53;
	[tilespmem:s22+$0x0] =	vst v5;
	v5 =	vadd.f32 v27, v21;
	v51 =	vld.idx.msk [tilespmem:v57+s17+$0x0], $0xffff;
	v48 =	vmul.f32 $8.000000000e+00, v48  }
0x11c: {  	v38 =	vadd.f32 v38, v19;
	[tilespmem:s22+$0x80] =	vst v61;
	v61 =	vor.u32 s12, v17;
	v47 =	vld.idx.msk [tilespmem:v62+s17+$0x0], $0xffff;
	v42 =	vadd.f32 v42, v20  }
0x11d: {  	v60 =	vor.u32 s10, v17;
	[tilespmem:s22+$0xFFFFFC00] =	vst v5;
	v56 =	vld.idx.msk [tilespmem:v63+s17+$0x0], $0xffff;
	v63 =	vmul.f32 $8.000000000e+00, v37;
	v48 =	vadd.f32 v48, v41  }
0x11e: {  	v40 =	vadd.f32 v52, v23;
	v52 =	vor.u32 s6, v17;
	v53 =	vld.idx.msk [tilespmem:v55+s17+$0x0], $0xffff;
	v55 =	vor.u32 s3, v17;
	[tilespmem:s22+$0x200] =	vst v42  }
0x11f: {  	v49 =	vmul.f32 $8.000000000e+00, v49;
	v57 =	vor.u32 s29, v17;
	v42 =	vadd.f32 v63, v32;
	[tilespmem:s22+$0x320] =	vst v48  }
0x120: {  	[tilespmem:s22+$0x180] =	vst v38;
	v62 =	vadd.f32 v4, v25;
	v46 =	vmul.f32 $8.000000000e+00, v46;
	v54 =	vld.idx.msk [tilespmem:v54+s17+$0x0], $0xffff;
	v4 =	vmul.f32 $8.000000000e+00, v51  }
0x121: {  	v50 =	vmul.f32 $8.000000000e+00, v50;
	[tilespmem:s22+$0xFFFFFC90] =	vst v42;
	v42 =	vadd.f32 v49, v34;
	v49 =	vld.idx.msk [tilespmem:v61+s17+$0x0], $0xffff;
	v51 =	vor.u32 s1, v17  }
0x122: {  	v59 =	vor.u32 s0, v17;
	[tilespmem:s22+$0x280] =	vst v40;
	v58 =	vld.idx.msk [tilespmem:v60+s17+$0x0], $0xffff;
	v47 =	vmul.f32 $8.000000000e+00, v47;
	v5 =	vadd.f32 v4, v35  }
0x123: {  	[tilespmem:s22+$0x380] =	vst v62;
	v46 =	vadd.f32 v46, v29;
	v60 =	vor.u32 s28, v16;
	v4 =	vadd.f32 v50, v33;
	v50 =	vld.idx.msk [tilespmem:v55+s17+$0x0], $0xffff  }
0x124: {  	v61 =	vadd.f32 v47, v31;
	v55 =	vld.idx.msk [tilespmem:v57+s17+$0x0], $0xffff;
	v57 =	vor.u32 s24, v16;
	[tilespmem:s22+$0xFFFFFD10] =	vst v5;
	v5 =	vmul.f32 $8.000000000e+00, v56  }
0x125: {  	v52 =	vld.idx.msk [tilespmem:v52+s17+$0x0], $0xffff;
	[tilespmem:s22+$0xFFFFFF90] =	vst v46;
	v56 =	vor.u32 s25, v16;
	v62 =	vmul.f32 $8.000000000e+00, v54;
	v54 =	vor.u32 s16, v14  }
0x126: {  	[tilespmem:s22+$0xFFFFFE10] =	vst v4;
	v4 =	vmul.f32 $8.000000000e+00, v53;
	v53 =	vor.u32 s21, v16;
	v49 =	vmul.f32 $8.000000000e+00, v49;
	v47 =	vld.idx.msk [tilespmem:v51+s17+$0x0], $0xffff  }
0x127: {  	[tilespmem:s22+$0xFFFFFD90] =	vst v42;
	v63 =	vadd.f32 v5, v30;
	v5 =	vmul.f32 $8.000000000e+00, v58;
	v58 =	vld.idx.msk [tilespmem:v59+s17+$0x0], $0xffff;
	v51 =	vadd.f32 v62, v41  }
0x128: {  	[tilespmem:s22+$0xFFFFFE90] =	vst v61;
	v59 =	vld.idx.msk [tilespmem:v60+s17+$0x0], $0xffff;
	v60 =	vor.u32 s23, v16;
	v42 =	vadd.f32 v4, v26;
	v4 =	vadd.f32 v49, v22  }
0x129: {  	v49 =	vld.idx.msk [tilespmem:v57+s17+$0x0], $0xffff;
	v62 =	vadd.f32 v5, v24;
	v5 =	vmul.f32 $8.000000000e+00, v50;
	v50 =	vmul.f32 $8.000000000e+00, v55;
	[tilespmem:s22+$0x330] =	vst v51  }
0x12a: {  	v28 =	vor.u32 s29, v11;
	[tilespmem:s22+$0xFFFFFF10] =	vst v63;
	v63 =	vmul.f32 $8.000000000e+00, v52;
	v51 =	vor.u32 s15, v16;
	v52 =	vld.idx.msk [tilespmem:v54+s17+$0x0], $0xffff  }
0x12b: {  	[tilespmem:s22+$0x10] =	vst v42;
	v54 =	vld.idx.msk [tilespmem:v56+s17+$0x0], $0xffff;
	v56 =	vor.u32 s26, v16;
	v47 =	vmul.f32 $8.000000000e+00, v47;
	v50 =	vadd.f32 v50, v21  }
0x12c: {  	v45 =	vor.u32 s29, v15;
	v57 =	vor.u32 s13, v16;
	[tilespmem:s22+$0x110] =	vst v4;
	v53 =	vld.idx.msk [tilespmem:v53+s17+$0x0], $0xffff;
	v46 =	vadd.f32 v63, v19  }
0x12d: {  	v5 =	vadd.f32 v5, v23;
	v4 =	vadd.f32 v47, v20;
	v47 =	vld.idx.msk [tilespmem:v60+s17+$0x0], $0xffff;
	v60 =	vor.u32 s12, v16;
	[tilespmem:s22+$0xFFFFFC10] =	vst v50  }
0x12e: {  	[tilespmem:s22+$0x90] =	vst v62;
	v61 =	vmul.f32 $8.000000000e+00, v58;
	v62 =	vmul.f32 $8.000000000e+00, v59;
	v59 =	vor.u32 s6, v16;
	v44 =	vld.idx.msk [tilespmem:v44+s17+$0x0], $0xffff  }
0x12f: {  	v55 =	vor.u32 s10, v16;
	[tilespmem:s22+$0x190] =	vst v46;
	v46 =	vor.u32 s16, v13;
	v51 =	vld.idx.msk [tilespmem:v51+s17+$0x0], $0xffff  }
0x130: {  	[tilespmem:s22+$0x290] =	vst v5;
	v49 =	vmul.f32 $8.000000000e+00, v49;
	v48 =	vadd.f32 v61, v25;
	v56 =	vld.idx.msk [tilespmem:v56+s17+$0x0], $0xffff;
	v63 =	vmul.f32 $8.000000000e+00, v52  }
0x131: {  	v5 =	vadd.f32 v62, v32;
	[tilespmem:s22+$0x210] =	vst v4;
	v4 =	vmul.f32 $8.000000000e+00, v54;
	v54 =	vld.idx.msk [tilespmem:v57+s17+$0x0], $0xffff;
	v57 =	vor.u32 s1, v16  }
0x132: {  	v58 =	vor.u32 s3, v16;
	v49 =	vadd.f32 v49, v34;
	[tilespmem:s22+$0x390] =	vst v48;
	v61 =	vadd.f32 v63, v41;
	v52 =	vld.idx.msk [tilespmem:v60+s17+$0x0], $0xffff  }
0x133: {  	[tilespmem:s22+$0xFFFFFCA0] =	vst v5;
	v5 =	vadd.f32 v4, v35;
	v4 =	vmul.f32 $8.000000000e+00, v53;
	v53 =	vld.idx.msk [tilespmem:v59+s17+$0x0], $0xffff;
	v59 =	vor.u32 s0, v16  }
0x134: {  	v55 =	vld.idx.msk [tilespmem:v55+s17+$0x0], $0xffff;
	v47 =	vmul.f32 $8.000000000e+00, v47;
	v60 =	vor.u32 s28, v15;
	v44 =	vmul.f32 $8.000000000e+00, v44;
	[tilespmem:s22+$0x340] =	vst v61  }
0x135: {  	[tilespmem:s22+$0xFFFFFD20] =	vst v5;
	v5 =	vadd.f32 v4, v33;
	v61 =	vmul.f32 $8.000000000e+00, v51;
	v51 =	vor.u32 s25, v15;
	v46 =	vld.idx.msk [tilespmem:v46+s17+$0x0], $0xffff  }
0x136: {  	[tilespmem:s22+$0xFFFFFDA0] =	vst v49;
	v47 =	vadd.f32 v47, v31;
	v62 =	vmul.f32 $8.000000000e+00, v56;
	v56 =	vld.idx.msk [tilespmem:v57+s17+$0x0], $0xffff;
	v4 =	vmul.f32 $8.000000000e+00, v54  }
0x137: {  	v57 =	vor.u32 s24, v15;
	v54 =	vld.idx.msk [tilespmem:v58+s17+$0x0], $0xffff;
	v58 =	vor.u32 s21, v15;
	v44 =	vadd.f32 v44, v21;
	[tilespmem:s22+$0xFFFFFE20] =	vst v5  }
0x138: {  	v63 =	vadd.f32 v61, v30;
	[tilespmem:s22+$0xFFFFFEA0] =	vst v47;
	v48 =	vadd.f32 v4, v26;
	v4 =	vmul.f32 $8.000000000e+00, v52;
	v52 =	vld.idx.msk [tilespmem:v59+s17+$0x0], $0xffff  }
0x139: {  	v5 =	vmul.f32 $8.000000000e+00, v55;
	v55 =	vor.u32 s23, v15;
	v47 =	vadd.f32 v62, v29;
	v59 =	vld.idx.msk [tilespmem:v60+s17+$0x0], $0xffff;
	[tilespmem:s22+$0xFFFFFC20] =	vst v44  }
0x13a: {  	v50 =	vor.u32 s16, v12;
	v60 =	vor.u32 s15, v15;
	[tilespmem:s22+$0xFFFFFF20] =	vst v63;
	v45 =	vld.idx.msk [tilespmem:v45+s17+$0x0], $0xffff  }
0x13b: {  	v61 =	vmul.f32 $8.000000000e+00, v53;
	v5 =	vadd.f32 v5, v24;
	[tilespmem:s22+$0xFFFFFFA0] =	vst v47;
	v51 =	vld.idx.msk [tilespmem:v51+s17+$0x0], $0xffff;
	v46 =	vmul.f32 $8.000000000e+00, v46  }
0x13c: {  	[tilespmem:s22+$0x20] =	vst v48;
	v62 =	vadd.f32 v4, v22;
	v53 =	vld.idx.msk [tilespmem:v57+s17+$0x0], $0xffff;
	v57 =	vor.u32 s26, v15;
	v4 =	vmul.f32 $8.000000000e+00, v56  }
0x13d: {  	v39 =	vor.u32 s29, v13;
	[tilespmem:s22+$0xA0] =	vst v5;
	v56 =	vld.idx.msk [tilespmem:v58+s17+$0x0], $0xffff;
	v58 =	vor.u32 s13, v15;
	v46 =	vadd.f32 v46, v41  }
0x13e: {  	v5 =	vmul.f32 $8.000000000e+00, v54;
	[tilespmem:s22+$0x120] =	vst v62;
	v54 =	vld.idx.msk [tilespmem:v55+s17+$0x0], $0xffff;
	v55 =	vor.u32 s10, v15;
	v47 =	vadd.f32 v4, v20  }
0x13f: {  	v63 =	vadd.f32 v61, v19;
	v49 =	vld.idx.msk [tilespmem:v60+s17+$0x0], $0xffff;
	v60 =	vor.u32 s12, v15;
	v4 =	vmul.f32 $8.000000000e+00, v52;
	[tilespmem:s22+$0x350] =	vst v46  }
0x140: {  	v48 =	vadd.f32 v5, v23;
	v5 =	vmul.f32 $8.000000000e+00, v59;
	v59 =	vor.u32 s6, v15;
	[tilespmem:s22+$0x220] =	vst v47;
	v47 =	vld.idx.msk [tilespmem:v50+s17+$0x0], $0xffff  }
0x141: {  	[tilespmem:s22+$0x1A0] =	vst v63;
	v45 =	vmul.f32 $8.000000000e+00, v45;
	v61 =	vmul.f32 $8.000000000e+00, v51;
	v46 =	vadd.f32 v4, v25;
	v51 =	vld.idx.msk [tilespmem:v57+s17+$0x0], $0xffff  }
0x142: {  	[tilespmem:s22+$0x2A0] =	vst v48;
	v62 =	vadd.f32 v5, v32;
	v57 =	vor.u32 s1, v15;
	v63 =	vmul.f32 $8.000000000e+00, v53;
	v53 =	vld.idx.msk [tilespmem:v58+s17+$0x0], $0xffff  }
0x143: {  	v58 =	vor.u32 s3, v15;
	v56 =	vmul.f32 $8.000000000e+00, v56;
	v45 =	vadd.f32 v45, v21;
	v55 =	vld.idx.msk [tilespmem:v55+s17+$0x0], $0xffff;
	[tilespmem:s22+$0x3A0] =	vst v46  }
0x144: {  	v36 =	vor.u32 s29, v12;
	v50 =	vadd.f32 v61, v35;
	[tilespmem:s22+$0xFFFFFCB0] =	vst v62;
	v5 =	vmul.f32 $8.000000000e+00, v54;
	v52 =	vld.idx.msk [tilespmem:v60+s17+$0x0], $0xffff  }
0x145: {  	v4 =	vadd.f32 v63, v34;
	v60 =	vor.u32 s28, v14;
	v61 =	vadd.f32 v56, v33;
	v56 =	vld.idx.msk [tilespmem:v59+s17+$0x0], $0xffff;
	[tilespmem:s22+$0xFFFFFC30] =	vst v45  }
0x146: {  	v54 =	vor.u32 s0, v15;
	v49 =	vmul.f32 $8.000000000e+00, v49;
	v59 =	vor.u32 s25, v14;
	[tilespmem:s22+$0xFFFFFD30] =	vst v50;
	v43 =	vld.idx.msk [tilespmem:v43+s17+$0x0], $0xffff  }
0x147: {  	v62 =	vadd.f32 v5, v31;
	[tilespmem:s22+$0xFFFFFDB0] =	vst v4;
	v48 =	vld.idx.msk [tilespmem:v57+s17+$0x0], $0xffff;
	v47 =	vmul.f32 $8.000000000e+00, v47;
	v57 =	vor.u32 s16, v11  }
0x148: {  	[tilespmem:s22+$0xFFFFFE30] =	vst v61;
	v49 =	vadd.f32 v49, v30;
	v63 =	vmul.f32 $8.000000000e+00, v51;
	v51 =	vld.idx.msk [tilespmem:v58+s17+$0x0], $0xffff;
	v58 =	vor.u32 s24, v14  }
0x149: {  	[tilespmem:s22+$0xFFFFFEB0] =	vst v62;
	v46 =	vmul.f32 $8.000000000e+00, v53;
	v53 =	vor.u32 s21, v14;
	v47 =	vadd.f32 v47, v41  }
0x14a: {  	[tilespmem:s22+$0xFFFFFF30] =	vst v49;
	v5 =	vmul.f32 $8.000000000e+00, v55;
	v4 =	vadd.f32 v63, v29;
	v55 =	vld.idx.msk [tilespmem:v60+s17+$0x0], $0xffff;
	v60 =	vor.u32 s23, v14  }
0x14b: {  	s20 =	simm.s32 $0x10;
	v54 =	vld.idx.msk [tilespmem:v54+s17+$0x0], $0xffff;
	v46 =	vadd.f32 v46, v26;
	v52 =	vmul.f32 $8.000000000e+00, v52;
	v62 =	vmul.f32 $8.000000000e+00, v56;
	[tilespmem:s22+$0x360] =	vst v47  }
0x14c: {  	v27 =	vor.u32 s20, v18;
	v61 =	vadd.f32 v5, v24;
	v43 =	vmul.f32 $8.000000000e+00, v43;
	[tilespmem:s22+$0xFFFFFFB0] =	vst v4;
	v56 =	vld.idx.msk [tilespmem:v57+s17+$0x0], $0xffff  }
0x14d: {  	v47 =	vor.u32 s15, v14;
	[tilespmem:s22+$0x30] =	vst v46;
	v63 =	vadd.f32 v52, v22;
	v4 =	vadd.f32 v62, v19;
	v57 =	vld.idx.msk [tilespmem:v59+s17+$0x0], $0xffff  }
0x14e: {  	v59 =	vor.u32 s26, v14;
	v48 =	vmul.f32 $8.000000000e+00, v48;
	v52 =	vld.idx.msk [tilespmem:v58+s17+$0x0], $0xffff;
	[tilespmem:s22+$0xB0] =	vst v61;
	v43 =	vadd.f32 v43, v21  }
0x14f: {  	v38 =	vor.u32 s28, v11;
	v58 =	vor.u32 s13, v14;
	v5 =	vmul.f32 $8.000000000e+00, v51;
	v51 =	vld.idx.msk [tilespmem:v53+s17+$0x0], $0xffff;
	[tilespmem:s22+$0x1B0] =	vst v4  }
0x150: {  	v61 =	vor.u32 s6, v14;
	v4 =	vmul.f32 $8.000000000e+00, v54;
	v46 =	vadd.f32 v48, v20;
	v48 =	vld.idx.msk [tilespmem:v60+s17+$0x0], $0xffff;
	[tilespmem:s22+$0xFFFFFC40] =	vst v43  }
0x151: {  	v53 =	vor.u32 s10, v14;
	[tilespmem:s22+$0x130] =	vst v63;
	v63 =	vadd.f32 v5, v23;
	v5 =	vmul.f32 $8.000000000e+00, v55;
	v39 =	vld.idx.msk [tilespmem:v39+s17+$0x0], $0xffff  }
0x152: {  	v60 =	vor.u32 s12, v14;
	v50 =	vadd.f32 v4, v25;
	v47 =	vld.idx.msk [tilespmem:v47+s17+$0x0], $0xffff;
	[tilespmem:s22+$0x230] =	vst v46;
	v62 =	vmul.f32 $8.000000000e+00, v56  }
0x153: {  	[tilespmem:s22+$0x2B0] =	vst v63;
	v54 =	vadd.f32 v5, v32;
	v46 =	vld.idx.msk [tilespmem:v59+s17+$0x0], $0xffff;
	v59 =	vor.u32 s1, v14;
	v63 =	vmul.f32 $8.000000000e+00, v57  }
0x154: {  	v57 =	vld.idx.msk [tilespmem:v58+s17+$0x0], $0xffff;
	v58 =	vor.u32 s3, v14;
	v52 =	vmul.f32 $8.000000000e+00, v52;
	[tilespmem:s22+$0x3B0] =	vst v50;
	v41 =	vadd.f32 v62, v41  }
0x155: {  	v5 =	vmul.f32 $8.000000000e+00, v51;
	v55 =	vld.idx.msk [tilespmem:v61+s17+$0x0], $0xffff;
	v61 =	vor.u32 s25, v13;
	[tilespmem:s22+$0xFFFFFCC0] =	vst v54;
	v4 =	vadd.f32 v63, v35  }
0x156: {  	v53 =	vld.idx.msk [tilespmem:v53+s17+$0x0], $0xffff;
	v54 =	vor.u32 s0, v14;
	v52 =	vadd.f32 v52, v34;
	v48 =	vmul.f32 $8.000000000e+00, v48;
	[tilespmem:s22+$0x370] =	vst v41  }
0x157: {  	v51 =	vld.idx.msk [tilespmem:v60+s17+$0x0], $0xffff;
	v60 =	vor.u32 s28, v13;
	v62 =	vadd.f32 v5, v33;
	v39 =	vmul.f32 $8.000000000e+00, v39;
	[tilespmem:s22+$0xFFFFFD40] =	vst v4  }
0x158: {  	v63 =	vor.u32 s24, v13;
	v47 =	vmul.f32 $8.000000000e+00, v47;
	[tilespmem:s22+$0xFFFFFDC0] =	vst v52;
	v48 =	vadd.f32 v48, v31;
	v50 =	vld.idx.msk [tilespmem:v59+s17+$0x0], $0xffff  }
0x159: {  	v5 =	vor.u32 s23, v13;
	[tilespmem:s22+$0xFFFFFE40] =	vst v62;
	v46 =	vmul.f32 $8.000000000e+00, v46;
	v58 =	vld.idx.msk [tilespmem:v58+s17+$0x0], $0xffff;
	v39 =	vadd.f32 v39, v21  }
0x15a: {  	v37 =	vor.u32 s25, v11;
	v57 =	vmul.f32 $8.000000000e+00, v57;
	v41 =	vld.idx.msk [tilespmem:v61+s17+$0x0], $0xffff;
	v47 =	vadd.f32 v47, v30;
	[tilespmem:s22+$0xFFFFFEC0] =	vst v48  }
0x15b: {  	v4 =	vor.u32 s21, v13;
	v53 =	vmul.f32 $8.000000000e+00, v53;
	v54 =	vld.idx.msk [tilespmem:v54+s17+$0x0], $0xffff;
	v46 =	vadd.f32 v46, v29;
	[tilespmem:s22+$0xFFFFFC50] =	vst v39  }
0x15c: {  	v61 =	vor.u32 s26, v13;
	v55 =	vmul.f32 $8.000000000e+00, v55;
	v56 =	vld.idx.msk [tilespmem:v60+s17+$0x0], $0xffff;
	v57 =	vadd.f32 v57, v26;
	[tilespmem:s22+$0xFFFFFF40] =	vst v47  }
0x15d: {  	v62 =	vor.u32 s13, v13;
	v51 =	vmul.f32 $8.000000000e+00, v51;
	v53 =	vadd.f32 v53, v24;
	v52 =	vld.idx.msk [tilespmem:v63+s17+$0x0], $0xffff;
	[tilespmem:s22+$0xFFFFFFC0] =	vst v46  }
0x15e: {  	v60 =	vor.u32 s15, v13;
	v55 =	vadd.f32 v55, v19;
	v48 =	vld.idx.msk [tilespmem:v5+s17+$0x0], $0xffff;
	[tilespmem:s22+$0x40] =	vst v57;
	v50 =	vmul.f32 $8.000000000e+00, v50  }
0x15f: {  	v63 =	vor.u32 s10, v13;
	v36 =	vld.idx.msk [tilespmem:v36+s17+$0x0], $0xffff;
	v51 =	vadd.f32 v51, v22;
	[tilespmem:s22+$0xC0] =	vst v53;
	v58 =	vmul.f32 $8.000000000e+00, v58  }
0x160: {  	v5 =	vor.u32 s6, v13;
	v49 =	vld.idx.msk [tilespmem:v4+s17+$0x0], $0xffff;
	[tilespmem:s22+$0x1C0] =	vst v55;
	v41 =	vmul.f32 $8.000000000e+00, v41;
	v50 =	vadd.f32 v50, v20  }
0x161: {  	v4 =	vor.u32 s12, v13;
	v46 =	vld.idx.msk [tilespmem:v61+s17+$0x0], $0xffff;
	[tilespmem:s22+$0x140] =	vst v51;
	v54 =	vmul.f32 $8.000000000e+00, v54;
	v58 =	vadd.f32 v58, v23  }
0x162: {  	v57 =	vld.idx.msk [tilespmem:v62+s17+$0x0], $0xffff;
	v61 =	vor.u32 s3, v13;
	v56 =	vmul.f32 $8.000000000e+00, v56;
	v41 =	vadd.f32 v41, v35;
	[tilespmem:s22+$0x240] =	vst v50  }
0x163: {  	v62 =	vor.u32 s0, v13;
	v47 =	vld.idx.msk [tilespmem:v60+s17+$0x0], $0xffff;
	v52 =	vmul.f32 $8.000000000e+00, v52;
	v54 =	vadd.f32 v54, v25;
	[tilespmem:s22+$0x2C0] =	vst v58  }
0x164: {  	v60 =	vor.u32 s1, v13;
	v53 =	vld.idx.msk [tilespmem:v63+s17+$0x0], $0xffff;
	v48 =	vmul.f32 $8.000000000e+00, v48;
	v56 =	vadd.f32 v56, v32;
	[tilespmem:s22+$0xFFFFFD50] =	vst v41  }
0x165: {  	v40 =	vor.u32 s24, v11;
	v55 =	vld.idx.msk [tilespmem:v5+s17+$0x0], $0xffff;
	v36 =	vmul.f32 $8.000000000e+00, v36;
	v52 =	vadd.f32 v52, v34;
	[tilespmem:s22+$0x3C0] =	vst v54  }
0x166: {  	v63 =	vor.u32 s28, v12;
	v49 =	vmul.f32 $8.000000000e+00, v49;
	v51 =	vld.idx.msk [tilespmem:v4+s17+$0x0], $0xffff;
	v48 =	vadd.f32 v48, v31;
	[tilespmem:s22+$0xFFFFFCD0] =	vst v56  }
0x167: {  	v5 =	vor.u32 s24, v12;
	v46 =	vmul.f32 $8.000000000e+00, v46;
	v58 =	vld.idx.msk [tilespmem:v61+s17+$0x0], $0xffff;
	v36 =	vadd.f32 v36, v21;
	[tilespmem:s22+$0xFFFFFDD0] =	vst v52  }
0x168: {  	v4 =	vor.u32 s25, v12;
	v57 =	vmul.f32 $8.000000000e+00, v57;
	v49 =	vadd.f32 v49, v33;
	[tilespmem:s22+$0xFFFFFED0] =	vst v48;
	v54 =	vld.idx.msk [tilespmem:v62+s17+$0x0], $0xffff  }
0x169: {  	v47 =	vmul.f32 $8.000000000e+00, v47;
	v50 =	vld.idx.msk [tilespmem:v60+s17+$0x0], $0xffff;
	v60 =	vor.u32 s21, v12;
	v46 =	vadd.f32 v46, v29;
	[tilespmem:s22+$0xFFFFFC60] =	vst v36  }
0x16a: {  	v61 =	vor.u32 s23, v12;
	v53 =	vmul.f32 $8.000000000e+00, v53;
	v57 =	vadd.f32 v57, v26;
	[tilespmem:s22+$0xFFFFFE50] =	vst v49  }
0x16b: {  	v62 =	vor.u32 s15, v12;
	v56 =	vld.idx.msk [tilespmem:v63+s17+$0x0], $0xffff;
	v55 =	vmul.f32 $8.000000000e+00, v55;
	v47 =	vadd.f32 v47, v30;
	[tilespmem:s22+$0xFFFFFFD0] =	vst v46  }
0x16c: {  	v63 =	vor.u32 s26, v12;
	v52 =	vld.idx.msk [tilespmem:v5+s17+$0x0], $0xffff;
	v51 =	vmul.f32 $8.000000000e+00, v51;
	v53 =	vadd.f32 v53, v24;
	[tilespmem:s22+$0x50] =	vst v57  }
0x16d: {  	v41 =	vld.idx.msk [tilespmem:v4+s17+$0x0], $0xffff;
	v4 =	vor.u32 s13, v12;
	v55 =	vadd.f32 v55, v19;
	v58 =	vmul.f32 $8.000000000e+00, v58;
	[tilespmem:s22+$0xFFFFFF50] =	vst v47  }
0x16e: {  	v5 =	vor.u32 s10, v12;
	v51 =	vadd.f32 v51, v22;
	[tilespmem:s22+$0xD0] =	vst v53;
	v54 =	vmul.f32 $8.000000000e+00, v54;
	v49 =	vld.idx.msk [tilespmem:v60+s17+$0x0], $0xffff  }
0x16f: {  	v48 =	vld.idx.msk [tilespmem:v61+s17+$0x0], $0xffff;
	[tilespmem:s22+$0x1D0] =	vst v55;
	v50 =	vmul.f32 $8.000000000e+00, v50;
	v60 =	vor.u32 s12, v12;
	v58 =	vadd.f32 v58, v23  }
0x170: {  	v61 =	vor.u32 s6, v12;
	v47 =	vld.idx.msk [tilespmem:v62+s17+$0x0], $0xffff;
	v56 =	vmul.f32 $8.000000000e+00, v56;
	[tilespmem:s22+$0x150] =	vst v51;
	v54 =	vadd.f32 v54, v25  }
0x171: {  	v46 =	vld.idx.msk [tilespmem:v63+s17+$0x0], $0xffff;
	v62 =	vor.u32 s1, v12;
	v52 =	vmul.f32 $8.000000000e+00, v52;
	v50 =	vadd.f32 v50, v20;
	[tilespmem:s22+$0x2D0] =	vst v58  }
0x172: {  	v41 =	vmul.f32 $8.000000000e+00, v41;
	v57 =	vld.idx.msk [tilespmem:v4+s17+$0x0], $0xffff;
	v58 =	vor.u32 s3, v12;
	v63 =	vadd.f32 v56, v32;
	[tilespmem:s22+$0x3D0] =	vst v54  }
0x173: {  	v42 =	vor.u32 s21, v11;
	v53 =	vld.idx.msk [tilespmem:v5+s17+$0x0], $0xffff;
	v4 =	vadd.f32 v52, v34;
	[tilespmem:s22+$0x250] =	vst v50;
	v49 =	vmul.f32 $8.000000000e+00, v49  }
0x174: {  	v54 =	vor.u32 s0, v12;
	v48 =	vmul.f32 $8.000000000e+00, v48;
	v41 =	vadd.f32 v41, v35;
	[tilespmem:s22+$0xFFFFFCE0] =	vst v63;
	v51 =	vld.idx.msk [tilespmem:v60+s17+$0x0], $0xffff  }
0x175: {  	v44 =	vor.u32 s23, v11;
	v55 =	vld.idx.msk [tilespmem:v61+s17+$0x0], $0xffff;
	[tilespmem:s22+$0xFFFFFDE0] =	vst v4;
	v47 =	vmul.f32 $8.000000000e+00, v47;
	v5 =	vadd.f32 v49, v33  }
0x176: {  	v45 =	vor.u32 s15, v11;
	v50 =	vld.idx.msk [tilespmem:v62+s17+$0x0], $0xffff;
	v46 =	vmul.f32 $8.000000000e+00, v46;
	[tilespmem:s22+$0xFFFFFD60] =	vst v41;
	v49 =	vadd.f32 v48, v31  }
0x177: {  	v43 =	vor.u32 s26, v11;
	v58 =	vld.idx.msk [tilespmem:v58+s17+$0x0], $0xffff;
	v62 =	vadd.f32 v47, v30;
	v63 =	vmul.f32 $8.000000000e+00, v57;
	[tilespmem:s22+$0xFFFFFE60] =	vst v5  }
0x178: {  	v59 =	vor.u32 s12, v11;
	v39 =	vadd.f32 v46, v29;
	v48 =	vmul.f32 $8.000000000e+00, v53;
	v37 =	vld.idx.msk [tilespmem:v37+s17+$0x0], $0xffff;
	[tilespmem:s22+$0xFFFFFEE0] =	vst v49  }
0x179: {  	v56 =	vor.u32 s13, v11;
	v54 =	vld.idx.msk [tilespmem:v54+s17+$0x0], $0xffff;
	[tilespmem:s22+$0xFFFFFF60] =	vst v62;
	v4 =	vadd.f32 v63, v26;
	v5 =	vmul.f32 $8.000000000e+00, v51  }
0x17a: {  	v52 =	vor.u32 s10, v11;
	v38 =	vld.idx.msk [tilespmem:v38+s17+$0x0], $0xffff;
	[tilespmem:s22+$0xFFFFFFE0] =	vst v39;
	v62 =	vadd.f32 v48, v24;
	v63 =	vmul.f32 $8.000000000e+00, v55  }
0x17b: {  	v61 =	vor.u32 s0, v11;
	v55 =	vld.idx.msk [tilespmem:v40+s17+$0x0], $0xffff;
	[tilespmem:s22+$0x60] =	vst v4;
	v4 =	vadd.f32 v5, v22;
	v5 =	vmul.f32 $8.000000000e+00, v50  }
0x17c: {  	v60 =	vor.u32 s6, v11;
	s6 =	simm.s32 $0x16;
	v44 =	vld.idx.msk [tilespmem:v44+s17+$0x0], $0xffff;
	[tilespmem:s22+$0xE0] =	vst v62;
	v62 =	vadd.f32 v63, v19;
	v63 =	vmul.f32 $8.000000000e+00, v58  }
0x17d: {  	v41 =	vor.u32 s6, v18;
	v45 =	vld.idx.msk [tilespmem:v45+s17+$0x0], $0xffff;
	v37 =	vmul.f32 $8.000000000e+00, v37;
	[tilespmem:s22+$0x160] =	vst v4;
	v4 =	vadd.f32 v5, v20  }
0x17e: {  	v57 =	vor.u32 s1, v11;
	v50 =	vld.idx.msk [tilespmem:v42+s17+$0x0], $0xffff;
	[tilespmem:s22+$0x1E0] =	vst v62;
	v62 =	vmul.f32 $8.000000000e+00, v54;
	v5 =	vadd.f32 v63, v23  }
0x17f: {  	s31 =	simm.s32 $0x11;
	v53 =	vor.u32 s3, v11;
	v38 =	vmul.f32 $8.000000000e+00, v38;
	v56 =	vld.idx.msk [tilespmem:v56+s17+$0x0], $0xffff;
	v37 =	vadd.f32 v37, v35;
	[tilespmem:s22+$0x260] =	vst v4  }
0x180: {  	s0 =	simm.s32 $0x12;
	v46 =	vor.u32 s31, v18;
	s1 =	simm.s32 $0x14;
	v58 =	vld.idx.msk [tilespmem:v52+s17+$0x0], $0xffff;
	v63 =	vadd.f32 v62, v25;
	[tilespmem:s22+$0x2E0] =	vst v5;
	v5 =	vmul.f32 $8.000000000e+00, v55  }
0x181: {  	s12 =	simm.s32 $0x17;
	s3 =	simm.s32 $0x13;
	v47 =	vor.u32 s1, v18;
	v49 =	vor.u32 s0, v18;
	v54 =	vld.idx.msk [tilespmem:v43+s17+$0x0], $0xffff;
	v4 =	vadd.f32 v38, v32;
	[tilespmem:s22+$0xFFFFFD70] =	vst v37  }
0x182: {  	s25 =	simm.s32 $0x18;
	s10 =	simm.s32 $0x15;
	v48 =	vor.u32 s3, v18;
	v40 =	vor.u32 s12, v18;
	v51 =	vld.idx.msk [tilespmem:v59+s17+$0x0], $0xffff;
	[tilespmem:s22+$0x3E0] =	vst v63;
	v38 =	vadd.f32 v5, v34  }
0x183: {  	s24 =	simm.s32 $0x1A;
	s26 =	simm.s32 $0x1B;
	v39 =	vor.u32 s25, v18;
	v42 =	vor.u32 s10, v18;
	v50 =	vmul.f32 $8.000000000e+00, v50;
	v36 =	vld.idx.msk [tilespmem:v57+s17+$0x0], $0xffff;
	[tilespmem:s22+$0xFFFFFCF0] =	vst v4  }
0x184: {  	s29 =	simm.s32 $0x1C;
	v43 =	vor.u32 s26, v18;
	v35 =	vor.u32 s24, v18;
	v62 =	vmul.f32 $8.000000000e+00, v44;
	v37 =	vld.idx.msk [tilespmem:v53+s17+$0x0], $0xffff;
	[tilespmem:s22+$0xFFFFFDF0] =	vst v38  }
0x185: {  	s23 =	simm.s32 $0x19;
	s21 =	sshll.u32 s2, $0x1;
	v44 =	vor.u32 s29, v18;
	v63 =	vmul.f32 $8.000000000e+00, v45;
	v34 =	vld.idx.msk [tilespmem:v60+s17+$0x0], $0xffff;
	v33 =	vadd.f32 v50, v33;
	[dreg:$0xc] =	wrdreg s2  }
0x186: {  	s30 =	simm.s32 $0x1D;
	v32 =	vor.u32 s23, v18;
	v31 =	vadd.f32 v62, v31;
	v54 =	vmul.f32 $8.000000000e+00, v54;
	[dreg:$0xe] =	wrdreg s21  }
0x187: {  	s28 =	simm.s32 $0x1F;
	v45 =	vor.u32 s30, v18;
	v52 =	vadd.f32 v63, v30;
	v38 =	vld.idx.msk [tilespmem:v28+s17+$0x0], $0xffff;
	[tilespmem:s22+$0xFFFFFE70] =	vst v33;
	v33 =	vmul.f32 $8.000000000e+00, v56  }
0x188: {  	s5 =	sadd.s32 $0x10, s9;
	s15 =	simm.s32 $0x20;
	s13 =	simm.s32 $0x12F00;
	v30 =	vmul.f32 $8.000000000e+00, v58;
	v28 =	vor.u32 s28, v18;
	[tilespmem:s22+$0xFFFFFEF0] =	vst v31;
	v31 =	vadd.f32 v54, v29;
	v29 =	vld.idx.msk [tilespmem:v61+s17+$0x0], $0xffff  }
.LBB2_3:
0x189: {  	p1 =	slt.u32 s15, $0x30;
	v50 =	vmov s5;
	v27 =	vld.idx.msk [tilespmem:v27+s17+$0x0], $0xffff;
	s16 =	sadd.s32 $0x1, s5;
	s7 =	sadd.s32 $0xE, s5;
	[tilespmem:s22+$0xFFFFFF70] =	vst v52;
	v26 =	vadd.f32 v33, v26;
	v33 =	vmul.f32 $8.000000000e+00, v51  }
0x18a: {  	s18 =	sadd.s32 $0x2, s5;
	s21 =	sadd.s32 $0x3, s5;
	v50 =	vand.u32 $0xFFFFFFF0, v50;
	v51 =	vmov s16;
	v46 =	vld.idx.msk [tilespmem:v46+s17+$0x0], $0xffff;
	v52 =	vmov s7;
	s16 =	sadd.s32 $0xE, s20;
	[tilespmem:s22+$0xFFFFFFF0] =	vst v31  }
0x18b: {  	s11 =	sadd.s32 $0x6, s5;
	v31 =	vmov s18;
	s7 =	sadd.s32 $0x4, s5;
	s18 =	sadd.s32 $0x5, s5;
	v49 =	vld.idx.msk [tilespmem:v49+s17+$0x0], $0xffff;
	v52 =	vand.u32 $0xFFFFFFFE, v52;
	v53 =	vor.u32 s16, v18;
	[tilespmem:s22+$0x70] =	vst v26  }
0x18c: {  	s2 =	sadd.s32 $0x9, s5;
	v26 =	vmov s21;
	v54 =	vmov s7;
	s7 =	sadd.s32 $0x7, s5;
	s21 =	sadd.s32 $0x8, s5;
	v48 =	vld.idx.msk [tilespmem:v48+s17+$0x0], $0xffff;
	v52 =	vbroadcast v52, $0x0  }
0x18d: {  	v56 =	vmov s11;
	s11 =	sadd.s32 $0xB, s5;
	v55 =	vmov s18;
	s18 =	sadd.s32 $0xC, s5;
	v57 =	vmov s7;
	s7 =	sadd.s32 $0xA, s5;
	v47 =	vld.idx.msk [tilespmem:v47+s17+$0x0], $0xffff  }
0x18e: {  	v59 =	vmov s2;
	s2 =	sadd.s32 $0xD, s5;
	s5 =	sadd.s32 $0xF, s5;
	v60 =	vmov s7;
	v58 =	vld.idx.msk [tilespmem:v42+s17+$0x0], $0xffff;
	v42 =	vmov s21  }
0x18f: {  	v62 =	vmov s11;
	v3 =	vmov s2;
	v63 =	vmov s18;
	v61 =	vld.idx.msk [tilespmem:v41+s17+$0x0], $0xffff  }
0x190: {  	v51 =	vand.u32 $0xFFFFFFF1, v51;
	v31 =	vand.u32 $0xFFFFFFF2, v31;
	v26 =	vand.u32 $0xFFFFFFF3, v26;
	v53 =	vld.idx.msk [tilespmem:v53+s17+$0x0], $0xffff  }
0x191: {  	v56 =	vand.u32 $0xFFFFFFF6, v56;
	v54 =	vand.u32 $0xFFFFFFF4, v54;
	v55 =	vand.u32 $0xFFFFFFF5, v55;
	v40 =	vld.idx.msk [tilespmem:v40+s17+$0x0], $0xffff  }
0x192: {  	v59 =	vand.u32 $0xFFFFFFF9, v59;
	v57 =	vand.u32 $0xFFFFFFF7, v57;
	v42 =	vand.u32 $0xFFFFFFF8, v42;
	v41 =	vld.idx.msk [tilespmem:v52+s14+$0x0], $0xffff  }
0x193: {  	v52 =	vand.u32 $0xFFFFFFFA, v60;
	v60 =	vand.u32 $0xFFFFFFFB, v62;
	v62 =	vand.u32 $0xFFFFFFFC, v63;
	v39 =	vld.idx.msk [tilespmem:v39+s17+$0x0], $0xffff  }
0x194: {  	v51 =	vbroadcast v51, $0x0;
	v31 =	vbroadcast v31, $0x0;
	v3 =	vand.u32 $0xFFFFFFFD, v3;
	v63 =	vld.idx.msk [tilespmem:v32+s17+$0x0], $0xffff  }
0x195: {  	v26 =	vbroadcast v26, $0x0;
	v54 =	vbroadcast v54, $0x0;
	v5 =	vmov s5;
	v4 =	vld.idx.msk [tilespmem:v35+s17+$0x0], $0xffff  }
0x196: {  	v55 =	vbroadcast v55, $0x0;
	v32 =	vmul.f32 $8.000000000e+00, v53;
	v35 =	vor.u32 s16, v17;
	v43 =	vld.idx.msk [tilespmem:v43+s17+$0x0], $0xffff  }
0x197: {  	v24 =	vadd.f32 v30, v24;
	v53 =	vbroadcast v56, $0x0;
	v56 =	vbroadcast v57, $0x0;
	v57 =	vld.idx.msk [tilespmem:v44+s17+$0x0], $0xffff  }
0x198: {  	v59 =	vbroadcast v59, $0x0;
	v44 =	vbroadcast v42, $0x0;
	v30 =	vadd.f32 v32, v41;
	v6 =	vld.idx.msk [tilespmem:v45+s17+$0x0], $0xffff  }
0x199: {  	v22 =	vadd.f32 v33, v22;
	s22 =	sadd.s32 $0x800, s22;
	v52 =	vbroadcast v52, $0x0;
	v60 =	vbroadcast v60, $0x0;
	v7 =	vld.idx.msk [tilespmem:v28+s17+$0x0], $0xffff;
	[tilespmem:s13+$0xF0] =	vst v24  }
0x19a: {  	v3 =	vbroadcast v3, $0x0;
	v32 =	vld.idx.msk [tilespmem:v51+s14+$0x0], $0xffff;
	v51 =	vbroadcast v62, $0x0;
	[tilespmem:s22+$0x300] =	vst v30  }
0x19b: {  	v50 =	vbroadcast v50, $0x0;
	v24 =	vld.idx.msk [tilespmem:v35+s17+$0x0], $0xffff;
	[tilespmem:s13+$0x170] =	vst v22;
	v22 =	vmul.f32 $8.000000000e+00, v34  }
0x19c: {  	v28 =	vor.u32 s20, v11;
	v30 =	vmul.f32 $8.000000000e+00, v36;
	v35 =	vld.idx.msk [tilespmem:v31+s14+$0x0], $0xffff;
	v31 =	vmul.f32 $8.000000000e+00, v37  }
0x19d: {  	v34 =	vld.idx.msk [tilespmem:v26+s14+$0x0], $0xffff;
	v26 =	vmul.f32 $8.000000000e+00, v38;
	v19 =	vadd.f32 v22, v19;
	v22 =	vmul.f32 $8.000000000e+00, v29  }
0x19e: {  	v20 =	vadd.f32 v30, v20;
	v29 =	vmul.f32 $8.000000000e+00, v46;
	v33 =	vld.idx.msk [tilespmem:v54+s14+$0x0], $0xffff;
	v23 =	vadd.f32 v31, v23  }
0x19f: {  	v36 =	vor.u32 s20, v12;
	v30 =	vld.idx.msk [tilespmem:v55+s14+$0x0], $0xffff;
	v21 =	vadd.f32 v26, v21;
	[tilespmem:s13+$0x1F0] =	vst v19;
	v46 =	vadd.f32 v22, v25  }
0x1a0: {  	v37 =	vor.u32 s20, v13;
	v19 =	vadd.f32 v29, v32;
	v22 =	vmul.f32 $8.000000000e+00, v49;
	v31 =	vld.idx.msk [tilespmem:v53+s14+$0x0], $0xffff;
	[tilespmem:s13+$0x270] =	vst v20  }
0x1a1: {  	v38 =	vor.u32 s16, v16;
	v20 =	vmul.f32 $8.000000000e+00, v48;
	v25 =	vmul.f32 $8.000000000e+00, v24;
	v29 =	vld.idx.msk [tilespmem:v56+s14+$0x0], $0xffff;
	[tilespmem:s13+$0x2F0] =	vst v23  }
0x1a2: {  	v42 =	vor.u32 s20, v14;
	[tilespmem:s22+$0xFFFFFC80] =	vst v19;
	v19 =	vadd.f32 v22, v35;
	v22 =	vmul.f32 $8.000000000e+00, v47;
	v26 =	vld.idx.msk [tilespmem:v44+s14+$0x0], $0xffff  }
0x1a3: {  	v23 =	vmul.f32 $8.000000000e+00, v58;
	v20 =	vadd.f32 v20, v34;
	v25 =	vadd.f32 v25, v41;
	v24 =	vld.idx.msk [tilespmem:v59+s14+$0x0], $0xffff;
	[tilespmem:s13+$0xFFFFFC70] =	vst v21  }
0x1a4: {  	v45 =	vor.u32 s20, v15;
	v47 =	vmul.f32 $8.000000000e+00, v61;
	[tilespmem:s22+$0xFFFFFD00] =	vst v19;
	v21 =	vadd.f32 v22, v33;
	v22 =	vld.idx.msk [tilespmem:v52+s14+$0x0], $0xffff  }
0x1a5: {  	v40 =	vmul.f32 $8.000000000e+00, v40;
	v44 =	vor.u32 s20, v16;
	v23 =	vadd.f32 v23, v30;
	v19 =	vld.idx.msk [tilespmem:v60+s14+$0x0], $0xffff;
	[tilespmem:s22+$0x310] =	vst v25  }
0x1a6: {  	v39 =	vmul.f32 $8.000000000e+00, v39;
	v48 =	vor.u32 s31, v17;
	v25 =	vadd.f32 v47, v31;
	[tilespmem:s22+$0xFFFFFD80] =	vst v20;
	v38 =	vld.idx.msk [tilespmem:v38+s17+$0x0], $0xffff  }
0x1a7: {  	v49 =	vmul.f32 $8.000000000e+00, v63;
	v47 =	vor.u32 s0, v17;
	v40 =	vadd.f32 v40, v29;
	[tilespmem:s22+$0xFFFFFE00] =	vst v21;
	v20 =	vld.idx.msk [tilespmem:v51+s14+$0x0], $0xffff  }
0x1a8: {  	v4 =	vmul.f32 $8.000000000e+00, v4;
	v51 =	vor.u32 s3, v17;
	v39 =	vadd.f32 v39, v26;
	[tilespmem:s22+$0xFFFFFE80] =	vst v23;
	v23 =	vld.idx.msk [tilespmem:v3+s14+$0x0], $0xffff  }
0x1a9: {  	v43 =	vmul.f32 $8.000000000e+00, v43;
	v3 =	vor.u32 s1, v17;
	v49 =	vadd.f32 v49, v24;
	v21 =	vld.idx.msk [tilespmem:v50+s14+$0x0], $0xffff;
	[tilespmem:s22+$0xFFFFFF00] =	vst v25  }
0x1aa: {  	v52 =	vor.u32 s6, v17;
	v50 =	vor.u32 s10, v17;
	v4 =	vadd.f32 v4, v22;
	[tilespmem:s22+$0xFFFFFF80] =	vst v40;
	v25 =	vld.idx.msk [tilespmem:v5+s14+$0x0], $0xffff  }
0x1ab: {  	v40 =	vor.u32 s12, v17;
	v5 =	vld.idx.msk [tilespmem:v48+s17+$0x0], $0xffff;
	[tilespmem:s22+$0x0] =	vst v39;
	v39 =	vadd.f32 v43, v19;
	v43 =	vmul.f32 $8.000000000e+00, v57  }
0x1ac: {  	v6 =	vmul.f32 $8.000000000e+00, v6;
	v38 =	vmul.f32 $8.000000000e+00, v38;
	v48 =	vor.u32 s16, v15;
	v47 =	vld.idx.msk [tilespmem:v47+s17+$0x0], $0xffff;
	[tilespmem:s22+$0x80] =	vst v49  }
0x1ad: {  	v27 =	vmul.f32 $8.000000000e+00, v27;
	v49 =	vld.idx.msk [tilespmem:v51+s17+$0x0], $0xffff;
	v51 =	vor.u32 s25, v17;
	[tilespmem:s22+$0x100] =	vst v4;
	v4 =	vadd.f32 v43, v20  }
0x1ae: {  	v7 =	vmul.f32 $8.000000000e+00, v7;
	v6 =	vadd.f32 v6, v23;
	v38 =	vadd.f32 v38, v41;
	v3 =	vld.idx.msk [tilespmem:v3+s17+$0x0], $0xffff;
	[tilespmem:s22+$0x180] =	vst v39  }
0x1af: {  	v54 =	vor.u32 s23, v17;
	v53 =	vor.u32 s20, v17;
	s20 =	smov.u32 s15;
	v43 =	vadd.f32 v27, v21;
	v50 =	vld.idx.msk [tilespmem:v50+s17+$0x0], $0xffff;
	[tilespmem:s22+$0x200] =	vst v4  }
0x1b0: {  	v27 =	vor.u32 s15, v18;
	v7 =	vadd.f32 v7, v25;
	v4 =	vld.idx.msk [tilespmem:v52+s17+$0x0], $0xffff;
	v52 =	vor.u32 s24, v17;
	[tilespmem:s22+$0x320] =	vst v38  }
0x1b1: {  	v55 =	vor.u32 s26, v17;
	v39 =	vor.u32 s31, v11;
	v5 =	vmul.f32 $8.000000000e+00, v5;
	[tilespmem:s22+$0x280] =	vst v6;
	v6 =	vld.idx.msk [tilespmem:v48+s17+$0x0], $0xffff  }
0x1b2: {  	v38 =	vor.u32 s0, v11;
	v48 =	vor.u32 s29, v17;
	[tilespmem:s22+$0xFFFFFC00] =	vst v43;
	v43 =	vmul.f32 $8.000000000e+00, v47;
	v47 =	vld.idx.msk [tilespmem:v40+s17+$0x0], $0xffff  }
0x1b3: {  	v56 =	vor.u32 s30, v17;
	v5 =	vadd.f32 v5, v32;
	v49 =	vmul.f32 $8.000000000e+00, v49;
	v51 =	vld.idx.msk [tilespmem:v51+s17+$0x0], $0xffff;
	[tilespmem:s22+$0x380] =	vst v7  }
0x1b4: {  	v40 =	vor.u32 s3, v11;
	v3 =	vmul.f32 $8.000000000e+00, v3;
	v7 =	vadd.f32 v43, v35;
	v43 =	vld.idx.msk [tilespmem:v54+s17+$0x0], $0xffff;
	[tilespmem:s13+$0x3F0] =	vst v46;
	s13 =	smov.u32 s22  }
0x1b5: {  	v46 =	vmul.f32 $8.000000000e+00, v50;
	v50 =	vor.u32 s28, v17;
	[tilespmem:s22+$0xFFFFFC90] =	vst v5;
	v5 =	vadd.f32 v49, v34;
	v49 =	vld.idx.msk [tilespmem:v52+s17+$0x0], $0xffff  }
0x1b6: {  	v52 =	vor.u32 s31, v16;
	v3 =	vadd.f32 v3, v33;
	v4 =	vmul.f32 $8.000000000e+00, v4;
	[tilespmem:s22+$0xFFFFFD10] =	vst v7;
	v7 =	vld.idx.msk [tilespmem:v55+s17+$0x0], $0xffff  }
0x1b7: {  	v6 =	vmul.f32 $8.000000000e+00, v6;
	[tilespmem:s22+$0xFFFFFD90] =	vst v5;
	v5 =	vadd.f32 v46, v30;
	v46 =	vld.idx.msk [tilespmem:v48+s17+$0x0], $0xffff;
	v48 =	vor.u32 s16, v14  }
0x1b8: {  	v54 =	vor.u32 s0, v16;
	[tilespmem:s22+$0xFFFFFE10] =	vst v3;
	v3 =	vadd.f32 v4, v31;
	v4 =	vmul.f32 $8.000000000e+00, v47;
	v47 =	vld.idx.msk [tilespmem:v56+s17+$0x0], $0xffff  }
0x1b9: {  	v55 =	vor.u32 s3, v16;
	v6 =	vadd.f32 v6, v41;
	v53 =	vld.idx.msk [tilespmem:v53+s17+$0x0], $0xffff;
	[tilespmem:s22+$0xFFFFFE90] =	vst v5;
	v5 =	vmul.f32 $8.000000000e+00, v51  }
0x1ba: {  	v51 =	vor.u32 s1, v16;
	[tilespmem:s22+$0xFFFFFF10] =	vst v3;
	v3 =	vadd.f32 v4, v29;
	v4 =	vmul.f32 $8.000000000e+00, v43;
	v43 =	vld.idx.msk [tilespmem:v50+s17+$0x0], $0xffff  }
0x1bb: {  	v49 =	vmul.f32 $8.000000000e+00, v49;
	v50 =	vld.idx.msk [tilespmem:v52+s17+$0x0], $0xffff;
	v52 =	vor.u32 s10, v16;
	v5 =	vadd.f32 v5, v26;
	[tilespmem:s22+$0x330] =	vst v6  }
0x1bc: {  	v6 =	vor.u32 s6, v16;
	[tilespmem:s22+$0xFFFFFF90] =	vst v3;
	v3 =	vadd.f32 v4, v24;
	v4 =	vmul.f32 $8.000000000e+00, v7;
	v7 =	vld.idx.msk [tilespmem:v48+s17+$0x0], $0xffff  }
0x1bd: {  	v46 =	vmul.f32 $8.000000000e+00, v46;
	v48 =	vld.idx.msk [tilespmem:v54+s17+$0x0], $0xffff;
	v54 =	vor.u32 s12, v16;
	[tilespmem:s22+$0x10] =	vst v5;
	v5 =	vadd.f32 v49, v22  }
0x1be: {  	v49 =	vld.idx.msk [tilespmem:v55+s17+$0x0], $0xffff;
	v55 =	vor.u32 s25, v16;
	[tilespmem:s22+$0x90] =	vst v3;
	v3 =	vadd.f32 v4, v19;
	v4 =	vmul.f32 $8.000000000e+00, v47  }
0x1bf: {  	v47 =	vmul.f32 $8.000000000e+00, v53;
	v53 =	vor.u32 s23, v16;
	v51 =	vld.idx.msk [tilespmem:v51+s17+$0x0], $0xffff;
	[tilespmem:s22+$0x110] =	vst v5;
	v5 =	vadd.f32 v46, v20  }
0x1c0: {  	v46 =	vld.idx.msk [tilespmem:v52+s17+$0x0], $0xffff;
	v52 =	vor.u32 s24, v16;
	[tilespmem:s22+$0x190] =	vst v3;
	v3 =	vadd.f32 v4, v23;
	v4 =	vmul.f32 $8.000000000e+00, v43  }
0x1c1: {  	v43 =	vadd.f32 v47, v21;
	v47 =	vmul.f32 $8.000000000e+00, v50;
	v50 =	vor.u32 s26, v16;
	v6 =	vld.idx.msk [tilespmem:v6+s17+$0x0], $0xffff;
	[tilespmem:s22+$0x210] =	vst v5  }
0x1c2: {  	v5 =	vld.idx.msk [tilespmem:v54+s17+$0x0], $0xffff;
	[tilespmem:s22+$0x290] =	vst v3;
	v3 =	vmul.f32 $8.000000000e+00, v7;
	v7 =	vor.u32 s16, v13;
	v4 =	vadd.f32 v4, v25  }
0x1c3: {  	v54 =	vor.u32 s29, v16;
	[tilespmem:s22+$0xFFFFFC10] =	vst v43;
	v43 =	vadd.f32 v47, v32;
	v47 =	vmul.f32 $8.000000000e+00, v48;
	v48 =	vld.idx.msk [tilespmem:v55+s17+$0x0], $0xffff  }
0x1c4: {  	v49 =	vmul.f32 $8.000000000e+00, v49;
	v55 =	vor.u32 s30, v16;
	v53 =	vld.idx.msk [tilespmem:v53+s17+$0x0], $0xffff;
	v3 =	vadd.f32 v3, v41;
	[tilespmem:s22+$0x390] =	vst v4  }
0x1c5: {  	[tilespmem:s22+$0xFFFFFCA0] =	vst v43;
	v4 =	vadd.f32 v47, v35;
	v47 =	vmul.f32 $8.000000000e+00, v51;
	v43 =	vor.u32 s1, v11;
	v51 =	vld.idx.msk [tilespmem:v52+s17+$0x0], $0xffff  }
0x1c6: {  	v49 =	vadd.f32 v49, v34;
	v46 =	vmul.f32 $8.000000000e+00, v46;
	v50 =	vld.idx.msk [tilespmem:v50+s17+$0x0], $0xffff;
	[tilespmem:s22+$0x340] =	vst v3;
	v3 =	vor.u32 s28, v16  }
0x1c7: {  	v52 =	vor.u32 s31, v15;
	v6 =	vmul.f32 $8.000000000e+00, v6;
	[tilespmem:s22+$0xFFFFFD20] =	vst v4;
	v4 =	vadd.f32 v47, v33;
	v7 =	vld.idx.msk [tilespmem:v7+s17+$0x0], $0xffff  }
0x1c8: {  	v47 =	vor.u32 s0, v15;
	v46 =	vadd.f32 v46, v30;
	v5 =	vmul.f32 $8.000000000e+00, v5;
	[tilespmem:s22+$0xFFFFFDA0] =	vst v49;
	v49 =	vld.idx.msk [tilespmem:v54+s17+$0x0], $0xffff  }
0x1c9: {  	v54 =	vor.u32 s3, v15;
	[tilespmem:s22+$0xFFFFFE20] =	vst v4;
	v4 =	vadd.f32 v6, v31;
	v6 =	vmul.f32 $8.000000000e+00, v48;
	v48 =	vld.idx.msk [tilespmem:v55+s17+$0x0], $0xffff  }
0x1ca: {  	v55 =	vor.u32 s1, v15;
	v5 =	vadd.f32 v5, v29;
	v44 =	vld.idx.msk [tilespmem:v44+s17+$0x0], $0xffff;
	[tilespmem:s22+$0xFFFFFEA0] =	vst v46;
	v46 =	vmul.f32 $8.000000000e+00, v53  }
0x1cb: {  	v53 =	vor.u32 s10, v15;
	[tilespmem:s22+$0xFFFFFF20] =	vst v4;
	v4 =	vadd.f32 v6, v26;
	v6 =	vmul.f32 $8.000000000e+00, v51;
	v3 =	vld.idx.msk [tilespmem:v3+s17+$0x0], $0xffff  }
0x1cc: {  	v51 =	vld.idx.msk [tilespmem:v52+s17+$0x0], $0xffff;
	v52 =	vor.u32 s6, v15;
	[tilespmem:s22+$0xFFFFFFA0] =	vst v5;
	v5 =	vadd.f32 v46, v24;
	v46 =	vmul.f32 $8.000000000e+00, v50  }
0x1cd: {  	v47 =	vld.idx.msk [tilespmem:v47+s17+$0x0], $0xffff;
	[tilespmem:s22+$0x20] =	vst v4;
	v4 =	vadd.f32 v6, v22;
	v6 =	vmul.f32 $8.000000000e+00, v7;
	v7 =	vor.u32 s16, v12  }
0x1ce: {  	v50 =	vld.idx.msk [tilespmem:v54+s17+$0x0], $0xffff;
	v54 =	vor.u32 s12, v15;
	[tilespmem:s22+$0xA0] =	vst v5;
	v5 =	vadd.f32 v46, v19;
	v46 =	vmul.f32 $8.000000000e+00, v49  }
0x1cf: {  	v49 =	vld.idx.msk [tilespmem:v55+s17+$0x0], $0xffff;
	v55 =	vor.u32 s25, v15;
	[tilespmem:s22+$0x120] =	vst v4;
	v4 =	vmul.f32 $8.000000000e+00, v48;
	v6 =	vadd.f32 v6, v41  }
0x1d0: {  	v44 =	vmul.f32 $8.000000000e+00, v44;
	v48 =	vld.idx.msk [tilespmem:v53+s17+$0x0], $0xffff;
	v53 =	vor.u32 s23, v15;
	[tilespmem:s22+$0x1A0] =	vst v5;
	v5 =	vadd.f32 v46, v20  }
0x1d1: {  	v3 =	vmul.f32 $8.000000000e+00, v3;
	v46 =	vld.idx.msk [tilespmem:v52+s17+$0x0], $0xffff;
	v52 =	vor.u32 s24, v15;
	v4 =	vadd.f32 v4, v23;
	[tilespmem:s22+$0x350] =	vst v6  }
0x1d2: {  	v6 =	vadd.f32 v44, v21;
	v44 =	vmul.f32 $8.000000000e+00, v51;
	v51 =	vor.u32 s26, v15;
	[tilespmem:s22+$0x220] =	vst v5;
	v5 =	vld.idx.msk [tilespmem:v7+s17+$0x0], $0xffff  }
0x1d3: {  	v7 =	vmul.f32 $8.000000000e+00, v47;
	v3 =	vadd.f32 v3, v25;
	v47 =	vld.idx.msk [tilespmem:v54+s17+$0x0], $0xffff;
	v54 =	vor.u32 s29, v15;
	[tilespmem:s22+$0x2A0] =	vst v4  }
0x1d4: {  	v4 =	vadd.f32 v44, v32;
	[tilespmem:s22+$0xFFFFFC20] =	vst v6;
	v6 =	vmul.f32 $8.000000000e+00, v50;
	v50 =	vld.idx.msk [tilespmem:v55+s17+$0x0], $0xffff;
	v55 =	vor.u32 s30, v15  }
0x1d5: {  	v44 =	vor.u32 s10, v11;
	v7 =	vadd.f32 v7, v35;
	v49 =	vmul.f32 $8.000000000e+00, v49;
	v53 =	vld.idx.msk [tilespmem:v53+s17+$0x0], $0xffff;
	[tilespmem:s22+$0x3A0] =	vst v3  }
0x1d6: {  	[tilespmem:s22+$0xFFFFFCB0] =	vst v4;
	v3 =	vadd.f32 v6, v34;
	v4 =	vmul.f32 $8.000000000e+00, v48;
	v6 =	vld.idx.msk [tilespmem:v52+s17+$0x0], $0xffff;
	v48 =	vor.u32 s28, v15  }
0x1d7: {  	v52 =	vor.u32 s31, v14;
	v46 =	vmul.f32 $8.000000000e+00, v46;
	[tilespmem:s22+$0xFFFFFD30] =	vst v7;
	v7 =	vadd.f32 v49, v33;
	v49 =	vld.idx.msk [tilespmem:v51+s17+$0x0], $0xffff  }
0x1d8: {  	v5 =	vmul.f32 $8.000000000e+00, v5;
	v51 =	vor.u32 s16, v11;
	[tilespmem:s22+$0xFFFFFDB0] =	vst v3;
	v3 =	vadd.f32 v4, v30;
	v4 =	vld.idx.msk [tilespmem:v54+s17+$0x0], $0xffff  }
0x1d9: {  	v54 =	vor.u32 s0, v14;
	[tilespmem:s22+$0xFFFFFE30] =	vst v7;
	v7 =	vadd.f32 v46, v31;
	v46 =	vmul.f32 $8.000000000e+00, v47;
	v47 =	vld.idx.msk [tilespmem:v55+s17+$0x0], $0xffff  }
0x1da: {  	v55 =	vor.u32 s3, v14;
	v5 =	vadd.f32 v5, v41;
	v45 =	vld.idx.msk [tilespmem:v45+s17+$0x0], $0xffff;
	[tilespmem:s22+$0xFFFFFEB0] =	vst v3;
	v3 =	vmul.f32 $8.000000000e+00, v50  }
0x1db: {  	v50 =	vor.u32 s1, v14;
	[tilespmem:s22+$0xFFFFFF30] =	vst v7;
	v7 =	vadd.f32 v46, v29;
	v46 =	vmul.f32 $8.000000000e+00, v53;
	v48 =	vld.idx.msk [tilespmem:v48+s17+$0x0], $0xffff  }
0x1dc: {  	v53 =	vor.u32 s10, v14;
	v6 =	vmul.f32 $8.000000000e+00, v6;
	v52 =	vld.idx.msk [tilespmem:v52+s17+$0x0], $0xffff;
	v3 =	vadd.f32 v3, v26;
	[tilespmem:s22+$0x360] =	vst v5  }
0x1dd: {  	v5 =	vor.u32 s6, v14;
	[tilespmem:s22+$0xFFFFFFB0] =	vst v7;
	v7 =	vadd.f32 v46, v24;
	v46 =	vmul.f32 $8.000000000e+00, v49;
	v49 =	vld.idx.msk [tilespmem:v51+s17+$0x0], $0xffff  }
0x1de: {  	v4 =	vmul.f32 $8.000000000e+00, v4;
	v51 =	vld.idx.msk [tilespmem:v54+s17+$0x0], $0xffff;
	v54 =	vor.u32 s12, v14;
	[tilespmem:s22+$0x30] =	vst v3;
	v3 =	vadd.f32 v6, v22  }
0x1df: {  	v6 =	vld.idx.msk [tilespmem:v55+s17+$0x0], $0xffff;
	v55 =	vor.u32 s25, v14;
	[tilespmem:s22+$0xB0] =	vst v7;
	v7 =	vadd.f32 v46, v19;
	v46 =	vmul.f32 $8.000000000e+00, v47  }
0x1e0: {  	v45 =	vmul.f32 $8.000000000e+00, v45;
	v47 =	vld.idx.msk [tilespmem:v50+s17+$0x0], $0xffff;
	v50 =	vor.u32 s23, v14;
	[tilespmem:s22+$0x130] =	vst v3;
	v3 =	vadd.f32 v4, v20  }
0x1e1: {  	v4 =	vld.idx.msk [tilespmem:v53+s17+$0x0], $0xffff;
	v53 =	vor.u32 s24, v14;
	[tilespmem:s22+$0x1B0] =	vst v7;
	v7 =	vadd.f32 v46, v23;
	v46 =	vmul.f32 $8.000000000e+00, v48  }
0x1e2: {  	v45 =	vadd.f32 v45, v21;
	v48 =	vmul.f32 $8.000000000e+00, v52;
	v52 =	vor.u32 s26, v14;
	v5 =	vld.idx.msk [tilespmem:v5+s17+$0x0], $0xffff;
	[tilespmem:s22+$0x230] =	vst v3  }
0x1e3: {  	v3 =	vld.idx.msk [tilespmem:v54+s17+$0x0], $0xffff;
	v54 =	vor.u32 s29, v14;
	[tilespmem:s22+$0x2B0] =	vst v7;
	v7 =	vmul.f32 $8.000000000e+00, v49;
	v46 =	vadd.f32 v46, v25  }
0x1e4: {  	v48 =	vadd.f32 v48, v32;
	v49 =	vmul.f32 $8.000000000e+00, v51;
	[tilespmem:s22+$0xFFFFFC30] =	vst v45;
	v51 =	vld.idx.msk [tilespmem:v55+s17+$0x0], $0xffff;
	v55 =	vor.u32 s30, v14  }
0x1e5: {  	v6 =	vmul.f32 $8.000000000e+00, v6;
	v45 =	vor.u32 s6, v11;
	v50 =	vld.idx.msk [tilespmem:v50+s17+$0x0], $0xffff;
	v7 =	vadd.f32 v7, v41;
	[tilespmem:s22+$0x3B0] =	vst v46  }
0x1e6: {  	v41 =	vadd.f32 v49, v35;
	v46 =	vmul.f32 $8.000000000e+00, v47;
	[tilespmem:s22+$0xFFFFFCC0] =	vst v48;
	v47 =	vld.idx.msk [tilespmem:v53+s17+$0x0], $0xffff;
	v48 =	vor.u32 s28, v14  }
0x1e7: {  	v49 =	vor.u32 s31, v13;
	v6 =	vadd.f32 v6, v34;
	v4 =	vmul.f32 $8.000000000e+00, v4;
	v52 =	vld.idx.msk [tilespmem:v52+s17+$0x0], $0xffff;
	[tilespmem:s22+$0x370] =	vst v7  }
0x1e8: {  	v7 =	vor.u32 s0, v13;
	v5 =	vmul.f32 $8.000000000e+00, v5;
	[tilespmem:s22+$0xFFFFFD40] =	vst v41;
	v41 =	vadd.f32 v46, v33;
	v46 =	vld.idx.msk [tilespmem:v54+s17+$0x0], $0xffff  }
0x1e9: {  	v4 =	vadd.f32 v4, v30;
	v3 =	vmul.f32 $8.000000000e+00, v3;
	[tilespmem:s22+$0xFFFFFDC0] =	vst v6;
	v6 =	vor.u32 s3, v13;
	v53 =	vld.idx.msk [tilespmem:v55+s17+$0x0], $0xffff  }
0x1ea: {  	v5 =	vadd.f32 v5, v31;
	v51 =	vmul.f32 $8.000000000e+00, v51;
	v42 =	vld.idx.msk [tilespmem:v42+s17+$0x0], $0xffff;
	[tilespmem:s22+$0xFFFFFE40] =	vst v41;
	v41 =	vor.u32 s1, v13  }
0x1eb: {  	v3 =	vadd.f32 v3, v29;
	v50 =	vmul.f32 $8.000000000e+00, v50;
	[tilespmem:s22+$0xFFFFFEC0] =	vst v4;
	v4 =	vor.u32 s10, v13;
	v48 =	vld.idx.msk [tilespmem:v48+s17+$0x0], $0xffff  }
0x1ec: {  	v51 =	vadd.f32 v51, v26;
	v47 =	vmul.f32 $8.000000000e+00, v47;
	v49 =	vld.idx.msk [tilespmem:v49+s17+$0x0], $0xffff;
	[tilespmem:s22+$0xFFFFFF40] =	vst v5;
	v5 =	vor.u32 s6, v13  }
0x1ed: {  	v50 =	vadd.f32 v50, v24;
	v52 =	vmul.f32 $8.000000000e+00, v52;
	v7 =	vld.idx.msk [tilespmem:v7+s17+$0x0], $0xffff;
	[tilespmem:s22+$0xFFFFFFC0] =	vst v3;
	v3 =	vor.u32 s12, v13  }
0x1ee: {  	v47 =	vadd.f32 v47, v22;
	v46 =	vmul.f32 $8.000000000e+00, v46;
	v6 =	vld.idx.msk [tilespmem:v6+s17+$0x0], $0xffff;
	[tilespmem:s22+$0x40] =	vst v51;
	v51 =	vor.u32 s25, v13  }
0x1ef: {  	v54 =	vor.u32 s23, v13;
	v41 =	vld.idx.msk [tilespmem:v41+s17+$0x0], $0xffff;
	[tilespmem:s22+$0xC0] =	vst v50;
	v50 =	vadd.f32 v52, v19;
	v52 =	vmul.f32 $8.000000000e+00, v53  }
0x1f0: {  	v42 =	vmul.f32 $8.000000000e+00, v42;
	v46 =	vadd.f32 v46, v20;
	v4 =	vld.idx.msk [tilespmem:v4+s17+$0x0], $0xffff;
	[tilespmem:s22+$0x140] =	vst v47;
	v47 =	vor.u32 s24, v13  }
0x1f1: {  	v53 =	vor.u32 s26, v13;
	v48 =	vmul.f32 $8.000000000e+00, v48;
	v5 =	vld.idx.msk [tilespmem:v5+s17+$0x0], $0xffff;
	[tilespmem:s22+$0x1C0] =	vst v50;
	v50 =	vadd.f32 v52, v23  }
0x1f2: {  	v42 =	vadd.f32 v42, v21;
	v49 =	vmul.f32 $8.000000000e+00, v49;
	v3 =	vld.idx.msk [tilespmem:v3+s17+$0x0], $0xffff;
	[tilespmem:s22+$0x240] =	vst v46;
	v46 =	vor.u32 s29, v13  }
0x1f3: {  	v52 =	vor.u32 s30, v13;
	v7 =	vmul.f32 $8.000000000e+00, v7;
	v48 =	vadd.f32 v48, v25;
	v51 =	vld.idx.msk [tilespmem:v51+s17+$0x0], $0xffff;
	[tilespmem:s22+$0x2C0] =	vst v50  }
0x1f4: {  	v6 =	vmul.f32 $8.000000000e+00, v6;
	v50 =	vor.u32 s12, v11;
	[tilespmem:s22+$0xFFFFFC40] =	vst v42;
	v42 =	vadd.f32 v49, v32;
	v49 =	vld.idx.msk [tilespmem:v54+s17+$0x0], $0xffff  }
0x1f5: {  	v7 =	vadd.f32 v7, v35;
	v41 =	vmul.f32 $8.000000000e+00, v41;
	v47 =	vld.idx.msk [tilespmem:v47+s17+$0x0], $0xffff;
	[tilespmem:s22+$0x3C0] =	vst v48;
	v48 =	vor.u32 s28, v13  }
0x1f6: {  	v6 =	vadd.f32 v6, v34;
	v4 =	vmul.f32 $8.000000000e+00, v4;
	[tilespmem:s22+$0xFFFFFCD0] =	vst v42;
	v42 =	vor.u32 s31, v12;
	v53 =	vld.idx.msk [tilespmem:v53+s17+$0x0], $0xffff  }
0x1f7: {  	v41 =	vadd.f32 v41, v33;
	v5 =	vmul.f32 $8.000000000e+00, v5;
	[tilespmem:s22+$0xFFFFFD50] =	vst v7;
	v7 =	vor.u32 s0, v12;
	v46 =	vld.idx.msk [tilespmem:v46+s17+$0x0], $0xffff  }
0x1f8: {  	v4 =	vadd.f32 v4, v30;
	v3 =	vmul.f32 $8.000000000e+00, v3;
	[tilespmem:s22+$0xFFFFFDD0] =	vst v6;
	v6 =	vor.u32 s3, v12;
	v52 =	vld.idx.msk [tilespmem:v52+s17+$0x0], $0xffff  }
0x1f9: {  	v5 =	vadd.f32 v5, v31;
	v51 =	vmul.f32 $8.000000000e+00, v51;
	v37 =	vld.idx.msk [tilespmem:v37+s17+$0x0], $0xffff;
	[tilespmem:s22+$0xFFFFFE50] =	vst v41;
	v41 =	vor.u32 s1, v12  }
0x1fa: {  	v3 =	vadd.f32 v3, v29;
	v49 =	vmul.f32 $8.000000000e+00, v49;
	[tilespmem:s22+$0xFFFFFED0] =	vst v4;
	v4 =	vor.u32 s10, v12;
	v48 =	vld.idx.msk [tilespmem:v48+s17+$0x0], $0xffff  }
0x1fb: {  	v51 =	vadd.f32 v51, v26;
	v47 =	vmul.f32 $8.000000000e+00, v47;
	v42 =	vld.idx.msk [tilespmem:v42+s17+$0x0], $0xffff;
	[tilespmem:s22+$0xFFFFFF50] =	vst v5;
	v5 =	vor.u32 s6, v12  }
0x1fc: {  	v49 =	vadd.f32 v49, v24;
	v53 =	vmul.f32 $8.000000000e+00, v53;
	v7 =	vld.idx.msk [tilespmem:v7+s17+$0x0], $0xffff;
	[tilespmem:s22+$0xFFFFFFD0] =	vst v3;
	v3 =	vor.u32 s12, v12  }
0x1fd: {  	v47 =	vadd.f32 v47, v22;
	v46 =	vmul.f32 $8.000000000e+00, v46;
	v6 =	vld.idx.msk [tilespmem:v6+s17+$0x0], $0xffff;
	[tilespmem:s22+$0x50] =	vst v51;
	v51 =	vor.u32 s25, v12  }
0x1fe: {  	v53 =	vadd.f32 v53, v19;
	v52 =	vmul.f32 $8.000000000e+00, v52;
	v41 =	vld.idx.msk [tilespmem:v41+s17+$0x0], $0xffff;
	[tilespmem:s22+$0xD0] =	vst v49;
	v49 =	vor.u32 s23, v12  }
0x1ff: {  	v37 =	vmul.f32 $8.000000000e+00, v37;
	v46 =	vadd.f32 v46, v20;
	v4 =	vld.idx.msk [tilespmem:v4+s17+$0x0], $0xffff;
	[tilespmem:s22+$0x150] =	vst v47;
	v47 =	vor.u32 s24, v12  }
0x200: {  	v52 =	vadd.f32 v52, v23;
	v48 =	vmul.f32 $8.000000000e+00, v48;
	v5 =	vld.idx.msk [tilespmem:v5+s17+$0x0], $0xffff;
	[tilespmem:s22+$0x1D0] =	vst v53;
	v53 =	vor.u32 s26, v12  }
0x201: {  	v37 =	vadd.f32 v37, v21;
	v42 =	vmul.f32 $8.000000000e+00, v42;
	v3 =	vld.idx.msk [tilespmem:v3+s17+$0x0], $0xffff;
	[tilespmem:s22+$0x250] =	vst v46;
	v46 =	vor.u32 s29, v12  }
0x202: {  	v7 =	vmul.f32 $8.000000000e+00, v7;
	v48 =	vadd.f32 v48, v25;
	v51 =	vld.idx.msk [tilespmem:v51+s17+$0x0], $0xffff;
	[tilespmem:s22+$0x2D0] =	vst v52;
	v52 =	vor.u32 s30, v12  }
0x203: {  	v54 =	vor.u32 s25, v11;
	v6 =	vmul.f32 $8.000000000e+00, v6;
	[tilespmem:s22+$0xFFFFFC50] =	vst v37;
	v37 =	vadd.f32 v42, v32;
	v42 =	vld.idx.msk [tilespmem:v49+s17+$0x0], $0xffff  }
0x204: {  	v7 =	vadd.f32 v7, v35;
	v41 =	vmul.f32 $8.000000000e+00, v41;
	v47 =	vld.idx.msk [tilespmem:v47+s17+$0x0], $0xffff;
	[tilespmem:s22+$0x3D0] =	vst v48;
	v48 =	vor.u32 s28, v12  }
0x205: {  	v6 =	vadd.f32 v6, v34;
	v4 =	vmul.f32 $8.000000000e+00, v4;
	[tilespmem:s22+$0xFFFFFCE0] =	vst v37;
	v37 =	vor.u32 s23, v11;
	v49 =	vld.idx.msk [tilespmem:v53+s17+$0x0], $0xffff  }
0x206: {  	v5 =	vmul.f32 $8.000000000e+00, v5;
	v53 =	vor.u32 s24, v11;
	[tilespmem:s22+$0xFFFFFD60] =	vst v7;
	v7 =	vadd.f32 v41, v33;
	v41 =	vld.idx.msk [tilespmem:v46+s17+$0x0], $0xffff  }
0x207: {  	v4 =	vadd.f32 v4, v30;
	v3 =	vmul.f32 $8.000000000e+00, v3;
	[tilespmem:s22+$0xFFFFFDE0] =	vst v6;
	v6 =	vor.u32 s26, v11;
	v52 =	vld.idx.msk [tilespmem:v52+s17+$0x0], $0xffff  }
0x208: {  	v55 =	vor.u32 s29, v11;
	v5 =	vadd.f32 v5, v31;
	v36 =	vld.idx.msk [tilespmem:v36+s17+$0x0], $0xffff;
	[tilespmem:s22+$0xFFFFFE60] =	vst v7;
	v7 =	vmul.f32 $8.000000000e+00, v51  }
0x209: {  	v56 =	vor.u32 s30, v11;
	v3 =	vadd.f32 v3, v29;
	[tilespmem:s22+$0xFFFFFEE0] =	vst v4;
	v4 =	vmul.f32 $8.000000000e+00, v42;
	v51 =	vld.idx.msk [tilespmem:v48+s17+$0x0], $0xffff  }
0x20a: {  	v57 =	vor.u32 s28, v11;
	s31 =	sadd.s32 $0x1, s15;
	v39 =	vld.idx.msk [tilespmem:v39+s17+$0x0], $0xffff;
	[tilespmem:s22+$0xFFFFFF60] =	vst v5;
	v5 =	vadd.f32 v7, v26;
	v7 =	vmul.f32 $8.000000000e+00, v47  }
0x20b: {  	s0 =	sadd.s32 $0x2, s15;
	v46 =	vor.u32 s31, v18;
	v38 =	vld.idx.msk [tilespmem:v38+s17+$0x0], $0xffff;
	[tilespmem:s22+$0xFFFFFFE0] =	vst v3;
	v3 =	vadd.f32 v4, v24;
	v4 =	vmul.f32 $8.000000000e+00, v49  }
0x20c: {  	s3 =	sadd.s32 $0x3, s15;
	v49 =	vor.u32 s0, v18;
	v58 =	vld.idx.msk [tilespmem:v40+s17+$0x0], $0xffff;
	[tilespmem:s22+$0x60] =	vst v5;
	v5 =	vadd.f32 v7, v22;
	v7 =	vmul.f32 $8.000000000e+00, v41  }
0x20d: {  	s1 =	sadd.s32 $0x4, s15;
	v48 =	vor.u32 s3, v18;
	v43 =	vld.idx.msk [tilespmem:v43+s17+$0x0], $0xffff;
	[tilespmem:s22+$0xE0] =	vst v3;
	v3 =	vadd.f32 v4, v19;
	v4 =	vmul.f32 $8.000000000e+00, v52  }
0x20e: {  	s10 =	sadd.s32 $0x5, s15;
	v47 =	vor.u32 s1, v18;
	v36 =	vmul.f32 $8.000000000e+00, v36;
	v44 =	vld.idx.msk [tilespmem:v44+s17+$0x0], $0xffff;
	[tilespmem:s22+$0x160] =	vst v5;
	v5 =	vadd.f32 v7, v20  }
0x20f: {  	s6 =	sadd.s32 $0x6, s15;
	v42 =	vor.u32 s10, v18;
	v7 =	vld.idx.msk [tilespmem:v45+s17+$0x0], $0xffff;
	[tilespmem:s22+$0x1E0] =	vst v3;
	v3 =	vadd.f32 v4, v23;
	v4 =	vmul.f32 $8.000000000e+00, v51  }
0x210: {  	s12 =	sadd.s32 $0x7, s15;
	v41 =	vor.u32 s6, v18;
	v36 =	vadd.f32 v36, v21;
	v45 =	vmul.f32 $8.000000000e+00, v39;
	v50 =	vld.idx.msk [tilespmem:v50+s17+$0x0], $0xffff;
	[tilespmem:s22+$0x260] =	vst v5  }
0x211: {  	s25 =	sadd.s32 $0x8, s15;
	v40 =	vor.u32 s12, v18;
	v5 =	vmul.f32 $8.000000000e+00, v38;
	v54 =	vld.idx.msk [tilespmem:v54+s17+$0x0], $0xffff;
	[tilespmem:s22+$0x2E0] =	vst v3;
	v3 =	vadd.f32 v4, v25  }
0x212: {  	s23 =	sadd.s32 $0x9, s15;
	v39 =	vor.u32 s25, v18;
	v4 =	vadd.f32 v45, v32;
	[tilespmem:s22+$0xFFFFFC60] =	vst v36;
	v36 =	vmul.f32 $8.000000000e+00, v58;
	v58 =	vld.idx.msk [tilespmem:v37+s17+$0x0], $0xffff  }
0x213: {  	s24 =	sadd.s32 $0xA, s15;
	v32 =	vor.u32 s23, v18;
	v5 =	vadd.f32 v5, v35;
	v37 =	vmul.f32 $8.000000000e+00, v43;
	v51 =	vld.idx.msk [tilespmem:v53+s17+$0x0], $0xffff;
	[tilespmem:s22+$0x3E0] =	vst v3  }
.Ltmp0:
0x214: {  	s26 =	sadd.s32 $0xB, s15;
	v35 =	vor.u32 s24, v18;
	[tilespmem:s22+$0xFFFFFCF0] =	vst v4;
	v3 =	vadd.f32 v36, v34;
	v4 =	vmul.f32 $8.000000000e+00, v44;
	v34 =	vld.idx.msk [tilespmem:v6+s17+$0x0], $0xffff;
	(pc) =	sbr.rel @p1 .LBB2_3-.Ltmp0, $4  }
0x215: {  	s29 =	sadd.s32 $0xC, s15;
	v43 =	vor.u32 s26, v18;
	v6 =	vmul.f32 $8.000000000e+00, v7;
	[tilespmem:s22+$0xFFFFFD70] =	vst v5;
	v5 =	vadd.f32 v37, v33;
	v36 =	vld.idx.msk [tilespmem:v55+s17+$0x0], $0xffff  }
0x216: {  	s30 =	sadd.s32 $0xD, s15;
	v44 =	vor.u32 s29, v18;
	[tilespmem:s22+$0xFFFFFDF0] =	vst v3;
	v3 =	vadd.f32 v4, v30;
	v4 =	vmul.f32 $8.000000000e+00, v50;
	v37 =	vld.idx.msk [tilespmem:v56+s17+$0x0], $0xffff  }
0x217: {  	s28 =	sadd.s32 $0xF, s15;
	v45 =	vor.u32 s30, v18;
	v52 =	vadd.f32 v6, v31;
	v33 =	vmul.f32 $8.000000000e+00, v54;
	v38 =	vld.idx.msk [tilespmem:v28+s17+$0x0], $0xffff;
	[tilespmem:s22+$0xFFFFFE70] =	vst v5  }
0x218: {  	s5 =	sadd.s32 s20, s9;
	s15 =	sadd.s32 $0x10, s15;
	v28 =	vor.u32 s28, v18;
	v30 =	vmul.f32 $8.000000000e+00, v58;
	[tilespmem:s22+$0xFFFFFEF0] =	vst v3;
	v31 =	vadd.f32 v4, v29;
	v29 =	vld.idx.msk [tilespmem:v57+s17+$0x0], $0xffff  }
0x219: {  	_ =	sdelay $0x3  }
0x21a: {  	v50 =	vld.idx.msk [tilespmem:v27+s17+$0x0], $0xffff  }
0x21b: {  	v3 =	vld.idx.msk [tilespmem:v46+s17+$0x0], $0xffff  }
0x21c: {  	v5 =	vld.idx.msk [tilespmem:v49+s17+$0x0], $0xffff  }
0x21d: {  	s2 =	sadd.s32 $0xE, s5;
	s16 =	sadd.s32 $0xE, s20;
	v7 =	vld.idx.msk [tilespmem:v48+s17+$0x0], $0xffff;
	v59 =	vmov s5;
	v26 =	vadd.f32 v33, v26  }
0x21e: {  	s18 =	sadd.s32 $0x1, s5;
	s7 =	sadd.s32 $0x2, s5;
	s21 =	sadd.s32 $0x3, s5;
	v46 =	vld.idx.msk [tilespmem:v47+s17+$0x0], $0xffff;
	v51 =	vmul.f32 $8.000000000e+00, v51;
	v4 =	vmov s2;
	v6 =	vor.u32 s16, v18  }
0x21f: {  	s15 =	sadd.s32 $0x4, s5;
	s11 =	sadd.s32 $0x5, s5;
	v42 =	vld.idx.msk [tilespmem:v42+s17+$0x0], $0xffff;
	v18 =	vmov s18;
	v27 =	vmov s7;
	v47 =	vmov s21  }
0x220: {  	v41 =	vld.idx.msk [tilespmem:v41+s17+$0x0], $0xffff;
	s18 =	sadd.s32 $0x6, s5;
	v48 =	vmov s15;
	s21 =	sadd.s32 $0x7, s5;
	v49 =	vmov s11;
	s15 =	sadd.s32 $0x8, s5;
	v4 =	vand.u32 $0xFFFFFFFE, v4  }
0x221: {  	v40 =	vld.idx.msk [tilespmem:v40+s17+$0x0], $0xffff;
	v53 =	vmov s18;
	v54 =	vmov s21;
	v55 =	vmov s15  }
0x222: {  	v39 =	vld.idx.msk [tilespmem:v39+s17+$0x0], $0xffff;
	s18 =	sadd.s32 $0x9, s5;
	v63 =	vand.u32 $0xFFFFFFF2, v27;
	v27 =	vand.u32 $0xFFFFFFF3, v47;
	v4 =	vbroadcast v4, $0x0  }
0x223: {  	v32 =	vld.idx.msk [tilespmem:v32+s17+$0x0], $0xffff;
	v47 =	vand.u32 $0xFFFFFFF4, v48;
	v48 =	vand.u32 $0xFFFFFFF5, v49;
	v56 =	vmov s18;
	s18 =	sadd.s32 $0xC, s5  }
0x224: {  	v35 =	vld.idx.msk [tilespmem:v35+s17+$0x0], $0xffff;
	v49 =	vand.u32 $0xFFFFFFF6, v53;
	v53 =	vand.u32 $0xFFFFFFF7, v54;
	v60 =	vmov s18  }
0x225: {  	[tilespmem:s22+$0xFFFFFFF0] =	vst v31;
	s21 =	sadd.s32 $0xA, s5;
	v54 =	vand.u32 $0xFFFFFFF8, v55;
	v55 =	vbroadcast v63, $0x0;
	v31 =	vand.u32 $0xFFFFFFFC, v60;
	v60 =	vld.idx.msk [tilespmem:v28+s17+$0x0], $0xffff  }
0x226: {  	v51 =	vadd.f32 v51, v22;
	v57 =	vmov s21;
	v28 =	vbroadcast v49, $0x0;
	v6 =	vld.idx.msk [tilespmem:v6+s17+$0x0], $0xffff  }
0x227: {  	v43 =	vld.idx.msk [tilespmem:v43+s17+$0x0], $0xffff;
	v59 =	vand.u32 $0xFFFFFFF0, v59;
	v57 =	vand.u32 $0xFFFFFFFA, v57;
	v31 =	vbroadcast v31, $0x0  }
0x228: {  	v62 =	vand.u32 $0xFFFFFFF1, v18;
	[tilespmem:s13+$0x170] =	vst v51;
	v51 =	vbroadcast v57, $0x0;
	v57 =	vbroadcast v59, $0x0;
	v33 =	vld.idx.msk [tilespmem:v4+s14+$0x0], $0xffff  }
0x229: {  	v44 =	vld.idx.msk [tilespmem:v44+s17+$0x0], $0xffff;
	v4 =	vbroadcast v62, $0x0  }
0x22a: {  	v45 =	vld.idx.msk [tilespmem:v45+s17+$0x0], $0xffff;
	v24 =	vadd.f32 v30, v24;
	v27 =	vbroadcast v27, $0x0;
	v47 =	vbroadcast v47, $0x0  }
0x22b: {  	s15 =	sadd.s32 $0xB, s5;
	v29 =	vmul.f32 $8.000000000e+00, v29;
	v22 =	vld.idx.msk [tilespmem:v55+s14+$0x0], $0xffff;
	v6 =	vmul.f32 $8.000000000e+00, v6  }
0x22c: {  	v58 =	vmov s15;
	v48 =	vbroadcast v48, $0x0;
	[tilespmem:s13+$0xF0] =	vst v24;
	v63 =	vmul.f32 $8.000000000e+00, v38;
	v24 =	vld.idx.msk [tilespmem:v28+s14+$0x0], $0xffff  }
0x22d: {  	[tilespmem:s22+$0xFFFFFF70] =	vst v52;
	s21 =	sadd.s32 $0xD, s5;
	v25 =	vadd.f32 v29, v25;
	v62 =	vor.u32 s16, v17;
	v29 =	vld.idx.msk [tilespmem:v31+s14+$0x0], $0xffff;
	v6 =	vadd.f32 v6, v33  }
0x22e: {  	[tilespmem:s22+$0x70] =	vst v26;
	s15 =	sadd.s32 $0x800, s22;
	v61 =	vmov s21;
	v52 =	vand.u32 $0xFFFFFFFB, v58;
	v49 =	vmul.f32 $8.000000000e+00, v34;
	v31 =	vld.idx.msk [tilespmem:v57+s14+$0x0], $0xffff  }
0x22f: {  	v26 =	vadd.f32 v63, v21;
	v5 =	vmul.f32 $8.000000000e+00, v5;
	v18 =	vld.idx.msk [tilespmem:v4+s14+$0x0], $0xffff;
	[tilespmem:s15+$0x300] =	vst v6;
	v6 =	vbroadcast v53, $0x0  }
0x230: {  	v4 =	vadd.f32 v49, v19;
	v19 =	vld.idx.msk [tilespmem:v27+s14+$0x0], $0xffff;
	v53 =	vmul.f32 $8.000000000e+00, v36;
	v36 =	vbroadcast v54, $0x0  }
0x231: {  	v56 =	vand.u32 $0xFFFFFFF9, v56;
	v58 =	vand.u32 $0xFFFFFFFD, v61;
	v27 =	vld.idx.msk [tilespmem:v51+s14+$0x0], $0xffff;
	v54 =	vbroadcast v52, $0x0  }
0x232: {  	v61 =	vmul.f32 $8.000000000e+00, v37;
	[tilespmem:s13+$0xFFFFFC70] =	vst v26;
	v5 =	vadd.f32 v5, v22;
	v30 =	vld.idx.msk [tilespmem:v62+s17+$0x0], $0xffff;
	v62 =	vbroadcast v56, $0x0  }
0x233: {  	s22 =	sadd.s32 $0xF, s5;
	[tilespmem:s13+$0x3F0] =	vst v25;
	v56 =	vbroadcast v58, $0x0;
	v49 =	vadd.f32 v53, v20;
	v20 =	vld.idx.msk [tilespmem:v47+s14+$0x0], $0xffff  }
0x234: {  	v3 =	vmul.f32 $8.000000000e+00, v3;
	v59 =	vmov s22;
	[tilespmem:s15+$0xFFFFFD00] =	vst v5;
	v53 =	vadd.f32 v61, v23;
	v23 =	vld.idx.msk [tilespmem:v48+s14+$0x0], $0xffff  }
0x235: {  	v7 =	vmul.f32 $8.000000000e+00, v7;
	v63 =	vor.u32 s31, v17;
	[tilespmem:s13+$0x1F0] =	vst v4;
	v47 =	vor.u32 s0, v17;
	v21 =	vld.idx.msk [tilespmem:v6+s14+$0x0], $0xffff  }
0x236: {  	v61 =	vmul.f32 $8.000000000e+00, v41;
	v48 =	vor.u32 s3, v17;
	[tilespmem:s13+$0x270] =	vst v49;
	v3 =	vadd.f32 v3, v18;
	v25 =	vld.idx.msk [tilespmem:v36+s14+$0x0], $0xffff  }
0x237: {  	v55 =	vor.u32 s16, v16;
	[tilespmem:s13+$0x2F0] =	vst v53;
	v7 =	vadd.f32 v7, v19;
	v6 =	vmul.f32 $8.000000000e+00, v30;
	v28 =	vld.idx.msk [tilespmem:v54+s14+$0x0], $0xffff  }
0x238: {  	v58 =	vmul.f32 $8.000000000e+00, v42;
	v34 =	vadd.f32 v61, v24;
	v53 =	vor.u32 s10, v17;
	[tilespmem:s15+$0xFFFFFC80] =	vst v3;
	v26 =	vld.idx.msk [tilespmem:v62+s14+$0x0], $0xffff  }
0x239: {  	v35 =	vmul.f32 $8.000000000e+00, v35;
	v3 =	vmul.f32 $8.000000000e+00, v46;
	[tilespmem:s15+$0xFFFFFD80] =	vst v7;
	v30 =	vld.idx.msk [tilespmem:v56+s14+$0x0], $0xffff;
	v6 =	vadd.f32 v6, v33  }
0x23a: {  	v51 =	vor.u32 s1, v17;
	v61 =	vmul.f32 $8.000000000e+00, v50;
	[tilespmem:s15+$0xFFFFFF00] =	vst v34;
	v62 =	vadd.f32 v58, v23;
	v57 =	vld.idx.msk [tilespmem:v47+s17+$0x0], $0xffff  }
0x23b: {  	v46 =	vmul.f32 $8.000000000e+00, v39;
	v3 =	vadd.f32 v3, v20;
	[tilespmem:s15+$0x310] =	vst v6;
	v6 =	vmul.f32 $8.000000000e+00, v40;
	v40 =	vld.idx.msk [tilespmem:v48+s17+$0x0], $0xffff  }
0x23c: {  	v54 =	vadd.f32 v35, v27;
	v58 =	vor.u32 s12, v17;
	v47 =	vadd.f32 v61, v31;
	[tilespmem:s15+$0xFFFFFE80] =	vst v62;
	v7 =	vld.idx.msk [tilespmem:v55+s17+$0x0], $0xffff  }
0x23d: {  	[tilespmem:s15+$0xFFFFFE00] =	vst v3;
	v38 =	vld.idx.msk [tilespmem:v53+s17+$0x0], $0xffff;
	v48 =	vor.u32 s24, v17;
	v3 =	vadd.f32 v6, v21;
	v6 =	vmul.f32 $8.000000000e+00, v32  }
0x23e: {  	v52 =	vmul.f32 $8.000000000e+00, v43;
	v56 =	vmul.f32 $8.000000000e+00, v44;
	[tilespmem:s15+$0x100] =	vst v54;
	v53 =	vor.u32 s29, v17;
	v55 =	vld.idx.msk [tilespmem:v63+s17+$0x0], $0xffff  }
0x23f: {  	[tilespmem:s15+$0xFFFFFC00] =	vst v47;
	v49 =	vadd.f32 v46, v25;
	v36 =	vld.idx.msk [tilespmem:v51+s17+$0x0], $0xffff;
	v46 =	vor.u32 s23, v17;
	v6 =	vadd.f32 v6, v26  }
0x240: {  	v50 =	vor.u32 s26, v17;
	v4 =	vadd.f32 v56, v29;
	v32 =	vld.idx.msk [tilespmem:v59+s14+$0x0], $0xffff;
	[tilespmem:s15+$0xFFFFFF80] =	vst v3;
	v3 =	vor.u32 s6, v17  }
0x241: {  	v34 =	vadd.f32 v52, v28;
	v52 =	vld.idx.msk [tilespmem:v58+s17+$0x0], $0xffff;
	v58 =	vor.u32 s20, v17;
	[tilespmem:s15+$0x80] =	vst v6;
	v6 =	vmul.f32 $8.000000000e+00, v7  }
0x242: {  	v61 =	vor.u32 s31, v16;
	[tilespmem:s15+$0x200] =	vst v4;
	v59 =	vmul.f32 $8.000000000e+00, v45;
	v5 =	vld.idx.msk [tilespmem:v48+s17+$0x0], $0xffff;
	v7 =	vor.u32 s16, v15  }
0x243: {  	v56 =	vor.u32 s30, v17;
	v51 =	vmul.f32 $8.000000000e+00, v57;
	[tilespmem:s15+$0x0] =	vst v49;
	v37 =	vld.idx.msk [tilespmem:v53+s17+$0x0], $0xffff;
	v6 =	vadd.f32 v6, v33  }
0x244: {  	v62 =	vor.u32 s25, v17;
	[tilespmem:s15+$0x180] =	vst v34;
	v63 =	vadd.f32 v59, v30;
	v57 =	vmul.f32 $8.000000000e+00, v36;
	v43 =	vld.idx.msk [tilespmem:v46+s17+$0x0], $0xffff  }
0x245: {  	v45 =	vmul.f32 $8.000000000e+00, v60;
	v34 =	vadd.f32 v51, v22;
	v3 =	vld.idx.msk [tilespmem:v3+s17+$0x0], $0xffff;
	[tilespmem:s15+$0x320] =	vst v6;
	v6 =	vmul.f32 $8.000000000e+00, v55  }
0x246: {  	v59 =	vor.u32 s28, v17;
	v54 =	vmul.f32 $8.000000000e+00, v40;
	[tilespmem:s15+$0x280] =	vst v63;
	v60 =	vadd.f32 v57, v20;
	v36 =	vld.idx.msk [tilespmem:v58+s17+$0x0], $0xffff  }
0x247: {  	[tilespmem:s15+$0xFFFFFD10] =	vst v34;
	v49 =	vadd.f32 v45, v32;
	v45 =	vor.u32 s0, v16;
	v7 =	vld.idx.msk [tilespmem:v7+s17+$0x0], $0xffff;
	v6 =	vadd.f32 v6, v18  }
0x248: {  	v47 =	vor.u32 s3, v16;
	v46 =	vld.idx.msk [tilespmem:v56+s17+$0x0], $0xffff;
	[tilespmem:s15+$0xFFFFFE10] =	vst v60;
	v5 =	vmul.f32 $8.000000000e+00, v5;
	v60 =	vor.u32 s24, v16  }
0x249: {  	v38 =	vmul.f32 $8.000000000e+00, v38;
	v53 =	vor.u32 s12, v16;
	v55 =	vld.idx.msk [tilespmem:v62+s17+$0x0], $0xffff;
	[tilespmem:s15+$0xFFFFFC90] =	vst v6;
	v6 =	vadd.f32 v54, v19  }
0x24a: {  	[tilespmem:s15+$0x380] =	vst v49;
	v62 =	vld.idx.msk [tilespmem:v50+s17+$0x0], $0xffff;
	v50 =	vor.u32 s10, v16;
	v5 =	vadd.f32 v5, v27;
	v3 =	vmul.f32 $8.000000000e+00, v3  }
0x24b: {  	v4 =	vmul.f32 $8.000000000e+00, v52;
	v17 =	vld.idx.msk [tilespmem:v59+s17+$0x0], $0xffff;
	v36 =	vmul.f32 $8.000000000e+00, v36;
	[tilespmem:s15+$0xFFFFFD90] =	vst v6;
	v6 =	vadd.f32 v38, v23  }
0x24c: {  	v52 =	vor.u32 s6, v16;
	v34 =	vld.idx.msk [tilespmem:v45+s17+$0x0], $0xffff;
	[tilespmem:s15+$0x110] =	vst v5;
	v7 =	vmul.f32 $8.000000000e+00, v7;
	v3 =	vadd.f32 v3, v24  }
0x24d: {  	v63 =	vor.u32 s16, v14;
	v57 =	vor.u32 s23, v16;
	v35 =	vld.idx.msk [tilespmem:v60+s17+$0x0], $0xffff;
	v36 =	vadd.f32 v36, v31;
	[tilespmem:s15+$0xFFFFFE90] =	vst v6  }
0x24e: {  	v49 =	vor.u32 s1, v16;
	v40 =	vld.idx.msk [tilespmem:v47+s17+$0x0], $0xffff;
	v6 =	vmul.f32 $8.000000000e+00, v55;
	v7 =	vadd.f32 v7, v33;
	[tilespmem:s15+$0xFFFFFF10] =	vst v3  }
0x24f: {  	v48 =	vmul.f32 $8.000000000e+00, v43;
	v54 =	vmul.f32 $8.000000000e+00, v46;
	v3 =	vadd.f32 v4, v21;
	v59 =	vld.idx.msk [tilespmem:v50+s17+$0x0], $0xffff;
	[tilespmem:s15+$0xFFFFFC10] =	vst v36  }
0x250: {  	v58 =	vmul.f32 $8.000000000e+00, v17;
	v55 =	vor.u32 s25, v16;
	v6 =	vadd.f32 v6, v25;
	[tilespmem:s15+$0x330] =	vst v7;
	v7 =	vld.idx.msk [tilespmem:v61+s17+$0x0], $0xffff  }
0x251: {  	v46 =	vor.u32 s29, v16;
	v51 =	vmul.f32 $8.000000000e+00, v62;
	[tilespmem:s15+$0xFFFFFF90] =	vst v3;
	v3 =	vadd.f32 v48, v26;
	v61 =	vld.idx.msk [tilespmem:v52+s17+$0x0], $0xffff  }
0x252: {  	v4 =	vadd.f32 v58, v32;
	v50 =	vor.u32 s28, v16;
	v38 =	vld.idx.msk [tilespmem:v63+s17+$0x0], $0xffff;
	[tilespmem:s15+$0x10] =	vst v6;
	v6 =	vmul.f32 $8.000000000e+00, v37  }
0x253: {  	v62 =	vor.u32 s26, v16;
	v34 =	vmul.f32 $8.000000000e+00, v34;
	[tilespmem:s15+$0x90] =	vst v3;
	v3 =	vadd.f32 v51, v28;
	v37 =	vld.idx.msk [tilespmem:v53+s17+$0x0], $0xffff  }
0x254: {  	[tilespmem:s15+$0x390] =	vst v4;
	v48 =	vor.u32 s30, v16;
	v40 =	vmul.f32 $8.000000000e+00, v40;
	v56 =	vadd.f32 v6, v29;
	v6 =	vld.idx.msk [tilespmem:v49+s17+$0x0], $0xffff  }
0x255: {  	v45 =	vld.idx.msk [tilespmem:v55+s17+$0x0], $0xffff;
	[tilespmem:s15+$0x190] =	vst v3;
	v3 =	vadd.f32 v54, v30;
	v49 =	vor.u32 s20, v16;
	v17 =	vmul.f32 $8.000000000e+00, v59  }
0x256: {  	v58 =	vor.u32 s10, v15;
	v47 =	vld.idx.msk [tilespmem:v57+s17+$0x0], $0xffff;
	v40 =	vadd.f32 v40, v19;
	v7 =	vmul.f32 $8.000000000e+00, v7;
	[tilespmem:s15+$0x210] =	vst v56  }
0x257: {  	v63 =	vor.u32 s16, v13;
	v16 =	vld.idx.msk [tilespmem:v50+s17+$0x0], $0xffff;
	[tilespmem:s15+$0x290] =	vst v3;
	v3 =	vmul.f32 $8.000000000e+00, v38;
	v17 =	vadd.f32 v17, v23  }
0x258: {  	v51 =	vor.u32 s0, v15;
	v53 =	vor.u32 s3, v15;
	[tilespmem:s15+$0xFFFFFDA0] =	vst v40;
	v7 =	vadd.f32 v7, v18;
	v52 =	vld.idx.msk [tilespmem:v46+s17+$0x0], $0xffff  }
0x259: {  	v59 =	vor.u32 s6, v15;
	v54 =	vld.idx.msk [tilespmem:v48+s17+$0x0], $0xffff;
	v3 =	vadd.f32 v3, v33;
	[tilespmem:s15+$0xFFFFFEA0] =	vst v17;
	v6 =	vmul.f32 $8.000000000e+00, v6  }
0x25a: {  	v5 =	vmul.f32 $8.000000000e+00, v61;
	v56 =	vor.u32 s1, v15;
	[tilespmem:s15+$0xFFFFFCA0] =	vst v7;
	v7 =	vadd.f32 v34, v22;
	v34 =	vld.idx.msk [tilespmem:v49+s17+$0x0], $0xffff  }
0x25b: {  	v37 =	vmul.f32 $8.000000000e+00, v37;
	v4 =	vmul.f32 $8.000000000e+00, v47;
	v47 =	vld.idx.msk [tilespmem:v58+s17+$0x0], $0xffff;
	[tilespmem:s15+$0x340] =	vst v3;
	v6 =	vadd.f32 v6, v20  }
0x25c: {  	v5 =	vadd.f32 v5, v24;
	v46 =	vor.u32 s25, v15;
	v3 =	vld.idx.msk [tilespmem:v62+s17+$0x0], $0xffff;
	[tilespmem:s15+$0xFFFFFD20] =	vst v7;
	v7 =	vor.u32 s31, v15  }
0x25d: {  	v48 =	vor.u32 s23, v15;
	v55 =	vadd.f32 v37, v21;
	v38 =	vld.idx.msk [tilespmem:v63+s17+$0x0], $0xffff;
	[tilespmem:s15+$0xFFFFFE20] =	vst v6;
	v6 =	vmul.f32 $8.000000000e+00, v45  }
0x25e: {  	v36 =	vld.idx.msk [tilespmem:v53+s17+$0x0], $0xffff;
	[tilespmem:s15+$0xFFFFFF20] =	vst v5;
	v4 =	vadd.f32 v4, v26;
	v62 =	vor.u32 s16, v12;
	v45 =	vmul.f32 $8.000000000e+00, v54  }
0x25f: {  	v49 =	vld.idx.msk [tilespmem:v59+s17+$0x0], $0xffff;
	[tilespmem:s15+$0xFFFFFFA0] =	vst v55;
	v55 =	vor.u32 s30, v15;
	v34 =	vmul.f32 $8.000000000e+00, v34;
	v57 =	vadd.f32 v6, v25  }
0x260: {  	[tilespmem:s15+$0xA0] =	vst v4;
	v37 =	vld.idx.msk [tilespmem:v56+s17+$0x0], $0xffff;
	v4 =	vmul.f32 $8.000000000e+00, v47;
	v6 =	vmul.f32 $8.000000000e+00, v35;
	v5 =	vadd.f32 v45, v30  }
0x261: {  	v56 =	vor.u32 s20, v15;
	v3 =	vmul.f32 $8.000000000e+00, v3;
	v7 =	vld.idx.msk [tilespmem:v7+s17+$0x0], $0xffff;
	v34 =	vadd.f32 v34, v31;
	[tilespmem:s15+$0x20] =	vst v57  }
0x262: {  	v61 =	vld.idx.msk [tilespmem:v51+s17+$0x0], $0xffff;
	v4 =	vadd.f32 v4, v23;
	v60 =	vadd.f32 v6, v27;
	v6 =	vmul.f32 $8.000000000e+00, v38;
	[tilespmem:s15+$0x2A0] =	vst v5  }
0x263: {  	v44 =	vor.u32 s12, v15;
	v63 =	vmul.f32 $8.000000000e+00, v52;
	v35 =	vld.idx.msk [tilespmem:v48+s17+$0x0], $0xffff;
	v3 =	vadd.f32 v3, v28;
	[tilespmem:s15+$0xFFFFFC20] =	vst v34  }
0x264: {  	v50 =	vor.u32 s24, v15;
	v59 =	vor.u32 s31, v14;
	v54 =	vld.idx.msk [tilespmem:v46+s17+$0x0], $0xffff;
	[tilespmem:s15+$0xFFFFFEB0] =	vst v4;
	v6 =	vadd.f32 v6, v33  }
0x265: {  	v52 =	vor.u32 s29, v15;
	[tilespmem:s15+$0x1A0] =	vst v3;
	v3 =	vadd.f32 v63, v29;
	v37 =	vmul.f32 $8.000000000e+00, v37;
	v63 =	vld.idx.msk [tilespmem:v55+s17+$0x0], $0xffff  }
0x266: {  	v47 =	vor.u32 s1, v14;
	v5 =	vld.idx.msk [tilespmem:v56+s17+$0x0], $0xffff;
	[tilespmem:s15+$0x350] =	vst v6;
	v6 =	vmul.f32 $8.000000000e+00, v16;
	v7 =	vmul.f32 $8.000000000e+00, v7  }
0x267: {  	v53 =	vmul.f32 $8.000000000e+00, v36;
	[tilespmem:s15+$0x220] =	vst v3;
	v3 =	vor.u32 s26, v15;
	v58 =	vadd.f32 v37, v20;
	v39 =	vld.idx.msk [tilespmem:v62+s17+$0x0], $0xffff  }
0x268: {  	v57 =	vor.u32 s28, v15;
	[tilespmem:s15+$0x120] =	vst v60;
	v51 =	vadd.f32 v6, v32;
	v6 =	vld.idx.msk [tilespmem:v44+s17+$0x0], $0xffff;
	v7 =	vadd.f32 v7, v18  }
0x269: {  	v45 =	vor.u32 s3, v14;
	v38 =	vmul.f32 $8.000000000e+00, v61;
	v17 =	vld.idx.msk [tilespmem:v50+s17+$0x0], $0xffff;
	v62 =	vor.u32 s0, v14;
	[tilespmem:s15+$0xFFFFFE30] =	vst v58  }
0x26a: {  	v48 =	vor.u32 s10, v14;
	v16 =	vmul.f32 $8.000000000e+00, v49;
	v61 =	vld.idx.msk [tilespmem:v52+s17+$0x0], $0xffff;
	[tilespmem:s15+$0xFFFFFCB0] =	vst v7;
	v7 =	vadd.f32 v53, v19  }
0x26b: {  	v38 =	vadd.f32 v38, v22;
	v44 =	vmul.f32 $8.000000000e+00, v54;
	v55 =	vld.idx.msk [tilespmem:v47+s17+$0x0], $0xffff;
	[tilespmem:s15+$0x3A0] =	vst v51;
	v53 =	vor.u32 s25, v14  }
0x26c: {  	v60 =	vor.u32 s16, v11;
	v16 =	vadd.f32 v16, v24;
	v3 =	vld.idx.msk [tilespmem:v3+s17+$0x0], $0xffff;
	[tilespmem:s15+$0xFFFFFDB0] =	vst v7;
	v7 =	vmul.f32 $8.000000000e+00, v39  }
0x26d: {  	v56 =	vor.u32 s23, v14;
	[tilespmem:s15+$0xFFFFFD30] =	vst v38;
	v4 =	vadd.f32 v44, v25;
	v15 =	vld.idx.msk [tilespmem:v57+s17+$0x0], $0xffff;
	v6 =	vmul.f32 $8.000000000e+00, v6  }
0x26e: {  	v46 =	vmul.f32 $8.000000000e+00, v35;
	v5 =	vmul.f32 $8.000000000e+00, v5;
	[tilespmem:s15+$0xFFFFFF30] =	vst v16;
	v34 =	vld.idx.msk [tilespmem:v62+s17+$0x0], $0xffff;
	v7 =	vadd.f32 v7, v33  }
0x26f: {  	v49 =	vor.u32 s6, v14;
	v52 =	vor.u32 s12, v14;
	[tilespmem:s15+$0x30] =	vst v4;
	v36 =	vld.idx.msk [tilespmem:v45+s17+$0x0], $0xffff;
	v6 =	vadd.f32 v6, v21  }
0x270: {  	v17 =	vmul.f32 $8.000000000e+00, v17;
	v5 =	vadd.f32 v5, v31;
	v51 =	vmul.f32 $8.000000000e+00, v61;
	v44 =	vld.idx.msk [tilespmem:v53+s17+$0x0], $0xffff;
	[tilespmem:s15+$0x360] =	vst v7  }
0x271: {  	v58 =	vor.u32 s24, v14;
	v7 =	vld.idx.msk [tilespmem:v59+s17+$0x0], $0xffff;
	v3 =	vmul.f32 $8.000000000e+00, v3;
	[tilespmem:s15+$0xFFFFFFB0] =	vst v6;
	v6 =	vadd.f32 v46, v26  }
0x272: {  	v50 =	vadd.f32 v17, v27;
	v62 =	vor.u32 s29, v14;
	[tilespmem:s15+$0xFFFFFC30] =	vst v5;
	v54 =	vadd.f32 v51, v29;
	v38 =	vld.idx.msk [tilespmem:v60+s17+$0x0], $0xffff  }
0x273: {  	v57 =	vld.idx.msk [tilespmem:v48+s17+$0x0], $0xffff;
	v60 =	vor.u32 s26, v14;
	v3 =	vadd.f32 v3, v28;
	[tilespmem:s15+$0xB0] =	vst v6;
	v6 =	vmul.f32 $8.000000000e+00, v63  }
0x274: {  	v45 =	vor.u32 s30, v14;
	[tilespmem:s15+$0x230] =	vst v54;
	v59 =	vld.idx.msk [tilespmem:v49+s17+$0x0], $0xffff;
	v49 =	vor.u32 s28, v14;
	v36 =	vmul.f32 $8.000000000e+00, v36  }
0x275: {  	v54 =	vor.u32 s3, v13;
	v61 =	vld.idx.msk [tilespmem:v52+s17+$0x0], $0xffff;
	[tilespmem:s15+$0x1B0] =	vst v3;
	v3 =	vadd.f32 v6, v30;
	v6 =	vmul.f32 $8.000000000e+00, v15  }
0x276: {  	[tilespmem:s15+$0x130] =	vst v50;
	v46 =	vld.idx.msk [tilespmem:v56+s17+$0x0], $0xffff;
	v50 =	vadd.f32 v36, v19;
	v56 =	vmul.f32 $8.000000000e+00, v44;
	v7 =	vmul.f32 $8.000000000e+00, v7  }
0x277: {  	v48 =	vld.idx.msk [tilespmem:v58+s17+$0x0], $0xffff;
	v44 =	vor.u32 s25, v13;
	[tilespmem:s15+$0x2B0] =	vst v3;
	v3 =	vmul.f32 $8.000000000e+00, v38;
	v6 =	vadd.f32 v6, v32  }
0x278: {  	v16 =	vld.idx.msk [tilespmem:v60+s17+$0x0], $0xffff;
	[tilespmem:s15+$0xFFFFFDC0] =	vst v50;
	v60 =	vadd.f32 v56, v25;
	v63 =	vadd.f32 v7, v18;
	v7 =	vmul.f32 $8.000000000e+00, v34  }
0x279: {  	v15 =	vmul.f32 $8.000000000e+00, v57;
	v3 =	vadd.f32 v3, v33;
	[tilespmem:s15+$0x3B0] =	vst v6;
	v6 =	vor.u32 s20, v14  }
0x27a: {  	v52 =	vld.idx.msk [tilespmem:v62+s17+$0x0], $0xffff;
	v4 =	vmul.f32 $8.000000000e+00, v59;
	[tilespmem:s15+$0x40] =	vst v60;
	v47 =	vadd.f32 v7, v22;
	v7 =	vmul.f32 $8.000000000e+00, v55  }
0x27b: {  	v15 =	vadd.f32 v15, v23;
	v53 =	vmul.f32 $8.000000000e+00, v61;
	v43 =	vld.idx.msk [tilespmem:v54+s17+$0x0], $0xffff;
	[tilespmem:s15+$0x370] =	vst v3;
	v3 =	vor.u32 s31, v13  }
0x27c: {  	v4 =	vadd.f32 v4, v24;
	[tilespmem:s15+$0xFFFFFCC0] =	vst v63;
	v55 =	vld.idx.msk [tilespmem:v45+s17+$0x0], $0xffff;
	v51 =	vadd.f32 v7, v20;
	v7 =	vor.u32 s0, v13  }
0x27d: {  	v59 =	vor.u32 s10, v13;
	v61 =	vmul.f32 $8.000000000e+00, v48;
	[tilespmem:s15+$0xFFFFFEC0] =	vst v15;
	v56 =	vld.idx.msk [tilespmem:v44+s17+$0x0], $0xffff  }
0x27e: {  	v40 =	vor.u32 s12, v13;
	v57 =	vor.u32 s1, v13;
	v58 =	vadd.f32 v53, v21;
	[tilespmem:s15+$0xFFFFFF40] =	vst v4;
	v6 =	vld.idx.msk [tilespmem:v6+s17+$0x0], $0xffff  }
0x27f: {  	v62 =	vor.u32 s6, v13;
	v42 =	vmul.f32 $8.000000000e+00, v52;
	v41 =	vadd.f32 v61, v27;
	v14 =	vld.idx.msk [tilespmem:v49+s17+$0x0], $0xffff;
	[tilespmem:s15+$0xFFFFFD40] =	vst v47  }
0x280: {  	v50 =	vor.u32 s24, v13;
	v60 =	vor.u32 s28, v13;
	v33 =	vmul.f32 $8.000000000e+00, v46;
	[tilespmem:s15+$0xFFFFFFC0] =	vst v58;
	v3 =	vld.idx.msk [tilespmem:v3+s17+$0x0], $0xffff  }
0x281: {  	v48 =	vadd.f32 v42, v29;
	v53 =	vor.u32 s26, v13;
	v16 =	vmul.f32 $8.000000000e+00, v16;
	[tilespmem:s15+$0x140] =	vst v41;
	v7 =	vld.idx.msk [tilespmem:v7+s17+$0x0], $0xffff  }
0x282: {  	v49 =	vld.idx.msk [tilespmem:v59+s17+$0x0], $0xffff;
	v63 =	vadd.f32 v33, v26;
	v47 =	vor.u32 s23, v13;
	[tilespmem:s15+$0xFFFFFE40] =	vst v51;
	v46 =	vmul.f32 $8.000000000e+00, v55  }
0x283: {  	v61 =	vor.u32 s0, v12;
	[tilespmem:s15+$0x240] =	vst v48;
	v45 =	vadd.f32 v16, v28;
	v34 =	vld.idx.msk [tilespmem:v57+s17+$0x0], $0xffff;
	v6 =	vmul.f32 $8.000000000e+00, v6  }
0x284: {  	v52 =	vld.idx.msk [tilespmem:v62+s17+$0x0], $0xffff;
	[tilespmem:s15+$0xC0] =	vst v63;
	v55 =	vor.u32 s29, v13;
	v14 =	vmul.f32 $8.000000000e+00, v14;
	v51 =	vadd.f32 v46, v30  }
0x285: {  	v58 =	vor.u32 s20, v13;
	v54 =	vld.idx.msk [tilespmem:v40+s17+$0x0], $0xffff;
	[tilespmem:s15+$0x1C0] =	vst v45;
	v6 =	vadd.f32 v6, v31;
	v3 =	vmul.f32 $8.000000000e+00, v3  }
0x286: {  	v59 =	vld.idx.msk [tilespmem:v50+s17+$0x0], $0xffff;
	v57 =	vor.u32 s30, v13;
	v14 =	vadd.f32 v14, v32;
	[tilespmem:s15+$0x2C0] =	vst v51;
	v7 =	vmul.f32 $8.000000000e+00, v7  }
0x287: {  	v44 =	vor.u32 s6, v12;
	v38 =	vld.idx.msk [tilespmem:v47+s17+$0x0], $0xffff;
	[tilespmem:s15+$0xFFFFFC40] =	vst v6;
	v3 =	vadd.f32 v3, v18;
	v6 =	vmul.f32 $8.000000000e+00, v43  }
0x288: {  	v62 =	vor.u32 s3, v12;
	v17 =	vld.idx.msk [tilespmem:v53+s17+$0x0], $0xffff;
	v34 =	vmul.f32 $8.000000000e+00, v34;
	[tilespmem:s15+$0x3C0] =	vst v14;
	v7 =	vadd.f32 v7, v22  }
0x289: {  	v41 =	vor.u32 s1, v12;
	v5 =	vmul.f32 $8.000000000e+00, v49;
	v33 =	vld.idx.msk [tilespmem:v55+s17+$0x0], $0xffff;
	[tilespmem:s15+$0xFFFFFCD0] =	vst v3;
	v3 =	vadd.f32 v6, v19  }
0x28a: {  	v15 =	vmul.f32 $8.000000000e+00, v56;
	v16 =	vmul.f32 $8.000000000e+00, v52;
	v40 =	vld.idx.msk [tilespmem:v58+s17+$0x0], $0xffff;
	[tilespmem:s15+$0xFFFFFD50] =	vst v7;
	v7 =	vadd.f32 v34, v20  }
0x28b: {  	v4 =	vmul.f32 $8.000000000e+00, v54;
	v63 =	vld.idx.msk [tilespmem:v57+s17+$0x0], $0xffff;
	v6 =	vor.u32 s31, v12;
	[tilespmem:s15+$0xFFFFFDD0] =	vst v3;
	v3 =	vadd.f32 v5, v23  }
0x28c: {  	v49 =	vor.u32 s25, v12;
	v13 =	vld.idx.msk [tilespmem:v60+s17+$0x0], $0xffff;
	v43 =	vor.u32 s10, v12;
	[tilespmem:s15+$0xFFFFFE50] =	vst v7;
	v7 =	vadd.f32 v16, v24  }
0x28d: {  	v52 =	vor.u32 s23, v12;
	v42 =	vmul.f32 $8.000000000e+00, v38;
	v46 =	vld.idx.msk [tilespmem:v61+s17+$0x0], $0xffff;
	[tilespmem:s15+$0xFFFFFED0] =	vst v3;
	v3 =	vadd.f32 v4, v21  }
0x28e: {  	v47 =	vor.u32 s12, v12;
	v14 =	vmul.f32 $8.000000000e+00, v59;
	v5 =	vld.idx.msk [tilespmem:v62+s17+$0x0], $0xffff;
	[tilespmem:s15+$0xFFFFFF50] =	vst v7;
	v7 =	vadd.f32 v15, v25  }
0x28f: {  	v54 =	vor.u32 s24, v12;
	v51 =	vld.idx.msk [tilespmem:v41+s17+$0x0], $0xffff;
	v16 =	vmul.f32 $8.000000000e+00, v40;
	[tilespmem:s15+$0xFFFFFFD0] =	vst v3;
	v3 =	vadd.f32 v42, v26  }
0x290: {  	v45 =	vmul.f32 $8.000000000e+00, v17;
	v61 =	vor.u32 s20, v12;
	v6 =	vld.idx.msk [tilespmem:v6+s17+$0x0], $0xffff;
	[tilespmem:s15+$0x50] =	vst v7;
	v7 =	vadd.f32 v14, v27  }
0x291: {  	v57 =	vor.u32 s26, v12;
	v48 =	vmul.f32 $8.000000000e+00, v33;
	v53 =	vld.idx.msk [tilespmem:v43+s17+$0x0], $0xffff;
	v16 =	vadd.f32 v16, v31;
	[tilespmem:s15+$0xD0] =	vst v3  }
0x292: {  	v60 =	vor.u32 s30, v12;
	v56 =	vld.idx.msk [tilespmem:v44+s17+$0x0], $0xffff;
	v17 =	vmul.f32 $8.000000000e+00, v46;
	v3 =	vadd.f32 v45, v28;
	[tilespmem:s15+$0x150] =	vst v7  }
0x293: {  	v50 =	vmul.f32 $8.000000000e+00, v63;
	v40 =	vor.u32 s0, v11;
	v59 =	vld.idx.msk [tilespmem:v49+s17+$0x0], $0xffff;
	v7 =	vadd.f32 v48, v29;
	[tilespmem:s15+$0xFFFFFC50] =	vst v16  }
0x294: {  	v58 =	vor.u32 s29, v12;
	v17 =	vadd.f32 v17, v22;
	v35 =	vmul.f32 $8.000000000e+00, v51;
	v36 =	vld.idx.msk [tilespmem:v52+s17+$0x0], $0xffff;
	[tilespmem:s15+$0x1D0] =	vst v3  }
0x295: {  	v63 =	vor.u32 s31, v11;
	v16 =	vld.idx.msk [tilespmem:v61+s17+$0x0], $0xffff;
	v3 =	vadd.f32 v50, v30;
	v6 =	vmul.f32 $8.000000000e+00, v6;
	[tilespmem:s15+$0x250] =	vst v7  }
0x296: {  	v55 =	vmul.f32 $8.000000000e+00, v13;
	v42 =	vor.u32 s1, v11;
	v7 =	vld.idx.msk [tilespmem:v47+s17+$0x0], $0xffff;
	[tilespmem:s15+$0xFFFFFD60] =	vst v17;
	v39 =	vadd.f32 v35, v20  }
0x297: {  	v62 =	vor.u32 s28, v12;
	v5 =	vmul.f32 $8.000000000e+00, v5;
	v15 =	vld.idx.msk [tilespmem:v57+s17+$0x0], $0xffff;
	[tilespmem:s15+$0x2D0] =	vst v3;
	v6 =	vadd.f32 v6, v18  }
0x298: {  	v13 =	vmul.f32 $8.000000000e+00, v56;
	v35 =	vld.idx.msk [tilespmem:v40+s17+$0x0], $0xffff;
	v3 =	vadd.f32 v55, v32;
	[tilespmem:s15+$0xFFFFFE60] =	vst v39;
	v4 =	vmul.f32 $8.000000000e+00, v59  }
0x299: {  	v45 =	vor.u32 s6, v11;
	v5 =	vadd.f32 v5, v19;
	v34 =	vld.idx.msk [tilespmem:v58+s17+$0x0], $0xffff;
	[tilespmem:s15+$0xFFFFFCE0] =	vst v6;
	v6 =	vmul.f32 $8.000000000e+00, v53  }
0x29a: {  	v13 =	vadd.f32 v13, v24;
	[tilespmem:s15+$0x3D0] =	vst v3;
	v3 =	vld.idx.msk [tilespmem:v54+s17+$0x0], $0xffff;
	v4 =	vadd.f32 v4, v25;
	v16 =	vmul.f32 $8.000000000e+00, v16  }
0x29b: {  	[tilespmem:s15+$0xFFFFFDE0] =	vst v5;
	v17 =	vld.idx.msk [tilespmem:v42+s17+$0x0], $0xffff;
	v41 =	vadd.f32 v6, v23;
	v6 =	vmul.f32 $8.000000000e+00, v7;
	v7 =	vor.u32 s3, v11  }
0x29c: {  	v44 =	vor.u32 s10, v11;
	v49 =	vor.u32 s25, v11;
	v33 =	vld.idx.msk [tilespmem:v60+s17+$0x0], $0xffff;
	[tilespmem:s15+$0xFFFFFF60] =	vst v13  }
0x29d: {  	v51 =	vor.u32 s23, v11;
	v12 =	vld.idx.msk [tilespmem:v62+s17+$0x0], $0xffff;
	[tilespmem:s15+$0x60] =	vst v4;
	v16 =	vadd.f32 v16, v31;
	v35 =	vmul.f32 $8.000000000e+00, v35  }
0x29e: {  	v52 =	vor.u32 s24, v11;
	v14 =	vld.idx.msk [tilespmem:v63+s17+$0x0], $0xffff;
	[tilespmem:s15+$0xFFFFFEE0] =	vst v41;
	v43 =	vadd.f32 v6, v21;
	v6 =	vmul.f32 $8.000000000e+00, v36  }
0x29f: {  	v47 =	vor.u32 s12, v11;
	v13 =	vld.idx.msk [tilespmem:v45+s17+$0x0], $0xffff;
	[tilespmem:s15+$0xFFFFFC60] =	vst v16;
	v22 =	vadd.f32 v35, v22;
	v3 =	vmul.f32 $8.000000000e+00, v3  }
0x2a0: {  	v17 =	vmul.f32 $8.000000000e+00, v17;
	[tilespmem:s15+$0xFFFFFFE0] =	vst v43;
	v46 =	vadd.f32 v6, v26;
	v6 =	vmul.f32 $8.000000000e+00, v15;
	v7 =	vld.idx.msk [tilespmem:v7+s17+$0x0], $0xffff  }
0x2a1: {  	v56 =	vor.u32 s20, v11;
	v48 =	vmul.f32 $8.000000000e+00, v34;
	[tilespmem:s15+$0xFFFFFD70] =	vst v22;
	v3 =	vadd.f32 v3, v27  }
0x2a2: {  	v36 =	vld.idx.msk [tilespmem:v44+s17+$0x0], $0xffff;
	v59 =	vadd.f32 v17, v20;
	[tilespmem:s15+$0xE0] =	vst v46;
	v50 =	vadd.f32 v6, v28;
	v6 =	vmul.f32 $8.000000000e+00, v33  }
0x2a3: {  	v54 =	vor.u32 s26, v11;
	v34 =	vld.idx.msk [tilespmem:v49+s17+$0x0], $0xffff;
	v14 =	vmul.f32 $8.000000000e+00, v14;
	[tilespmem:s15+$0x160] =	vst v3;
	v3 =	vadd.f32 v48, v29  }
0x2a4: {  	v13 =	vmul.f32 $8.000000000e+00, v13;
	v15 =	vld.idx.msk [tilespmem:v47+s17+$0x0], $0xffff;
	[tilespmem:s15+$0xFFFFFE70] =	vst v59;
	v53 =	vadd.f32 v6, v30;
	v6 =	vmul.f32 $8.000000000e+00, v12  }
0x2a5: {  	v14 =	vadd.f32 v14, v18;
	[tilespmem:s15+$0x260] =	vst v3;
	v3 =	vor.u32 s29, v11;
	v7 =	vmul.f32 $8.000000000e+00, v7  }
0x2a6: {  	v13 =	vadd.f32 v13, v24;
	v57 =	vld.idx.msk [tilespmem:v51+s17+$0x0], $0xffff;
	[tilespmem:s15+$0x1E0] =	vst v50;
	v55 =	vadd.f32 v6, v32;
	v6 =	vor.u32 s30, v11  }
0x2a7: {  	v58 =	vor.u32 s28, v11;
	v4 =	vld.idx.msk [tilespmem:v52+s17+$0x0], $0xffff;
	[tilespmem:s15+$0xFFFFFCF0] =	vst v14;
	v11 =	vmul.f32 $8.000000000e+00, v36;
	v7 =	vadd.f32 v7, v19  }
0x2a8: {  	v60 =	vmul.f32 $8.000000000e+00, v34;
	[tilespmem:s15+$0xFFFFFF70] =	vst v13;
	v12 =	vld.idx.msk [tilespmem:v54+s17+$0x0], $0xffff  }
0x2a9: {  	[tilespmem:s15+$0xFFFFFDF0] =	vst v7;
	v7 =	vadd.f32 v11, v23;
	v11 =	vmul.f32 $8.000000000e+00, v15  }
0x2aa: {  	v62 =	vadd.f32 v60, v25;
	[tilespmem:s15+$0x2E0] =	vst v53;
	v3 =	vld.idx.msk [tilespmem:v3+s17+$0x0], $0xffff  }
0x2ab: {  	v6 =	vld.idx.msk [tilespmem:v6+s17+$0x0], $0xffff;
	[tilespmem:s15+$0xFFFFFEF0] =	vst v7;
	v7 =	vadd.f32 v11, v21;
	v11 =	vmul.f32 $8.000000000e+00, v57  }
0x2ac: {  	[tilespmem:s15+$0x70] =	vst v62;
	v4 =	vmul.f32 $8.000000000e+00, v4  }
0x2ad: {  	[tilespmem:s15+$0xFFFFFFF0] =	vst v7;
	v7 =	vadd.f32 v11, v26;
	v11 =	vmul.f32 $8.000000000e+00, v12  }
0x2ae: {  	v61 =	vld.idx.msk [tilespmem:v56+s17+$0x0], $0xffff;
	[tilespmem:s15+$0x3E0] =	vst v55;
	v4 =	vadd.f32 v4, v27  }
0x2af: {  	v5 =	vld.idx.msk [tilespmem:v58+s17+$0x0], $0xffff;
	v3 =	vmul.f32 $8.000000000e+00, v3;
	[tilespmem:s15+$0xF0] =	vst v7;
	v7 =	vadd.f32 v11, v28  }
0x2b0: {  	[tilespmem:s15+$0x170] =	vst v4;
	v6 =	vmul.f32 $8.000000000e+00, v6  }
0x2b1: {  	v3 =	vadd.f32 v3, v29;
	[tilespmem:s15+$0x1F0] =	vst v7  }
0x2b2: {  	v6 =	vadd.f32 v6, v30;
	s24 =	rddreg [dreg:$0x6]  }
0x2b3: {  	v63 =	vmul.f32 $8.000000000e+00, v61;
	s25 =	rddreg [dreg:$0xe];
	[tilespmem:s15+$0x270] =	vst v3  }
0x2b4: {  	v5 =	vmul.f32 $8.000000000e+00, v5;
	s0 =	sadd.s32 s24, s25;
	[tilespmem:s15+$0x2F0] =	vst v6  }
0x2b5: {  	v4 =	vadd.f32 v63, v31;
	s0 =	sshll.u32 s0, $0x10;
	s26 =	rddreg [dreg:$0x4]  }
0x2b6: {  	v3 =	vadd.f32 v5, v32;
	s0 =	sor.u32 s26, s0  }
0x2b7: {  	s18 =	rddreg [dreg:$0x2];
	s28 =	simm.s32 $0x400;
	[tilespmem:s15+$0xFFFFFC70] =	vst v4;
	s0 =	sshrl.u32 s0, $0x3  }
0x2b8: {  	s29 =	simm.s32 $0x2000;
	s30 =	simm.s32 $0x12B00;
	[tilespmem:s15+$0x3F0] =	vst v3;
	s0 =	sadd.s32 s18, s0  }
0x2b9: {  	[hbm4b:s0+s28] =	stream.strided.scatter [tilespmem:s30], [sflag:$0x3], $0x2000, s29, s28, $0x38;
	[tilespmem:$0x16B00] =	vst v63  }
0x2ba: {  	s31 =	rddreg [dreg:$0x5];
	s0 =	sadd.s32 $0x2, s25  }
0x2bb: {  	p1 =	sge.u32 s0, s31  }
.Ltmp1:
0x2bc: {  	_ = 	snop;
	(pc) =	sbr.rel @p1 .LBB2_6-.Ltmp1, $1  }
0x2bd: {  	_ =	sdelay $0x3  }
0x2be: {  	s0 =	sshll.u32 s0, $0x7  }
0x2bf: {  	s0 =	sand.u32 $0x3FFFFF80, s0  }
0x2c0: {  	v3 =	vld [tilespmem:s0+$0x0];
	_ =	sdelay $0x4  }
0x2c1: {  	v3 =	vshrl.u32 v3, $0x1  }
0x2c2: {  	[tilespmem:$0x2A00] =	vst v3  }
0x2c3: {  	v4 =	vld [tilespmem:s0+$0x10];
	_ =	sdelay $0x4  }
0x2c4: {  	v4 =	vshrl.u32 v4, $0x1  }
0x2c5: {  	[tilespmem:$0x2A10] =	vst v4  }
0x2c6: {  	v4 =	vld [tilespmem:s0+$0x20];
	_ =	sdelay $0x4  }
0x2c7: {  	v4 =	vshrl.u32 v4, $0x1  }
0x2c8: {  	[tilespmem:$0x2A20] =	vst v4  }
0x2c9: {  	v4 =	vld [tilespmem:s0+$0x30];
	_ =	sdelay $0x4  }
0x2ca: {  	v4 =	vshrl.u32 v4, $0x1  }
0x2cb: {  	[tilespmem:$0x2A30] =	vst v4  }
0x2cc: {  	v4 =	vld [tilespmem:s0+$0x40];
	_ =	sdelay $0x4  }
0x2cd: {  	v4 =	vshrl.u32 v4, $0x1  }
0x2ce: {  	[tilespmem:$0x2A40] =	vst v4  }
0x2cf: {  	v4 =	vld [tilespmem:s0+$0x50];
	_ =	sdelay $0x4  }
0x2d0: {  	v4 =	vshrl.u32 v4, $0x1  }
0x2d1: {  	[tilespmem:$0x2A50] =	vst v4  }
0x2d2: {  	v4 =	vld [tilespmem:s0+$0x60];
	_ =	sdelay $0x4  }
0x2d3: {  	v4 =	vshrl.u32 v4, $0x1  }
0x2d4: {  	[tilespmem:$0x2A60] =	vst v4  }
0x2d5: {  	v5 =	vperm.xlane v3, v0;
	v4 =	vld [tilespmem:s0+$0x70];
	_ =	sdelay $0x1  }
0x2d6: {  	v3 =	vperm.xlane v3, v2;
	v5 =	vadd.s32 v1, v5;
	_ =	sdelay $0x1  }
0x2d7: {  	v3 =	vadd.s32 v1, v3  }
0x2d8: {  	v4 =	vshrl.u32 v4, $0x1  }
0x2d9: {  	s12 =	simm.s32 $0x0;
	[tilespmem:$0x2A70] =	vst v4  }
0x2da: {  	[tilespmem:s17], [sflag:$0x1] =	stream.indirect_vreg.gather [hbm4b:s4+s12], $0x80, v5, vm0, $0xb8;
	[tilespmem:$0x16B00] =	vst v63  }
0x2db: {  	s1 =	simm.s32 $0x3300  }
0x2dc: {  	[tilespmem:s1], [sflag:$0x1] =	stream.indirect_vreg.gather [hbm4b:s4+s12], $0x80, v3, vm0, $0xb8;
	[tilespmem:$0x16B00] =	vst v63  }
0x2dd: {  	v3 =	vld [tilespmem:$0x2A10];
	_ =	sdelay $0x4  }
0x2de: {  	v57 =	vperm.xlane v3, v0;
	_ =	sdelay $0x1  }
0x2df: {  	v3 =	vperm.xlane v3, v2;
	v4 =	vadd.s32 v1, v57;
	_ =	sdelay $0x1  }
0x2e0: {  	v3 =	vadd.s32 v1, v3;
	_ =	sdelay $0x1  }
0x2e1: {  	s13 =	simm.s32 $0x3B00  }
0x2e2: {  	[tilespmem:s13], [sflag:$0x1] =	stream.indirect_vreg.gather [hbm4b:s4+s12], $0x80, v4, vm0, $0xb8;
	[tilespmem:$0x16B00] =	vst v63  }
0x2e3: {  	s15 =	simm.s32 $0x4300  }
0x2e4: {  	[tilespmem:s15], [sflag:$0x1] =	stream.indirect_vreg.gather [hbm4b:s4+s12], $0x80, v3, vm0, $0xb8;
	[tilespmem:$0x16B00] =	vst v63  }
0x2e5: {  	v3 =	vld [tilespmem:$0x2A20];
	_ =	sdelay $0x4  }
0x2e6: {  	v58 =	vperm.xlane v3, v0;
	_ =	sdelay $0x1  }
0x2e7: {  	v3 =	vperm.xlane v3, v2;
	v4 =	vadd.s32 v1, v58;
	_ =	sdelay $0x1  }
0x2e8: {  	v3 =	vadd.s32 v1, v3;
	_ =	sdelay $0x1  }
0x2e9: {  	s16 =	simm.s32 $0x4B00  }
0x2ea: {  	[tilespmem:s16], [sflag:$0x1] =	stream.indirect_vreg.gather [hbm4b:s4+s12], $0x80, v4, vm0, $0xb8;
	[tilespmem:$0x16B00] =	vst v63  }
0x2eb: {  	s20 =	simm.s32 $0x5300  }
0x2ec: {  	[tilespmem:s20], [sflag:$0x1] =	stream.indirect_vreg.gather [hbm4b:s4+s12], $0x80, v3, vm0, $0xb8;
	[tilespmem:$0x16B00] =	vst v63  }
0x2ed: {  	v3 =	vld [tilespmem:$0x2A30];
	_ =	sdelay $0x4  }
0x2ee: {  	v59 =	vperm.xlane v3, v0;
	_ =	sdelay $0x1  }
0x2ef: {  	v3 =	vperm.xlane v3, v2;
	v4 =	vadd.s32 v1, v59;
	_ =	sdelay $0x1  }
0x2f0: {  	v3 =	vadd.s32 v1, v3;
	_ =	sdelay $0x1  }
0x2f1: {  	s21 =	simm.s32 $0x5B00  }
0x2f2: {  	[tilespmem:s21], [sflag:$0x1] =	stream.indirect_vreg.gather [hbm4b:s4+s12], $0x80, v4, vm0, $0xb8;
	[tilespmem:$0x16B00] =	vst v63  }
0x2f3: {  	s22 =	simm.s32 $0x6300  }
0x2f4: {  	[tilespmem:s22], [sflag:$0x1] =	stream.indirect_vreg.gather [hbm4b:s4+s12], $0x80, v3, vm0, $0xb8;
	[tilespmem:$0x16B00] =	vst v63  }
0x2f5: {  	v3 =	vld [tilespmem:$0x2A40];
	_ =	sdelay $0x4  }
0x2f6: {  	v60 =	vperm.xlane v3, v0;
	_ =	sdelay $0x1  }
0x2f7: {  	v3 =	vperm.xlane v3, v2;
	v4 =	vadd.s32 v1, v60;
	_ =	sdelay $0x1  }
0x2f8: {  	v3 =	vadd.s32 v1, v3;
	_ =	sdelay $0x1  }
0x2f9: {  	s23 =	simm.s32 $0x6B00  }
0x2fa: {  	[tilespmem:s23], [sflag:$0x1] =	stream.indirect_vreg.gather [hbm4b:s4+s12], $0x80, v4, vm0, $0xb8;
	[tilespmem:$0x16B00] =	vst v63  }
0x2fb: {  	s24 =	simm.s32 $0x7300  }
0x2fc: {  	[tilespmem:s24], [sflag:$0x1] =	stream.indirect_vreg.gather [hbm4b:s4+s12], $0x80, v3, vm0, $0xb8;
	[tilespmem:$0x16B00] =	vst v63  }
0x2fd: {  	v3 =	vld [tilespmem:$0x2A50];
	_ =	sdelay $0x4  }
0x2fe: {  	v61 =	vperm.xlane v3, v0;
	_ =	sdelay $0x1  }
0x2ff: {  	v3 =	vperm.xlane v3, v2;
	v4 =	vadd.s32 v1, v61;
	_ =	sdelay $0x1  }
0x300: {  	v3 =	vadd.s32 v1, v3;
	_ =	sdelay $0x1  }
0x301: {  	s25 =	simm.s32 $0x7B00  }
0x302: {  	[tilespmem:s25], [sflag:$0x1] =	stream.indirect_vreg.gather [hbm4b:s4+s12], $0x80, v4, vm0, $0xb8;
	[tilespmem:$0x16B00] =	vst v63  }
0x303: {  	s26 =	simm.s32 $0x8300  }
0x304: {  	[tilespmem:s26], [sflag:$0x1] =	stream.indirect_vreg.gather [hbm4b:s4+s12], $0x80, v3, vm0, $0xb8;
	[tilespmem:$0x16B00] =	vst v63  }
0x305: {  	v3 =	vld [tilespmem:$0x2A60];
	_ =	sdelay $0x4  }
0x306: {  	v62 =	vperm.xlane v3, v0;
	_ =	sdelay $0x1  }
0x307: {  	v3 =	vperm.xlane v3, v2;
	v4 =	vadd.s32 v1, v62;
	_ =	sdelay $0x1  }
0x308: {  	v3 =	vadd.s32 v1, v3;
	_ =	sdelay $0x1  }
0x309: {  	s28 =	simm.s32 $0x8B00  }
0x30a: {  	[tilespmem:s28], [sflag:$0x1] =	stream.indirect_vreg.gather [hbm4b:s4+s12], $0x80, v4, vm0, $0xb8;
	[tilespmem:$0x16B00] =	vst v63  }
0x30b: {  	s29 =	simm.s32 $0x9300  }
0x30c: {  	[tilespmem:s29], [sflag:$0x1] =	stream.indirect_vreg.gather [hbm4b:s4+s12], $0x80, v3, vm0, $0xb8;
	[tilespmem:$0x16B00] =	vst v63  }
0x30d: {  	v3 =	vld [tilespmem:$0x2A70];
	_ =	sdelay $0x4  }
0x30e: {  	v63 =	vperm.xlane v3, v0;
	_ =	sdelay $0x1  }
0x30f: {  	v3 =	vperm.xlane v3, v2;
	v4 =	vadd.s32 v1, v63;
	_ =	sdelay $0x1  }
0x310: {  	v3 =	vadd.s32 v1, v3;
	_ =	sdelay $0x1  }
0x311: {  	s30 =	simm.s32 $0x9B00  }
0x312: {  	[tilespmem:s30], [sflag:$0x1] =	stream.indirect_vreg.gather [hbm4b:s4+s12], $0x80, v4, vm0, $0xb8;
	[tilespmem:$0x16B00] =	vst v63  }
0x313: {  	s31 =	simm.s32 $0xA300  }
0x314: {  	[tilespmem:s31], [sflag:$0x1] =	stream.indirect_vreg.gather [hbm4b:s4+s12], $0x80, v3, vm0, $0xb8;
	[tilespmem:$0x16B00] =	vst v63  }
.LBB2_6:
0x315: {  	s0 =	simm.s32 $0x2  }
0x316: {  	_ =	swait.ge [sflag:s0], $0x4000  }
0x317: {  	[sflag:s0] =	ssyncset.done $0x0  }
0x318: {  	[sflag:s0] =	ssyncadd.s32 $0xFFFFC000;
	s0 =	simm.s32 @!p0 $0x4  }
0x319: {  	_ =	swait.ge @!p0 [sflag:s0], $0x2000  }
0x31a: {  	s5 =	sadd.s32 $0x0, s9;
	[sflag:s0] =	ssyncset.done @!p0 $0x0;
	v55 =	vld [tilespmem:$0x1FFB0]  }
0x31b: {  	s2 =	sadd.s32 $0x40, s5;
	v56 =	vld [tilespmem:$0x1FFC0];
	[sflag:s0] =	ssyncadd.s32 @!p0 $0xFFFFE000  }
0x31c: {  	s20 =	sadd.s32 $0x41, s5;
	v30 =	vmov s2;
	v3 =	vld [tilespmem:s19+$0x0]  }
0x31d: {  	s7 =	sadd.s32 $0x42, s5;
	v31 =	vmov s20;
	v30 =	vand.u32 $0xFFFFFFF0, v30;
	v4 =	vld [tilespmem:s19+$0x10]  }
0x31e: {  	v32 =	vmov s7;
	v31 =	vand.u32 $0xFFFFFFF1, v31;
	v30 =	vbroadcast v30, $0x0;
	v5 =	vld [tilespmem:s19+$0x20]  }
0x31f: {  	s11 =	sadd.s32 $0x43, s5;
	v32 =	vand.u32 $0xFFFFFFF2, v32;
	v31 =	vbroadcast v31, $0x0;
	v6 =	vld [tilespmem:s19+$0x30]  }
0x320: {  	s13 =	sadd.s32 $0x44, s5;
	v33 =	vmov s11;
	v32 =	vbroadcast v32, $0x0;
	v7 =	vld [tilespmem:s19+$0x40]  }
0x321: {  	v34 =	vmov s13;
	v33 =	vand.u32 $0xFFFFFFF3, v33;
	v11 =	vld [tilespmem:s19+$0x50]  }
0x322: {  	v34 =	vand.u32 $0xFFFFFFF4, v34;
	v48 =	vbroadcast v33, $0x0;
	v12 =	vld [tilespmem:s19+$0x60];
	v3 =	vshll.u32 v3, $0x6  }
0x323: {  	v60 =	vbroadcast v34, $0x0;
	v13 =	vld [tilespmem:s19+$0x70];
	v3 =	vand.u32 $0x40, v3  }
0x324: {  	s28 =	simm.s32 $0x0;
	v34 =	vld.idx.msk [tilespmem:v30+s14+$0x0], $0xffff;
	v18 =	vor.u32 v8, v3  }
0x325: {  	s26 =	simm.s32 $0x1;
	v33 =	vld.idx.msk [tilespmem:v31+s14+$0x0], $0xffff;
	v54 =	vor.u32 s28, v18  }
0x326: {  	s24 =	simm.s32 $0x2;
	v32 =	vld.idx.msk [tilespmem:v32+s14+$0x0], $0xffff;
	v14 =	vor.u32 s26, v18  }
0x327: {  	v62 =	vmov v8;
	v4 =	vshll.u32 v4, $0x6;
	v8 =	vld [tilespmem:$0x1FFD0];
	v19 =	vor.u32 s24, v18  }
0x328: {  	s23 =	simm.s32 $0x3;
	v31 =	vld.idx.msk [tilespmem:v48+s14+$0x0], $0xffff;
	v5 =	vshll.u32 v5, $0x6;
	v6 =	vshll.u32 v6, $0x6;
	v7 =	vshll.u32 v7, $0x6  }
0x329: {  	s22 =	simm.s32 $0x4;
	v30 =	vld.idx.msk [tilespmem:v60+s14+$0x0], $0xffff;
	v4 =	vand.u32 $0x40, v4;
	v53 =	vand.u32 $0x40, v6;
	v20 =	vor.u32 s23, v18  }
0x32a: {  	s15 =	simm.s32 $0x5;
	v3 =	vand.u32 $0x40, v5;
	v17 =	vor.u32 v9, v4;
	v22 =	vor.u32 s22, v18;
	v4 =	vld.idx.msk [tilespmem:v54+s8+$0x0], $0xffff  }
0x32b: {  	s21 =	simm.s32 $0x6;
	v7 =	vand.u32 $0x40, v7;
	v16 =	vor.u32 v55, v3;
	v3 =	vor.u32 s15, v18;
	v6 =	vld.idx.msk [tilespmem:v14+s8+$0x0], $0xffff  }
0x32c: {  	s16 =	simm.s32 $0xE;
	s19 =	sadd.s32 $0x4E, s5;
	v13 =	vshll.u32 v13, $0x6;
	v57 =	vor.u32 s21, v18;
	v14 =	vor.u32 v8, v7;
	v7 =	vld.idx.msk [tilespmem:v19+s8+$0x0], $0xffff  }
0x32d: {  	s25 =	simm.s32 $0x7;
	v21 =	vand.u32 $0x40, v13;
	v13 =	vmov s19;
	v23 =	vor.u32 s16, v18;
	v8 =	vld [tilespmem:$0x1FFE0]  }
0x32e: {  	s12 =	simm.s32 $0x9;
	v24 =	vor.u32 s25, v18;
	v19 =	vand.u32 $0xFFFFFFFE, v13;
	v20 =	vld.idx.msk [tilespmem:v20+s8+$0x0], $0xffff  }
0x32f: {  	s20 =	sadd.s32 $0x46, s5;
	s13 =	sadd.s32 $0x47, s5;
	v25 =	vor.u32 s12, v18;
	v22 =	vld.idx.msk [tilespmem:v22+s8+$0x0], $0xffff;
	v19 =	vbroadcast v19, $0x0  }
0x330: {  	s6 =	simm.s32 $0xA;
	s7 =	sadd.s32 $0x4A, s5;
	s11 =	sadd.s32 $0x4B, s5;
	v36 =	vmov s20;
	v37 =	vmov s13;
	v3 =	vld.idx.msk [tilespmem:v3+s8+$0x0], $0xffff  }
0x331: {  	s1 =	simm.s32 $0xB;
	s20 =	sadd.s32 $0x49, s5;
	v41 =	vmov s7;
	v42 =	vmov s11;
	v26 =	vor.u32 s6, v18;
	v5 =	vld.idx.msk [tilespmem:v57+s8+$0x0], $0xffff  }
0x332: {  	s3 =	simm.s32 $0xC;
	v39 =	vmov s20;
	v36 =	vand.u32 $0xFFFFFFF6, v36;
	v27 =	vor.u32 s1, v18;
	v23 =	vld.idx.msk [tilespmem:v23+s8+$0x0], $0xffff  }
0x333: {  	v37 =	vand.u32 $0xFFFFFFF7, v37;
	v59 =	vand.u32 $0xFFFFFFF9, v39;
	s0 =	simm.s32 $0xD;
	s19 =	sadd.s32 $0x45, s5;
	v28 =	vor.u32 s3, v18;
	v24 =	vld.idx.msk [tilespmem:v24+s8+$0x0], $0xffff  }
0x334: {  	s13 =	simm.s32 $0xF;
	v37 =	vbroadcast v37, $0x0;
	v35 =	vmov s19;
	s19 =	sadd.s32 $0x48, s5;
	v29 =	vor.u32 s0, v18;
	v45 =	vld.idx.msk [tilespmem:v25+s8+$0x0], $0xffff  }
0x335: {  	s20 =	sadd.s32 $0x4D, s5;
	v50 =	vbroadcast v59, $0x0;
	v38 =	vmov s19;
	s19 =	sadd.s32 $0x4C, s5;
	s5 =	sadd.s32 $0x4F, s5;
	v40 =	vld.idx.msk [tilespmem:v19+s14+$0x0], $0xffff;
	v19 =	vor.u32 s13, v18  }
0x336: {  	v11 =	vshll.u32 v11, $0x6;
	v12 =	vshll.u32 v12, $0x6;
	v46 =	vld.idx.msk [tilespmem:v26+s8+$0x0], $0xffff;
	v26 =	vmov s5  }
0x337: {  	v11 =	vand.u32 $0x40, v11;
	v12 =	vand.u32 $0x40, v12;
	v15 =	vor.u32 v56, v53;
	v27 =	vld.idx.msk [tilespmem:v27+s8+$0x0], $0xffff  }
0x338: {  	v56 =	vand.u32 $0xFFFFFFFB, v42;
	v44 =	vor.u32 s16, v17;
	v47 =	vld.idx.msk [tilespmem:v28+s8+$0x0], $0xffff;
	v23 =	vmul.f32 $8.000000000e+00, v23  }
0x339: {  	v51 =	vbroadcast v56, $0x0;
	v43 =	vmov s19;
	v25 =	vmov s20;
	v49 =	vld.idx.msk [tilespmem:v29+s8+$0x0], $0xffff  }
0x33a: {  	s10 =	simm.s32 $0x8;
	v28 =	vand.u32 $0xFFFFFFF5, v35;
	v13 =	vor.u32 v8, v11;
	v23 =	vadd.f32 v23, v40;
	v58 =	vld.idx.msk [tilespmem:v19+s8+$0x0], $0xffff  }
0x33b: {  	s20 =	simm.s32 $0x14F00;
	v11 =	vor.u32 v10, v21;
	v21 =	vor.u32 s10, v18;
	v19 =	vld.idx.msk [tilespmem:v26+s14+$0x0], $0xffff;
	v26 =	vbroadcast v28, $0x0  }
0x33c: {  	v60 =	vor.u32 s16, v16;
	v29 =	vand.u32 $0xFFFFFFF8, v38;
	v8 =	vld [tilespmem:$0x1FFF0];
	v28 =	vbroadcast v36, $0x0;
	[tilespmem:s20+$0x300] =	vst v23  }
0x33d: {  	v57 =	vbroadcast v29, $0x0;
	v29 =	vand.u32 $0xFFFFFFFC, v43;
	v20 =	vmul.f32 $8.000000000e+00, v20;
	v61 =	vld.idx.msk [tilespmem:v44+s8+$0x0], $0xffff  }
0x33e: {  	v4 =	vmul.f32 $8.000000000e+00, v4;
	v48 =	vmul.f32 $8.000000000e+00, v22;
	v22 =	vld.idx.msk [tilespmem:v50+s14+$0x0], $0xffff;
	v23 =	vand.u32 $0xFFFFFFFA, v41  }
0x33f: {  	v6 =	vmul.f32 $8.000000000e+00, v6;
	v54 =	vadd.f32 v20, v31;
	v20 =	vld.idx.msk [tilespmem:v51+s14+$0x0], $0xffff;
	v23 =	vbroadcast v23, $0x0  }
0x340: {  	v52 =	vbroadcast v29, $0x0;
	v4 =	vadd.f32 v4, v34;
	v21 =	vld.idx.msk [tilespmem:v21+s8+$0x0], $0xffff;
	v58 =	vmul.f32 $8.000000000e+00, v58  }
0x341: {  	v25 =	vand.u32 $0xFFFFFFFD, v25;
	v7 =	vmul.f32 $8.000000000e+00, v7;
	v6 =	vadd.f32 v6, v33;
	v29 =	vld.idx.msk [tilespmem:v26+s14+$0x0], $0xffff  }
0x342: {  	v53 =	vbroadcast v25, $0x0;
	[tilespmem:s20+$0xFFFFFC00] =	vst v4;
	v28 =	vld.idx.msk [tilespmem:v28+s14+$0x0], $0xffff;
	v25 =	vadd.f32 v58, v19;
	v59 =	vmul.f32 $8.000000000e+00, v61  }
0x343: {  	v56 =	vor.u32 s26, v17;
	v7 =	vadd.f32 v7, v32;
	v4 =	vor.u32 s28, v17;
	[tilespmem:s20+$0xFFFFFC80] =	vst v6;
	v26 =	vld.idx.msk [tilespmem:v37+s14+$0x0], $0xffff  }
0x344: {  	v43 =	vor.u32 s28, v15;
	v3 =	vmul.f32 $8.000000000e+00, v3;
	[tilespmem:s20+$0x380] =	vst v25;
	v25 =	vld.idx.msk [tilespmem:v57+s14+$0x0], $0xffff;
	v61 =	vadd.f32 v59, v40  }
0x345: {  	v5 =	vmul.f32 $8.000000000e+00, v5;
	[tilespmem:s20+$0xFFFFFD00] =	vst v7;
	v58 =	vmul.f32 $8.000000000e+00, v24;
	v24 =	vld.idx.msk [tilespmem:v23+s14+$0x0], $0xffff;
	v59 =	vor.u32 s24, v17  }
0x346: {  	v45 =	vmul.f32 $8.000000000e+00, v45;
	v23 =	vmul.f32 $8.000000000e+00, v21;
	v21 =	vld.idx.msk [tilespmem:v52+s14+$0x0], $0xffff;
	v3 =	vadd.f32 v3, v29;
	[tilespmem:s20+$0x310] =	vst v61  }
0x347: {  	v46 =	vmul.f32 $8.000000000e+00, v46;
	[tilespmem:s20+$0xFFFFFD80] =	vst v54;
	v5 =	vadd.f32 v5, v28;
	v61 =	vor.u32 s22, v17;
	v38 =	vld.idx.msk [tilespmem:v60+s8+$0x0], $0xffff  }
0x348: {  	v35 =	vor.u32 s28, v11;
	v55 =	vadd.f32 v48, v30;
	v57 =	vor.u32 s15, v17;
	[tilespmem:s20+$0xFFFFFE80] =	vst v3;
	v3 =	vld.idx.msk [tilespmem:v4+s8+$0x0], $0xffff  }
0x349: {  	v51 =	vor.u32 s16, v15;
	v39 =	vadd.f32 v58, v26;
	v60 =	vor.u32 s23, v17;
	[tilespmem:s20+$0xFFFFFF00] =	vst v5;
	v5 =	vld.idx.msk [tilespmem:v56+s8+$0x0], $0xffff  }
0x34a: {  	[tilespmem:s20+$0xFFFFFE00] =	vst v55;
	v55 =	vmul.f32 $8.000000000e+00, v27;
	v45 =	vadd.f32 v45, v22;
	v4 =	vor.u32 s21, v17;
	v7 =	vld.idx.msk [tilespmem:v59+s8+$0x0], $0xffff  }
0x34b: {  	v58 =	vmul.f32 $8.000000000e+00, v47;
	[tilespmem:s20+$0xFFFFFF80] =	vst v39;
	v39 =	vor.u32 s25, v17;
	v54 =	vadd.f32 v23, v25;
	v23 =	vld.idx.msk [tilespmem:v53+s14+$0x0], $0xffff  }
0x34c: {  	v12 =	vor.u32 v8, v12;
	[tilespmem:s20+$0x80] =	vst v45;
	v56 =	vadd.f32 v46, v24;
	v50 =	vld.idx.msk [tilespmem:v61+s8+$0x0], $0xffff;
	v27 =	vmul.f32 $8.000000000e+00, v38  }
0x34d: {  	v46 =	vadd.f32 v58, v21;
	v48 =	vld.idx.msk [tilespmem:v57+s8+$0x0], $0xffff;
	v57 =	vor.u32 s12, v17;
	[tilespmem:s20+$0x0] =	vst v54;
	v3 =	vmul.f32 $8.000000000e+00, v3  }
0x34e: {  	v59 =	vmul.f32 $8.000000000e+00, v49;
	[tilespmem:s20+$0x100] =	vst v56;
	v61 =	vor.u32 s10, v17;
	v42 =	vld.idx.msk [tilespmem:v60+s8+$0x0], $0xffff;
	v60 =	vadd.f32 v27, v40  }
0x34f: {  	v58 =	vor.u32 s6, v17;
	[tilespmem:s20+$0x200] =	vst v46;
	v4 =	vld.idx.msk [tilespmem:v4+s8+$0x0], $0xffff;
	v3 =	vadd.f32 v3, v34;
	v7 =	vmul.f32 $8.000000000e+00, v7  }
0x350: {  	v36 =	vor.u32 s28, v12;
	v46 =	vld.idx.msk [tilespmem:v39+s8+$0x0], $0xffff;
	v47 =	vadd.f32 v59, v23;
	v59 =	vor.u32 s1, v17;
	[tilespmem:s20+$0x320] =	vst v60  }
0x351: {  	v54 =	vor.u32 s3, v17;
	[tilespmem:s20+$0xFFFFFC10] =	vst v3;
	v3 =	vadd.f32 v7, v32;
	v56 =	vmul.f32 $8.000000000e+00, v50;
	v51 =	vld.idx.msk [tilespmem:v51+s8+$0x0], $0xffff  }
0x352: {  	v6 =	vadd.f32 v55, v20;
	v45 =	vor.u32 s28, v16;
	v5 =	vmul.f32 $8.000000000e+00, v5;
	v50 =	vld.idx.msk [tilespmem:v57+s8+$0x0], $0xffff  }
0x353: {  	v60 =	vmul.f32 $8.000000000e+00, v42;
	v42 =	vld.idx.msk [tilespmem:v61+s8+$0x0], $0xffff;
	v61 =	vor.u32 s0, v17;
	[tilespmem:s20+$0xFFFFFD10] =	vst v3;
	v3 =	vadd.f32 v56, v30  }
0x354: {  	[tilespmem:s20+$0x180] =	vst v6;
	v52 =	vor.u32 s13, v17;
	v48 =	vmul.f32 $8.000000000e+00, v48;
	v49 =	vld.idx.msk [tilespmem:v58+s8+$0x0], $0xffff;
	v5 =	vadd.f32 v5, v33  }
0x355: {  	v6 =	vld.idx.msk [tilespmem:v59+s8+$0x0], $0xffff;
	v57 =	vadd.f32 v60, v31;
	v60 =	vor.u32 s24, v16;
	[tilespmem:s20+$0xFFFFFE10] =	vst v3;
	v3 =	vmul.f32 $8.000000000e+00, v46  }
0x356: {  	[tilespmem:s20+$0x280] =	vst v47;
	v59 =	vadd.f32 v48, v29;
	v48 =	vld.idx.msk [tilespmem:v54+s8+$0x0], $0xffff;
	v58 =	vmul.f32 $8.000000000e+00, v51;
	v51 =	vor.u32 s16, v14  }
0x357: {  	v53 =	vor.u32 s26, v16;
	[tilespmem:s20+$0xFFFFFC90] =	vst v5;
	v4 =	vmul.f32 $8.000000000e+00, v4;
	v45 =	vld.idx.msk [tilespmem:v45+s8+$0x0], $0xffff;
	v3 =	vadd.f32 v3, v26  }
0x358: {  	[tilespmem:s20+$0xFFFFFE90] =	vst v59;
	v50 =	vmul.f32 $8.000000000e+00, v50;
	v46 =	vld.idx.msk [tilespmem:v61+s8+$0x0], $0xffff;
	v61 =	vor.u32 s23, v16;
	v7 =	vadd.f32 v58, v40  }
0x359: {  	v55 =	vor.u32 s6, v15;
	v4 =	vadd.f32 v4, v28;
	v56 =	vmul.f32 $8.000000000e+00, v42;
	v42 =	vld.idx.msk [tilespmem:v52+s8+$0x0], $0xffff;
	[tilespmem:s20+$0xFFFFFF90] =	vst v3  }
0x35a: {  	v52 =	vor.u32 s22, v16;
	v6 =	vmul.f32 $8.000000000e+00, v6;
	v3 =	vadd.f32 v50, v22;
	v50 =	vld.idx.msk [tilespmem:v60+s8+$0x0], $0xffff;
	[tilespmem:s20+$0x330] =	vst v7  }
0x35b: {  	[tilespmem:s20+$0xFFFFFD90] =	vst v57;
	v58 =	vmul.f32 $8.000000000e+00, v49;
	v60 =	vmul.f32 $8.000000000e+00, v48;
	v48 =	vor.u32 s10, v16;
	v49 =	vld.idx.msk [tilespmem:v51+s8+$0x0], $0xffff  }
0x35c: {  	v41 =	vor.u32 s28, v13;
	[tilespmem:s20+$0xFFFFFF10] =	vst v4;
	v57 =	vadd.f32 v56, v25;
	v7 =	vor.u32 s15, v16;
	v51 =	vld.idx.msk [tilespmem:v53+s8+$0x0], $0xffff  }
0x35d: {  	[tilespmem:s20+$0x90] =	vst v3;
	v3 =	vadd.f32 v6, v20;
	v53 =	vor.u32 s21, v16;
	v47 =	vld.idx.msk [tilespmem:v61+s8+$0x0], $0xffff;
	v61 =	vmul.f32 $8.000000000e+00, v46  }
0x35e: {  	v44 =	vor.u32 s28, v14;
	v54 =	vor.u32 s25, v16;
	[tilespmem:s20+$0x10] =	vst v57;
	v59 =	vadd.f32 v58, v24  }
0x35f: {  	v58 =	vmul.f32 $8.000000000e+00, v45;
	v45 =	vor.u32 s6, v16;
	v46 =	vld.idx.msk [tilespmem:v52+s8+$0x0], $0xffff;
	[tilespmem:s20+$0x190] =	vst v3;
	v3 =	vadd.f32 v61, v23  }
0x360: {  	v56 =	vadd.f32 v60, v21;
	v52 =	vor.u32 s12, v16;
	v57 =	vmul.f32 $8.000000000e+00, v42;
	[tilespmem:s20+$0x110] =	vst v59;
	v48 =	vld.idx.msk [tilespmem:v48+s8+$0x0], $0xffff  }
0x361: {  	v37 =	vor.u32 s24, v11;
	v42 =	vadd.f32 v58, v34;
	v7 =	vld.idx.msk [tilespmem:v7+s8+$0x0], $0xffff;
	[tilespmem:s20+$0x290] =	vst v3;
	v3 =	vmul.f32 $8.000000000e+00, v50  }
0x362: {  	v60 =	vor.u32 s16, v13;
	[tilespmem:s20+$0x210] =	vst v56;
	v5 =	vadd.f32 v57, v19;
	v6 =	vld.idx.msk [tilespmem:v53+s8+$0x0], $0xffff;
	v59 =	vmul.f32 $8.000000000e+00, v49  }
0x363: {  	v61 =	vor.u32 s1, v16;
	[tilespmem:s20+$0xFFFFFC20] =	vst v42;
	v51 =	vmul.f32 $8.000000000e+00, v51;
	v53 =	vld.idx.msk [tilespmem:v54+s8+$0x0], $0xffff;
	v3 =	vadd.f32 v3, v32  }
0x364: {  	v50 =	vor.u32 s3, v16;
	[tilespmem:s20+$0x390] =	vst v5;
	v45 =	vld.idx.msk [tilespmem:v45+s8+$0x0], $0xffff;
	v57 =	vmul.f32 $8.000000000e+00, v47;
	v4 =	vadd.f32 v59, v40  }
0x365: {  	v58 =	vor.u32 s0, v16;
	v47 =	vld.idx.msk [tilespmem:v52+s8+$0x0], $0xffff;
	v46 =	vmul.f32 $8.000000000e+00, v46;
	v56 =	vadd.f32 v51, v33;
	[tilespmem:s20+$0xFFFFFD20] =	vst v3  }
0x366: {  	v43 =	vld.idx.msk [tilespmem:v43+s8+$0x0], $0xffff;
	v52 =	vor.u32 s26, v15;
	v59 =	vadd.f32 v57, v31;
	[tilespmem:s20+$0x340] =	vst v4;
	v7 =	vmul.f32 $8.000000000e+00, v7  }
0x367: {  	v54 =	vor.u32 s24, v15;
	v3 =	vadd.f32 v46, v30;
	[tilespmem:s20+$0xFFFFFCA0] =	vst v56;
	v49 =	vld.idx.msk [tilespmem:v60+s8+$0x0], $0xffff;
	v6 =	vmul.f32 $8.000000000e+00, v6  }
0x368: {  	v46 =	vld.idx.msk [tilespmem:v61+s8+$0x0], $0xffff;
	v4 =	vor.u32 s13, v16;
	[tilespmem:s20+$0xFFFFFDA0] =	vst v59;
	v61 =	vmul.f32 $8.000000000e+00, v53;
	v60 =	vadd.f32 v7, v29  }
0x369: {  	v50 =	vld.idx.msk [tilespmem:v50+s8+$0x0], $0xffff;
	v56 =	vmul.f32 $8.000000000e+00, v48;
	v53 =	vor.u32 s23, v15;
	[tilespmem:s20+$0xFFFFFE20] =	vst v3;
	v3 =	vadd.f32 v6, v28  }
0x36a: {  	v48 =	vld.idx.msk [tilespmem:v58+s8+$0x0], $0xffff;
	v58 =	vmul.f32 $8.000000000e+00, v47;
	v47 =	vor.u32 s15, v15;
	v57 =	vadd.f32 v61, v26;
	[tilespmem:s20+$0xFFFFFEA0] =	vst v60  }
0x36b: {  	v51 =	vor.u32 s22, v15;
	v59 =	vmul.f32 $8.000000000e+00, v45;
	v45 =	vld.idx.msk [tilespmem:v52+s8+$0x0], $0xffff;
	[tilespmem:s20+$0xFFFFFF20] =	vst v3;
	v3 =	vadd.f32 v56, v25  }
0x36c: {  	v52 =	vld.idx.msk [tilespmem:v54+s8+$0x0], $0xffff;
	v60 =	vadd.f32 v58, v22;
	[tilespmem:s20+$0xFFFFFFA0] =	vst v57;
	v57 =	vor.u32 s16, v12;
	v61 =	vmul.f32 $8.000000000e+00, v49  }
0x36d: {  	v38 =	vor.u32 s26, v11;
	v54 =	vor.u32 s21, v15;
	v4 =	vld.idx.msk [tilespmem:v4+s8+$0x0], $0xffff;
	[tilespmem:s20+$0x20] =	vst v3;
	v3 =	vadd.f32 v59, v24  }
0x36e: {  	v58 =	vmul.f32 $8.000000000e+00, v46;
	v46 =	vld.idx.msk [tilespmem:v53+s8+$0x0], $0xffff;
	v53 =	vor.u32 s25, v15;
	[tilespmem:s20+$0xA0] =	vst v60;
	v7 =	vadd.f32 v61, v40  }
0x36f: {  	v60 =	vmul.f32 $8.000000000e+00, v48;
	v47 =	vld.idx.msk [tilespmem:v47+s8+$0x0], $0xffff;
	v48 =	vor.u32 s12, v15;
	v59 =	vmul.f32 $8.000000000e+00, v50;
	[tilespmem:s20+$0x120] =	vst v3  }
0x370: {  	v50 =	vld.idx.msk [tilespmem:v51+s8+$0x0], $0xffff;
	v51 =	vor.u32 s10, v15;
	v61 =	vmul.f32 $8.000000000e+00, v43;
	v3 =	vadd.f32 v58, v20;
	[tilespmem:s20+$0x350] =	vst v7  }
0x371: {  	v39 =	vor.u32 s23, v11;
	v49 =	vor.u32 s1, v15;
	v5 =	vadd.f32 v59, v21;
	v6 =	vld.idx.msk [tilespmem:v57+s8+$0x0], $0xffff  }
0x372: {  	s19 =	simm.s32 $0x10;
	v59 =	vmul.f32 $8.000000000e+00, v52;
	v58 =	vadd.f32 v61, v34;
	[tilespmem:s20+$0x1A0] =	vst v3;
	v57 =	vmul.f32 $8.000000000e+00, v45;
	v45 =	vld.idx.msk [tilespmem:v54+s8+$0x0], $0xffff  }
0x373: {  	v27 =	vor.u32 s19, v18;
	v4 =	vmul.f32 $8.000000000e+00, v4;
	v3 =	vadd.f32 v60, v23;
	[tilespmem:s20+$0x220] =	vst v5;
	v52 =	vld.idx.msk [tilespmem:v53+s8+$0x0], $0xffff  }
0x374: {  	v60 =	vor.u32 s3, v15;
	v61 =	vmul.f32 $8.000000000e+00, v46;
	v54 =	vadd.f32 v59, v32;
	v7 =	vld.idx.msk [tilespmem:v48+s8+$0x0], $0xffff;
	[tilespmem:s20+$0xFFFFFC30] =	vst v58  }
0x375: {  	v47 =	vmul.f32 $8.000000000e+00, v47;
	v46 =	vld.idx.msk [tilespmem:v51+s8+$0x0], $0xffff;
	v51 =	vor.u32 s0, v15;
	[tilespmem:s20+$0x2A0] =	vst v3;
	v3 =	vadd.f32 v57, v33  }
0x376: {  	v59 =	vor.u32 s26, v14;
	v4 =	vadd.f32 v4, v19;
	v56 =	vmul.f32 $8.000000000e+00, v50;
	v50 =	vld.idx.msk [tilespmem:v55+s8+$0x0], $0xffff;
	[tilespmem:s20+$0xFFFFFD30] =	vst v54  }
0x377: {  	v5 =	vld.idx.msk [tilespmem:v49+s8+$0x0], $0xffff;
	v49 =	vor.u32 s16, v11;
	v57 =	vor.u32 s13, v15;
	[tilespmem:s20+$0xFFFFFCB0] =	vst v3;
	v3 =	vadd.f32 v61, v31  }
0x378: {  	v44 =	vld.idx.msk [tilespmem:v44+s8+$0x0], $0xffff;
	v54 =	vor.u32 s21, v14;
	[tilespmem:s20+$0x3A0] =	vst v4;
	v58 =	vadd.f32 v56, v30;
	v6 =	vmul.f32 $8.000000000e+00, v6  }
0x379: {  	v61 =	vmul.f32 $8.000000000e+00, v52;
	[tilespmem:s20+$0xFFFFFDB0] =	vst v3;
	v3 =	vadd.f32 v47, v29;
	v47 =	vld.idx.msk [tilespmem:v60+s8+$0x0], $0xffff;
	v60 =	vor.u32 s24, v14  }
0x37a: {  	v45 =	vmul.f32 $8.000000000e+00, v45;
	[tilespmem:s20+$0xFFFFFE30] =	vst v58;
	v52 =	vor.u32 s23, v14;
	v51 =	vld.idx.msk [tilespmem:v51+s8+$0x0], $0xffff;
	v6 =	vadd.f32 v6, v40  }
0x37b: {  	v7 =	vmul.f32 $8.000000000e+00, v7;
	v58 =	vmul.f32 $8.000000000e+00, v50;
	v50 =	vld.idx.msk [tilespmem:v59+s8+$0x0], $0xffff;
	v4 =	vadd.f32 v61, v26;
	[tilespmem:s20+$0xFFFFFEB0] =	vst v3  }
0x37c: {  	v56 =	vmul.f32 $8.000000000e+00, v46;
	v46 =	vld.idx.msk [tilespmem:v57+s8+$0x0], $0xffff;
	v57 =	vor.u32 s22, v14;
	v3 =	vadd.f32 v45, v28;
	[tilespmem:s20+$0x360] =	vst v6  }
0x37d: {  	v42 =	vor.u32 s22, v11;
	v59 =	vadd.f32 v7, v22;
	v44 =	vmul.f32 $8.000000000e+00, v44;
	[tilespmem:s20+$0xFFFFFFB0] =	vst v4;
	v49 =	vld.idx.msk [tilespmem:v49+s8+$0x0], $0xffff  }
0x37e: {  	v5 =	vmul.f32 $8.000000000e+00, v5;
	v6 =	vor.u32 s15, v14;
	[tilespmem:s20+$0xFFFFFF30] =	vst v3;
	v3 =	vadd.f32 v56, v25;
	v7 =	vld.idx.msk [tilespmem:v60+s8+$0x0], $0xffff  }
0x37f: {  	[tilespmem:s20+$0xB0] =	vst v59;
	v44 =	vadd.f32 v44, v34;
	v60 =	vor.u32 s25, v14;
	v61 =	vmul.f32 $8.000000000e+00, v47;
	v47 =	vld.idx.msk [tilespmem:v52+s8+$0x0], $0xffff  }
0x380: {  	v55 =	vadd.f32 v5, v20;
	v52 =	vor.u32 s10, v14;
	v5 =	vld.idx.msk [tilespmem:v54+s8+$0x0], $0xffff;
	[tilespmem:s20+$0x30] =	vst v3;
	v3 =	vadd.f32 v58, v24  }
0x381: {  	v56 =	vmul.f32 $8.000000000e+00, v51;
	v51 =	vor.u32 s12, v14;
	v59 =	vmul.f32 $8.000000000e+00, v50;
	[tilespmem:s20+$0xFFFFFC40] =	vst v44;
	v48 =	vld.idx.msk [tilespmem:v57+s8+$0x0], $0xffff  }
0x382: {  	v54 =	vor.u32 s1, v14;
	v57 =	vmul.f32 $8.000000000e+00, v46;
	v41 =	vld.idx.msk [tilespmem:v41+s8+$0x0], $0xffff;
	[tilespmem:s20+$0x130] =	vst v3;
	v3 =	vadd.f32 v61, v21  }
0x383: {  	[tilespmem:s20+$0x1B0] =	vst v55;
	v46 =	vor.u32 s6, v14;
	v58 =	vadd.f32 v56, v23;
	v55 =	vadd.f32 v59, v33;
	v6 =	vld.idx.msk [tilespmem:v6+s8+$0x0], $0xffff  }
0x384: {  	v45 =	vadd.f32 v57, v19;
	v57 =	vor.u32 s13, v14;
	[tilespmem:s20+$0x230] =	vst v3;
	v3 =	vmul.f32 $8.000000000e+00, v49;
	v50 =	vld.idx.msk [tilespmem:v60+s8+$0x0], $0xffff  }
0x385: {  	v43 =	vor.u32 s15, v11;
	[tilespmem:s20+$0x2B0] =	vst v58;
	v60 =	vor.u32 s3, v14;
	v61 =	vmul.f32 $8.000000000e+00, v7;
	v7 =	vld.idx.msk [tilespmem:v52+s8+$0x0], $0xffff  }
0x386: {  	[tilespmem:s20+$0xFFFFFCC0] =	vst v55;
	v52 =	vor.u32 s0, v14;
	v56 =	vmul.f32 $8.000000000e+00, v47;
	v47 =	vld.idx.msk [tilespmem:v51+s8+$0x0], $0xffff;
	v3 =	vadd.f32 v3, v40  }
0x387: {  	v59 =	vor.u32 s24, v13;
	[tilespmem:s20+$0x3B0] =	vst v45;
	v45 =	vld.idx.msk [tilespmem:v54+s8+$0x0], $0xffff;
	v5 =	vmul.f32 $8.000000000e+00, v5;
	v4 =	vadd.f32 v61, v32  }
0x388: {  	v55 =	vor.u32 s22, v13;
	v48 =	vmul.f32 $8.000000000e+00, v48;
	v46 =	vld.idx.msk [tilespmem:v46+s8+$0x0], $0xffff;
	v58 =	vadd.f32 v56, v31;
	[tilespmem:s20+$0x370] =	vst v3  }
0x389: {  	v53 =	vor.u32 s12, v11;
	v41 =	vmul.f32 $8.000000000e+00, v41;
	v5 =	vadd.f32 v5, v28;
	v49 =	vld.idx.msk [tilespmem:v57+s8+$0x0], $0xffff;
	[tilespmem:s20+$0xFFFFFD40] =	vst v4  }
0x38a: {  	v61 =	vor.u32 s23, v13;
	v6 =	vmul.f32 $8.000000000e+00, v6;
	v48 =	vadd.f32 v48, v30;
	[tilespmem:s20+$0xFFFFFDC0] =	vst v58;
	v60 =	vld.idx.msk [tilespmem:v60+s8+$0x0], $0xffff  }
0x38b: {  	v41 =	vadd.f32 v41, v34;
	v3 =	vor.u32 s26, v13;
	[tilespmem:s20+$0xFFFFFF40] =	vst v5;
	v50 =	vmul.f32 $8.000000000e+00, v50;
	v52 =	vld.idx.msk [tilespmem:v52+s8+$0x0], $0xffff  }
0x38c: {  	v56 =	vor.u32 s15, v13;
	v6 =	vadd.f32 v6, v29;
	[tilespmem:s20+$0xFFFFFE40] =	vst v48;
	v7 =	vmul.f32 $8.000000000e+00, v7;
	v4 =	vld.idx.msk [tilespmem:v59+s8+$0x0], $0xffff  }
0x38d: {  	v57 =	vor.u32 s21, v13;
	v47 =	vmul.f32 $8.000000000e+00, v47;
	[tilespmem:s20+$0xFFFFFC50] =	vst v41;
	v48 =	vld.idx.msk [tilespmem:v55+s8+$0x0], $0xffff;
	v50 =	vadd.f32 v50, v26  }
0x38e: {  	v58 =	vor.u32 s25, v13;
	v45 =	vmul.f32 $8.000000000e+00, v45;
	v36 =	vld.idx.msk [tilespmem:v36+s8+$0x0], $0xffff;
	[tilespmem:s20+$0xFFFFFEC0] =	vst v6;
	v7 =	vadd.f32 v7, v25  }
0x38f: {  	v59 =	vor.u32 s10, v13;
	v46 =	vmul.f32 $8.000000000e+00, v46;
	v47 =	vadd.f32 v47, v22;
	v44 =	vld.idx.msk [tilespmem:v61+s8+$0x0], $0xffff;
	[tilespmem:s20+$0xFFFFFFC0] =	vst v50  }
0x390: {  	v45 =	vadd.f32 v45, v20;
	v61 =	vor.u32 s6, v13;
	v49 =	vmul.f32 $8.000000000e+00, v49;
	v3 =	vld.idx.msk [tilespmem:v3+s8+$0x0], $0xffff;
	[tilespmem:s20+$0x40] =	vst v7  }
0x391: {  	v46 =	vadd.f32 v46, v24;
	v6 =	vld.idx.msk [tilespmem:v56+s8+$0x0], $0xffff;
	v56 =	vor.u32 s1, v13;
	[tilespmem:s20+$0xC0] =	vst v47;
	v51 =	vmul.f32 $8.000000000e+00, v60  }
0x392: {  	v5 =	vld.idx.msk [tilespmem:v57+s8+$0x0], $0xffff;
	[tilespmem:s20+$0x1C0] =	vst v45;
	v60 =	vor.u32 s12, v13;
	v52 =	vmul.f32 $8.000000000e+00, v52;
	v49 =	vadd.f32 v49, v19  }
0x393: {  	v57 =	vor.u32 s3, v13;
	[tilespmem:s20+$0x140] =	vst v46;
	v50 =	vld.idx.msk [tilespmem:v58+s8+$0x0], $0xffff;
	v4 =	vmul.f32 $8.000000000e+00, v4;
	v51 =	vadd.f32 v51, v21  }
0x394: {  	v7 =	vld.idx.msk [tilespmem:v59+s8+$0x0], $0xffff;
	v58 =	vor.u32 s0, v13;
	v48 =	vmul.f32 $8.000000000e+00, v48;
	v52 =	vadd.f32 v52, v23;
	[tilespmem:s20+$0x3C0] =	vst v49  }
0x395: {  	v59 =	vor.u32 s13, v13;
	v4 =	vadd.f32 v4, v32;
	v46 =	vld.idx.msk [tilespmem:v61+s8+$0x0], $0xffff;
	v3 =	vmul.f32 $8.000000000e+00, v3;
	[tilespmem:s20+$0x240] =	vst v51  }
0x396: {  	v44 =	vmul.f32 $8.000000000e+00, v44;
	v61 =	vor.u32 s23, v12;
	v45 =	vld.idx.msk [tilespmem:v56+s8+$0x0], $0xffff;
	v48 =	vadd.f32 v48, v30;
	[tilespmem:s20+$0x2C0] =	vst v52  }
0x397: {  	v36 =	vmul.f32 $8.000000000e+00, v36;
	v56 =	vor.u32 s22, v12;
	[tilespmem:s20+$0xFFFFFD50] =	vst v4;
	v47 =	vld.idx.msk [tilespmem:v60+s8+$0x0], $0xffff;
	v3 =	vadd.f32 v3, v33  }
0x398: {  	v6 =	vmul.f32 $8.000000000e+00, v6;
	v44 =	vadd.f32 v44, v31;
	v60 =	vor.u32 s24, v12;
	v51 =	vld.idx.msk [tilespmem:v57+s8+$0x0], $0xffff;
	[tilespmem:s20+$0xFFFFFE50] =	vst v48  }
0x399: {  	v5 =	vmul.f32 $8.000000000e+00, v5;
	v36 =	vadd.f32 v36, v34;
	v52 =	vld.idx.msk [tilespmem:v58+s8+$0x0], $0xffff;
	[tilespmem:s20+$0xFFFFFCD0] =	vst v3;
	v3 =	vor.u32 s26, v12  }
0x39a: {  	v6 =	vadd.f32 v6, v29;
	v50 =	vmul.f32 $8.000000000e+00, v50;
	v49 =	vld.idx.msk [tilespmem:v59+s8+$0x0], $0xffff;
	v57 =	vor.u32 s15, v12;
	[tilespmem:s20+$0xFFFFFDD0] =	vst v44  }
0x39b: {  	v5 =	vadd.f32 v5, v28;
	v7 =	vmul.f32 $8.000000000e+00, v7;
	v58 =	vor.u32 s21, v12;
	[tilespmem:s20+$0xFFFFFC60] =	vst v36;
	v44 =	vld.idx.msk [tilespmem:v61+s8+$0x0], $0xffff  }
0x39c: {  	v59 =	vor.u32 s25, v12;
	[tilespmem:s20+$0xFFFFFED0] =	vst v6;
	v50 =	vadd.f32 v50, v26;
	v46 =	vmul.f32 $8.000000000e+00, v46;
	v48 =	vld.idx.msk [tilespmem:v56+s8+$0x0], $0xffff  }
0x39d: {  	[tilespmem:s20+$0xFFFFFF50] =	vst v5;
	v7 =	vadd.f32 v7, v25;
	v45 =	vmul.f32 $8.000000000e+00, v45;
	v56 =	vor.u32 s6, v12;
	v4 =	vld.idx.msk [tilespmem:v60+s8+$0x0], $0xffff  }
0x39e: {  	[tilespmem:s20+$0xFFFFFFD0] =	vst v50;
	v46 =	vadd.f32 v46, v24;
	v47 =	vmul.f32 $8.000000000e+00, v47;
	v60 =	vor.u32 s10, v12;
	v3 =	vld.idx.msk [tilespmem:v3+s8+$0x0], $0xffff  }
0x39f: {  	v61 =	vor.u32 s12, v12;
	[tilespmem:s20+$0x50] =	vst v7;
	v51 =	vmul.f32 $8.000000000e+00, v51;
	v45 =	vadd.f32 v45, v20;
	v6 =	vld.idx.msk [tilespmem:v57+s8+$0x0], $0xffff  }
0x3a0: {  	v54 =	vor.u32 s6, v11;
	v52 =	vmul.f32 $8.000000000e+00, v52;
	v5 =	vld.idx.msk [tilespmem:v58+s8+$0x0], $0xffff;
	[tilespmem:s20+$0x150] =	vst v46;
	v47 =	vadd.f32 v47, v22  }
0x3a1: {  	v49 =	vmul.f32 $8.000000000e+00, v49;
	v50 =	vld.idx.msk [tilespmem:v59+s8+$0x0], $0xffff;
	v58 =	vor.u32 s3, v12;
	v51 =	vadd.f32 v51, v21;
	[tilespmem:s20+$0x1D0] =	vst v45  }
0x3a2: {  	v59 =	vor.u32 s0, v12;
	v52 =	vadd.f32 v52, v23;
	v46 =	vld.idx.msk [tilespmem:v56+s8+$0x0], $0xffff;
	[tilespmem:s20+$0xD0] =	vst v47;
	v4 =	vmul.f32 $8.000000000e+00, v4  }
0x3a3: {  	v57 =	vor.u32 s1, v12;
	v49 =	vadd.f32 v49, v19;
	[tilespmem:s20+$0x250] =	vst v51;
	v7 =	vld.idx.msk [tilespmem:v60+s8+$0x0], $0xffff;
	v3 =	vmul.f32 $8.000000000e+00, v3  }
0x3a4: {  	[tilespmem:s20+$0x2D0] =	vst v52;
	v47 =	vld.idx.msk [tilespmem:v61+s8+$0x0], $0xffff;
	v60 =	vor.u32 s13, v12;
	v61 =	vmul.f32 $8.000000000e+00, v48;
	v4 =	vadd.f32 v4, v32  }
0x3a5: {  	v40 =	vor.u32 s21, v11;
	v35 =	vld.idx.msk [tilespmem:v35+s8+$0x0], $0xffff;
	v44 =	vmul.f32 $8.000000000e+00, v44;
	[tilespmem:s20+$0x3D0] =	vst v49;
	v3 =	vadd.f32 v3, v33  }
0x3a6: {  	v41 =	vor.u32 s25, v11;
	v5 =	vmul.f32 $8.000000000e+00, v5;
	v36 =	vld.idx.msk [tilespmem:v58+s8+$0x0], $0xffff;
	v45 =	vadd.f32 v61, v30;
	[tilespmem:s20+$0xFFFFFD60] =	vst v4  }
0x3a7: {  	v55 =	vor.u32 s13, v11;
	v6 =	vmul.f32 $8.000000000e+00, v6;
	v51 =	vld.idx.msk [tilespmem:v59+s8+$0x0], $0xffff;
	[tilespmem:s20+$0xFFFFFCE0] =	vst v3;
	v3 =	vadd.f32 v44, v31  }
0x3a8: {  	v52 =	vor.u32 s0, v11;
	v58 =	vadd.f32 v5, v28;
	v61 =	vmul.f32 $8.000000000e+00, v46;
	[tilespmem:s20+$0xFFFFFE60] =	vst v45;
	v44 =	vld.idx.msk [tilespmem:v57+s8+$0x0], $0xffff  }
0x3a9: {  	s29 =	simm.s32 $0x11;
	v48 =	vor.u32 s10, v11;
	v49 =	vld.idx.msk [tilespmem:v60+s8+$0x0], $0xffff;
	v57 =	vmul.f32 $8.000000000e+00, v50;
	[tilespmem:s20+$0xFFFFFDE0] =	vst v3;
	v3 =	vadd.f32 v6, v29  }
0x3aa: {  	s31 =	simm.s32 $0x13;
	v46 =	vor.u32 s29, v18;
	[tilespmem:s20+$0xFFFFFF60] =	vst v58;
	v59 =	vmul.f32 $8.000000000e+00, v7;
	v37 =	vld.idx.msk [tilespmem:v37+s8+$0x0], $0xffff;
	v61 =	vadd.f32 v61, v24  }
0x3ab: {  	v45 =	vor.u32 s31, v18;
	v60 =	vmul.f32 $8.000000000e+00, v47;
	v38 =	vld.idx.msk [tilespmem:v38+s8+$0x0], $0xffff;
	[tilespmem:s20+$0xFFFFFEE0] =	vst v3;
	v3 =	vadd.f32 v57, v26  }
0x3ac: {  	s30 =	simm.s32 $0x12;
	v7 =	vor.u32 s3, v11;
	v4 =	vadd.f32 v59, v25;
	[tilespmem:s20+$0x160] =	vst v61;
	v56 =	vld.idx.msk [tilespmem:v39+s8+$0x0], $0xffff;
	v39 =	vmul.f32 $8.000000000e+00, v36  }
0x3ad: {  	v47 =	vor.u32 s30, v18;
	[tilespmem:s20+$0xFFFFFFE0] =	vst v3;
	v3 =	vadd.f32 v60, v22;
	v60 =	vmul.f32 $8.000000000e+00, v44  }
0x3ae: {  	v42 =	vld.idx.msk [tilespmem:v42+s8+$0x0], $0xffff;
	v50 =	vor.u32 s1, v11;
	[tilespmem:s20+$0x60] =	vst v4;
	v59 =	vmul.f32 $8.000000000e+00, v49;
	v58 =	vadd.f32 v39, v21  }
0x3af: {  	s22 =	simm.s32 $0x19;
	v49 =	vld.idx.msk [tilespmem:v40+s8+$0x0], $0xffff;
	v37 =	vmul.f32 $8.000000000e+00, v37;
	v57 =	vmul.f32 $8.000000000e+00, v51;
	[tilespmem:s20+$0xE0] =	vst v3;
	v3 =	vadd.f32 v60, v20  }
0x3b0: {  	s3 =	simm.s32 $0x15;
	v36 =	vor.u32 s22, v18;
	v51 =	vld.idx.msk [tilespmem:v43+s8+$0x0], $0xffff;
	v40 =	vadd.f32 v59, v19;
	[tilespmem:s20+$0x260] =	vst v58;
	v60 =	vmul.f32 $8.000000000e+00, v35  }
0x3b1: {  	s0 =	simm.s32 $0x14;
	s1 =	simm.s32 $0x16;
	v43 =	vor.u32 s3, v18;
	v61 =	vmul.f32 $8.000000000e+00, v38;
	v38 =	vld.idx.msk [tilespmem:v41+s8+$0x0], $0xffff;
	[tilespmem:s20+$0x1E0] =	vst v3;
	v3 =	vadd.f32 v57, v23  }
0x3b2: {  	v39 =	vor.u32 s1, v18;
	v44 =	vor.u32 s0, v18;
	[tilespmem:s20+$0x3E0] =	vst v40;
	v40 =	vld.idx.msk [tilespmem:v54+s8+$0x0], $0xffff;
	v41 =	vadd.f32 v60, v34  }
0x3b3: {  	s25 =	simm.s32 $0x1C;
	s10 =	simm.s32 $0x17;
	v58 =	vmul.f32 $8.000000000e+00, v42;
	v57 =	vld.idx.msk [tilespmem:v48+s8+$0x0], $0xffff;
	v48 =	vmul.f32 $8.000000000e+00, v56;
	v56 =	vadd.f32 v37, v32;
	[tilespmem:s20+$0x2E0] =	vst v3  }
0x3b4: {  	s21 =	simm.s32 $0x18;
	v42 =	vor.u32 s25, v18;
	v35 =	vor.u32 s10, v18;
	v3 =	vadd.f32 v61, v33;
	v33 =	vld.idx.msk [tilespmem:v53+s8+$0x0], $0xffff;
	[tilespmem:s20+$0xFFFFFC70] =	vst v41  }
0x3b5: {  	s23 =	simm.s32 $0x1A;
	v34 =	vor.u32 s21, v18;
	v59 =	vmul.f32 $8.000000000e+00, v51;
	v60 =	vadd.f32 v58, v30;
	v30 =	vld.idx.msk [tilespmem:v7+s8+$0x0], $0xffff;
	[tilespmem:s20+$0xFFFFFD70] =	vst v56  }
0x3b6: {  	s24 =	simm.s32 $0x1B;
	v37 =	vor.u32 s23, v18;
	v61 =	vmul.f32 $8.000000000e+00, v49;
	v32 =	vld.idx.msk [tilespmem:v52+s8+$0x0], $0xffff;
	[tilespmem:s20+$0xFFFFFCF0] =	vst v3;
	v3 =	vadd.f32 v48, v31  }
0x3b7: {  	s5 =	sadd.s32 $0x10, s9;
	s26 =	simm.s32 $0x1D;
	v41 =	vor.u32 s24, v18;
	[tilespmem:s20+$0xFFFFFE70] =	vst v60;
	v31 =	vld.idx.msk [tilespmem:v50+s8+$0x0], $0xffff;
	v48 =	vadd.f32 v59, v29;
	v50 =	vmul.f32 $8.000000000e+00, v38  }
0x3b8: {  	v63 =	vmovc v9;
	s28 =	simm.s32 $0x1F;
	s12 =	simm.s32 $0x20;
	s6 =	simm.s32 $0x14F00;
	v38 =	vor.u32 s26, v18;
	v49 =	vadd.f32 v61, v28;
	v28 =	vld.idx.msk [tilespmem:v55+s8+$0x0], $0xffff;
	v29 =	vmul.f32 $8.000000000e+00, v57;
	[tilespmem:s20+$0xFFFFFDF0] =	vst v3  }
.LBB2_7:
0x3b9: {  	p0 =	slt.u32 s12, $0x30;
	s2 =	sadd.s32 $0x40, s5;
	v27 =	vld.idx.msk [tilespmem:v27+s8+$0x0], $0xffff;
	s7 =	sadd.s32 $0x4E, s5;
	v3 =	vor.u32 s28, v18;
	[tilespmem:s20+$0xFFFFFEF0] =	vst v48;
	v4 =	vadd.f32 v50, v26;
	v5 =	vmul.f32 $8.000000000e+00, v33  }
0x3ba: {  	s11 =	sadd.s32 $0x42, s5;
	s13 =	sadd.s32 $0xE, s19;
	v33 =	vmul.f32 $8.000000000e+00, v40;
	v6 =	vmov s2;
	s2 =	sadd.s32 $0x41, s5;
	v46 =	vld.idx.msk [tilespmem:v46+s8+$0x0], $0xffff;
	v7 =	vmov s7;
	[tilespmem:s20+$0xFFFFFF70] =	vst v49  }
0x3bb: {  	s15 =	sadd.s32 $0x45, s5;
	s7 =	sadd.s32 $0x44, s5;
	v49 =	vor.u32 s13, v18;
	v40 =	vmov s2;
	v26 =	vld.idx.msk [tilespmem:v47+s8+$0x0], $0xffff;
	s2 =	sadd.s32 $0x43, s5;
	v7 =	vand.u32 $0xFFFFFFFE, v7;
	[tilespmem:s20+$0xFFFFFFF0] =	vst v4  }
0x3bc: {  	s16 =	sadd.s32 $0x48, s5;
	v4 =	vmov s11;
	s11 =	sadd.s32 $0x47, s5;
	v50 =	vmov s2;
	v47 =	vld.idx.msk [tilespmem:v45+s8+$0x0], $0xffff;
	s2 =	sadd.s32 $0x46, s5;
	v7 =	vbroadcast v7, $0x0  }
0x3bd: {  	v51 =	vmov s7;
	s7 =	sadd.s32 $0x4A, s5;
	v45 =	vld.idx.msk [tilespmem:v44+s8+$0x0], $0xffff;
	v44 =	vmov s15;
	v52 =	vmov s2;
	s2 =	sadd.s32 $0x49, s5;
	s15 =	sadd.s32 $0x4B, s5  }
0x3be: {  	v53 =	vmov s16;
	v48 =	vld.idx.msk [tilespmem:v43+s8+$0x0], $0xffff;
	v43 =	vmov s11;
	v54 =	vmov s2;
	s2 =	sadd.s32 $0x4C, s5;
	s11 =	sadd.s32 $0x4D, s5;
	s5 =	sadd.s32 $0x4F, s5  }
0x3bf: {  	v55 =	vmov s7;
	v56 =	vmov s15;
	v39 =	vld.idx.msk [tilespmem:v39+s8+$0x0], $0xffff;
	v57 =	vmov s2  }
0x3c0: {  	v6 =	vand.u32 $0xFFFFFFF0, v6;
	v58 =	vand.u32 $0xFFFFFFF1, v40;
	v59 =	vmov s11;
	v49 =	vld.idx.msk [tilespmem:v49+s8+$0x0], $0xffff  }
0x3c1: {  	v4 =	vand.u32 $0xFFFFFFF2, v4;
	v51 =	vand.u32 $0xFFFFFFF4, v51;
	v50 =	vand.u32 $0xFFFFFFF3, v50;
	v60 =	vld.idx.msk [tilespmem:v35+s8+$0x0], $0xffff  }
0x3c2: {  	v43 =	vand.u32 $0xFFFFFFF7, v43;
	v35 =	vand.u32 $0xFFFFFFF5, v44;
	v44 =	vand.u32 $0xFFFFFFF6, v52;
	v40 =	vld.idx.msk [tilespmem:v7+s14+$0x0], $0xffff  }
0x3c3: {  	v7 =	vand.u32 $0xFFFFFFF8, v53;
	v53 =	vand.u32 $0xFFFFFFFA, v55;
	v52 =	vld.idx.msk [tilespmem:v34+s8+$0x0], $0xffff;
	v34 =	vand.u32 $0xFFFFFFF9, v54  }
0x3c4: {  	v55 =	vand.u32 $0xFFFFFFFC, v57;
	v54 =	vld.idx.msk [tilespmem:v36+s8+$0x0], $0xffff;
	v36 =	vand.u32 $0xFFFFFFFB, v56;
	v56 =	vand.u32 $0xFFFFFFFD, v59  }
0x3c5: {  	v6 =	vbroadcast v6, $0x0;
	v57 =	vbroadcast v58, $0x0;
	v59 =	vmov s5;
	v58 =	vld.idx.msk [tilespmem:v37+s8+$0x0], $0xffff  }
0x3c6: {  	v4 =	vbroadcast v4, $0x0;
	v61 =	vld.idx.msk [tilespmem:v41+s8+$0x0], $0xffff;
	v41 =	vmul.f32 $8.000000000e+00, v49;
	v49 =	vor.u32 s13, v17  }
0x3c7: {  	v25 =	vadd.f32 v29, v25;
	v51 =	vbroadcast v51, $0x0;
	v50 =	vbroadcast v50, $0x0;
	v37 =	vld.idx.msk [tilespmem:v42+s8+$0x0], $0xffff  }
0x3c8: {  	v29 =	vbroadcast v35, $0x0;
	v42 =	vbroadcast v44, $0x0;
	v35 =	vadd.f32 v41, v40;
	v3 =	vld.idx.msk [tilespmem:v3+s8+$0x0], $0xffff  }
0x3c9: {  	v5 =	vadd.f32 v5, v22;
	s20 =	sadd.s32 $0x800, s20;
	v43 =	vbroadcast v43, $0x0;
	v7 =	vbroadcast v7, $0x0;
	v38 =	vld.idx.msk [tilespmem:v38+s8+$0x0], $0xffff;
	[tilespmem:s6+$0x70] =	vst v25  }
0x3ca: {  	v24 =	vadd.f32 v33, v24;
	v53 =	vbroadcast v53, $0x0;
	v22 =	vbroadcast v34, $0x0;
	[tilespmem:s20+$0x300] =	vst v35;
	v25 =	vld.idx.msk [tilespmem:v59+s14+$0x0], $0xffff  }
0x3cb: {  	v55 =	vbroadcast v55, $0x0;
	v59 =	vbroadcast v36, $0x0;
	v41 =	vld.idx.msk [tilespmem:v49+s8+$0x0], $0xffff;
	[tilespmem:s6+$0xF0] =	vst v5  }
0x3cc: {  	v5 =	vbroadcast v56, $0x0;
	v34 =	vld.idx.msk [tilespmem:v6+s14+$0x0], $0xffff;
	[tilespmem:s6+$0x170] =	vst v24;
	v6 =	vmul.f32 $8.000000000e+00, v31  }
0x3cd: {  	v35 =	vor.u32 s19, v11;
	v24 =	vmul.f32 $8.000000000e+00, v30;
	v30 =	vmul.f32 $8.000000000e+00, v32;
	v33 =	vld.idx.msk [tilespmem:v57+s14+$0x0], $0xffff  }
0x3ce: {  	v3 =	vmul.f32 $8.000000000e+00, v3;
	v32 =	vld.idx.msk [tilespmem:v4+s14+$0x0], $0xffff;
	v4 =	vadd.f32 v6, v20;
	v6 =	vmul.f32 $8.000000000e+00, v28  }
0x3cf: {  	v36 =	vor.u32 s19, v12;
	v20 =	vadd.f32 v24, v21;
	v21 =	vadd.f32 v30, v23;
	v31 =	vld.idx.msk [tilespmem:v50+s14+$0x0], $0xffff  }
0x3d0: {  	v23 =	vmul.f32 $8.000000000e+00, v27;
	v3 =	vadd.f32 v3, v25;
	v30 =	vld.idx.msk [tilespmem:v51+s14+$0x0], $0xffff;
	[tilespmem:s6+$0x1F0] =	vst v4;
	v4 =	vadd.f32 v6, v19  }
0x3d1: {  	v27 =	vor.u32 s13, v16;
	v6 =	vmul.f32 $8.000000000e+00, v46;
	v24 =	vmul.f32 $8.000000000e+00, v41;
	v19 =	vmovc v25;
	v28 =	vld.idx.msk [tilespmem:v29+s14+$0x0], $0xffff;
	[tilespmem:s6+$0x270] =	vst v20  }
0x3d2: {  	v41 =	vor.u32 s19, v13;
	v20 =	vadd.f32 v23, v34;
	v23 =	vmul.f32 $8.000000000e+00, v26;
	v29 =	vld.idx.msk [tilespmem:v42+s14+$0x0], $0xffff;
	[tilespmem:s20+$0x380] =	vst v3  }
0x3d3: {  	v3 =	vadd.f32 v6, v33;
	v6 =	vmul.f32 $8.000000000e+00, v47;
	v24 =	vadd.f32 v24, v40;
	v26 =	vld.idx.msk [tilespmem:v43+s14+$0x0], $0xffff;
	[tilespmem:s6+$0x2F0] =	vst v21  }
0x3d4: {  	v44 =	vor.u32 s19, v14;
	v21 =	vmul.f32 $8.000000000e+00, v45;
	[tilespmem:s20+$0xFFFFFC00] =	vst v20;
	v20 =	vadd.f32 v23, v32;
	v25 =	vld.idx.msk [tilespmem:v7+s14+$0x0], $0xffff  }
0x3d5: {  	v43 =	vor.u32 s19, v15;
	v6 =	vadd.f32 v6, v31;
	v7 =	vmul.f32 $8.000000000e+00, v48;
	v22 =	vld.idx.msk [tilespmem:v22+s14+$0x0], $0xffff;
	[tilespmem:s20+$0x310] =	vst v24  }
0x3d6: {  	v42 =	vor.u32 s19, v17;
	[tilespmem:s20+$0xFFFFFC80] =	vst v3;
	v3 =	vadd.f32 v21, v30;
	v21 =	vmul.f32 $8.000000000e+00, v39;
	v27 =	vld.idx.msk [tilespmem:v27+s8+$0x0], $0xffff  }
0x3d7: {  	v23 =	vmul.f32 $8.000000000e+00, v60;
	v39 =	vor.u32 s29, v17;
	v7 =	vadd.f32 v7, v28;
	[tilespmem:s20+$0xFFFFFD00] =	vst v20;
	v24 =	vld.idx.msk [tilespmem:v53+s14+$0x0], $0xffff  }
0x3d8: {  	v46 =	vmul.f32 $8.000000000e+00, v52;
	v45 =	vor.u32 s30, v17;
	[tilespmem:s20+$0xFFFFFD80] =	vst v6;
	v6 =	vadd.f32 v21, v29;
	v20 =	vld.idx.msk [tilespmem:v59+s14+$0x0], $0xffff  }
0x3d9: {  	v47 =	vor.u32 s31, v17;
	v48 =	vmul.f32 $8.000000000e+00, v54;
	[tilespmem:s20+$0xFFFFFE00] =	vst v3;
	v3 =	vadd.f32 v23, v26;
	v21 =	vld.idx.msk [tilespmem:v55+s14+$0x0], $0xffff  }
0x3da: {  	v49 =	vor.u32 s0, v17;
	v46 =	vadd.f32 v46, v25;
	[tilespmem:s20+$0xFFFFFE80] =	vst v7;
	v7 =	vor.u32 s3, v17;
	v23 =	vld.idx.msk [tilespmem:v5+s14+$0x0], $0xffff  }
0x3db: {  	v5 =	vld.idx.msk [tilespmem:v42+s8+$0x0], $0xffff;
	[tilespmem:s20+$0xFFFFFF00] =	vst v6;
	v6 =	vor.u32 s1, v17;
	v42 =	vadd.f32 v48, v22;
	v48 =	vmul.f32 $8.000000000e+00, v58  }
0x3dc: {  	v50 =	vor.u32 s13, v15;
	v27 =	vmul.f32 $8.000000000e+00, v27;
	v39 =	vld.idx.msk [tilespmem:v39+s8+$0x0], $0xffff;
	[tilespmem:s20+$0xFFFFFF80] =	vst v3;
	v3 =	vmul.f32 $8.000000000e+00, v61  }
0x3dd: {  	v37 =	vmul.f32 $8.000000000e+00, v37;
	v51 =	vor.u32 s10, v17;
	v45 =	vld.idx.msk [tilespmem:v45+s8+$0x0], $0xffff;
	[tilespmem:s20+$0x0] =	vst v46;
	v46 =	vadd.f32 v48, v24  }
0x3de: {  	v38 =	vmul.f32 $8.000000000e+00, v38;
	v47 =	vld.idx.msk [tilespmem:v47+s8+$0x0], $0xffff;
	[tilespmem:s20+$0x80] =	vst v42;
	v3 =	vadd.f32 v3, v20;
	v42 =	vadd.f32 v27, v40  }
0x3df: {  	v52 =	vor.u32 s21, v17;
	v48 =	vor.u32 s19, v16;
	s19 =	smov.u32 s12;
	v49 =	vld.idx.msk [tilespmem:v49+s8+$0x0], $0xffff;
	[tilespmem:s20+$0x100] =	vst v46;
	v46 =	vadd.f32 v37, v21  }
0x3e0: {  	v53 =	vor.u32 s22, v17;
	v27 =	vor.u32 s12, v18;
	v54 =	vadd.f32 v38, v23;
	v7 =	vld.idx.msk [tilespmem:v7+s8+$0x0], $0xffff;
	[tilespmem:s20+$0x320] =	vst v42  }
0x3e1: {  	v38 =	vor.u32 s29, v11;
	v5 =	vmul.f32 $8.000000000e+00, v5;
	v42 =	vor.u32 s23, v17;
	[tilespmem:s20+$0x180] =	vst v3;
	v3 =	vld.idx.msk [tilespmem:v50+s8+$0x0], $0xffff  }
0x3e2: {  	v37 =	vor.u32 s30, v11;
	v39 =	vmul.f32 $8.000000000e+00, v39;
	v50 =	vor.u32 s24, v17;
	v6 =	vld.idx.msk [tilespmem:v6+s8+$0x0], $0xffff;
	[tilespmem:s20+$0x200] =	vst v46  }
0x3e3: {  	v5 =	vadd.f32 v5, v34;
	v45 =	vmul.f32 $8.000000000e+00, v45;
	v46 =	vld.idx.msk [tilespmem:v51+s8+$0x0], $0xffff;
	v51 =	vor.u32 s25, v17;
	[tilespmem:s20+$0x280] =	vst v54  }
0x3e4: {  	v39 =	vadd.f32 v39, v33;
	v47 =	vmul.f32 $8.000000000e+00, v47;
	v54 =	vor.u32 s26, v17;
	v52 =	vld.idx.msk [tilespmem:v52+s8+$0x0], $0xffff;
	[tilespmem:s6+$0x3F0] =	vst v4;
	s6 =	smov.u32 s20  }
0x3e5: {  	v4 =	vadd.f32 v45, v32;
	[tilespmem:s20+$0xFFFFFC10] =	vst v5;
	v5 =	vmul.f32 $8.000000000e+00, v49;
	v45 =	vld.idx.msk [tilespmem:v53+s8+$0x0], $0xffff;
	v49 =	vor.u32 s28, v17  }
0x3e6: {  	v47 =	vadd.f32 v47, v31;
	v7 =	vmul.f32 $8.000000000e+00, v7;
	[tilespmem:s20+$0xFFFFFC90] =	vst v39;
	v39 =	vor.u32 s31, v11;
	v42 =	vld.idx.msk [tilespmem:v42+s8+$0x0], $0xffff  }
0x3e7: {  	v3 =	vmul.f32 $8.000000000e+00, v3;
	[tilespmem:s20+$0xFFFFFD10] =	vst v4;
	v4 =	vadd.f32 v5, v30;
	v5 =	vld.idx.msk [tilespmem:v50+s8+$0x0], $0xffff;
	v50 =	vor.u32 s13, v14  }
0x3e8: {  	v53 =	vor.u32 s29, v16;
	v7 =	vadd.f32 v7, v28;
	v6 =	vmul.f32 $8.000000000e+00, v6;
	[tilespmem:s20+$0xFFFFFD90] =	vst v47;
	v47 =	vld.idx.msk [tilespmem:v51+s8+$0x0], $0xffff  }
0x3e9: {  	v51 =	vor.u32 s30, v16;
	v3 =	vadd.f32 v3, v40;
	[tilespmem:s20+$0xFFFFFE10] =	vst v4;
	v4 =	vmul.f32 $8.000000000e+00, v46;
	v46 =	vld.idx.msk [tilespmem:v54+s8+$0x0], $0xffff  }
0x3ea: {  	v54 =	vor.u32 s31, v16;
	v6 =	vadd.f32 v6, v29;
	[tilespmem:s20+$0xFFFFFE90] =	vst v7;
	v7 =	vmul.f32 $8.000000000e+00, v52;
	v49 =	vld.idx.msk [tilespmem:v49+s8+$0x0], $0xffff  }
0x3eb: {  	v52 =	vor.u32 s0, v16;
	v45 =	vmul.f32 $8.000000000e+00, v45;
	v48 =	vld.idx.msk [tilespmem:v48+s8+$0x0], $0xffff;
	v4 =	vadd.f32 v4, v26;
	[tilespmem:s20+$0x330] =	vst v3  }
0x3ec: {  	v3 =	vor.u32 s3, v16;
	[tilespmem:s20+$0xFFFFFF10] =	vst v6;
	v6 =	vadd.f32 v7, v25;
	v7 =	vmul.f32 $8.000000000e+00, v42;
	v42 =	vld.idx.msk [tilespmem:v50+s8+$0x0], $0xffff  }
0x3ed: {  	v5 =	vmul.f32 $8.000000000e+00, v5;
	v50 =	vld.idx.msk [tilespmem:v53+s8+$0x0], $0xffff;
	v53 =	vor.u32 s1, v16;
	[tilespmem:s20+$0xFFFFFF90] =	vst v4;
	v4 =	vadd.f32 v45, v22  }
0x3ee: {  	v45 =	vld.idx.msk [tilespmem:v51+s8+$0x0], $0xffff;
	v51 =	vor.u32 s10, v16;
	[tilespmem:s20+$0x10] =	vst v6;
	v6 =	vadd.f32 v7, v24;
	v7 =	vmul.f32 $8.000000000e+00, v47  }
0x3ef: {  	v47 =	vld.idx.msk [tilespmem:v54+s8+$0x0], $0xffff;
	v54 =	vor.u32 s21, v16;
	[tilespmem:s20+$0x90] =	vst v4;
	v4 =	vadd.f32 v5, v20;
	v5 =	vmul.f32 $8.000000000e+00, v46  }
0x3f0: {  	v46 =	vld.idx.msk [tilespmem:v52+s8+$0x0], $0xffff;
	v52 =	vor.u32 s22, v16;
	[tilespmem:s20+$0x110] =	vst v6;
	v6 =	vadd.f32 v7, v21;
	v7 =	vmul.f32 $8.000000000e+00, v49  }
0x3f1: {  	v48 =	vmul.f32 $8.000000000e+00, v48;
	v49 =	vor.u32 s23, v16;
	v3 =	vld.idx.msk [tilespmem:v3+s8+$0x0], $0xffff;
	[tilespmem:s20+$0x190] =	vst v4;
	v4 =	vadd.f32 v5, v23  }
0x3f2: {  	v5 =	vld.idx.msk [tilespmem:v53+s8+$0x0], $0xffff;
	[tilespmem:s20+$0x210] =	vst v6;
	v6 =	vmul.f32 $8.000000000e+00, v42;
	v53 =	vor.u32 s13, v13;
	v7 =	vadd.f32 v7, v19  }
0x3f3: {  	v42 =	vadd.f32 v48, v34;
	v48 =	vmul.f32 $8.000000000e+00, v50;
	v50 =	vld.idx.msk [tilespmem:v51+s8+$0x0], $0xffff;
	v51 =	vor.u32 s24, v16;
	[tilespmem:s20+$0x290] =	vst v4  }
0x3f4: {  	v4 =	vmul.f32 $8.000000000e+00, v45;
	v45 =	vld.idx.msk [tilespmem:v54+s8+$0x0], $0xffff;
	v54 =	vor.u32 s25, v16;
	v6 =	vadd.f32 v6, v40;
	[tilespmem:s20+$0x390] =	vst v7  }
0x3f5: {  	v7 =	vadd.f32 v48, v33;
	v48 =	vor.u32 s26, v16;
	[tilespmem:s20+$0xFFFFFC20] =	vst v42;
	v42 =	vmul.f32 $8.000000000e+00, v47;
	v47 =	vld.idx.msk [tilespmem:v52+s8+$0x0], $0xffff  }
0x3f6: {  	v4 =	vadd.f32 v4, v32;
	v46 =	vmul.f32 $8.000000000e+00, v46;
	v49 =	vld.idx.msk [tilespmem:v49+s8+$0x0], $0xffff;
	[tilespmem:s20+$0x340] =	vst v6;
	v6 =	vor.u32 s28, v16  }
0x3f7: {  	v3 =	vmul.f32 $8.000000000e+00, v3;
	[tilespmem:s20+$0xFFFFFCA0] =	vst v7;
	v7 =	vadd.f32 v42, v31;
	v42 =	vor.u32 s0, v11;
	v52 =	vld.idx.msk [tilespmem:v53+s8+$0x0], $0xffff  }
0x3f8: {  	v53 =	vor.u32 s29, v15;
	v5 =	vmul.f32 $8.000000000e+00, v5;
	[tilespmem:s20+$0xFFFFFD20] =	vst v4;
	v4 =	vadd.f32 v46, v30;
	v46 =	vld.idx.msk [tilespmem:v51+s8+$0x0], $0xffff  }
0x3f9: {  	v51 =	vor.u32 s30, v15;
	v3 =	vadd.f32 v3, v28;
	[tilespmem:s20+$0xFFFFFDA0] =	vst v7;
	v7 =	vmul.f32 $8.000000000e+00, v50;
	v50 =	vld.idx.msk [tilespmem:v54+s8+$0x0], $0xffff  }
0x3fa: {  	v54 =	vor.u32 s31, v15;
	[tilespmem:s20+$0xFFFFFE20] =	vst v4;
	v4 =	vadd.f32 v5, v29;
	v5 =	vmul.f32 $8.000000000e+00, v45;
	v45 =	vld.idx.msk [tilespmem:v48+s8+$0x0], $0xffff  }
0x3fb: {  	v48 =	vor.u32 s0, v15;
	[tilespmem:s20+$0xFFFFFEA0] =	vst v3;
	v3 =	vadd.f32 v7, v26;
	v7 =	vmul.f32 $8.000000000e+00, v47;
	v6 =	vld.idx.msk [tilespmem:v6+s8+$0x0], $0xffff  }
0x3fc: {  	v47 =	vor.u32 s3, v15;
	v43 =	vld.idx.msk [tilespmem:v43+s8+$0x0], $0xffff;
	[tilespmem:s20+$0xFFFFFF20] =	vst v4;
	v4 =	vadd.f32 v5, v25;
	v5 =	vmul.f32 $8.000000000e+00, v49  }
0x3fd: {  	v49 =	vld.idx.msk [tilespmem:v53+s8+$0x0], $0xffff;
	[tilespmem:s20+$0xFFFFFFA0] =	vst v3;
	v3 =	vadd.f32 v7, v22;
	v7 =	vmul.f32 $8.000000000e+00, v52;
	v52 =	vor.u32 s13, v12  }
0x3fe: {  	v53 =	vor.u32 s1, v15;
	v51 =	vld.idx.msk [tilespmem:v51+s8+$0x0], $0xffff;
	[tilespmem:s20+$0x20] =	vst v4;
	v4 =	vadd.f32 v5, v24;
	v5 =	vmul.f32 $8.000000000e+00, v46  }
0x3ff: {  	v46 =	vld.idx.msk [tilespmem:v54+s8+$0x0], $0xffff;
	v54 =	vor.u32 s10, v15;
	[tilespmem:s20+$0xA0] =	vst v3;
	v3 =	vmul.f32 $8.000000000e+00, v50;
	v7 =	vadd.f32 v7, v40  }
0x400: {  	v50 =	vor.u32 s21, v15;
	v48 =	vld.idx.msk [tilespmem:v48+s8+$0x0], $0xffff;
	[tilespmem:s20+$0x120] =	vst v4;
	v4 =	vadd.f32 v5, v20;
	v5 =	vmul.f32 $8.000000000e+00, v45  }
0x401: {  	v6 =	vmul.f32 $8.000000000e+00, v6;
	v45 =	vld.idx.msk [tilespmem:v47+s8+$0x0], $0xffff;
	v47 =	vor.u32 s22, v15;
	v3 =	vadd.f32 v3, v21;
	[tilespmem:s20+$0x350] =	vst v7  }
0x402: {  	v55 =	vor.u32 s23, v15;
	v7 =	vmul.f32 $8.000000000e+00, v43;
	[tilespmem:s20+$0x1A0] =	vst v4;
	v4 =	vadd.f32 v5, v23;
	v5 =	vld.idx.msk [tilespmem:v52+s8+$0x0], $0xffff  }
0x403: {  	v43 =	vmul.f32 $8.000000000e+00, v49;
	v52 =	vor.u32 s24, v15;
	v49 =	vld.idx.msk [tilespmem:v53+s8+$0x0], $0xffff;
	[tilespmem:s20+$0x220] =	vst v3;
	v3 =	vadd.f32 v6, v19  }
0x404: {  	v6 =	vadd.f32 v7, v34;
	v7 =	vmul.f32 $8.000000000e+00, v51;
	v53 =	vor.u32 s25, v15;
	v51 =	vld.idx.msk [tilespmem:v54+s8+$0x0], $0xffff;
	[tilespmem:s20+$0x2A0] =	vst v4  }
0x405: {  	v4 =	vadd.f32 v43, v33;
	v43 =	vmul.f32 $8.000000000e+00, v46;
	v46 =	vld.idx.msk [tilespmem:v50+s8+$0x0], $0xffff;
	v50 =	vor.u32 s26, v15;
	[tilespmem:s20+$0x3A0] =	vst v3  }
0x406: {  	v3 =	vadd.f32 v7, v32;
	[tilespmem:s20+$0xFFFFFC30] =	vst v6;
	v6 =	vmul.f32 $8.000000000e+00, v48;
	v7 =	vld.idx.msk [tilespmem:v47+s8+$0x0], $0xffff;
	v47 =	vor.u32 s28, v15  }
0x407: {  	v45 =	vmul.f32 $8.000000000e+00, v45;
	[tilespmem:s20+$0xFFFFFCB0] =	vst v4;
	v4 =	vadd.f32 v43, v31;
	v43 =	vor.u32 s3, v11;
	v48 =	vld.idx.msk [tilespmem:v55+s8+$0x0], $0xffff  }
0x408: {  	v5 =	vmul.f32 $8.000000000e+00, v5;
	[tilespmem:s20+$0xFFFFFD30] =	vst v3;
	v3 =	vadd.f32 v6, v30;
	v6 =	vld.idx.msk [tilespmem:v52+s8+$0x0], $0xffff;
	v52 =	vor.u32 s13, v11  }
0x409: {  	v54 =	vor.u32 s29, v14;
	[tilespmem:s20+$0xFFFFFDB0] =	vst v4;
	v4 =	vadd.f32 v45, v28;
	v45 =	vmul.f32 $8.000000000e+00, v49;
	v49 =	vld.idx.msk [tilespmem:v53+s8+$0x0], $0xffff  }
0x40a: {  	v53 =	vor.u32 s30, v14;
	v5 =	vadd.f32 v5, v40;
	[tilespmem:s20+$0xFFFFFE30] =	vst v3;
	v3 =	vmul.f32 $8.000000000e+00, v51;
	v50 =	vld.idx.msk [tilespmem:v50+s8+$0x0], $0xffff  }
0x40b: {  	v51 =	vor.u32 s31, v14;
	[tilespmem:s20+$0xFFFFFEB0] =	vst v4;
	v4 =	vadd.f32 v45, v29;
	v45 =	vmul.f32 $8.000000000e+00, v46;
	v46 =	vld.idx.msk [tilespmem:v47+s8+$0x0], $0xffff  }
0x40c: {  	v47 =	vor.u32 s0, v14;
	v7 =	vmul.f32 $8.000000000e+00, v7;
	v44 =	vld.idx.msk [tilespmem:v44+s8+$0x0], $0xffff;
	v3 =	vadd.f32 v3, v26;
	[tilespmem:s20+$0x360] =	vst v5  }
0x40d: {  	v5 =	vor.u32 s3, v14;
	[tilespmem:s20+$0xFFFFFF30] =	vst v4;
	v4 =	vadd.f32 v45, v25;
	v45 =	vmul.f32 $8.000000000e+00, v48;
	v48 =	vld.idx.msk [tilespmem:v52+s8+$0x0], $0xffff  }
0x40e: {  	v6 =	vmul.f32 $8.000000000e+00, v6;
	v52 =	vld.idx.msk [tilespmem:v54+s8+$0x0], $0xffff;
	v54 =	vor.u32 s1, v14;
	[tilespmem:s20+$0xFFFFFFB0] =	vst v3;
	v3 =	vadd.f32 v7, v22  }
0x40f: {  	v7 =	vld.idx.msk [tilespmem:v53+s8+$0x0], $0xffff;
	v53 =	vor.u32 s10, v14;
	[tilespmem:s20+$0x30] =	vst v4;
	v4 =	vadd.f32 v45, v24;
	v45 =	vmul.f32 $8.000000000e+00, v49  }
0x410: {  	v49 =	vld.idx.msk [tilespmem:v51+s8+$0x0], $0xffff;
	v51 =	vor.u32 s21, v14;
	[tilespmem:s20+$0xB0] =	vst v3;
	v3 =	vadd.f32 v6, v20;
	v6 =	vmul.f32 $8.000000000e+00, v50  }
0x411: {  	v50 =	vor.u32 s22, v14;
	v47 =	vld.idx.msk [tilespmem:v47+s8+$0x0], $0xffff;
	[tilespmem:s20+$0x130] =	vst v4;
	v4 =	vadd.f32 v45, v21;
	v45 =	vmul.f32 $8.000000000e+00, v46  }
0x412: {  	v44 =	vmul.f32 $8.000000000e+00, v44;
	v46 =	vor.u32 s23, v14;
	v5 =	vld.idx.msk [tilespmem:v5+s8+$0x0], $0xffff;
	[tilespmem:s20+$0x1B0] =	vst v3;
	v3 =	vadd.f32 v6, v23  }
0x413: {  	v6 =	vld.idx.msk [tilespmem:v54+s8+$0x0], $0xffff;
	v54 =	vor.u32 s24, v14;
	[tilespmem:s20+$0x230] =	vst v4;
	v4 =	vmul.f32 $8.000000000e+00, v48;
	v45 =	vadd.f32 v45, v19  }
0x414: {  	v44 =	vadd.f32 v44, v34;
	v48 =	vmul.f32 $8.000000000e+00, v52;
	v52 =	vld.idx.msk [tilespmem:v53+s8+$0x0], $0xffff;
	v53 =	vor.u32 s25, v14;
	[tilespmem:s20+$0x2B0] =	vst v3  }
0x415: {  	v3 =	vmul.f32 $8.000000000e+00, v7;
	v7 =	vld.idx.msk [tilespmem:v51+s8+$0x0], $0xffff;
	v51 =	vor.u32 s26, v14;
	v4 =	vadd.f32 v4, v40;
	[tilespmem:s20+$0x3B0] =	vst v45  }
0x416: {  	v45 =	vmul.f32 $8.000000000e+00, v49;
	v49 =	vor.u32 s28, v14;
	[tilespmem:s20+$0xFFFFFC40] =	vst v44;
	v44 =	vadd.f32 v48, v33;
	v48 =	vld.idx.msk [tilespmem:v50+s8+$0x0], $0xffff  }
0x417: {  	v40 =	vor.u32 s1, v11;
	v3 =	vadd.f32 v3, v32;
	v47 =	vmul.f32 $8.000000000e+00, v47;
	v46 =	vld.idx.msk [tilespmem:v46+s8+$0x0], $0xffff;
	[tilespmem:s20+$0x370] =	vst v4  }
0x418: {  	v4 =	vor.u32 s29, v13;
	v5 =	vmul.f32 $8.000000000e+00, v5;
	[tilespmem:s20+$0xFFFFFCC0] =	vst v44;
	v44 =	vadd.f32 v45, v31;
	v45 =	vld.idx.msk [tilespmem:v54+s8+$0x0], $0xffff  }
0x419: {  	v47 =	vadd.f32 v47, v30;
	v6 =	vmul.f32 $8.000000000e+00, v6;
	[tilespmem:s20+$0xFFFFFD40] =	vst v3;
	v3 =	vor.u32 s30, v13;
	v50 =	vld.idx.msk [tilespmem:v53+s8+$0x0], $0xffff  }
0x41a: {  	v5 =	vadd.f32 v5, v28;
	v52 =	vmul.f32 $8.000000000e+00, v52;
	[tilespmem:s20+$0xFFFFFDC0] =	vst v44;
	v44 =	vor.u32 s31, v13;
	v51 =	vld.idx.msk [tilespmem:v51+s8+$0x0], $0xffff  }
0x41b: {  	v6 =	vadd.f32 v6, v29;
	v7 =	vmul.f32 $8.000000000e+00, v7;
	[tilespmem:s20+$0xFFFFFE40] =	vst v47;
	v47 =	vor.u32 s0, v13;
	v49 =	vld.idx.msk [tilespmem:v49+s8+$0x0], $0xffff  }
0x41c: {  	v52 =	vadd.f32 v52, v26;
	v48 =	vmul.f32 $8.000000000e+00, v48;
	v41 =	vld.idx.msk [tilespmem:v41+s8+$0x0], $0xffff;
	[tilespmem:s20+$0xFFFFFEC0] =	vst v5;
	v5 =	vor.u32 s3, v13  }
0x41d: {  	v7 =	vadd.f32 v7, v25;
	v46 =	vmul.f32 $8.000000000e+00, v46;
	v4 =	vld.idx.msk [tilespmem:v4+s8+$0x0], $0xffff;
	[tilespmem:s20+$0xFFFFFF40] =	vst v6;
	v6 =	vor.u32 s1, v13  }
0x41e: {  	v48 =	vadd.f32 v48, v22;
	v45 =	vmul.f32 $8.000000000e+00, v45;
	v3 =	vld.idx.msk [tilespmem:v3+s8+$0x0], $0xffff;
	[tilespmem:s20+$0xFFFFFFC0] =	vst v52;
	v52 =	vor.u32 s10, v13  }
0x41f: {  	v46 =	vadd.f32 v46, v24;
	v50 =	vmul.f32 $8.000000000e+00, v50;
	v44 =	vld.idx.msk [tilespmem:v44+s8+$0x0], $0xffff;
	[tilespmem:s20+$0x40] =	vst v7;
	v7 =	vor.u32 s21, v13  }
0x420: {  	v45 =	vadd.f32 v45, v20;
	v51 =	vmul.f32 $8.000000000e+00, v51;
	v47 =	vld.idx.msk [tilespmem:v47+s8+$0x0], $0xffff;
	[tilespmem:s20+$0xC0] =	vst v48;
	v48 =	vor.u32 s22, v13  }
0x421: {  	v50 =	vadd.f32 v50, v21;
	v49 =	vmul.f32 $8.000000000e+00, v49;
	v5 =	vld.idx.msk [tilespmem:v5+s8+$0x0], $0xffff;
	[tilespmem:s20+$0x140] =	vst v46;
	v46 =	vor.u32 s23, v13  }
0x422: {  	v41 =	vmul.f32 $8.000000000e+00, v41;
	v51 =	vadd.f32 v51, v23;
	v6 =	vld.idx.msk [tilespmem:v6+s8+$0x0], $0xffff;
	[tilespmem:s20+$0x1C0] =	vst v45;
	v45 =	vor.u32 s24, v13  }
0x423: {  	v4 =	vmul.f32 $8.000000000e+00, v4;
	v49 =	vadd.f32 v49, v19;
	v52 =	vld.idx.msk [tilespmem:v52+s8+$0x0], $0xffff;
	[tilespmem:s20+$0x240] =	vst v50;
	v50 =	vor.u32 s25, v13  }
0x424: {  	v41 =	vadd.f32 v41, v34;
	v3 =	vmul.f32 $8.000000000e+00, v3;
	v7 =	vld.idx.msk [tilespmem:v7+s8+$0x0], $0xffff;
	[tilespmem:s20+$0x2C0] =	vst v51;
	v51 =	vor.u32 s26, v13  }
0x425: {  	v4 =	vadd.f32 v4, v33;
	v44 =	vmul.f32 $8.000000000e+00, v44;
	v48 =	vld.idx.msk [tilespmem:v48+s8+$0x0], $0xffff;
	[tilespmem:s20+$0x3C0] =	vst v49;
	v49 =	vor.u32 s28, v13  }
0x426: {  	v3 =	vadd.f32 v3, v32;
	v47 =	vmul.f32 $8.000000000e+00, v47;
	[tilespmem:s20+$0xFFFFFC50] =	vst v41;
	v41 =	vor.u32 s10, v11;
	v46 =	vld.idx.msk [tilespmem:v46+s8+$0x0], $0xffff  }
0x427: {  	v44 =	vadd.f32 v44, v31;
	v5 =	vmul.f32 $8.000000000e+00, v5;
	[tilespmem:s20+$0xFFFFFCD0] =	vst v4;
	v4 =	vor.u32 s29, v12;
	v45 =	vld.idx.msk [tilespmem:v45+s8+$0x0], $0xffff  }
0x428: {  	v47 =	vadd.f32 v47, v30;
	v6 =	vmul.f32 $8.000000000e+00, v6;
	[tilespmem:s20+$0xFFFFFD50] =	vst v3;
	v3 =	vor.u32 s30, v12;
	v50 =	vld.idx.msk [tilespmem:v50+s8+$0x0], $0xffff  }
0x429: {  	v5 =	vadd.f32 v5, v28;
	v52 =	vmul.f32 $8.000000000e+00, v52;
	[tilespmem:s20+$0xFFFFFDD0] =	vst v44;
	v44 =	vor.u32 s31, v12;
	v51 =	vld.idx.msk [tilespmem:v51+s8+$0x0], $0xffff  }
0x42a: {  	v6 =	vadd.f32 v6, v29;
	v7 =	vmul.f32 $8.000000000e+00, v7;
	[tilespmem:s20+$0xFFFFFE50] =	vst v47;
	v47 =	vor.u32 s0, v12;
	v49 =	vld.idx.msk [tilespmem:v49+s8+$0x0], $0xffff  }
0x42b: {  	v52 =	vadd.f32 v52, v26;
	v48 =	vmul.f32 $8.000000000e+00, v48;
	v36 =	vld.idx.msk [tilespmem:v36+s8+$0x0], $0xffff;
	[tilespmem:s20+$0xFFFFFED0] =	vst v5;
	v5 =	vor.u32 s3, v12  }
0x42c: {  	v7 =	vadd.f32 v7, v25;
	v46 =	vmul.f32 $8.000000000e+00, v46;
	v4 =	vld.idx.msk [tilespmem:v4+s8+$0x0], $0xffff;
	[tilespmem:s20+$0xFFFFFF50] =	vst v6;
	v6 =	vor.u32 s1, v12  }
0x42d: {  	v48 =	vadd.f32 v48, v22;
	v45 =	vmul.f32 $8.000000000e+00, v45;
	v3 =	vld.idx.msk [tilespmem:v3+s8+$0x0], $0xffff;
	[tilespmem:s20+$0xFFFFFFD0] =	vst v52;
	v52 =	vor.u32 s10, v12  }
0x42e: {  	v46 =	vadd.f32 v46, v24;
	v50 =	vmul.f32 $8.000000000e+00, v50;
	v44 =	vld.idx.msk [tilespmem:v44+s8+$0x0], $0xffff;
	[tilespmem:s20+$0x50] =	vst v7;
	v7 =	vor.u32 s21, v12  }
0x42f: {  	v45 =	vadd.f32 v45, v20;
	v51 =	vmul.f32 $8.000000000e+00, v51;
	v47 =	vld.idx.msk [tilespmem:v47+s8+$0x0], $0xffff;
	[tilespmem:s20+$0xD0] =	vst v48;
	v48 =	vor.u32 s22, v12  }
0x430: {  	v50 =	vadd.f32 v50, v21;
	v49 =	vmul.f32 $8.000000000e+00, v49;
	v5 =	vld.idx.msk [tilespmem:v5+s8+$0x0], $0xffff;
	[tilespmem:s20+$0x150] =	vst v46;
	v46 =	vor.u32 s23, v12  }
0x431: {  	v36 =	vmul.f32 $8.000000000e+00, v36;
	v51 =	vadd.f32 v51, v23;
	v6 =	vld.idx.msk [tilespmem:v6+s8+$0x0], $0xffff;
	[tilespmem:s20+$0x1D0] =	vst v45;
	v45 =	vor.u32 s24, v12  }
0x432: {  	v4 =	vmul.f32 $8.000000000e+00, v4;
	v49 =	vadd.f32 v49, v19;
	v52 =	vld.idx.msk [tilespmem:v52+s8+$0x0], $0xffff;
	[tilespmem:s20+$0x250] =	vst v50;
	v50 =	vor.u32 s25, v12  }
0x433: {  	v36 =	vadd.f32 v36, v34;
	v3 =	vmul.f32 $8.000000000e+00, v3;
	v7 =	vld.idx.msk [tilespmem:v7+s8+$0x0], $0xffff;
	[tilespmem:s20+$0x2D0] =	vst v51;
	v51 =	vor.u32 s26, v12  }
0x434: {  	v4 =	vadd.f32 v4, v33;
	v44 =	vmul.f32 $8.000000000e+00, v44;
	v48 =	vld.idx.msk [tilespmem:v48+s8+$0x0], $0xffff;
	[tilespmem:s20+$0x3D0] =	vst v49;
	v49 =	vor.u32 s28, v12  }
0x435: {  	v53 =	vor.u32 s21, v11;
	v3 =	vadd.f32 v3, v32;
	[tilespmem:s20+$0xFFFFFC60] =	vst v36;
	v36 =	vmul.f32 $8.000000000e+00, v47;
	v46 =	vld.idx.msk [tilespmem:v46+s8+$0x0], $0xffff  }
0x436: {  	v54 =	vor.u32 s22, v11;
	v5 =	vmul.f32 $8.000000000e+00, v5;
	[tilespmem:s20+$0xFFFFFCE0] =	vst v4;
	v4 =	vadd.f32 v44, v31;
	v44 =	vld.idx.msk [tilespmem:v45+s8+$0x0], $0xffff  }
0x437: {  	v55 =	vor.u32 s23, v11;
	v6 =	vmul.f32 $8.000000000e+00, v6;
	[tilespmem:s20+$0xFFFFFD60] =	vst v3;
	v3 =	vadd.f32 v36, v30;
	v36 =	vld.idx.msk [tilespmem:v50+s8+$0x0], $0xffff  }
0x438: {  	v50 =	vor.u32 s24, v11;
	[tilespmem:s20+$0xFFFFFDE0] =	vst v4;
	v4 =	vadd.f32 v5, v28;
	v5 =	vmul.f32 $8.000000000e+00, v52;
	v51 =	vld.idx.msk [tilespmem:v51+s8+$0x0], $0xffff  }
0x439: {  	[tilespmem:s20+$0xFFFFFE60] =	vst v3;
	v3 =	vadd.f32 v6, v29;
	v6 =	vmul.f32 $8.000000000e+00, v7;
	v7 =	vor.u32 s25, v11;
	v49 =	vld.idx.msk [tilespmem:v49+s8+$0x0], $0xffff  }
0x43a: {  	v52 =	vor.u32 s26, v11;
	v35 =	vld.idx.msk [tilespmem:v35+s8+$0x0], $0xffff;
	[tilespmem:s20+$0xFFFFFEE0] =	vst v4;
	v4 =	vadd.f32 v5, v26;
	v5 =	vmul.f32 $8.000000000e+00, v48  }
0x43b: {  	v56 =	vor.u32 s28, v11;
	s29 =	sadd.s32 $0x1, s12;
	v38 =	vld.idx.msk [tilespmem:v38+s8+$0x0], $0xffff;
	[tilespmem:s20+$0xFFFFFF60] =	vst v3;
	v3 =	vadd.f32 v6, v25;
	v6 =	vmul.f32 $8.000000000e+00, v46  }
0x43c: {  	s30 =	sadd.s32 $0x2, s12;
	v46 =	vor.u32 s29, v18;
	v37 =	vld.idx.msk [tilespmem:v37+s8+$0x0], $0xffff;
	[tilespmem:s20+$0xFFFFFFE0] =	vst v4;
	v4 =	vadd.f32 v5, v22;
	v5 =	vmul.f32 $8.000000000e+00, v44  }
0x43d: {  	s31 =	sadd.s32 $0x3, s12;
	v47 =	vor.u32 s30, v18;
	v48 =	vld.idx.msk [tilespmem:v39+s8+$0x0], $0xffff;
	[tilespmem:s20+$0x60] =	vst v3;
	v3 =	vadd.f32 v6, v24;
	v6 =	vmul.f32 $8.000000000e+00, v36  }
0x43e: {  	s0 =	sadd.s32 $0x4, s12;
	v45 =	vor.u32 s31, v18;
	v42 =	vld.idx.msk [tilespmem:v42+s8+$0x0], $0xffff;
	[tilespmem:s20+$0xE0] =	vst v4;
	v4 =	vadd.f32 v5, v20;
	v5 =	vmul.f32 $8.000000000e+00, v51  }
0x43f: {  	s3 =	sadd.s32 $0x5, s12;
	v44 =	vor.u32 s0, v18;
	v51 =	vld.idx.msk [tilespmem:v43+s8+$0x0], $0xffff;
	[tilespmem:s20+$0x160] =	vst v3;
	v3 =	vadd.f32 v6, v21;
	v6 =	vmul.f32 $8.000000000e+00, v49  }
0x440: {  	s1 =	sadd.s32 $0x6, s12;
	v43 =	vor.u32 s3, v18;
	v36 =	vmul.f32 $8.000000000e+00, v35;
	v49 =	vld.idx.msk [tilespmem:v40+s8+$0x0], $0xffff;
	[tilespmem:s20+$0x1E0] =	vst v4;
	v4 =	vadd.f32 v5, v23  }
0x441: {  	s10 =	sadd.s32 $0x7, s12;
	v39 =	vor.u32 s1, v18;
	v5 =	vmul.f32 $8.000000000e+00, v38;
	v38 =	vld.idx.msk [tilespmem:v41+s8+$0x0], $0xffff;
	[tilespmem:s20+$0x260] =	vst v3;
	v3 =	vadd.f32 v6, v19  }
0x442: {  	s21 =	sadd.s32 $0x8, s12;
	v35 =	vor.u32 s10, v18;
	v6 =	vadd.f32 v36, v34;
	v37 =	vmul.f32 $8.000000000e+00, v37;
	v53 =	vld.idx.msk [tilespmem:v53+s8+$0x0], $0xffff;
	[tilespmem:s20+$0x2E0] =	vst v4  }
0x443: {  	s22 =	sadd.s32 $0x9, s12;
	v34 =	vor.u32 s21, v18;
	v4 =	vadd.f32 v5, v33;
	v5 =	vmul.f32 $8.000000000e+00, v48;
	v33 =	vld.idx.msk [tilespmem:v54+s8+$0x0], $0xffff;
	[tilespmem:s20+$0x3E0] =	vst v3  }
.Ltmp2:
0x444: {  	s23 =	sadd.s32 $0xA, s12;
	v36 =	vor.u32 s22, v18;
	v3 =	vadd.f32 v37, v32;
	[tilespmem:s20+$0xFFFFFC70] =	vst v6;
	v6 =	vmul.f32 $8.000000000e+00, v42;
	v40 =	vld.idx.msk [tilespmem:v55+s8+$0x0], $0xffff;
	(pc) =	sbr.rel @p0 .LBB2_7-.Ltmp2, $4  }
0x445: {  	s24 =	sadd.s32 $0xB, s12;
	v37 =	vor.u32 s23, v18;
	[tilespmem:s20+$0xFFFFFCF0] =	vst v4;
	v4 =	vadd.f32 v5, v31;
	v5 =	vmul.f32 $8.000000000e+00, v51;
	v31 =	vld.idx.msk [tilespmem:v50+s8+$0x0], $0xffff  }
0x446: {  	s25 =	sadd.s32 $0xC, s12;
	v41 =	vor.u32 s24, v18;
	[tilespmem:s20+$0xFFFFFD70] =	vst v3;
	v3 =	vadd.f32 v6, v30;
	v6 =	vmul.f32 $8.000000000e+00, v49;
	v30 =	vld.idx.msk [tilespmem:v7+s8+$0x0], $0xffff  }
0x447: {  	s26 =	sadd.s32 $0xD, s12;
	v42 =	vor.u32 s25, v18;
	v50 =	vmul.f32 $8.000000000e+00, v38;
	[tilespmem:s20+$0xFFFFFDF0] =	vst v4;
	v48 =	vadd.f32 v5, v28;
	v32 =	vld.idx.msk [tilespmem:v52+s8+$0x0], $0xffff  }
0x448: {  	s5 =	sadd.s32 s19, s9;
	s28 =	sadd.s32 $0xF, s19;
	s12 =	sadd.s32 $0x10, s12;
	v38 =	vor.u32 s26, v18;
	[tilespmem:s20+$0xFFFFFE70] =	vst v3;
	v49 =	vadd.f32 v6, v29;
	v29 =	vmul.f32 $8.000000000e+00, v53;
	v28 =	vld.idx.msk [tilespmem:v56+s8+$0x0], $0xffff  }
0x449: {  	_ =	sdelay $0x3  }
0x44a: {  	v3 =	vld.idx.msk [tilespmem:v27+s8+$0x0], $0xffff  }
0x44b: {  	s2 =	sadd.s32 $0x4E, s5;
	v4 =	vld.idx.msk [tilespmem:v46+s8+$0x0], $0xffff  }
0x44c: {  	v6 =	vld.idx.msk [tilespmem:v47+s8+$0x0], $0xffff;
	v5 =	vmov s2  }
0x44d: {  	s13 =	sadd.s32 $0xE, s19;
	v27 =	vld.idx.msk [tilespmem:v45+s8+$0x0], $0xffff;
	v5 =	vand.u32 $0xFFFFFFFE, v5  }
0x44e: {  	s16 =	sadd.s32 $0x40, s5;
	v44 =	vld.idx.msk [tilespmem:v44+s8+$0x0], $0xffff;
	v26 =	vadd.f32 v50, v26;
	v7 =	vor.u32 s13, v18;
	v5 =	vbroadcast v5, $0x0  }
0x44f: {  	s7 =	sadd.s32 $0x41, s5;
	s11 =	sadd.s32 $0x42, s5;
	s12 =	sadd.s32 $0x43, s5;
	v43 =	vld.idx.msk [tilespmem:v43+s8+$0x0], $0xffff;
	v50 =	vmul.f32 $8.000000000e+00, v33;
	v40 =	vmul.f32 $8.000000000e+00, v40;
	v45 =	vmov s16  }
0x450: {  	s15 =	sadd.s32 $0x44, s5;
	v39 =	vld.idx.msk [tilespmem:v39+s8+$0x0], $0xffff;
	v46 =	vmov s7;
	v47 =	vmov s11;
	s16 =	sadd.s32 $0x45, s5;
	v51 =	vmov s12  }
0x451: {  	v35 =	vld.idx.msk [tilespmem:v35+s8+$0x0], $0xffff;
	v52 =	vmov s15;
	v18 =	vor.u32 s28, v18;
	v53 =	vmov s16;
	s16 =	sadd.s32 $0x48, s5  }
0x452: {  	v34 =	vld.idx.msk [tilespmem:v34+s8+$0x0], $0xffff;
	s12 =	sadd.s32 $0x46, s5;
	s15 =	sadd.s32 $0x47, s5;
	v25 =	vadd.f32 v29, v25;
	v29 =	vor.u32 s13, v17;
	v56 =	vmov s16;
	s16 =	sadd.s32 $0x4B, s5  }
0x453: {  	v54 =	vmov s12;
	v55 =	vmov s15;
	v59 =	vmov s16;
	v7 =	vld.idx.msk [tilespmem:v7+s8+$0x0], $0xffff  }
0x454: {  	v33 =	vld.idx.msk [tilespmem:v5+s14+$0x0], $0xffff;
	v5 =	vand.u32 $0xFFFFFFF0, v45;
	v45 =	vand.u32 $0xFFFFFFF1, v46;
	v46 =	vand.u32 $0xFFFFFFF2, v47  }
0x455: {  	v36 =	vld.idx.msk [tilespmem:v36+s8+$0x0], $0xffff;
	s16 =	sadd.s32 $0x4F, s5;
	v47 =	vand.u32 $0xFFFFFFF3, v51;
	v51 =	vand.u32 $0xFFFFFFF4, v52;
	v52 =	vand.u32 $0xFFFFFFF5, v53  }
0x456: {  	v37 =	vld.idx.msk [tilespmem:v37+s8+$0x0], $0xffff;
	v53 =	vand.u32 $0xFFFFFFF6, v54;
	v54 =	vmov s16;
	v5 =	vbroadcast v5, $0x0  }
0x457: {  	v41 =	vld.idx.msk [tilespmem:v41+s8+$0x0], $0xffff;
	s12 =	sadd.s32 $0x49, s5;
	v22 =	vadd.f32 v50, v22;
	v50 =	vmul.f32 $8.000000000e+00, v31;
	v45 =	vbroadcast v45, $0x0  }
0x458: {  	v42 =	vld.idx.msk [tilespmem:v42+s8+$0x0], $0xffff;
	s15 =	sadd.s32 $0x4A, s5;
	v57 =	vmov s12;
	v47 =	vbroadcast v47, $0x0;
	v7 =	vmul.f32 $8.000000000e+00, v7  }
0x459: {  	v38 =	vld.idx.msk [tilespmem:v38+s8+$0x0], $0xffff;
	v58 =	vmov s15;
	v55 =	vand.u32 $0xFFFFFFF7, v55;
	v32 =	vmul.f32 $8.000000000e+00, v32  }
0x45a: {  	[tilespmem:s20+$0xFFFFFEF0] =	vst v48;
	s12 =	sadd.s32 $0x4C, s5;
	v48 =	vand.u32 $0xFFFFFFF9, v57;
	v57 =	vld.idx.msk [tilespmem:v18+s8+$0x0], $0xffff;
	v51 =	vbroadcast v51, $0x0;
	v7 =	vadd.f32 v7, v33  }
0x45b: {  	[tilespmem:s20+$0xFFFFFF70] =	vst v49;
	v60 =	vmov s12;
	s12 =	sadd.s32 $0x800, s20;
	v46 =	vbroadcast v46, $0x0;
	v18 =	vld.idx.msk [tilespmem:v54+s14+$0x0], $0xffff;
	v54 =	vmul.f32 $8.000000000e+00, v30  }
0x45c: {  	s15 =	sadd.s32 $0x4D, s5;
	[tilespmem:s12+$0x300] =	vst v7;
	v7 =	vbroadcast v52, $0x0;
	v52 =	vbroadcast v53, $0x0;
	v53 =	vadd.f32 v40, v24;
	v24 =	vld.idx.msk [tilespmem:v5+s14+$0x0], $0xffff  }
0x45d: {  	v61 =	vmov s15;
	v56 =	vand.u32 $0xFFFFFFF8, v56;
	v49 =	vand.u32 $0xFFFFFFFA, v58;
	[tilespmem:s6+$0xF0] =	vst v22;
	v22 =	vld.idx.msk [tilespmem:v45+s14+$0x0], $0xffff  }
0x45e: {  	v55 =	vbroadcast v55, $0x0;
	v58 =	vand.u32 $0xFFFFFFFB, v59;
	v5 =	vadd.f32 v54, v21;
	v21 =	vld.idx.msk [tilespmem:v47+s14+$0x0], $0xffff  }
0x45f: {  	[tilespmem:s20+$0xFFFFFFF0] =	vst v26;
	v59 =	vand.u32 $0xFFFFFFFC, v60;
	v40 =	vbroadcast v56, $0x0;
	v56 =	vmul.f32 $8.000000000e+00, v28;
	v26 =	vld.idx.msk [tilespmem:v29+s8+$0x0], $0xffff  }
0x460: {  	v32 =	vadd.f32 v32, v23;
	v28 =	vbroadcast v48, $0x0;
	v23 =	vld.idx.msk [tilespmem:v51+s14+$0x0], $0xffff;
	v29 =	vadd.f32 v50, v20  }
0x461: {  	[tilespmem:s6+$0x70] =	vst v25;
	v60 =	vand.u32 $0xFFFFFFFD, v61;
	v51 =	vbroadcast v58, $0x0;
	v20 =	vld.idx.msk [tilespmem:v46+s14+$0x0], $0xffff;
	v25 =	vadd.f32 v56, v19  }
0x462: {  	v61 =	vmul.f32 $8.000000000e+00, v57;
	v54 =	vbroadcast v60, $0x0;
	[tilespmem:s6+$0x1F0] =	vst v29;
	v19 =	vld.idx.msk [tilespmem:v7+s14+$0x0], $0xffff  }
0x463: {  	v3 =	vmul.f32 $8.000000000e+00, v3;
	v29 =	vbroadcast v49, $0x0;
	[tilespmem:s6+$0x3F0] =	vst v25;
	v25 =	vld.idx.msk [tilespmem:v52+s14+$0x0], $0xffff  }
0x464: {  	v4 =	vmul.f32 $8.000000000e+00, v4;
	[tilespmem:s6+$0x2F0] =	vst v32;
	v48 =	vadd.f32 v61, v18;
	v49 =	vmul.f32 $8.000000000e+00, v26;
	v26 =	vld.idx.msk [tilespmem:v55+s14+$0x0], $0xffff  }
0x465: {  	[tilespmem:s6+$0x170] =	vst v53;
	v61 =	vor.u32 s29, v17;
	v3 =	vadd.f32 v3, v24;
	v55 =	vmul.f32 $8.000000000e+00, v27;
	v27 =	vld.idx.msk [tilespmem:v40+s14+$0x0], $0xffff  }
0x466: {  	v50 =	vor.u32 s13, v16;
	[tilespmem:s6+$0x270] =	vst v5;
	v4 =	vadd.f32 v4, v22;
	v28 =	vld.idx.msk [tilespmem:v28+s14+$0x0], $0xffff  }
0x467: {  	v52 =	vbroadcast v59, $0x0;
	v59 =	vor.u32 s19, v17;
	v30 =	vld.idx.msk [tilespmem:v51+s14+$0x0], $0xffff;
	[tilespmem:s12+$0xFFFFFC00] =	vst v3;
	v53 =	vadd.f32 v49, v33  }
0x468: {  	v6 =	vmul.f32 $8.000000000e+00, v6;
	v32 =	vld.idx.msk [tilespmem:v54+s14+$0x0], $0xffff;
	[tilespmem:s12+$0xFFFFFC80] =	vst v4;
	v57 =	vadd.f32 v55, v21  }
0x469: {  	v39 =	vmul.f32 $8.000000000e+00, v39;
	v56 =	vmul.f32 $8.000000000e+00, v44;
	v29 =	vld.idx.msk [tilespmem:v29+s14+$0x0], $0xffff;
	[tilespmem:s12+$0x310] =	vst v53;
	v53 =	vor.u32 s0, v17  }
0x46a: {  	v35 =	vmul.f32 $8.000000000e+00, v35;
	v3 =	vadd.f32 v6, v20;
	[tilespmem:s12+$0xFFFFFD80] =	vst v57;
	v57 =	vld.idx.msk [tilespmem:v61+s8+$0x0], $0xffff;
	v61 =	vor.u32 s10, v17  }
0x46b: {  	v58 =	vmul.f32 $8.000000000e+00, v43;
	[tilespmem:s12+$0x380] =	vst v48;
	v48 =	vor.u32 s30, v17;
	v6 =	vadd.f32 v56, v23;
	v60 =	vld.idx.msk [tilespmem:v50+s8+$0x0], $0xffff  }
0x46c: {  	v34 =	vmul.f32 $8.000000000e+00, v34;
	[tilespmem:s12+$0xFFFFFD00] =	vst v3;
	v50 =	vor.u32 s31, v17;
	v51 =	vadd.f32 v35, v26;
	v55 =	vld.idx.msk [tilespmem:v59+s8+$0x0], $0xffff  }
0x46d: {  	v41 =	vmul.f32 $8.000000000e+00, v41;
	[tilespmem:s12+$0xFFFFFE00] =	vst v6;
	v3 =	vadd.f32 v58, v19;
	v59 =	vor.u32 s1, v17;
	v31 =	vld.idx.msk [tilespmem:v52+s14+$0x0], $0xffff  }
0x46e: {  	v46 =	vor.u32 s21, v17;
	v49 =	vadd.f32 v39, v25;
	v52 =	vmul.f32 $8.000000000e+00, v36;
	[tilespmem:s12+$0xFFFFFF80] =	vst v51;
	v36 =	vld.idx.msk [tilespmem:v53+s8+$0x0], $0xffff  }
0x46f: {  	v56 =	vmul.f32 $8.000000000e+00, v37;
	v54 =	vadd.f32 v34, v27;
	[tilespmem:s12+$0xFFFFFE80] =	vst v3;
	v3 =	vor.u32 s3, v17;
	v7 =	vld.idx.msk [tilespmem:v61+s8+$0x0], $0xffff  }
0x470: {  	v45 =	vadd.f32 v41, v30;
	[tilespmem:s12+$0xFFFFFF00] =	vst v49;
	v51 =	vor.u32 s23, v17;
	v4 =	vmul.f32 $8.000000000e+00, v60;
	v60 =	vld.idx.msk [tilespmem:v48+s8+$0x0], $0xffff  }
0x471: {  	v38 =	vmul.f32 $8.000000000e+00, v38;
	[tilespmem:s12+$0x0] =	vst v54;
	v54 =	vor.u32 s24, v17;
	v35 =	vadd.f32 v52, v28;
	v39 =	vld.idx.msk [tilespmem:v50+s8+$0x0], $0xffff  }
0x472: {  	v42 =	vmul.f32 $8.000000000e+00, v42;
	v58 =	vor.u32 s13, v15;
	[tilespmem:s12+$0x180] =	vst v45;
	v5 =	vadd.f32 v56, v29;
	v53 =	vld.idx.msk [tilespmem:v59+s8+$0x0], $0xffff  }
0x473: {  	v52 =	vmul.f32 $8.000000000e+00, v57;
	[tilespmem:s12+$0x80] =	vst v35;
	v48 =	vor.u32 s22, v17;
	v50 =	vadd.f32 v38, v32;
	v59 =	vld.idx.msk [tilespmem:v46+s8+$0x0], $0xffff  }
0x474: {  	v56 =	vor.u32 s25, v17;
	[tilespmem:s12+$0x100] =	vst v5;
	v46 =	vor.u32 s28, v17;
	v4 =	vadd.f32 v4, v33;
	v3 =	vld.idx.msk [tilespmem:v3+s8+$0x0], $0xffff  }
0x475: {  	v49 =	vmul.f32 $8.000000000e+00, v55;
	v47 =	vadd.f32 v42, v31;
	v57 =	vadd.f32 v52, v22;
	[tilespmem:s12+$0x280] =	vst v50;
	v38 =	vld.idx.msk [tilespmem:v51+s8+$0x0], $0xffff  }
0x476: {  	v52 =	vor.u32 s13, v14;
	v51 =	vld.idx.msk [tilespmem:v54+s8+$0x0], $0xffff;
	v54 =	vor.u32 s29, v16;
	[tilespmem:s12+$0x320] =	vst v4;
	v44 =	vmul.f32 $8.000000000e+00, v36  }
0x477: {  	[tilespmem:s12+$0xFFFFFC90] =	vst v57;
	v57 =	vor.u32 s30, v16;
	v4 =	vadd.f32 v49, v24;
	v6 =	vld.idx.msk [tilespmem:v58+s8+$0x0], $0xffff;
	v55 =	vmul.f32 $8.000000000e+00, v60  }
0x478: {  	[tilespmem:s12+$0x200] =	vst v47;
	v58 =	vmul.f32 $8.000000000e+00, v39;
	v60 =	vor.u32 s26, v17;
	v45 =	vld.idx.msk [tilespmem:v48+s8+$0x0], $0xffff;
	v49 =	vadd.f32 v44, v23  }
0x479: {  	v48 =	vor.u32 s19, v16;
	v17 =	vld.idx.msk [tilespmem:v46+s8+$0x0], $0xffff;
	[tilespmem:s12+$0xFFFFFC10] =	vst v4;
	v61 =	vadd.f32 v55, v20;
	v3 =	vmul.f32 $8.000000000e+00, v3  }
0x47a: {  	v53 =	vmul.f32 $8.000000000e+00, v53;
	v47 =	vadd.f32 v58, v21;
	v55 =	vld.idx.msk [tilespmem:v56+s8+$0x0], $0xffff;
	v56 =	vmul.f32 $8.000000000e+00, v7;
	[tilespmem:s12+$0xFFFFFE10] =	vst v49  }
0x47b: {  	v58 =	vmul.f32 $8.000000000e+00, v59;
	v59 =	vor.u32 s31, v16;
	[tilespmem:s12+$0xFFFFFD10] =	vst v61;
	v3 =	vadd.f32 v3, v19  }
0x47c: {  	[tilespmem:s12+$0xFFFFFD90] =	vst v47;
	v4 =	vadd.f32 v56, v26;
	v61 =	vor.u32 s0, v16;
	v47 =	vld.idx.msk [tilespmem:v54+s8+$0x0], $0xffff;
	v50 =	vmul.f32 $8.000000000e+00, v6  }
0x47d: {  	v44 =	vmul.f32 $8.000000000e+00, v38;
	v41 =	vld.idx.msk [tilespmem:v60+s8+$0x0], $0xffff;
	v36 =	vmul.f32 $8.000000000e+00, v45;
	[tilespmem:s12+$0xFFFFFE90] =	vst v3;
	v3 =	vadd.f32 v53, v25  }
0x47e: {  	v60 =	vld.idx.msk [tilespmem:v48+s8+$0x0], $0xffff;
	v45 =	vor.u32 s3, v16;
	v6 =	vmul.f32 $8.000000000e+00, v51;
	[tilespmem:s12+$0xFFFFFF90] =	vst v4;
	v5 =	vadd.f32 v50, v33  }
0x47f: {  	v48 =	vor.u32 s1, v16;
	v7 =	vld.idx.msk [tilespmem:v57+s8+$0x0], $0xffff;
	v17 =	vmul.f32 $8.000000000e+00, v17;
	v46 =	vadd.f32 v36, v28;
	[tilespmem:s12+$0xFFFFFF10] =	vst v3  }
0x480: {  	v53 =	vor.u32 s21, v16;
	v50 =	vor.u32 s10, v16;
	v51 =	vadd.f32 v6, v30;
	v39 =	vld.idx.msk [tilespmem:v59+s8+$0x0], $0xffff;
	[tilespmem:s12+$0x330] =	vst v5  }
0x481: {  	v49 =	vmul.f32 $8.000000000e+00, v55;
	v55 =	vor.u32 s22, v16;
	v3 =	vadd.f32 v58, v27;
	[tilespmem:s12+$0x90] =	vst v46;
	v54 =	vld.idx.msk [tilespmem:v61+s8+$0x0], $0xffff  }
0x482: {  	v17 =	vadd.f32 v17, v18;
	v59 =	vor.u32 s13, v13;
	[tilespmem:s12+$0x190] =	vst v51;
	v36 =	vmul.f32 $8.000000000e+00, v47;
	v40 =	vld.idx.msk [tilespmem:v52+s8+$0x0], $0xffff  }
0x483: {  	v61 =	vor.u32 s24, v16;
	v46 =	vor.u32 s25, v16;
	[tilespmem:s12+$0x10] =	vst v3;
	v3 =	vadd.f32 v44, v29;
	v57 =	vld.idx.msk [tilespmem:v45+s8+$0x0], $0xffff  }
0x484: {  	[tilespmem:s12+$0x390] =	vst v17;
	v52 =	vmul.f32 $8.000000000e+00, v41;
	v5 =	vmul.f32 $8.000000000e+00, v60;
	v37 =	vld.idx.msk [tilespmem:v48+s8+$0x0], $0xffff;
	v47 =	vadd.f32 v36, v22  }
0x485: {  	v7 =	vmul.f32 $8.000000000e+00, v7;
	[tilespmem:s12+$0x110] =	vst v3;
	v3 =	vadd.f32 v49, v31;
	v60 =	vld.idx.msk [tilespmem:v50+s8+$0x0], $0xffff;
	v50 =	vor.u32 s28, v16  }
0x486: {  	v58 =	vor.u32 s23, v16;
	v45 =	vld.idx.msk [tilespmem:v53+s8+$0x0], $0xffff;
	v56 =	vadd.f32 v52, v32;
	v52 =	vor.u32 s19, v15;
	[tilespmem:s12+$0xFFFFFCA0] =	vst v47  }
0x487: {  	v5 =	vadd.f32 v5, v24;
	v48 =	vmul.f32 $8.000000000e+00, v39;
	v35 =	vld.idx.msk [tilespmem:v55+s8+$0x0], $0xffff;
	v7 =	vadd.f32 v7, v20;
	[tilespmem:s12+$0x210] =	vst v3  }
0x488: {  	[tilespmem:s12+$0x290] =	vst v56;
	v56 =	vor.u32 s29, v15;
	v3 =	vmul.f32 $8.000000000e+00, v40;
	v6 =	vmul.f32 $8.000000000e+00, v57;
	v57 =	vld.idx.msk [tilespmem:v61+s8+$0x0], $0xffff  }
0x489: {  	v49 =	vor.u32 s26, v16;
	[tilespmem:s12+$0xFFFFFC20] =	vst v5;
	v34 =	vmul.f32 $8.000000000e+00, v54;
	v51 =	vadd.f32 v48, v21;
	v41 =	vld.idx.msk [tilespmem:v46+s8+$0x0], $0xffff  }
0x48a: {  	[tilespmem:s12+$0xFFFFFD20] =	vst v7;
	v55 =	vmul.f32 $8.000000000e+00, v37;
	v61 =	vor.u32 s31, v15;
	v3 =	vadd.f32 v3, v33;
	v16 =	vld.idx.msk [tilespmem:v50+s8+$0x0], $0xffff  }
0x48b: {  	v42 =	vor.u32 s1, v13;
	v54 =	vadd.f32 v34, v23;
	[tilespmem:s12+$0xFFFFFDA0] =	vst v51;
	v17 =	vmul.f32 $8.000000000e+00, v45;
	v46 =	vld.idx.msk [tilespmem:v52+s8+$0x0], $0xffff  }
0x48c: {  	v44 =	vor.u32 s0, v15;
	v4 =	vmul.f32 $8.000000000e+00, v60;
	v60 =	vadd.f32 v55, v25;
	[tilespmem:s12+$0x340] =	vst v3;
	v3 =	vld.idx.msk [tilespmem:v58+s8+$0x0], $0xffff  }
0x48d: {  	v47 =	vor.u32 s3, v15;
	v52 =	vor.u32 s1, v15;
	[tilespmem:s12+$0xFFFFFE20] =	vst v54;
	v45 =	vadd.f32 v17, v27;
	v37 =	vld.idx.msk [tilespmem:v56+s8+$0x0], $0xffff  }
0x48e: {  	v43 =	vmul.f32 $8.000000000e+00, v35;
	v58 =	vadd.f32 v6, v19;
	v4 =	vadd.f32 v4, v26;
	[tilespmem:s12+$0xFFFFFF20] =	vst v60;
	v53 =	vld.idx.msk [tilespmem:v59+s8+$0x0], $0xffff  }
0x48f: {  	v56 =	vor.u32 s21, v15;
	[tilespmem:s12+$0x20] =	vst v45;
	v51 =	vmul.f32 $8.000000000e+00, v57;
	v34 =	vld.idx.msk [tilespmem:v61+s8+$0x0], $0xffff;
	v57 =	vmul.f32 $8.000000000e+00, v16  }
0x490: {  	v39 =	vld.idx.msk [tilespmem:v49+s8+$0x0], $0xffff;
	v48 =	vadd.f32 v43, v28;
	v59 =	vor.u32 s30, v15;
	[tilespmem:s12+$0xFFFFFEA0] =	vst v58;
	v17 =	vmul.f32 $8.000000000e+00, v46  }
0x491: {  	v35 =	vld.idx.msk [tilespmem:v44+s8+$0x0], $0xffff;
	v60 =	vor.u32 s23, v15;
	[tilespmem:s12+$0xFFFFFFA0] =	vst v4;
	v3 =	vmul.f32 $8.000000000e+00, v3;
	v61 =	vadd.f32 v57, v18  }
0x492: {  	[tilespmem:s12+$0xA0] =	vst v48;
	v44 =	vld.idx.msk [tilespmem:v52+s8+$0x0], $0xffff;
	v52 =	vor.u32 s19, v14;
	v37 =	vmul.f32 $8.000000000e+00, v37;
	v17 =	vadd.f32 v17, v24  }
0x493: {  	v58 =	vld.idx.msk [tilespmem:v47+s8+$0x0], $0xffff;
	v57 =	vor.u32 s29, v14;
	v49 =	vmul.f32 $8.000000000e+00, v53;
	v3 =	vadd.f32 v3, v29;
	[tilespmem:s12+$0x3A0] =	vst v61  }
0x494: {  	v50 =	vor.u32 s13, v12;
	v47 =	vld.idx.msk [tilespmem:v56+s8+$0x0], $0xffff;
	v34 =	vmul.f32 $8.000000000e+00, v34;
	v37 =	vadd.f32 v37, v22;
	[tilespmem:s12+$0xFFFFFC30] =	vst v17  }
0x495: {  	v6 =	vld.idx.msk [tilespmem:v59+s8+$0x0], $0xffff;
	v53 =	vmul.f32 $8.000000000e+00, v41;
	v59 =	vor.u32 s22, v15;
	v5 =	vadd.f32 v49, v33;
	[tilespmem:s12+$0x120] =	vst v3  }
0x496: {  	v40 =	vor.u32 s3, v13;
	v46 =	vor.u32 s25, v15;
	v34 =	vadd.f32 v34, v21;
	[tilespmem:s12+$0xFFFFFCB0] =	vst v37;
	v7 =	vld.idx.msk [tilespmem:v60+s8+$0x0], $0xffff  }
0x497: {  	v54 =	vor.u32 s10, v15;
	v4 =	vadd.f32 v53, v31;
	[tilespmem:s12+$0x350] =	vst v5;
	v5 =	vmul.f32 $8.000000000e+00, v44;
	v44 =	vld.idx.msk [tilespmem:v52+s8+$0x0], $0xffff  }
0x498: {  	v45 =	vor.u32 s24, v15;
	v55 =	vmul.f32 $8.000000000e+00, v39;
	v3 =	vadd.f32 v51, v30;
	[tilespmem:s12+$0xFFFFFDB0] =	vst v34;
	v34 =	vld.idx.msk [tilespmem:v57+s8+$0x0], $0xffff  }
0x499: {  	v48 =	vor.u32 s26, v15;
	v49 =	vmul.f32 $8.000000000e+00, v35;
	v51 =	vor.u32 s28, v15;
	[tilespmem:s12+$0x220] =	vst v4;
	v38 =	vld.idx.msk [tilespmem:v50+s8+$0x0], $0xffff  }
0x49a: {  	v61 =	vor.u32 s31, v14;
	v16 =	vmul.f32 $8.000000000e+00, v58;
	[tilespmem:s12+$0x1A0] =	vst v3;
	v3 =	vadd.f32 v55, v32;
	v50 =	vld.idx.msk [tilespmem:v59+s8+$0x0], $0xffff  }
0x49b: {  	v53 =	vadd.f32 v49, v23;
	v60 =	vor.u32 s30, v14;
	v6 =	vmul.f32 $8.000000000e+00, v6;
	v58 =	vld.idx.msk [tilespmem:v46+s8+$0x0], $0xffff  }
0x49c: {  	v16 =	vadd.f32 v16, v19;
	v4 =	vmul.f32 $8.000000000e+00, v47;
	v47 =	vor.u32 s3, v14;
	[tilespmem:s12+$0x2A0] =	vst v3;
	v3 =	vld.idx.msk [tilespmem:v54+s8+$0x0], $0xffff  }
0x49d: {  	v49 =	vor.u32 s1, v14;
	v56 =	vld.idx.msk [tilespmem:v45+s8+$0x0], $0xffff;
	[tilespmem:s12+$0xFFFFFE30] =	vst v53;
	v45 =	vor.u32 s0, v14;
	v6 =	vadd.f32 v6, v20  }
0x49e: {  	v55 =	vor.u32 s13, v11;
	[tilespmem:s12+$0xFFFFFEB0] =	vst v16;
	v5 =	vadd.f32 v5, v25;
	v15 =	vld.idx.msk [tilespmem:v51+s8+$0x0], $0xffff;
	v46 =	vmul.f32 $8.000000000e+00, v7  }
0x49f: {  	v4 =	vadd.f32 v4, v27;
	v16 =	vld.idx.msk [tilespmem:v61+s8+$0x0], $0xffff;
	[tilespmem:s12+$0xFFFFFD30] =	vst v6;
	v6 =	vmul.f32 $8.000000000e+00, v44;
	v54 =	vmul.f32 $8.000000000e+00, v38  }
0x4a0: {  	[tilespmem:s12+$0xFFFFFF30] =	vst v5;
	v35 =	vmul.f32 $8.000000000e+00, v50;
	v51 =	vmul.f32 $8.000000000e+00, v58;
	v17 =	vld.idx.msk [tilespmem:v60+s8+$0x0], $0xffff;
	v50 =	vadd.f32 v46, v29  }
0x4a1: {  	v39 =	vld.idx.msk [tilespmem:v48+s8+$0x0], $0xffff;
	[tilespmem:s12+$0x30] =	vst v4;
	v3 =	vmul.f32 $8.000000000e+00, v3;
	v59 =	vadd.f32 v54, v33;
	v54 =	vor.u32 s21, v14  }
0x4a2: {  	v48 =	vmul.f32 $8.000000000e+00, v56;
	v57 =	vld.idx.msk [tilespmem:v45+s8+$0x0], $0xffff;
	v6 =	vadd.f32 v6, v24;
	v45 =	vor.u32 s25, v14;
	[tilespmem:s12+$0x130] =	vst v50  }
0x4a3: {  	v61 =	vld.idx.msk [tilespmem:v49+s8+$0x0], $0xffff;
	v56 =	vmul.f32 $8.000000000e+00, v15;
	v50 =	vor.u32 s28, v14;
	v3 =	vadd.f32 v3, v26;
	[tilespmem:s12+$0x360] =	vst v59  }
0x4a4: {  	v52 =	vor.u32 s10, v14;
	v58 =	vor.u32 s22, v14;
	[tilespmem:s12+$0xFFFFFC40] =	vst v6;
	v37 =	vld.idx.msk [tilespmem:v55+s8+$0x0], $0xffff;
	v55 =	vadd.f32 v51, v31  }
0x4a5: {  	v7 =	vld.idx.msk [tilespmem:v47+s8+$0x0], $0xffff;
	v59 =	vor.u32 s23, v14;
	v5 =	vadd.f32 v56, v18;
	v17 =	vmul.f32 $8.000000000e+00, v17;
	[tilespmem:s12+$0xFFFFFFB0] =	vst v3  }
0x4a6: {  	v44 =	vor.u32 s24, v14;
	v34 =	vmul.f32 $8.000000000e+00, v34;
	v3 =	vadd.f32 v35, v28;
	[tilespmem:s12+$0x230] =	vst v55;
	v46 =	vld.idx.msk [tilespmem:v54+s8+$0x0], $0xffff  }
0x4a7: {  	v56 =	vor.u32 s30, v13;
	v15 =	vmul.f32 $8.000000000e+00, v57;
	[tilespmem:s12+$0x3B0] =	vst v5;
	v17 =	vadd.f32 v17, v20;
	v57 =	vld.idx.msk [tilespmem:v45+s8+$0x0], $0xffff  }
0x4a8: {  	v47 =	vor.u32 s26, v14;
	v53 =	vmul.f32 $8.000000000e+00, v39;
	[tilespmem:s12+$0xB0] =	vst v3;
	v3 =	vadd.f32 v48, v30;
	v14 =	vld.idx.msk [tilespmem:v50+s8+$0x0], $0xffff  }
0x4a9: {  	v55 =	vmul.f32 $8.000000000e+00, v61;
	v61 =	vor.u32 s0, v13;
	v48 =	vadd.f32 v34, v22;
	v49 =	vld.idx.msk [tilespmem:v58+s8+$0x0], $0xffff;
	[tilespmem:s12+$0xFFFFFD40] =	vst v17  }
0x4aa: {  	v16 =	vmul.f32 $8.000000000e+00, v16;
	v7 =	vmul.f32 $8.000000000e+00, v7;
	v15 =	vadd.f32 v15, v23;
	v35 =	vld.idx.msk [tilespmem:v59+s8+$0x0], $0xffff;
	[tilespmem:s12+$0x1B0] =	vst v3  }
0x4ab: {  	v51 =	vor.u32 s19, v13;
	v3 =	vadd.f32 v53, v32;
	v60 =	vmul.f32 $8.000000000e+00, v37;
	[tilespmem:s12+$0xFFFFFCC0] =	vst v48;
	v54 =	vld.idx.msk [tilespmem:v44+s8+$0x0], $0xffff  }
0x4ac: {  	v45 =	vor.u32 s10, v13;
	v58 =	vadd.f32 v7, v19;
	v53 =	vor.u32 s29, v13;
	[tilespmem:s12+$0xFFFFFE40] =	vst v15;
	v44 =	vld.idx.msk [tilespmem:v56+s8+$0x0], $0xffff  }
0x4ad: {  	v50 =	vor.u32 s22, v13;
	v59 =	vor.u32 s31, v13;
	[tilespmem:s12+$0x2B0] =	vst v3;
	v3 =	vld.idx.msk [tilespmem:v52+s8+$0x0], $0xffff;
	v4 =	vadd.f32 v60, v33  }
0x4ae: {  	v48 =	vor.u32 s21, v13;
	[tilespmem:s12+$0xFFFFFEC0] =	vst v58;
	v52 =	vadd.f32 v16, v21;
	v5 =	vmul.f32 $8.000000000e+00, v46;
	v17 =	vld.idx.msk [tilespmem:v61+s8+$0x0], $0xffff  }
0x4af: {  	v58 =	vor.u32 s25, v13;
	v60 =	vadd.f32 v55, v25;
	v33 =	vld.idx.msk [tilespmem:v47+s8+$0x0], $0xffff;
	v47 =	vmul.f32 $8.000000000e+00, v57;
	[tilespmem:s12+$0x370] =	vst v4  }
0x4b0: {  	v61 =	vor.u32 s28, v13;
	v14 =	vmul.f32 $8.000000000e+00, v14;
	[tilespmem:s12+$0xFFFFFDC0] =	vst v52;
	v4 =	vld.idx.msk [tilespmem:v51+s8+$0x0], $0xffff;
	v5 =	vadd.f32 v5, v27  }
0x4b1: {  	[tilespmem:s12+$0xFFFFFF40] =	vst v60;
	v41 =	vmul.f32 $8.000000000e+00, v35;
	v16 =	vld.idx.msk [tilespmem:v53+s8+$0x0], $0xffff;
	v51 =	vadd.f32 v47, v31;
	v53 =	vor.u32 s23, v13  }
0x4b2: {  	v55 =	vor.u32 s24, v13;
	v52 =	vld.idx.msk [tilespmem:v40+s8+$0x0], $0xffff;
	v56 =	vadd.f32 v14, v18;
	[tilespmem:s12+$0x40] =	vst v5;
	v3 =	vmul.f32 $8.000000000e+00, v3  }
0x4b3: {  	v39 =	vmul.f32 $8.000000000e+00, v49;
	v7 =	vld.idx.msk [tilespmem:v59+s8+$0x0], $0xffff;
	v46 =	vadd.f32 v41, v29;
	v36 =	vmul.f32 $8.000000000e+00, v44;
	[tilespmem:s12+$0x240] =	vst v51  }
0x4b4: {  	v43 =	vmul.f32 $8.000000000e+00, v54;
	v54 =	vld.idx.msk [tilespmem:v42+s8+$0x0], $0xffff;
	v44 =	vor.u32 s30, v12;
	[tilespmem:s12+$0x3C0] =	vst v56;
	v3 =	vadd.f32 v3, v26  }
0x4b5: {  	v59 =	vor.u32 s26, v13;
	[tilespmem:s12+$0x140] =	vst v46;
	v40 =	vadd.f32 v36, v20;
	v13 =	vld.idx.msk [tilespmem:v61+s8+$0x0], $0xffff;
	v4 =	vmul.f32 $8.000000000e+00, v4  }
0x4b6: {  	v41 =	vor.u32 s19, v12;
	v16 =	vmul.f32 $8.000000000e+00, v16;
	v34 =	vld.idx.msk [tilespmem:v53+s8+$0x0], $0xffff;
	[tilespmem:s12+$0xFFFFFFC0] =	vst v3;
	v3 =	vadd.f32 v39, v28  }
0x4b7: {  	v42 =	vor.u32 s29, v12;
	v17 =	vmul.f32 $8.000000000e+00, v17;
	[tilespmem:s12+$0xFFFFFD50] =	vst v40;
	v4 =	vadd.f32 v4, v24;
	v57 =	vld.idx.msk [tilespmem:v45+s8+$0x0], $0xffff  }
0x4b8: {  	v47 =	vor.u32 s31, v12;
	v7 =	vmul.f32 $8.000000000e+00, v7;
	v16 =	vadd.f32 v16, v22;
	v45 =	vld.idx.msk [tilespmem:v58+s8+$0x0], $0xffff;
	[tilespmem:s12+$0xC0] =	vst v3  }
0x4b9: {  	v49 =	vmul.f32 $8.000000000e+00, v33;
	v3 =	vadd.f32 v43, v30;
	[tilespmem:s12+$0xFFFFFC50] =	vst v4;
	v43 =	vadd.f32 v17, v23;
	v17 =	vld.idx.msk [tilespmem:v44+s8+$0x0], $0xffff  }
0x4ba: {  	v15 =	vmul.f32 $8.000000000e+00, v52;
	v7 =	vadd.f32 v7, v21;
	v60 =	vld.idx.msk [tilespmem:v50+s8+$0x0], $0xffff;
	[tilespmem:s12+$0xFFFFFCD0] =	vst v16  }
0x4bb: {  	v53 =	vor.u32 s3, v12;
	v52 =	vld.idx.msk [tilespmem:v41+s8+$0x0], $0xffff;
	[tilespmem:s12+$0x1C0] =	vst v3;
	v3 =	vadd.f32 v49, v32  }
0x4bc: {  	v6 =	vmul.f32 $8.000000000e+00, v54;
	v46 =	vadd.f32 v15, v19;
	[tilespmem:s12+$0xFFFFFDD0] =	vst v7;
	v16 =	vld.idx.msk [tilespmem:v42+s8+$0x0], $0xffff  }
0x4bd: {  	v50 =	vor.u32 s0, v12;
	[tilespmem:s12+$0x2C0] =	vst v3;
	v3 =	vld.idx.msk [tilespmem:v48+s8+$0x0], $0xffff;
	v14 =	vmul.f32 $8.000000000e+00, v57  }
0x4be: {  	[tilespmem:s12+$0xFFFFFED0] =	vst v46;
	v41 =	vmul.f32 $8.000000000e+00, v13;
	v49 =	vadd.f32 v6, v25;
	v15 =	vld.idx.msk [tilespmem:v47+s8+$0x0], $0xffff;
	v17 =	vmul.f32 $8.000000000e+00, v17  }
0x4bf: {  	[tilespmem:s12+$0xFFFFFE50] =	vst v43;
	v35 =	vld.idx.msk [tilespmem:v55+s8+$0x0], $0xffff;
	v55 =	vor.u32 s1, v12;
	v51 =	vadd.f32 v14, v26;
	v5 =	vmul.f32 $8.000000000e+00, v60  }
0x4c0: {  	v54 =	vmul.f32 $8.000000000e+00, v34;
	v42 =	vld.idx.msk [tilespmem:v53+s8+$0x0], $0xffff;
	[tilespmem:s12+$0xFFFFFF50] =	vst v49;
	v14 =	vmul.f32 $8.000000000e+00, v52;
	v52 =	vadd.f32 v17, v20  }
0x4c1: {  	v53 =	vor.u32 s19, v11;
	v16 =	vmul.f32 $8.000000000e+00, v16;
	[tilespmem:s12+$0xFFFFFFD0] =	vst v51;
	v5 =	vadd.f32 v5, v28  }
0x4c2: {  	v57 =	vor.u32 s10, v12;
	v14 =	vadd.f32 v14, v24;
	v3 =	vmul.f32 $8.000000000e+00, v3;
	[tilespmem:s12+$0xFFFFFD60] =	vst v52  }
0x4c3: {  	v58 =	vmul.f32 $8.000000000e+00, v45;
	v48 =	vld.idx.msk [tilespmem:v59+s8+$0x0], $0xffff;
	v15 =	vmul.f32 $8.000000000e+00, v15;
	v16 =	vadd.f32 v16, v22;
	[tilespmem:s12+$0xD0] =	vst v5  }
0x4c4: {  	v56 =	vmul.f32 $8.000000000e+00, v35;
	v45 =	vld.idx.msk [tilespmem:v55+s8+$0x0], $0xffff;
	v55 =	vor.u32 s30, v11;
	[tilespmem:s12+$0xFFFFFC60] =	vst v14;
	v3 =	vadd.f32 v3, v27  }
0x4c5: {  	v59 =	vor.u32 s21, v12;
	v6 =	vld.idx.msk [tilespmem:v50+s8+$0x0], $0xffff;
	v13 =	vmul.f32 $8.000000000e+00, v42;
	v15 =	vadd.f32 v15, v21;
	[tilespmem:s12+$0xFFFFFCE0] =	vst v16  }
0x4c6: {  	v60 =	vadd.f32 v56, v30;
	v56 =	vor.u32 s31, v11;
	[tilespmem:s12+$0x50] =	vst v3;
	v3 =	vadd.f32 v54, v29  }
0x4c7: {  	v40 =	vor.u32 s22, v12;
	v47 =	vld.idx.msk [tilespmem:v57+s8+$0x0], $0xffff;
	v13 =	vadd.f32 v13, v19;
	[tilespmem:s12+$0xFFFFFDE0] =	vst v15  }
0x4c8: {  	v43 =	vor.u32 s23, v12;
	v17 =	vld.idx.msk [tilespmem:v53+s8+$0x0], $0xffff;
	[tilespmem:s12+$0x150] =	vst v3;
	v3 =	vadd.f32 v58, v31  }
0x4c9: {  	v46 =	vor.u32 s24, v12;
	v61 =	vmul.f32 $8.000000000e+00, v48;
	[tilespmem:s12+$0xFFFFFEE0] =	vst v13;
	v14 =	vld.idx.msk [tilespmem:v55+s8+$0x0], $0xffff  }
0x4ca: {  	v48 =	vor.u32 s25, v12;
	v6 =	vmul.f32 $8.000000000e+00, v6;
	v49 =	vld.idx.msk [tilespmem:v59+s8+$0x0], $0xffff;
	[tilespmem:s12+$0x250] =	vst v3;
	v3 =	vadd.f32 v41, v18  }
0x4cb: {  	v50 =	vor.u32 s26, v12;
	[tilespmem:s12+$0x1D0] =	vst v60;
	v44 =	vadd.f32 v61, v32;
	v7 =	vmul.f32 $8.000000000e+00, v45;
	v15 =	vld.idx.msk [tilespmem:v56+s8+$0x0], $0xffff  }
0x4cc: {  	v54 =	vor.u32 s29, v11;
	v6 =	vadd.f32 v6, v23;
	v4 =	vmul.f32 $8.000000000e+00, v47;
	[tilespmem:s12+$0x3D0] =	vst v3;
	v3 =	vld.idx.msk [tilespmem:v40+s8+$0x0], $0xffff  }
0x4cd: {  	[tilespmem:s12+$0x2D0] =	vst v44;
	v59 =	vor.u32 s3, v11;
	v57 =	vadd.f32 v7, v25;
	v33 =	vld.idx.msk [tilespmem:v43+s8+$0x0], $0xffff;
	v17 =	vmul.f32 $8.000000000e+00, v17  }
0x4ce: {  	v51 =	vor.u32 s28, v12;
	v34 =	vld.idx.msk [tilespmem:v46+s8+$0x0], $0xffff;
	[tilespmem:s12+$0xFFFFFE60] =	vst v6;
	v4 =	vadd.f32 v4, v26;
	v14 =	vmul.f32 $8.000000000e+00, v14  }
0x4cf: {  	v58 =	vor.u32 s0, v11;
	[tilespmem:s12+$0xFFFFFF60] =	vst v57;
	v35 =	vld.idx.msk [tilespmem:v48+s8+$0x0], $0xffff;
	v17 =	vadd.f32 v17, v24;
	v5 =	vmul.f32 $8.000000000e+00, v49  }
0x4d0: {  	v61 =	vor.u32 s1, v11;
	v36 =	vld.idx.msk [tilespmem:v50+s8+$0x0], $0xffff;
	[tilespmem:s12+$0xFFFFFFE0] =	vst v4;
	v15 =	vmul.f32 $8.000000000e+00, v15;
	v14 =	vadd.f32 v14, v20  }
0x4d1: {  	v16 =	vld.idx.msk [tilespmem:v54+s8+$0x0], $0xffff;
	v40 =	vor.u32 s10, v11;
	[tilespmem:s12+$0xFFFFFC70] =	vst v17;
	v5 =	vadd.f32 v5, v27;
	v3 =	vmul.f32 $8.000000000e+00, v3  }
0x4d2: {  	v43 =	vor.u32 s21, v11;
	v13 =	vld.idx.msk [tilespmem:v59+s8+$0x0], $0xffff;
	v60 =	vmul.f32 $8.000000000e+00, v33;
	v15 =	vadd.f32 v15, v21;
	[tilespmem:s12+$0xFFFFFD70] =	vst v14  }
0x4d3: {  	v39 =	vmul.f32 $8.000000000e+00, v34;
	v48 =	vor.u32 s23, v11;
	v12 =	vld.idx.msk [tilespmem:v51+s8+$0x0], $0xffff;
	[tilespmem:s12+$0x60] =	vst v5;
	v3 =	vadd.f32 v3, v28  }
0x4d4: {  	v45 =	vor.u32 s22, v11;
	v7 =	vld.idx.msk [tilespmem:v58+s8+$0x0], $0xffff;
	v41 =	vadd.f32 v60, v29;
	v42 =	vmul.f32 $8.000000000e+00, v35;
	[tilespmem:s12+$0xFFFFFDF0] =	vst v15  }
0x4d5: {  	v44 =	vmul.f32 $8.000000000e+00, v36;
	v33 =	vld.idx.msk [tilespmem:v61+s8+$0x0], $0xffff;
	[tilespmem:s12+$0xE0] =	vst v3;
	v3 =	vadd.f32 v39, v30  }
0x4d6: {  	v49 =	vor.u32 s24, v11;
	v16 =	vmul.f32 $8.000000000e+00, v16;
	v34 =	vld.idx.msk [tilespmem:v40+s8+$0x0], $0xffff;
	[tilespmem:s12+$0x160] =	vst v41;
	v46 =	vadd.f32 v42, v31  }
0x4d7: {  	v51 =	vor.u32 s25, v11;
	v52 =	vld.idx.msk [tilespmem:v43+s8+$0x0], $0xffff;
	v13 =	vmul.f32 $8.000000000e+00, v13;
	[tilespmem:s12+$0x1E0] =	vst v3;
	v3 =	vadd.f32 v44, v32  }
0x4d8: {  	v53 =	vor.u32 s28, v11;
	v47 =	vmul.f32 $8.000000000e+00, v12;
	v16 =	vadd.f32 v16, v22;
	v12 =	vld.idx.msk [tilespmem:v48+s8+$0x0], $0xffff;
	[tilespmem:s12+$0x260] =	vst v46  }
0x4d9: {  	v7 =	vmul.f32 $8.000000000e+00, v7;
	v13 =	vadd.f32 v13, v19;
	[tilespmem:s12+$0x2E0] =	vst v3;
	v3 =	vor.u32 s26, v11;
	v11 =	vld.idx.msk [tilespmem:v45+s8+$0x0], $0xffff  }
0x4da: {  	v54 =	vmul.f32 $8.000000000e+00, v33;
	v50 =	vadd.f32 v47, v18;
	[tilespmem:s12+$0xFFFFFCF0] =	vst v16  }
0x4db: {  	v7 =	vadd.f32 v7, v23;
	[tilespmem:s12+$0xFFFFFEF0] =	vst v13;
	v55 =	vmul.f32 $8.000000000e+00, v34;
	v4 =	vld.idx.msk [tilespmem:v49+s8+$0x0], $0xffff  }
0x4dc: {  	v6 =	vld.idx.msk [tilespmem:v51+s8+$0x0], $0xffff;
	v56 =	vadd.f32 v54, v25;
	[tilespmem:s12+$0x3E0] =	vst v50;
	v57 =	vmul.f32 $8.000000000e+00, v52  }
0x4dd: {  	[tilespmem:s12+$0xFFFFFE70] =	vst v7;
	v5 =	vld.idx.msk [tilespmem:v53+s8+$0x0], $0xffff;
	v58 =	vadd.f32 v55, v26;
	v59 =	vmul.f32 $8.000000000e+00, v12  }
0x4de: {  	[tilespmem:s12+$0xFFFFFF70] =	vst v56;
	v60 =	vadd.f32 v57, v27;
	v3 =	vld.idx.msk [tilespmem:v3+s8+$0x0], $0xffff;
	v11 =	vmul.f32 $8.000000000e+00, v11  }
0x4df: {  	[tilespmem:s12+$0xFFFFFFF0] =	vst v58;
	v7 =	vadd.f32 v59, v29  }
0x4e0: {  	[tilespmem:s12+$0x70] =	vst v60;
	v4 =	vmul.f32 $8.000000000e+00, v4;
	v11 =	vadd.f32 v11, v28  }
0x4e1: {  	v6 =	vmul.f32 $8.000000000e+00, v6;
	[tilespmem:s12+$0x170] =	vst v7  }
0x4e2: {  	v5 =	vmul.f32 $8.000000000e+00, v5;
	v4 =	vadd.f32 v4, v30;
	[tilespmem:s12+$0xF0] =	vst v11  }
0x4e3: {  	v6 =	vadd.f32 v6, v31;
	v3 =	vmul.f32 $8.000000000e+00, v3;
	s23 =	rddreg [dreg:$0x6]  }
0x4e4: {  	v61 =	vadd.f32 v5, v18;
	s24 =	rddreg [dreg:$0xd];
	[tilespmem:s12+$0x1F0] =	vst v4  }
0x4e5: {  	[tilespmem:s12+$0x270] =	vst v6;
	v3 =	vadd.f32 v3, v32  }
0x4e6: {  	s25 =	rddreg [dreg:$0x4];
	[tilespmem:s12+$0x3F0] =	vst v61  }
0x4e7: {  	[tilespmem:s12+$0x2F0] =	vst v3  }
0x4e8: {  	s30 =	rddreg [dreg:$0xc]  }
0x4e9: {  	s31 =	rddreg [dreg:$0x9];
	s2 =	sadd.s32 $0x1, s30  }
0x4ea: {  	s0 =	sadd.s32 s23, s24;
	p0 =	sne.s32 s2, s31  }
.Ltmp3:
0x4eb: {  	s0 =	sshll.u32 s0, $0x10;
	(pc) =	sbr.rel @p0 .LBB2_2-.Ltmp3, $4  }
0x4ec: {  	s0 =	sor.u32 s25, s0  }
0x4ed: {  	s9 =	sadd.s32 $0x80, s9;
	s28 =	simm.s32 $0x2000;
	s0 =	sshrl.u32 s0, $0x3  }
0x4ee: {  	s29 =	simm.s32 $0x14B00;
	s26 =	simm.s32 $0x400;
	s0 =	sadd.s32 s18, s0  }
0x4ef: {  	[hbm4b:s0+s26] =	stream.strided.scatter [tilespmem:s29], [sflag:$0x4], $0x2000, s28, s26, $0x38;
	[tilespmem:$0x16B00] =	vst v63  }
0x4f0: {  	s0 =	simm.s32 $0x3  }
0x4f1: {  	_ =	swait.ge [sflag:s0], $0x2000  }
0x4f2: {  	[sflag:s0] =	ssyncset.done $0x0  }
0x4f3: {  	s1 =	simm.s32 $0x4;
	[sflag:s0] =	ssyncadd.s32 $0xFFFFE000  }
0x4f4: {  	_ =	swait.ge [sflag:s1], $0x2000  }
0x4f5: {  	s2 =	rddreg [dreg:$0xb]  }
0x4f6: {  	s31 =	rddreg [dreg:$0xa];
	s2 =	sadd.s32 $0x1, s2  }
0x4f7: {  	p0 =	sne.s32 s2, s31  }
.Ltmp4:
0x4f8: {  	_ = 	snop;
	(pc) =	sbr.rel @p0 .LBB2_1-.Ltmp4, $3  }
0x4f9: {  	_ =	sdelay $0x1  }
0x4fa: {  	[sflag:s1] =	ssyncset.done $0x0  }
0x4fb: {  	[sflag:s1] =	ssyncadd.s32 $0xFFFFE000  }
0x4fc: {  	_ =	sfence.sel $0x180000  }
0x4fd: {  	[bflag:$0x0] =	sbarrier.arrive $0xFFFF  }
0x4fe: {  	_ =	strace $0x90000047  }
0x4ff: {  	s0 =	stileid.u32;
	[bflag:$0x2] =	sbarrier.arrive $0xFFFF  }
0x500: {  	p0 =	sne.s32 s0, $0x0;
	s0 =	rddreg [dreg:$0x3]  }
0x501: {  	s0 =	sadd.s32 @!p0 $0x100000, s0  }
0x502: {  	[sflag:s0] =	ssyncadd.tile.s32 @!p0 $0x1;
	_ =	shalt  }
.Lfunc_end2:
_tile_overlayer_lowered:
.L_overlay_start_2:
0x503: {  	(tag) =	ssettag $0x2  }
0x504: {  	s0 =	rddreg [dreg:$0x0];
	s2 =	stileid.u32  }
0x505: {  	s1 =	rddreg [dreg:$0x1];
	p0 =	sne.s32 s2, $0x0  }
0x506: {  	s3 =	rddreg [dreg:$0x2];
	[bflag:$0x3] =	sbarrier.arrive $0xFFFF;
	s2 =	simm.s32 @!p0 $0x1C05  }
0x507: {  	[timem:s3], [sflag:s2] =	dma.local @!p0 [hbm:s0], s1  }
0x508: {  	s0 =	simm.s32 @!p0 $0x5  }
0x509: {  	_ =	swait.ge @!p0 [sflag:s0], s1  }
0x50a: {  	s1 =	ssub.s32 @!p0 $0x0, s1;
	[sflag:s0] =	ssyncset.done @!p0 $0x0  }
0x50b: {  	[sflag:s0] =	ssyncadd.s32 @!p0 s1  }
0x50c: {  	[bflag:$0x3] =	sbarrier.arrive $0xFFFF  }
0x50d: {  	_ =	shalt  }

</sc_bundles>
